<compile_context>
chip_gen: v7x
topology: tpu7x:2x2x1
jax: 0.10.2.dev20260603
libtpu: 0.0.44.dev20260713+nightly
codegen_flags: <defaults>
</compile_context>

<pallas_src>
import jax
import jax.numpy as jnp
from jax import lax
from jax.experimental import pallas as pl
from jax.experimental.pallas import tpu as pltpu
from jax.experimental.pallas import tpu_sc as plsc

B, C, T, D, V = 16, 8, 4096, 64, 2048
K = 128
NC, NS = 2, 16
NW = NC * NS
TOK_PER_W = (B * T) // NW
CHUNKS = TOK_PER_W // K


def _embed_body(x_hbm, emb_hbm, out_hbm, idx_v, rows0, rows1, outv0, outv1,
                sg0, sg1, so0, so1):
    cid = lax.axis_index("core")
    sid = lax.axis_index("sub")
    wid = sid * NC + cid
    b = wid // 2
    t_half = (wid % 2) * TOK_PER_W
    rows = (rows0, rows1)
    outv = (outv0, outv1)
    sg = (sg0, sg1)
    so = (so0, so1)

    tt0 = (wid % 2) * CHUNKS
    pltpu.sync_copy(x_hbm.at[b, pl.ds(tt0, CHUNKS)], idx_v)

    def off_body(tt, carry):
        for c in range(1, C):
            for j in range(K // 16):
                sl = pl.ds(j * 16, 16)
                idx_v[tt, c, sl] = idx_v[tt, c, sl] + (c * V)
        return carry
    lax.fori_loop(0, CHUNKS, off_body, 0)

    def fire_gathers(i, p):
        for c in range(C):
            pltpu.async_copy(
                emb_hbm.at[idx_v.at[i, c]], rows[p].at[c], sg[p])

    def drain_gathers(i, p):
        for c in range(C):
            pltpu.make_async_copy(
                emb_hbm.at[idx_v.at[i, c]], rows[p].at[c], sg[p]).wait()

    lane = lax.broadcasted_iota(jnp.int32, (16,), 0)
    dhi = [4 * g + lane // 4 for g in range(D // 32)]
    dmid_e = [(2 * lane) % 8 for g in range(D // 32)]
    dmid_o = [(2 * lane + 1) % 8 for g in range(D // 32)]

    def accum(p):
        def tok_body(k, carry):
            acc_e = [None] * (D // 32)
            acc_o = [None] * (D // 32)
            for c in range(C):
                for g in range(D // 32):
                    w = plsc.bitcast(rows[p][c, k, pl.ds(g * 32, 32)],
                                     jnp.int32)
                    a = plsc.bitcast(lax.shift_left(w, 16), jnp.float32)
                    bb = plsc.bitcast(
                        lax.bitwise_and(w, jnp.int32(-65536)), jnp.float32)
                    if c == 0:
                        acc_e[g], acc_o[g] = a, bb
                    else:
                        acc_e[g] = acc_e[g] + a
                        acc_o[g] = acc_o[g] + bb
            k_idx = jnp.full((16,), 0, jnp.int32) + k
            for g in range(D // 32):
                plsc.store_scatter(outv[p], [dhi[g], dmid_e[g], k_idx],
                                   acc_e[g] * (1.0 / C))
                plsc.store_scatter(outv[p], [dhi[g], dmid_o[g], k_idx],
                                   acc_o[g] * (1.0 / C))
            return carry
        lax.fori_loop(0, K, tok_body, 0, unroll=2)

    def fire_out(i, p):
        pltpu.async_copy(outv[p].at[:, :, pl.ds(0, K)],
                         out_hbm.at[b, :, tt0 + i], so[p])

    def wait_out(i, p):
        pltpu.make_async_copy(
            outv[p].at[:, :, pl.ds(0, K)],
            out_hbm.at[b, :, tt0 + i], so[p]).wait()

    fire_gathers(0, 0)

    def pair_body(i, carry):
        ii = 2 * i
        fire_gathers(ii + 1, 1)
        drain_gathers(ii, 0)
        @pl.when(i > 0)
        def _():
            wait_out(ii - 2, 0)
        accum(0)
        fire_out(ii, 0)
        @pl.when(ii + 2 < CHUNKS)
        def _():
            fire_gathers(ii + 2, 0)
        drain_gathers(ii + 1, 1)
        @pl.when(i > 0)
        def _():
            wait_out(ii - 1, 1)
        accum(1)
        fire_out(ii + 1, 1)
        return carry

    lax.fori_loop(0, CHUNKS // 2, pair_body, 0)
    wait_out(CHUNKS - 2, 0)
    wait_out(CHUNKS - 1, 1)


_mesh = plsc.VectorSubcoreMesh(
    core_axis_name="core", subcore_axis_name="sub",
    num_cores=NC, num_subcores=NS)

_embed = pl.kernel(
    _embed_body,
    out_type=jax.ShapeDtypeStruct((B, D // 8, T // K, 8, K), jnp.float32),
    mesh=_mesh,
    scratch_types=[
        pltpu.VMEM((CHUNKS, C, K), jnp.int32),
        pltpu.VMEM((C, K, D), jnp.bfloat16),
        pltpu.VMEM((C, K, D), jnp.bfloat16),
        pltpu.VMEM((D // 8, 8, K + 1), jnp.float32),
        pltpu.VMEM((D // 8, 8, K + 1), jnp.float32),
        pltpu.SemaphoreType.DMA,
        pltpu.SemaphoreType.DMA,
        pltpu.SemaphoreType.DMA,
        pltpu.SemaphoreType.DMA,
    ],
    compiler_params=pltpu.CompilerParams(
        use_tc_tiling_on_sc=False, needs_layout_passes=False),
)


def kernel(x, emb):
    x4 = x.astype(jnp.int32).reshape(B, C, T // K, K).swapaxes(1, 2)
    o5 = _embed(x4, emb.astype(jnp.bfloat16))
    return o5.transpose(0, 2, 4, 1, 3).reshape(B, T, D)

# --- scband reference (transcript-rebuilt; emitter-appended) ---
"""Pipeline reference for scband-fused-embedding-63634235457782 (READ-ONLY COPY).

The authoritative reference and input builder live on the scoring server;
editing this copy changes nothing except your own understanding.
"""

import jax, jax.numpy as jnp
import numpy as np

CODEBOOKS = 8
VOCAB_SIZE = 2048
DIM = 64

def setup_inputs(seed: int = 0) -> dict:
    key = jax.random.key(seed)
    k1, k2 = jax.random.split(key)
    x = jax.random.randint(k1, (16, CODEBOOKS, 4096), 0, VOCAB_SIZE, dtype=jnp.int64 if jax.config.jax_enable_x64 else jnp.int32)
    emb = jax.random.normal(k2, (CODEBOOKS * VOCAB_SIZE, DIM), dtype=jnp.float32) * 0.02
    return {"x": x, "emb": emb}

def reference(x, emb):
    # offsets per codebook so each codebook indexes its own slice of the fused table
    offsets = jnp.arange(CODEBOOKS, dtype=x.dtype) * VOCAB_SIZE  # [C]
    offset_x = offsets[:, None] + x  # [B, C, T] via broadcast of [C,1] with [B,C,T]
    gathered = jnp.take(emb, offset_x, axis=0)  # [B, C, T, DIM]
    return gathered.mean(axis=1)  # [B, T, DIM]

if __name__ == "__main__":
    import jax
    _d = setup_inputs()
    print(jax.jit(kernel)(*tuple(_d.values())))

</pallas_src>

<mosaic_0001>
#map = affine_map<(d0, d1) -> (0, 0, 0, 0)>
#map1 = affine_map<(d0, d1) -> (0, 0)>
#map2 = affine_map<(d0, d1) -> (0, 0, 0, 0, 0)>
module attributes {stable_mosaic.version = 14 : i64} {
  func.func @_embed_body(%arg0: i32, %arg1: i32, %arg2: memref<16x32x8x128xi32, #tpu.memory_space<hbm>>, %arg3: memref<16384x64xbf16, #tpu.memory_space<hbm>>, %arg4: memref<16x8x32x8x128xf32, #tpu.memory_space<hbm>>, %arg5: memref<16x8x128xi32, #tpu.memory_space<vmem>>, %arg6: memref<8x128x64xbf16, #tpu.memory_space<vmem>>, %arg7: memref<8x128x64xbf16, #tpu.memory_space<vmem>>, %arg8: memref<8x8x129xf32, #tpu.memory_space<vmem>>, %arg9: memref<8x8x129xf32, #tpu.memory_space<vmem>>, %arg10: memref<!tpu.dma_semaphore, #tpu.memory_space<semaphore_mem>>, %arg11: memref<!tpu.dma_semaphore, #tpu.memory_space<semaphore_mem>>, %arg12: memref<!tpu.dma_semaphore, #tpu.memory_space<semaphore_mem>>, %arg13: memref<!tpu.dma_semaphore, #tpu.memory_space<semaphore_mem>>) attributes {dimension_semantics = [#tpu.dimension_semantics<core_parallel>, #tpu.dimension_semantics<subcore_parallel>], iteration_bounds = array<i64: 2, 16>, scalar_prefetch = 0 : i64, scratch_operands = 9 : i64, tpu.core_type = #tpu.core_type<sc_vector_subcore>, window_params = [{transform_indices = #map}, {transform_indices = #map1}, {transform_indices = #map2}]} {
    %mul3A = arith.constant 2 : i32
    %mul3A_0 = arith.muli %arg1, %mul3A : i32
    %add3A = arith.addi %mul3A_0, %arg0 : i32
    %jit3A = arith.constant 2 : i32
    %div3A = arith.divsi %add3A, %jit3A : i32
    %sign3A = arith.constant 0 : i32
    %sign3A_1 = arith.cmpi sgt, %add3A, %sign3A : i32
    %sign3A_2 = arith.extui %sign3A_1 : i1 to i32
    %sign3A_3 = arith.constant 0 : i32
    %sign3A_4 = arith.cmpi slt, %add3A, %sign3A_3 : i32
    %sign3A_5 = arith.extui %sign3A_4 : i1 to i32
    %sign3A_6 = arith.subi %sign3A_2, %sign3A_5 : i32
    %sign3A_7 = arith.constant 0 : i32
    %sign3A_8 = arith.cmpi sgt, %jit3A, %sign3A_7 : i32
    %sign3A_9 = arith.extui %sign3A_8 : i1 to i32
    %sign3A_10 = arith.constant 0 : i32
    %sign3A_11 = arith.cmpi slt, %jit3A, %sign3A_10 : i32
    %sign3A_12 = arith.extui %sign3A_11 : i1 to i32
    %sign3A_13 = arith.subi %sign3A_9, %sign3A_12 : i32
    %ne3A = arith.cmpi ne, %sign3A_6, %sign3A_13 : i32
    %rem3A = arith.remsi %add3A, %jit3A : i32
    %ne3A_14 = arith.constant 0 : i32
    %ne3A_15 = arith.cmpi ne, %rem3A, %ne3A_14 : i32
    %and3A = arith.andi %ne3A, %ne3A_15 : i1
    %sub3A = arith.constant 1 : i32
    %sub3A_16 = arith.subi %div3A, %sub3A : i32
    %select_n3A = arith.select %and3A, %sub3A_16, %div3A : i32
    %jit3A_17 = arith.constant 2 : i32
    %eq3A = arith.constant 0 : i32
    %eq3A_18 = arith.cmpi eq, %jit3A_17, %eq3A : i32
    %jit3A_19 = arith.constant 1 : i32
    %select_n3A_20 = arith.select %eq3A_18, %jit3A_19, %jit3A_17 : i32
    %rem3A_21 = arith.remsi %add3A, %select_n3A_20 : i32
    %ne3A_22 = arith.constant 0 : i32
    %ne3A_23 = arith.cmpi ne, %rem3A_21, %ne3A_22 : i32
    %lt3A = arith.constant 0 : i32
    %lt3A_24 = arith.cmpi slt, %rem3A_21, %lt3A : i32
    %lt3A_25 = arith.constant 0 : i32
    %lt3A_26 = arith.cmpi slt, %select_n3A_20, %lt3A_25 : i32
    %ne3A_27 = arith.xori %lt3A_24, %lt3A_26 : i1
    %and3A_28 = arith.andi %ne3A_27, %ne3A_23 : i1
    %add3A_29 = arith.addi %rem3A_21, %select_n3A_20 : i32
    %select_n3A_30 = arith.select %and3A_28, %add3A_29, %rem3A_21 : i32
    %mul3A_31 = arith.constant 2048 : i32
    %mul3A_32 = arith.muli %select_n3A_30, %mul3A_31 : i32
    %jit3A_33 = arith.constant 2 : i32
    %eq3A_34 = arith.constant 0 : i32
    %eq3A_35 = arith.cmpi eq, %jit3A_33, %eq3A_34 : i32
    %jit3A_36 = arith.constant 1 : i32
    %select_n3A_37 = arith.select %eq3A_35, %jit3A_36, %jit3A_33 : i32
    %rem3A_38 = arith.remsi %add3A, %select_n3A_37 : i32
    %ne3A_39 = arith.constant 0 : i32
    %ne3A_40 = arith.cmpi ne, %rem3A_38, %ne3A_39 : i32
    %lt3A_41 = arith.constant 0 : i32
    %lt3A_42 = arith.cmpi slt, %rem3A_38, %lt3A_41 : i32
    %lt3A_43 = arith.constant 0 : i32
    %lt3A_44 = arith.cmpi slt, %select_n3A_37, %lt3A_43 : i32
    %ne3A_45 = arith.xori %lt3A_42, %lt3A_44 : i1
    %and3A_46 = arith.andi %ne3A_45, %ne3A_40 : i1
    %add3A_47 = arith.addi %rem3A_38, %select_n3A_37 : i32
    %select_n3A_48 = arith.select %and3A_46, %add3A_47, %rem3A_38 : i32
    %mul3A_49 = arith.constant 16 : i32
    %mul3A_50 = arith.muli %select_n3A_48, %mul3A_49 : i32
    "tpu.region"() ({
      %run_scoped3A = tpu.sem_alloc : memref<!tpu.dma_semaphore, #tpu.memory_space<semaphore_mem>>
      %dma_start3A_378 = arith.constant 0 : i32
      %dma_start3A_379 = arith.constant 0 : i32
      %dma_start3A_380 = tpu.memref_slice %arg2[%select_n3A, %mul3A_50, %dma_start3A_378, %dma_start3A_379] : memref<16x32x8x128xi32, #tpu.memory_space<hbm>> -> memref<1x16x8x128xi32, #tpu.memory_space<hbm>>
      %dma_start3A_381 = tpu.memref_squeeze %dma_start3A_380 : memref<1x16x8x128xi32, #tpu.memory_space<hbm>> -> memref<16x8x128xi32, #tpu.memory_space<hbm>>
      %dma_start3A_382 = arith.constant 0 : i32
      %dma_start3A_383 = arith.constant 0 : i32
      %dma_start3A_384 = tpu.memref_slice %arg2[%select_n3A, %mul3A_50, %dma_start3A_382, %dma_start3A_383] : memref<16x32x8x128xi32, #tpu.memory_space<hbm>> -> memref<1x16x8x128xi32, #tpu.memory_space<hbm>>
      %dma_start3A_385 = tpu.memref_squeeze %dma_start3A_384 : memref<1x16x8x128xi32, #tpu.memory_space<hbm>> -> memref<16x8x128xi32, #tpu.memory_space<hbm>>
      tpu.enqueue_dma source(%dma_start3A_385 : memref<16x8x128xi32, #tpu.memory_space<hbm>>) target(%arg5 : memref<16x8x128xi32, #tpu.memory_space<vmem>>) target_semaphore(%run_scoped3A : memref<!tpu.dma_semaphore, #tpu.memory_space<semaphore_mem>>)
      %dma_wait3A_386 = arith.constant 0 : i32
      %dma_wait3A_387 = arith.constant 0 : i32
      %dma_wait3A_388 = tpu.memref_slice %arg2[%select_n3A, %mul3A_50, %dma_wait3A_386, %dma_wait3A_387] : memref<16x32x8x128xi32, #tpu.memory_space<hbm>> -> memref<1x16x8x128xi32, #tpu.memory_space<hbm>>
      %dma_wait3A_389 = tpu.memref_squeeze %dma_wait3A_388 : memref<1x16x8x128xi32, #tpu.memory_space<hbm>> -> memref<16x8x128xi32, #tpu.memory_space<hbm>>
      %dma_wait3A_390 = arith.constant 0 : i32
      %dma_wait3A_391 = arith.constant 0 : i32
      %dma_wait3A_392 = tpu.memref_slice %arg2[%select_n3A, %mul3A_50, %dma_wait3A_390, %dma_wait3A_391] : memref<16x32x8x128xi32, #tpu.memory_space<hbm>> -> memref<1x16x8x128xi32, #tpu.memory_space<hbm>>
      %dma_wait3A_393 = tpu.memref_squeeze %dma_wait3A_392 : memref<1x16x8x128xi32, #tpu.memory_space<hbm>> -> memref<16x8x128xi32, #tpu.memory_space<hbm>>
      tpu.wait_dma2 semaphore(%run_scoped3A : memref<!tpu.dma_semaphore, #tpu.memory_space<semaphore_mem>>) src(%dma_wait3A_393 : memref<16x8x128xi32, #tpu.memory_space<hbm>>) dst(%arg5 : memref<16x8x128xi32, #tpu.memory_space<vmem>>)
      tpu.yield
    }) : () -> ()
    %scan3A = arith.constant 0 : i32
    %scan3A_51 = arith.constant 0 : i32
    %scan3A_52 = arith.constant 16 : i32
    %scan3A_53 = arith.addi %scan3A_51, %scan3A_52 : i32
    %scan3A_54 = arith.constant 1 : i32
    scf.for %scan3A_378 = %scan3A_51 to %scan3A_53 step %scan3A_54  : i32 {
      %get3A = arith.constant 1 : i32
      %get3A_379 = arith.index_cast %scan3A_378 : i32 to index
      %get3A_380 = arith.index_cast %get3A : i32 to index
      %get3A_381 = arith.constant 0 : index
      %get3A_382 = tpu.vector_load %arg5[%get3A_379, %get3A_380, %get3A_381] {strides = array<i32>} : memref<16x8x128xi32, #tpu.memory_space<vmem>>, vector<16xi32>,
      %add3A_383 = arith.constant 2048 : i32
      %add3A_384 = vector.broadcast %add3A_383 : i32 to vector<16xi32>
      %add3A_385 = arith.addi %get3A_382, %add3A_384 : vector<16xi32>
      %swap3A = arith.constant 1 : i32
      %swap3A_386 = arith.index_cast %scan3A_378 : i32 to index
      %swap3A_387 = arith.index_cast %swap3A : i32 to index
      %swap3A_388 = arith.constant 0 : index
      %swap3A_389 = tpu.vector_load %arg5[%swap3A_386, %swap3A_387, %swap3A_388] {strides = array<i32>} : memref<16x8x128xi32, #tpu.memory_space<vmem>>, vector<16xi32>,
      tpu.vector_store %arg5[%swap3A_386, %swap3A_387, %swap3A_388], %add3A_385 {strides = array<i32>} : memref<16x8x128xi32, #tpu.memory_space<vmem>>, vector<16xi32>,
      %get3A_390 = arith.constant 1 : i32
      %get3A_391 = arith.index_cast %scan3A_378 : i32 to index
      %get3A_392 = arith.index_cast %get3A_390 : i32 to index
      %get3A_393 = arith.constant 16 : index
      %get3A_394 = tpu.vector_load %arg5[%get3A_391, %get3A_392, %get3A_393] {strides = array<i32>} : memref<16x8x128xi32, #tpu.memory_space<vmem>>, vector<16xi32>,
      %add3A_395 = arith.constant 2048 : i32
      %add3A_396 = vector.broadcast %add3A_395 : i32 to vector<16xi32>
      %add3A_397 = arith.addi %get3A_394, %add3A_396 : vector<16xi32>
      %swap3A_398 = arith.constant 1 : i32
      %swap3A_399 = arith.index_cast %scan3A_378 : i32 to index
      %swap3A_400 = arith.index_cast %swap3A_398 : i32 to index
      %swap3A_401 = arith.constant 16 : index
      %swap3A_402 = tpu.vector_load %arg5[%swap3A_399, %swap3A_400, %swap3A_401] {strides = array<i32>} : memref<16x8x128xi32, #tpu.memory_space<vmem>>, vector<16xi32>,
      tpu.vector_store %arg5[%swap3A_399, %swap3A_400, %swap3A_401], %add3A_397 {strides = array<i32>} : memref<16x8x128xi32, #tpu.memory_space<vmem>>, vector<16xi32>,
      %get3A_403 = arith.constant 1 : i32
      %get3A_404 = arith.index_cast %scan3A_378 : i32 to index
      %get3A_405 = arith.index_cast %get3A_403 : i32 to index
      %get3A_406 = arith.constant 32 : index
      %get3A_407 = tpu.vector_load %arg5[%get3A_404, %get3A_405, %get3A_406] {strides = array<i32>} : memref<16x8x128xi32, #tpu.memory_space<vmem>>, vector<16xi32>,
      %add3A_408 = arith.constant 2048 : i32
      %add3A_409 = vector.broadcast %add3A_408 : i32 to vector<16xi32>
      %add3A_410 = arith.addi %get3A_407, %add3A_409 : vector<16xi32>
      %swap3A_411 = arith.constant 1 : i32
      %swap3A_412 = arith.index_cast %scan3A_378 : i32 to index
      %swap3A_413 = arith.index_cast %swap3A_411 : i32 to index
      %swap3A_414 = arith.constant 32 : index
      %swap3A_415 = tpu.vector_load %arg5[%swap3A_412, %swap3A_413, %swap3A_414] {strides = array<i32>} : memref<16x8x128xi32, #tpu.memory_space<vmem>>, vector<16xi32>,
      tpu.vector_store %arg5[%swap3A_412, %swap3A_413, %swap3A_414], %add3A_410 {strides = array<i32>} : memref<16x8x128xi32, #tpu.memory_space<vmem>>, vector<16xi32>,
      %get3A_416 = arith.constant 1 : i32
      %get3A_417 = arith.index_cast %scan3A_378 : i32 to index
      %get3A_418 = arith.index_cast %get3A_416 : i32 to index
      %get3A_419 = arith.constant 48 : index
      %get3A_420 = tpu.vector_load %arg5[%get3A_417, %get3A_418, %get3A_419] {strides = array<i32>} : memref<16x8x128xi32, #tpu.memory_space<vmem>>, vector<16xi32>,
      %add3A_421 = arith.constant 2048 : i32
      %add3A_422 = vector.broadcast %add3A_421 : i32 to vector<16xi32>
      %add3A_423 = arith.addi %get3A_420, %add3A_422 : vector<16xi32>
      %swap3A_424 = arith.constant 1 : i32
      %swap3A_425 = arith.index_cast %scan3A_378 : i32 to index
      %swap3A_426 = arith.index_cast %swap3A_424 : i32 to index
      %swap3A_427 = arith.constant 48 : index
      %swap3A_428 = tpu.vector_load %arg5[%swap3A_425, %swap3A_426, %swap3A_427] {strides = array<i32>} : memref<16x8x128xi32, #tpu.memory_space<vmem>>, vector<16xi32>,
      tpu.vector_store %arg5[%swap3A_425, %swap3A_426, %swap3A_427], %add3A_423 {strides = array<i32>} : memref<16x8x128xi32, #tpu.memory_space<vmem>>, vector<16xi32>,
      %get3A_429 = arith.constant 1 : i32
      %get3A_430 = arith.index_cast %scan3A_378 : i32 to index
      %get3A_431 = arith.index_cast %get3A_429 : i32 to index
      %get3A_432 = arith.constant 64 : index
      %get3A_433 = tpu.vector_load %arg5[%get3A_430, %get3A_431, %get3A_432] {strides = array<i32>} : memref<16x8x128xi32, #tpu.memory_space<vmem>>, vector<16xi32>,
      %add3A_434 = arith.constant 2048 : i32
      %add3A_435 = vector.broadcast %add3A_434 : i32 to vector<16xi32>
      %add3A_436 = arith.addi %get3A_433, %add3A_435 : vector<16xi32>
      %swap3A_437 = arith.constant 1 : i32
      %swap3A_438 = arith.index_cast %scan3A_378 : i32 to index
      %swap3A_439 = arith.index_cast %swap3A_437 : i32 to index
      %swap3A_440 = arith.constant 64 : index
      %swap3A_441 = tpu.vector_load %arg5[%swap3A_438, %swap3A_439, %swap3A_440] {strides = array<i32>} : memref<16x8x128xi32, #tpu.memory_space<vmem>>, vector<16xi32>,
      tpu.vector_store %arg5[%swap3A_438, %swap3A_439, %swap3A_440], %add3A_436 {strides = array<i32>} : memref<16x8x128xi32, #tpu.memory_space<vmem>>, vector<16xi32>,
      %get3A_442 = arith.constant 1 : i32
      %get3A_443 = arith.index_cast %scan3A_378 : i32 to index
      %get3A_444 = arith.index_cast %get3A_442 : i32 to index
      %get3A_445 = arith.constant 80 : index
      %get3A_446 = tpu.vector_load %arg5[%get3A_443, %get3A_444, %get3A_445] {strides = array<i32>} : memref<16x8x128xi32, #tpu.memory_space<vmem>>, vector<16xi32>,
      %add3A_447 = arith.constant 2048 : i32
      %add3A_448 = vector.broadcast %add3A_447 : i32 to vector<16xi32>
      %add3A_449 = arith.addi %get3A_446, %add3A_448 : vector<16xi32>
      %swap3A_450 = arith.constant 1 : i32
      %swap3A_451 = arith.index_cast %scan3A_378 : i32 to index
      %swap3A_452 = arith.index_cast %swap3A_450 : i32 to index
      %swap3A_453 = arith.constant 80 : index
      %swap3A_454 = tpu.vector_load %arg5[%swap3A_451, %swap3A_452, %swap3A_453] {strides = array<i32>} : memref<16x8x128xi32, #tpu.memory_space<vmem>>, vector<16xi32>,
      tpu.vector_store %arg5[%swap3A_451, %swap3A_452, %swap3A_453], %add3A_449 {strides = array<i32>} : memref<16x8x128xi32, #tpu.memory_space<vmem>>, vector<16xi32>,
      %get3A_455 = arith.constant 1 : i32
      %get3A_456 = arith.index_cast %scan3A_378 : i32 to index
      %get3A_457 = arith.index_cast %get3A_455 : i32 to index
      %get3A_458 = arith.constant 96 : index
      %get3A_459 = tpu.vector_load %arg5[%get3A_456, %get3A_457, %get3A_458] {strides = array<i32>} : memref<16x8x128xi32, #tpu.memory_space<vmem>>, vector<16xi32>,
      %add3A_460 = arith.constant 2048 : i32
      %add3A_461 = vector.broadcast %add3A_460 : i32 to vector<16xi32>
      %add3A_462 = arith.addi %get3A_459, %add3A_461 : vector<16xi32>
      %swap3A_463 = arith.constant 1 : i32
      %swap3A_464 = arith.index_cast %scan3A_378 : i32 to index
      %swap3A_465 = arith.index_cast %swap3A_463 : i32 to index
      %swap3A_466 = arith.constant 96 : index
      %swap3A_467 = tpu.vector_load %arg5[%swap3A_464, %swap3A_465, %swap3A_466] {strides = array<i32>} : memref<16x8x128xi32, #tpu.memory_space<vmem>>, vector<16xi32>,
      tpu.vector_store %arg5[%swap3A_464, %swap3A_465, %swap3A_466], %add3A_462 {strides = array<i32>} : memref<16x8x128xi32, #tpu.memory_space<vmem>>, vector<16xi32>,
      %get3A_468 = arith.constant 1 : i32
      %get3A_469 = arith.index_cast %scan3A_378 : i32 to index
      %get3A_470 = arith.index_cast %get3A_468 : i32 to index
      %get3A_471 = arith.constant 112 : index
      %get3A_472 = tpu.vector_load %arg5[%get3A_469, %get3A_470, %get3A_471] {strides = array<i32>} : memref<16x8x128xi32, #tpu.memory_space<vmem>>, vector<16xi32>,
      %add3A_473 = arith.constant 2048 : i32
      %add3A_474 = vector.broadcast %add3A_473 : i32 to vector<16xi32>
      %add3A_475 = arith.addi %get3A_472, %add3A_474 : vector<16xi32>
      %swap3A_476 = arith.constant 1 : i32
      %swap3A_477 = arith.index_cast %scan3A_378 : i32 to index
      %swap3A_478 = arith.index_cast %swap3A_476 : i32 to index
      %swap3A_479 = arith.constant 112 : index
      %swap3A_480 = tpu.vector_load %arg5[%swap3A_477, %swap3A_478, %swap3A_479] {strides = array<i32>} : memref<16x8x128xi32, #tpu.memory_space<vmem>>, vector<16xi32>,
      tpu.vector_store %arg5[%swap3A_477, %swap3A_478, %swap3A_479], %add3A_475 {strides = array<i32>} : memref<16x8x128xi32, #tpu.memory_space<vmem>>, vector<16xi32>,
      %get3A_481 = arith.constant 2 : i32
      %get3A_482 = arith.index_cast %scan3A_378 : i32 to index
      %get3A_483 = arith.index_cast %get3A_481 : i32 to index
      %get3A_484 = arith.constant 0 : index
      %get3A_485 = tpu.vector_load %arg5[%get3A_482, %get3A_483, %get3A_484] {strides = array<i32>} : memref<16x8x128xi32, #tpu.memory_space<vmem>>, vector<16xi32>,
      %add3A_486 = arith.constant 4096 : i32
      %add3A_487 = vector.broadcast %add3A_486 : i32 to vector<16xi32>
      %add3A_488 = arith.addi %get3A_485, %add3A_487 : vector<16xi32>
      %swap3A_489 = arith.constant 2 : i32
      %swap3A_490 = arith.index_cast %scan3A_378 : i32 to index
      %swap3A_491 = arith.index_cast %swap3A_489 : i32 to index
      %swap3A_492 = arith.constant 0 : index
      %swap3A_493 = tpu.vector_load %arg5[%swap3A_490, %swap3A_491, %swap3A_492] {strides = array<i32>} : memref<16x8x128xi32, #tpu.memory_space<vmem>>, vector<16xi32>,
      tpu.vector_store %arg5[%swap3A_490, %swap3A_491, %swap3A_492], %add3A_488 {strides = array<i32>} : memref<16x8x128xi32, #tpu.memory_space<vmem>>, vector<16xi32>,
      %get3A_494 = arith.constant 2 : i32
      %get3A_495 = arith.index_cast %scan3A_378 : i32 to index
      %get3A_496 = arith.index_cast %get3A_494 : i32 to index
      %get3A_497 = arith.constant 16 : index
      %get3A_498 = tpu.vector_load %arg5[%get3A_495, %get3A_496, %get3A_497] {strides = array<i32>} : memref<16x8x128xi32, #tpu.memory_space<vmem>>, vector<16xi32>,
      %add3A_499 = arith.constant 4096 : i32
      %add3A_500 = vector.broadcast %add3A_499 : i32 to vector<16xi32>
      %add3A_501 = arith.addi %get3A_498, %add3A_500 : vector<16xi32>
      %swap3A_502 = arith.constant 2 : i32
      %swap3A_503 = arith.index_cast %scan3A_378 : i32 to index
      %swap3A_504 = arith.index_cast %swap3A_502 : i32 to index
      %swap3A_505 = arith.constant 16 : index
      %swap3A_506 = tpu.vector_load %arg5[%swap3A_503, %swap3A_504, %swap3A_505] {strides = array<i32>} : memref<16x8x128xi32, #tpu.memory_space<vmem>>, vector<16xi32>,
      tpu.vector_store %arg5[%swap3A_503, %swap3A_504, %swap3A_505], %add3A_501 {strides = array<i32>} : memref<16x8x128xi32, #tpu.memory_space<vmem>>, vector<16xi32>,
      %get3A_507 = arith.constant 2 : i32
      %get3A_508 = arith.index_cast %scan3A_378 : i32 to index
      %get3A_509 = arith.index_cast %get3A_507 : i32 to index
      %get3A_510 = arith.constant 32 : index
      %get3A_511 = tpu.vector_load %arg5[%get3A_508, %get3A_509, %get3A_510] {strides = array<i32>} : memref<16x8x128xi32, #tpu.memory_space<vmem>>, vector<16xi32>,
      %add3A_512 = arith.constant 4096 : i32
      %add3A_513 = vector.broadcast %add3A_512 : i32 to vector<16xi32>
      %add3A_514 = arith.addi %get3A_511, %add3A_513 : vector<16xi32>
      %swap3A_515 = arith.constant 2 : i32
      %swap3A_516 = arith.index_cast %scan3A_378 : i32 to index
      %swap3A_517 = arith.index_cast %swap3A_515 : i32 to index
      %swap3A_518 = arith.constant 32 : index
      %swap3A_519 = tpu.vector_load %arg5[%swap3A_516, %swap3A_517, %swap3A_518] {strides = array<i32>} : memref<16x8x128xi32, #tpu.memory_space<vmem>>, vector<16xi32>,
      tpu.vector_store %arg5[%swap3A_516, %swap3A_517, %swap3A_518], %add3A_514 {strides = array<i32>} : memref<16x8x128xi32, #tpu.memory_space<vmem>>, vector<16xi32>,
      %get3A_520 = arith.constant 2 : i32
      %get3A_521 = arith.index_cast %scan3A_378 : i32 to index
      %get3A_522 = arith.index_cast %get3A_520 : i32 to index
      %get3A_523 = arith.constant 48 : index
      %get3A_524 = tpu.vector_load %arg5[%get3A_521, %get3A_522, %get3A_523] {strides = array<i32>} : memref<16x8x128xi32, #tpu.memory_space<vmem>>, vector<16xi32>,
      %add3A_525 = arith.constant 4096 : i32
      %add3A_526 = vector.broadcast %add3A_525 : i32 to vector<16xi32>
      %add3A_527 = arith.addi %get3A_524, %add3A_526 : vector<16xi32>
      %swap3A_528 = arith.constant 2 : i32
      %swap3A_529 = arith.index_cast %scan3A_378 : i32 to index
      %swap3A_530 = arith.index_cast %swap3A_528 : i32 to index
      %swap3A_531 = arith.constant 48 : index
      %swap3A_532 = tpu.vector_load %arg5[%swap3A_529, %swap3A_530, %swap3A_531] {strides = array<i32>} : memref<16x8x128xi32, #tpu.memory_space<vmem>>, vector<16xi32>,
      tpu.vector_store %arg5[%swap3A_529, %swap3A_530, %swap3A_531], %add3A_527 {strides = array<i32>} : memref<16x8x128xi32, #tpu.memory_space<vmem>>, vector<16xi32>,
      %get3A_533 = arith.constant 2 : i32
      %get3A_534 = arith.index_cast %scan3A_378 : i32 to index
      %get3A_535 = arith.index_cast %get3A_533 : i32 to index
      %get3A_536 = arith.constant 64 : index
      %get3A_537 = tpu.vector_load %arg5[%get3A_534, %get3A_535, %get3A_536] {strides = array<i32>} : memref<16x8x128xi32, #tpu.memory_space<vmem>>, vector<16xi32>,
      %add3A_538 = arith.constant 4096 : i32
      %add3A_539 = vector.broadcast %add3A_538 : i32 to vector<16xi32>
      %add3A_540 = arith.addi %get3A_537, %add3A_539 : vector<16xi32>
      %swap3A_541 = arith.constant 2 : i32
      %swap3A_542 = arith.index_cast %scan3A_378 : i32 to index
      %swap3A_543 = arith.index_cast %swap3A_541 : i32 to index
      %swap3A_544 = arith.constant 64 : index
      %swap3A_545 = tpu.vector_load %arg5[%swap3A_542, %swap3A_543, %swap3A_544] {strides = array<i32>} : memref<16x8x128xi32, #tpu.memory_space<vmem>>, vector<16xi32>,
      tpu.vector_store %arg5[%swap3A_542, %swap3A_543, %swap3A_544], %add3A_540 {strides = array<i32>} : memref<16x8x128xi32, #tpu.memory_space<vmem>>, vector<16xi32>,
      %get3A_546 = arith.constant 2 : i32
      %get3A_547 = arith.index_cast %scan3A_378 : i32 to index
      %get3A_548 = arith.index_cast %get3A_546 : i32 to index
      %get3A_549 = arith.constant 80 : index
      %get3A_550 = tpu.vector_load %arg5[%get3A_547, %get3A_548, %get3A_549] {strides = array<i32>} : memref<16x8x128xi32, #tpu.memory_space<vmem>>, vector<16xi32>,
      %add3A_551 = arith.constant 4096 : i32
      %add3A_552 = vector.broadcast %add3A_551 : i32 to vector<16xi32>
      %add3A_553 = arith.addi %get3A_550, %add3A_552 : vector<16xi32>
      %swap3A_554 = arith.constant 2 : i32
      %swap3A_555 = arith.index_cast %scan3A_378 : i32 to index
      %swap3A_556 = arith.index_cast %swap3A_554 : i32 to index
      %swap3A_557 = arith.constant 80 : index
      %swap3A_558 = tpu.vector_load %arg5[%swap3A_555, %swap3A_556, %swap3A_557] {strides = array<i32>} : memref<16x8x128xi32, #tpu.memory_space<vmem>>, vector<16xi32>,
      tpu.vector_store %arg5[%swap3A_555, %swap3A_556, %swap3A_557], %add3A_553 {strides = array<i32>} : memref<16x8x128xi32, #tpu.memory_space<vmem>>, vector<16xi32>,
      %get3A_559 = arith.constant 2 : i32
      %get3A_560 = arith.index_cast %scan3A_378 : i32 to index
      %get3A_561 = arith.index_cast %get3A_559 : i32 to index
      %get3A_562 = arith.constant 96 : index
      %get3A_563 = tpu.vector_load %arg5[%get3A_560, %get3A_561, %get3A_562] {strides = array<i32>} : memref<16x8x128xi32, #tpu.memory_space<vmem>>, vector<16xi32>,
      %add3A_564 = arith.constant 4096 : i32
      %add3A_565 = vector.broadcast %add3A_564 : i32 to vector<16xi32>
      %add3A_566 = arith.addi %get3A_563, %add3A_565 : vector<16xi32>
      %swap3A_567 = arith.constant 2 : i32
      %swap3A_568 = arith.index_cast %scan3A_378 : i32 to index
      %swap3A_569 = arith.index_cast %swap3A_567 : i32 to index
      %swap3A_570 = arith.constant 96 : index
      %swap3A_571 = tpu.vector_load %arg5[%swap3A_568, %swap3A_569, %swap3A_570] {strides = array<i32>} : memref<16x8x128xi32, #tpu.memory_space<vmem>>, vector<16xi32>,
      tpu.vector_store %arg5[%swap3A_568, %swap3A_569, %swap3A_570], %add3A_566 {strides = array<i32>} : memref<16x8x128xi32, #tpu.memory_space<vmem>>, vector<16xi32>,
      %get3A_572 = arith.constant 2 : i32
      %get3A_573 = arith.index_cast %scan3A_378 : i32 to index
      %get3A_574 = arith.index_cast %get3A_572 : i32 to index
      %get3A_575 = arith.constant 112 : index
      %get3A_576 = tpu.vector_load %arg5[%get3A_573, %get3A_574, %get3A_575] {strides = array<i32>} : memref<16x8x128xi32, #tpu.memory_space<vmem>>, vector<16xi32>,
      %add3A_577 = arith.constant 4096 : i32
      %add3A_578 = vector.broadcast %add3A_577 : i32 to vector<16xi32>
      %add3A_579 = arith.addi %get3A_576, %add3A_578 : vector<16xi32>
      %swap3A_580 = arith.constant 2 : i32
      %swap3A_581 = arith.index_cast %scan3A_378 : i32 to index
      %swap3A_582 = arith.index_cast %swap3A_580 : i32 to index
      %swap3A_583 = arith.constant 112 : index
      %swap3A_584 = tpu.vector_load %arg5[%swap3A_581, %swap3A_582, %swap3A_583] {strides = array<i32>} : memref<16x8x128xi32, #tpu.memory_space<vmem>>, vector<16xi32>,
      tpu.vector_store %arg5[%swap3A_581, %swap3A_582, %swap3A_583], %add3A_579 {strides = array<i32>} : memref<16x8x128xi32, #tpu.memory_space<vmem>>, vector<16xi32>,
      %get3A_585 = arith.constant 3 : i32
      %get3A_586 = arith.index_cast %scan3A_378 : i32 to index
      %get3A_587 = arith.index_cast %get3A_585 : i32 to index
      %get3A_588 = arith.constant 0 : index
      %get3A_589 = tpu.vector_load %arg5[%get3A_586, %get3A_587, %get3A_588] {strides = array<i32>} : memref<16x8x128xi32, #tpu.memory_space<vmem>>, vector<16xi32>,
      %add3A_590 = arith.constant 6144 : i32
      %add3A_591 = vector.broadcast %add3A_590 : i32 to vector<16xi32>
      %add3A_592 = arith.addi %get3A_589, %add3A_591 : vector<16xi32>
      %swap3A_593 = arith.constant 3 : i32
      %swap3A_594 = arith.index_cast %scan3A_378 : i32 to index
      %swap3A_595 = arith.index_cast %swap3A_593 : i32 to index
      %swap3A_596 = arith.constant 0 : index
      %swap3A_597 = tpu.vector_load %arg5[%swap3A_594, %swap3A_595, %swap3A_596] {strides = array<i32>} : memref<16x8x128xi32, #tpu.memory_space<vmem>>, vector<16xi32>,
      tpu.vector_store %arg5[%swap3A_594, %swap3A_595, %swap3A_596], %add3A_592 {strides = array<i32>} : memref<16x8x128xi32, #tpu.memory_space<vmem>>, vector<16xi32>,
      %get3A_598 = arith.constant 3 : i32
      %get3A_599 = arith.index_cast %scan3A_378 : i32 to index
      %get3A_600 = arith.index_cast %get3A_598 : i32 to index
      %get3A_601 = arith.constant 16 : index
      %get3A_602 = tpu.vector_load %arg5[%get3A_599, %get3A_600, %get3A_601] {strides = array<i32>} : memref<16x8x128xi32, #tpu.memory_space<vmem>>, vector<16xi32>,
      %add3A_603 = arith.constant 6144 : i32
      %add3A_604 = vector.broadcast %add3A_603 : i32 to vector<16xi32>
      %add3A_605 = arith.addi %get3A_602, %add3A_604 : vector<16xi32>
      %swap3A_606 = arith.constant 3 : i32
      %swap3A_607 = arith.index_cast %scan3A_378 : i32 to index
      %swap3A_608 = arith.index_cast %swap3A_606 : i32 to index
      %swap3A_609 = arith.constant 16 : index
      %swap3A_610 = tpu.vector_load %arg5[%swap3A_607, %swap3A_608, %swap3A_609] {strides = array<i32>} : memref<16x8x128xi32, #tpu.memory_space<vmem>>, vector<16xi32>,
      tpu.vector_store %arg5[%swap3A_607, %swap3A_608, %swap3A_609], %add3A_605 {strides = array<i32>} : memref<16x8x128xi32, #tpu.memory_space<vmem>>, vector<16xi32>,
      %get3A_611 = arith.constant 3 : i32
      %get3A_612 = arith.index_cast %scan3A_378 : i32 to index
      %get3A_613 = arith.index_cast %get3A_611 : i32 to index
      %get3A_614 = arith.constant 32 : index
      %get3A_615 = tpu.vector_load %arg5[%get3A_612, %get3A_613, %get3A_614] {strides = array<i32>} : memref<16x8x128xi32, #tpu.memory_space<vmem>>, vector<16xi32>,
      %add3A_616 = arith.constant 6144 : i32
      %add3A_617 = vector.broadcast %add3A_616 : i32 to vector<16xi32>
      %add3A_618 = arith.addi %get3A_615, %add3A_617 : vector<16xi32>
      %swap3A_619 = arith.constant 3 : i32
      %swap3A_620 = arith.index_cast %scan3A_378 : i32 to index
      %swap3A_621 = arith.index_cast %swap3A_619 : i32 to index
      %swap3A_622 = arith.constant 32 : index
      %swap3A_623 = tpu.vector_load %arg5[%swap3A_620, %swap3A_621, %swap3A_622] {strides = array<i32>} : memref<16x8x128xi32, #tpu.memory_space<vmem>>, vector<16xi32>,
      tpu.vector_store %arg5[%swap3A_620, %swap3A_621, %swap3A_622], %add3A_618 {strides = array<i32>} : memref<16x8x128xi32, #tpu.memory_space<vmem>>, vector<16xi32>,
      %get3A_624 = arith.constant 3 : i32
      %get3A_625 = arith.index_cast %scan3A_378 : i32 to index
      %get3A_626 = arith.index_cast %get3A_624 : i32 to index
      %get3A_627 = arith.constant 48 : index
      %get3A_628 = tpu.vector_load %arg5[%get3A_625, %get3A_626, %get3A_627] {strides = array<i32>} : memref<16x8x128xi32, #tpu.memory_space<vmem>>, vector<16xi32>,
      %add3A_629 = arith.constant 6144 : i32
      %add3A_630 = vector.broadcast %add3A_629 : i32 to vector<16xi32>
      %add3A_631 = arith.addi %get3A_628, %add3A_630 : vector<16xi32>
      %swap3A_632 = arith.constant 3 : i32
      %swap3A_633 = arith.index_cast %scan3A_378 : i32 to index
      %swap3A_634 = arith.index_cast %swap3A_632 : i32 to index
      %swap3A_635 = arith.constant 48 : index
      %swap3A_636 = tpu.vector_load %arg5[%swap3A_633, %swap3A_634, %swap3A_635] {strides = array<i32>} : memref<16x8x128xi32, #tpu.memory_space<vmem>>, vector<16xi32>,
      tpu.vector_store %arg5[%swap3A_633, %swap3A_634, %swap3A_635], %add3A_631 {strides = array<i32>} : memref<16x8x128xi32, #tpu.memory_space<vmem>>, vector<16xi32>,
      %get3A_637 = arith.constant 3 : i32
      %get3A_638 = arith.index_cast %scan3A_378 : i32 to index
      %get3A_639 = arith.index_cast %get3A_637 : i32 to index
      %get3A_640 = arith.constant 64 : index
      %get3A_641 = tpu.vector_load %arg5[%get3A_638, %get3A_639, %get3A_640] {strides = array<i32>} : memref<16x8x128xi32, #tpu.memory_space<vmem>>, vector<16xi32>,
      %add3A_642 = arith.constant 6144 : i32
      %add3A_643 = vector.broadcast %add3A_642 : i32 to vector<16xi32>
      %add3A_644 = arith.addi %get3A_641, %add3A_643 : vector<16xi32>
      %swap3A_645 = arith.constant 3 : i32
      %swap3A_646 = arith.index_cast %scan3A_378 : i32 to index
      %swap3A_647 = arith.index_cast %swap3A_645 : i32 to index
      %swap3A_648 = arith.constant 64 : index
      %swap3A_649 = tpu.vector_load %arg5[%swap3A_646, %swap3A_647, %swap3A_648] {strides = array<i32>} : memref<16x8x128xi32, #tpu.memory_space<vmem>>, vector<16xi32>,
      tpu.vector_store %arg5[%swap3A_646, %swap3A_647, %swap3A_648], %add3A_644 {strides = array<i32>} : memref<16x8x128xi32, #tpu.memory_space<vmem>>, vector<16xi32>,
      %get3A_650 = arith.constant 3 : i32
      %get3A_651 = arith.index_cast %scan3A_378 : i32 to index
      %get3A_652 = arith.index_cast %get3A_650 : i32 to index
      %get3A_653 = arith.constant 80 : index
      %get3A_654 = tpu.vector_load %arg5[%get3A_651, %get3A_652, %get3A_653] {strides = array<i32>} : memref<16x8x128xi32, #tpu.memory_space<vmem>>, vector<16xi32>,
      %add3A_655 = arith.constant 6144 : i32
      %add3A_656 = vector.broadcast %add3A_655 : i32 to vector<16xi32>
      %add3A_657 = arith.addi %get3A_654, %add3A_656 : vector<16xi32>
      %swap3A_658 = arith.constant 3 : i32
      %swap3A_659 = arith.index_cast %scan3A_378 : i32 to index
      %swap3A_660 = arith.index_cast %swap3A_658 : i32 to index
      %swap3A_661 = arith.constant 80 : index
      %swap3A_662 = tpu.vector_load %arg5[%swap3A_659, %swap3A_660, %swap3A_661] {strides = array<i32>} : memref<16x8x128xi32, #tpu.memory_space<vmem>>, vector<16xi32>,
      tpu.vector_store %arg5[%swap3A_659, %swap3A_660, %swap3A_661], %add3A_657 {strides = array<i32>} : memref<16x8x128xi32, #tpu.memory_space<vmem>>, vector<16xi32>,
      %get3A_663 = arith.constant 3 : i32
      %get3A_664 = arith.index_cast %scan3A_378 : i32 to index
      %get3A_665 = arith.index_cast %get3A_663 : i32 to index
      %get3A_666 = arith.constant 96 : index
      %get3A_667 = tpu.vector_load %arg5[%get3A_664, %get3A_665, %get3A_666] {strides = array<i32>} : memref<16x8x128xi32, #tpu.memory_space<vmem>>, vector<16xi32>,
      %add3A_668 = arith.constant 6144 : i32
      %add3A_669 = vector.broadcast %add3A_668 : i32 to vector<16xi32>
      %add3A_670 = arith.addi %get3A_667, %add3A_669 : vector<16xi32>
      %swap3A_671 = arith.constant 3 : i32
      %swap3A_672 = arith.index_cast %scan3A_378 : i32 to index
      %swap3A_673 = arith.index_cast %swap3A_671 : i32 to index
      %swap3A_674 = arith.constant 96 : index
      %swap3A_675 = tpu.vector_load %arg5[%swap3A_672, %swap3A_673, %swap3A_674] {strides = array<i32>} : memref<16x8x128xi32, #tpu.memory_space<vmem>>, vector<16xi32>,
      tpu.vector_store %arg5[%swap3A_672, %swap3A_673, %swap3A_674], %add3A_670 {strides = array<i32>} : memref<16x8x128xi32, #tpu.memory_space<vmem>>, vector<16xi32>,
      %get3A_676 = arith.constant 3 : i32
      %get3A_677 = arith.index_cast %scan3A_378 : i32 to index
      %get3A_678 = arith.index_cast %get3A_676 : i32 to index
      %get3A_679 = arith.constant 112 : index
      %get3A_680 = tpu.vector_load %arg5[%get3A_677, %get3A_678, %get3A_679] {strides = array<i32>} : memref<16x8x128xi32, #tpu.memory_space<vmem>>, vector<16xi32>,
      %add3A_681 = arith.constant 6144 : i32
      %add3A_682 = vector.broadcast %add3A_681 : i32 to vector<16xi32>
      %add3A_683 = arith.addi %get3A_680, %add3A_682 : vector<16xi32>
      %swap3A_684 = arith.constant 3 : i32
      %swap3A_685 = arith.index_cast %scan3A_378 : i32 to index
      %swap3A_686 = arith.index_cast %swap3A_684 : i32 to index
      %swap3A_687 = arith.constant 112 : index
      %swap3A_688 = tpu.vector_load %arg5[%swap3A_685, %swap3A_686, %swap3A_687] {strides = array<i32>} : memref<16x8x128xi32, #tpu.memory_space<vmem>>, vector<16xi32>,
      tpu.vector_store %arg5[%swap3A_685, %swap3A_686, %swap3A_687], %add3A_683 {strides = array<i32>} : memref<16x8x128xi32, #tpu.memory_space<vmem>>, vector<16xi32>,
      %get3A_689 = arith.constant 4 : i32
      %get3A_690 = arith.index_cast %scan3A_378 : i32 to index
      %get3A_691 = arith.index_cast %get3A_689 : i32 to index
      %get3A_692 = arith.constant 0 : index
      %get3A_693 = tpu.vector_load %arg5[%get3A_690, %get3A_691, %get3A_692] {strides = array<i32>} : memref<16x8x128xi32, #tpu.memory_space<vmem>>, vector<16xi32>,
      %add3A_694 = arith.constant 8192 : i32
      %add3A_695 = vector.broadcast %add3A_694 : i32 to vector<16xi32>
      %add3A_696 = arith.addi %get3A_693, %add3A_695 : vector<16xi32>
      %swap3A_697 = arith.constant 4 : i32
      %swap3A_698 = arith.index_cast %scan3A_378 : i32 to index
      %swap3A_699 = arith.index_cast %swap3A_697 : i32 to index
      %swap3A_700 = arith.constant 0 : index
      %swap3A_701 = tpu.vector_load %arg5[%swap3A_698, %swap3A_699, %swap3A_700] {strides = array<i32>} : memref<16x8x128xi32, #tpu.memory_space<vmem>>, vector<16xi32>,
      tpu.vector_store %arg5[%swap3A_698, %swap3A_699, %swap3A_700], %add3A_696 {strides = array<i32>} : memref<16x8x128xi32, #tpu.memory_space<vmem>>, vector<16xi32>,
      %get3A_702 = arith.constant 4 : i32
      %get3A_703 = arith.index_cast %scan3A_378 : i32 to index
      %get3A_704 = arith.index_cast %get3A_702 : i32 to index
      %get3A_705 = arith.constant 16 : index
      %get3A_706 = tpu.vector_load %arg5[%get3A_703, %get3A_704, %get3A_705] {strides = array<i32>} : memref<16x8x128xi32, #tpu.memory_space<vmem>>, vector<16xi32>,
      %add3A_707 = arith.constant 8192 : i32
      %add3A_708 = vector.broadcast %add3A_707 : i32 to vector<16xi32>
      %add3A_709 = arith.addi %get3A_706, %add3A_708 : vector<16xi32>
      %swap3A_710 = arith.constant 4 : i32
      %swap3A_711 = arith.index_cast %scan3A_378 : i32 to index
      %swap3A_712 = arith.index_cast %swap3A_710 : i32 to index
      %swap3A_713 = arith.constant 16 : index
      %swap3A_714 = tpu.vector_load %arg5[%swap3A_711, %swap3A_712, %swap3A_713] {strides = array<i32>} : memref<16x8x128xi32, #tpu.memory_space<vmem>>, vector<16xi32>,
      tpu.vector_store %arg5[%swap3A_711, %swap3A_712, %swap3A_713], %add3A_709 {strides = array<i32>} : memref<16x8x128xi32, #tpu.memory_space<vmem>>, vector<16xi32>,
      %get3A_715 = arith.constant 4 : i32
      %get3A_716 = arith.index_cast %scan3A_378 : i32 to index
      %get3A_717 = arith.index_cast %get3A_715 : i32 to index
      %get3A_718 = arith.constant 32 : index
      %get3A_719 = tpu.vector_load %arg5[%get3A_716, %get3A_717, %get3A_718] {strides = array<i32>} : memref<16x8x128xi32, #tpu.memory_space<vmem>>, vector<16xi32>,
      %add3A_720 = arith.constant 8192 : i32
      %add3A_721 = vector.broadcast %add3A_720 : i32 to vector<16xi32>
      %add3A_722 = arith.addi %get3A_719, %add3A_721 : vector<16xi32>
      %swap3A_723 = arith.constant 4 : i32
      %swap3A_724 = arith.index_cast %scan3A_378 : i32 to index
      %swap3A_725 = arith.index_cast %swap3A_723 : i32 to index
      %swap3A_726 = arith.constant 32 : index
      %swap3A_727 = tpu.vector_load %arg5[%swap3A_724, %swap3A_725, %swap3A_726] {strides = array<i32>} : memref<16x8x128xi32, #tpu.memory_space<vmem>>, vector<16xi32>,
      tpu.vector_store %arg5[%swap3A_724, %swap3A_725, %swap3A_726], %add3A_722 {strides = array<i32>} : memref<16x8x128xi32, #tpu.memory_space<vmem>>, vector<16xi32>,
      %get3A_728 = arith.constant 4 : i32
      %get3A_729 = arith.index_cast %scan3A_378 : i32 to index
      %get3A_730 = arith.index_cast %get3A_728 : i32 to index
      %get3A_731 = arith.constant 48 : index
      %get3A_732 = tpu.vector_load %arg5[%get3A_729, %get3A_730, %get3A_731] {strides = array<i32>} : memref<16x8x128xi32, #tpu.memory_space<vmem>>, vector<16xi32>,
      %add3A_733 = arith.constant 8192 : i32
      %add3A_734 = vector.broadcast %add3A_733 : i32 to vector<16xi32>
      %add3A_735 = arith.addi %get3A_732, %add3A_734 : vector<16xi32>
      %swap3A_736 = arith.constant 4 : i32
      %swap3A_737 = arith.index_cast %scan3A_378 : i32 to index
      %swap3A_738 = arith.index_cast %swap3A_736 : i32 to index
      %swap3A_739 = arith.constant 48 : index
      %swap3A_740 = tpu.vector_load %arg5[%swap3A_737, %swap3A_738, %swap3A_739] {strides = array<i32>} : memref<16x8x128xi32, #tpu.memory_space<vmem>>, vector<16xi32>,
      tpu.vector_store %arg5[%swap3A_737, %swap3A_738, %swap3A_739], %add3A_735 {strides = array<i32>} : memref<16x8x128xi32, #tpu.memory_space<vmem>>, vector<16xi32>,
      %get3A_741 = arith.constant 4 : i32
      %get3A_742 = arith.index_cast %scan3A_378 : i32 to index
      %get3A_743 = arith.index_cast %get3A_741 : i32 to index
      %get3A_744 = arith.constant 64 : index
      %get3A_745 = tpu.vector_load %arg5[%get3A_742, %get3A_743, %get3A_744] {strides = array<i32>} : memref<16x8x128xi32, #tpu.memory_space<vmem>>, vector<16xi32>,
      %add3A_746 = arith.constant 8192 : i32
      %add3A_747 = vector.broadcast %add3A_746 : i32 to vector<16xi32>
      %add3A_748 = arith.addi %get3A_745, %add3A_747 : vector<16xi32>
      %swap3A_749 = arith.constant 4 : i32
      %swap3A_750 = arith.index_cast %scan3A_378 : i32 to index
      %swap3A_751 = arith.index_cast %swap3A_749 : i32 to index
      %swap3A_752 = arith.constant 64 : index
      %swap3A_753 = tpu.vector_load %arg5[%swap3A_750, %swap3A_751, %swap3A_752] {strides = array<i32>} : memref<16x8x128xi32, #tpu.memory_space<vmem>>, vector<16xi32>,
      tpu.vector_store %arg5[%swap3A_750, %swap3A_751, %swap3A_752], %add3A_748 {strides = array<i32>} : memref<16x8x128xi32, #tpu.memory_space<vmem>>, vector<16xi32>,
      %get3A_754 = arith.constant 4 : i32
      %get3A_755 = arith.index_cast %scan3A_378 : i32 to index
      %get3A_756 = arith.index_cast %get3A_754 : i32 to index
      %get3A_757 = arith.constant 80 : index
      %get3A_758 = tpu.vector_load %arg5[%get3A_755, %get3A_756, %get3A_757] {strides = array<i32>} : memref<16x8x128xi32, #tpu.memory_space<vmem>>, vector<16xi32>,
      %add3A_759 = arith.constant 8192 : i32
      %add3A_760 = vector.broadcast %add3A_759 : i32 to vector<16xi32>
      %add3A_761 = arith.addi %get3A_758, %add3A_760 : vector<16xi32>
      %swap3A_762 = arith.constant 4 : i32
      %swap3A_763 = arith.index_cast %scan3A_378 : i32 to index
      %swap3A_764 = arith.index_cast %swap3A_762 : i32 to index
      %swap3A_765 = arith.constant 80 : index
      %swap3A_766 = tpu.vector_load %arg5[%swap3A_763, %swap3A_764, %swap3A_765] {strides = array<i32>} : memref<16x8x128xi32, #tpu.memory_space<vmem>>, vector<16xi32>,
      tpu.vector_store %arg5[%swap3A_763, %swap3A_764, %swap3A_765], %add3A_761 {strides = array<i32>} : memref<16x8x128xi32, #tpu.memory_space<vmem>>, vector<16xi32>,
      %get3A_767 = arith.constant 4 : i32
      %get3A_768 = arith.index_cast %scan3A_378 : i32 to index
      %get3A_769 = arith.index_cast %get3A_767 : i32 to index
      %get3A_770 = arith.constant 96 : index
      %get3A_771 = tpu.vector_load %arg5[%get3A_768, %get3A_769, %get3A_770] {strides = array<i32>} : memref<16x8x128xi32, #tpu.memory_space<vmem>>, vector<16xi32>,
      %add3A_772 = arith.constant 8192 : i32
      %add3A_773 = vector.broadcast %add3A_772 : i32 to vector<16xi32>
      %add3A_774 = arith.addi %get3A_771, %add3A_773 : vector<16xi32>
      %swap3A_775 = arith.constant 4 : i32
      %swap3A_776 = arith.index_cast %scan3A_378 : i32 to index
      %swap3A_777 = arith.index_cast %swap3A_775 : i32 to index
      %swap3A_778 = arith.constant 96 : index
      %swap3A_779 = tpu.vector_load %arg5[%swap3A_776, %swap3A_777, %swap3A_778] {strides = array<i32>} : memref<16x8x128xi32, #tpu.memory_space<vmem>>, vector<16xi32>,
      tpu.vector_store %arg5[%swap3A_776, %swap3A_777, %swap3A_778], %add3A_774 {strides = array<i32>} : memref<16x8x128xi32, #tpu.memory_space<vmem>>, vector<16xi32>,
      %get3A_780 = arith.constant 4 : i32
      %get3A_781 = arith.index_cast %scan3A_378 : i32 to index
      %get3A_782 = arith.index_cast %get3A_780 : i32 to index
      %get3A_783 = arith.constant 112 : index
      %get3A_784 = tpu.vector_load %arg5[%get3A_781, %get3A_782, %get3A_783] {strides = array<i32>} : memref<16x8x128xi32, #tpu.memory_space<vmem>>, vector<16xi32>,
      %add3A_785 = arith.constant 8192 : i32
      %add3A_786 = vector.broadcast %add3A_785 : i32 to vector<16xi32>
      %add3A_787 = arith.addi %get3A_784, %add3A_786 : vector<16xi32>
      %swap3A_788 = arith.constant 4 : i32
      %swap3A_789 = arith.index_cast %scan3A_378 : i32 to index
      %swap3A_790 = arith.index_cast %swap3A_788 : i32 to index
      %swap3A_791 = arith.constant 112 : index
      %swap3A_792 = tpu.vector_load %arg5[%swap3A_789, %swap3A_790, %swap3A_791] {strides = array<i32>} : memref<16x8x128xi32, #tpu.memory_space<vmem>>, vector<16xi32>,
      tpu.vector_store %arg5[%swap3A_789, %swap3A_790, %swap3A_791], %add3A_787 {strides = array<i32>} : memref<16x8x128xi32, #tpu.memory_space<vmem>>, vector<16xi32>,
      %get3A_793 = arith.constant 5 : i32
      %get3A_794 = arith.index_cast %scan3A_378 : i32 to index
      %get3A_795 = arith.index_cast %get3A_793 : i32 to index
      %get3A_796 = arith.constant 0 : index
      %get3A_797 = tpu.vector_load %arg5[%get3A_794, %get3A_795, %get3A_796] {strides = array<i32>} : memref<16x8x128xi32, #tpu.memory_space<vmem>>, vector<16xi32>,
      %add3A_798 = arith.constant 10240 : i32
      %add3A_799 = vector.broadcast %add3A_798 : i32 to vector<16xi32>
      %add3A_800 = arith.addi %get3A_797, %add3A_799 : vector<16xi32>
      %swap3A_801 = arith.constant 5 : i32
      %swap3A_802 = arith.index_cast %scan3A_378 : i32 to index
      %swap3A_803 = arith.index_cast %swap3A_801 : i32 to index
      %swap3A_804 = arith.constant 0 : index
      %swap3A_805 = tpu.vector_load %arg5[%swap3A_802, %swap3A_803, %swap3A_804] {strides = array<i32>} : memref<16x8x128xi32, #tpu.memory_space<vmem>>, vector<16xi32>,
      tpu.vector_store %arg5[%swap3A_802, %swap3A_803, %swap3A_804], %add3A_800 {strides = array<i32>} : memref<16x8x128xi32, #tpu.memory_space<vmem>>, vector<16xi32>,
      %get3A_806 = arith.constant 5 : i32
      %get3A_807 = arith.index_cast %scan3A_378 : i32 to index
      %get3A_808 = arith.index_cast %get3A_806 : i32 to index
      %get3A_809 = arith.constant 16 : index
      %get3A_810 = tpu.vector_load %arg5[%get3A_807, %get3A_808, %get3A_809] {strides = array<i32>} : memref<16x8x128xi32, #tpu.memory_space<vmem>>, vector<16xi32>,
      %add3A_811 = arith.constant 10240 : i32
      %add3A_812 = vector.broadcast %add3A_811 : i32 to vector<16xi32>
      %add3A_813 = arith.addi %get3A_810, %add3A_812 : vector<16xi32>
      %swap3A_814 = arith.constant 5 : i32
      %swap3A_815 = arith.index_cast %scan3A_378 : i32 to index
      %swap3A_816 = arith.index_cast %swap3A_814 : i32 to index
      %swap3A_817 = arith.constant 16 : index
      %swap3A_818 = tpu.vector_load %arg5[%swap3A_815, %swap3A_816, %swap3A_817] {strides = array<i32>} : memref<16x8x128xi32, #tpu.memory_space<vmem>>, vector<16xi32>,
      tpu.vector_store %arg5[%swap3A_815, %swap3A_816, %swap3A_817], %add3A_813 {strides = array<i32>} : memref<16x8x128xi32, #tpu.memory_space<vmem>>, vector<16xi32>,
      %get3A_819 = arith.constant 5 : i32
      %get3A_820 = arith.index_cast %scan3A_378 : i32 to index
      %get3A_821 = arith.index_cast %get3A_819 : i32 to index
      %get3A_822 = arith.constant 32 : index
      %get3A_823 = tpu.vector_load %arg5[%get3A_820, %get3A_821, %get3A_822] {strides = array<i32>} : memref<16x8x128xi32, #tpu.memory_space<vmem>>, vector<16xi32>,
      %add3A_824 = arith.constant 10240 : i32
      %add3A_825 = vector.broadcast %add3A_824 : i32 to vector<16xi32>
      %add3A_826 = arith.addi %get3A_823, %add3A_825 : vector<16xi32>
      %swap3A_827 = arith.constant 5 : i32
      %swap3A_828 = arith.index_cast %scan3A_378 : i32 to index
      %swap3A_829 = arith.index_cast %swap3A_827 : i32 to index
      %swap3A_830 = arith.constant 32 : index
      %swap3A_831 = tpu.vector_load %arg5[%swap3A_828, %swap3A_829, %swap3A_830] {strides = array<i32>} : memref<16x8x128xi32, #tpu.memory_space<vmem>>, vector<16xi32>,
      tpu.vector_store %arg5[%swap3A_828, %swap3A_829, %swap3A_830], %add3A_826 {strides = array<i32>} : memref<16x8x128xi32, #tpu.memory_space<vmem>>, vector<16xi32>,
      %get3A_832 = arith.constant 5 : i32
      %get3A_833 = arith.index_cast %scan3A_378 : i32 to index
      %get3A_834 = arith.index_cast %get3A_832 : i32 to index
      %get3A_835 = arith.constant 48 : index
      %get3A_836 = tpu.vector_load %arg5[%get3A_833, %get3A_834, %get3A_835] {strides = array<i32>} : memref<16x8x128xi32, #tpu.memory_space<vmem>>, vector<16xi32>,
      %add3A_837 = arith.constant 10240 : i32
      %add3A_838 = vector.broadcast %add3A_837 : i32 to vector<16xi32>
      %add3A_839 = arith.addi %get3A_836, %add3A_838 : vector<16xi32>
      %swap3A_840 = arith.constant 5 : i32
      %swap3A_841 = arith.index_cast %scan3A_378 : i32 to index
      %swap3A_842 = arith.index_cast %swap3A_840 : i32 to index
      %swap3A_843 = arith.constant 48 : index
      %swap3A_844 = tpu.vector_load %arg5[%swap3A_841, %swap3A_842, %swap3A_843] {strides = array<i32>} : memref<16x8x128xi32, #tpu.memory_space<vmem>>, vector<16xi32>,
      tpu.vector_store %arg5[%swap3A_841, %swap3A_842, %swap3A_843], %add3A_839 {strides = array<i32>} : memref<16x8x128xi32, #tpu.memory_space<vmem>>, vector<16xi32>,
      %get3A_845 = arith.constant 5 : i32
      %get3A_846 = arith.index_cast %scan3A_378 : i32 to index
      %get3A_847 = arith.index_cast %get3A_845 : i32 to index
      %get3A_848 = arith.constant 64 : index
      %get3A_849 = tpu.vector_load %arg5[%get3A_846, %get3A_847, %get3A_848] {strides = array<i32>} : memref<16x8x128xi32, #tpu.memory_space<vmem>>, vector<16xi32>,
      %add3A_850 = arith.constant 10240 : i32
      %add3A_851 = vector.broadcast %add3A_850 : i32 to vector<16xi32>
      %add3A_852 = arith.addi %get3A_849, %add3A_851 : vector<16xi32>
      %swap3A_853 = arith.constant 5 : i32
      %swap3A_854 = arith.index_cast %scan3A_378 : i32 to index
      %swap3A_855 = arith.index_cast %swap3A_853 : i32 to index
      %swap3A_856 = arith.constant 64 : index
      %swap3A_857 = tpu.vector_load %arg5[%swap3A_854, %swap3A_855, %swap3A_856] {strides = array<i32>} : memref<16x8x128xi32, #tpu.memory_space<vmem>>, vector<16xi32>,
      tpu.vector_store %arg5[%swap3A_854, %swap3A_855, %swap3A_856], %add3A_852 {strides = array<i32>} : memref<16x8x128xi32, #tpu.memory_space<vmem>>, vector<16xi32>,
      %get3A_858 = arith.constant 5 : i32
      %get3A_859 = arith.index_cast %scan3A_378 : i32 to index
      %get3A_860 = arith.index_cast %get3A_858 : i32 to index
      %get3A_861 = arith.constant 80 : index
      %get3A_862 = tpu.vector_load %arg5[%get3A_859, %get3A_860, %get3A_861] {strides = array<i32>} : memref<16x8x128xi32, #tpu.memory_space<vmem>>, vector<16xi32>,
      %add3A_863 = arith.constant 10240 : i32
      %add3A_864 = vector.broadcast %add3A_863 : i32 to vector<16xi32>
      %add3A_865 = arith.addi %get3A_862, %add3A_864 : vector<16xi32>
      %swap3A_866 = arith.constant 5 : i32
      %swap3A_867 = arith.index_cast %scan3A_378 : i32 to index
      %swap3A_868 = arith.index_cast %swap3A_866 : i32 to index
      %swap3A_869 = arith.constant 80 : index
      %swap3A_870 = tpu.vector_load %arg5[%swap3A_867, %swap3A_868, %swap3A_869] {strides = array<i32>} : memref<16x8x128xi32, #tpu.memory_space<vmem>>, vector<16xi32>,
      tpu.vector_store %arg5[%swap3A_867, %swap3A_868, %swap3A_869], %add3A_865 {strides = array<i32>} : memref<16x8x128xi32, #tpu.memory_space<vmem>>, vector<16xi32>,
      %get3A_871 = arith.constant 5 : i32
      %get3A_872 = arith.index_cast %scan3A_378 : i32 to index
      %get3A_873 = arith.index_cast %get3A_871 : i32 to index
      %get3A_874 = arith.constant 96 : index
      %get3A_875 = tpu.vector_load %arg5[%get3A_872, %get3A_873, %get3A_874] {strides = array<i32>} : memref<16x8x128xi32, #tpu.memory_space<vmem>>, vector<16xi32>,
      %add3A_876 = arith.constant 10240 : i32
      %add3A_877 = vector.broadcast %add3A_876 : i32 to vector<16xi32>
      %add3A_878 = arith.addi %get3A_875, %add3A_877 : vector<16xi32>
      %swap3A_879 = arith.constant 5 : i32
      %swap3A_880 = arith.index_cast %scan3A_378 : i32 to index
      %swap3A_881 = arith.index_cast %swap3A_879 : i32 to index
      %swap3A_882 = arith.constant 96 : index
      %swap3A_883 = tpu.vector_load %arg5[%swap3A_880, %swap3A_881, %swap3A_882] {strides = array<i32>} : memref<16x8x128xi32, #tpu.memory_space<vmem>>, vector<16xi32>,
      tpu.vector_store %arg5[%swap3A_880, %swap3A_881, %swap3A_882], %add3A_878 {strides = array<i32>} : memref<16x8x128xi32, #tpu.memory_space<vmem>>, vector<16xi32>,
      %get3A_884 = arith.constant 5 : i32
      %get3A_885 = arith.index_cast %scan3A_378 : i32 to index
      %get3A_886 = arith.index_cast %get3A_884 : i32 to index
      %get3A_887 = arith.constant 112 : index
      %get3A_888 = tpu.vector_load %arg5[%get3A_885, %get3A_886, %get3A_887] {strides = array<i32>} : memref<16x8x128xi32, #tpu.memory_space<vmem>>, vector<16xi32>,
      %add3A_889 = arith.constant 10240 : i32
      %add3A_890 = vector.broadcast %add3A_889 : i32 to vector<16xi32>
      %add3A_891 = arith.addi %get3A_888, %add3A_890 : vector<16xi32>
      %swap3A_892 = arith.constant 5 : i32
      %swap3A_893 = arith.index_cast %scan3A_378 : i32 to index
      %swap3A_894 = arith.index_cast %swap3A_892 : i32 to index
      %swap3A_895 = arith.constant 112 : index
      %swap3A_896 = tpu.vector_load %arg5[%swap3A_893, %swap3A_894, %swap3A_895] {strides = array<i32>} : memref<16x8x128xi32, #tpu.memory_space<vmem>>, vector<16xi32>,
      tpu.vector_store %arg5[%swap3A_893, %swap3A_894, %swap3A_895], %add3A_891 {strides = array<i32>} : memref<16x8x128xi32, #tpu.memory_space<vmem>>, vector<16xi32>,
      %get3A_897 = arith.constant 6 : i32
      %get3A_898 = arith.index_cast %scan3A_378 : i32 to index
      %get3A_899 = arith.index_cast %get3A_897 : i32 to index
      %get3A_900 = arith.constant 0 : index
      %get3A_901 = tpu.vector_load %arg5[%get3A_898, %get3A_899, %get3A_900] {strides = array<i32>} : memref<16x8x128xi32, #tpu.memory_space<vmem>>, vector<16xi32>,
      %add3A_902 = arith.constant 12288 : i32
      %add3A_903 = vector.broadcast %add3A_902 : i32 to vector<16xi32>
      %add3A_904 = arith.addi %get3A_901, %add3A_903 : vector<16xi32>
      %swap3A_905 = arith.constant 6 : i32
      %swap3A_906 = arith.index_cast %scan3A_378 : i32 to index
      %swap3A_907 = arith.index_cast %swap3A_905 : i32 to index
      %swap3A_908 = arith.constant 0 : index
      %swap3A_909 = tpu.vector_load %arg5[%swap3A_906, %swap3A_907, %swap3A_908] {strides = array<i32>} : memref<16x8x128xi32, #tpu.memory_space<vmem>>, vector<16xi32>,
      tpu.vector_store %arg5[%swap3A_906, %swap3A_907, %swap3A_908], %add3A_904 {strides = array<i32>} : memref<16x8x128xi32, #tpu.memory_space<vmem>>, vector<16xi32>,
      %get3A_910 = arith.constant 6 : i32
      %get3A_911 = arith.index_cast %scan3A_378 : i32 to index
      %get3A_912 = arith.index_cast %get3A_910 : i32 to index
      %get3A_913 = arith.constant 16 : index
      %get3A_914 = tpu.vector_load %arg5[%get3A_911, %get3A_912, %get3A_913] {strides = array<i32>} : memref<16x8x128xi32, #tpu.memory_space<vmem>>, vector<16xi32>,
      %add3A_915 = arith.constant 12288 : i32
      %add3A_916 = vector.broadcast %add3A_915 : i32 to vector<16xi32>
      %add3A_917 = arith.addi %get3A_914, %add3A_916 : vector<16xi32>
      %swap3A_918 = arith.constant 6 : i32
      %swap3A_919 = arith.index_cast %scan3A_378 : i32 to index
      %swap3A_920 = arith.index_cast %swap3A_918 : i32 to index
      %swap3A_921 = arith.constant 16 : index
      %swap3A_922 = tpu.vector_load %arg5[%swap3A_919, %swap3A_920, %swap3A_921] {strides = array<i32>} : memref<16x8x128xi32, #tpu.memory_space<vmem>>, vector<16xi32>,
      tpu.vector_store %arg5[%swap3A_919, %swap3A_920, %swap3A_921], %add3A_917 {strides = array<i32>} : memref<16x8x128xi32, #tpu.memory_space<vmem>>, vector<16xi32>,
      %get3A_923 = arith.constant 6 : i32
      %get3A_924 = arith.index_cast %scan3A_378 : i32 to index
      %get3A_925 = arith.index_cast %get3A_923 : i32 to index
      %get3A_926 = arith.constant 32 : index
      %get3A_927 = tpu.vector_load %arg5[%get3A_924, %get3A_925, %get3A_926] {strides = array<i32>} : memref<16x8x128xi32, #tpu.memory_space<vmem>>, vector<16xi32>,
      %add3A_928 = arith.constant 12288 : i32
      %add3A_929 = vector.broadcast %add3A_928 : i32 to vector<16xi32>
      %add3A_930 = arith.addi %get3A_927, %add3A_929 : vector<16xi32>
      %swap3A_931 = arith.constant 6 : i32
      %swap3A_932 = arith.index_cast %scan3A_378 : i32 to index
      %swap3A_933 = arith.index_cast %swap3A_931 : i32 to index
      %swap3A_934 = arith.constant 32 : index
      %swap3A_935 = tpu.vector_load %arg5[%swap3A_932, %swap3A_933, %swap3A_934] {strides = array<i32>} : memref<16x8x128xi32, #tpu.memory_space<vmem>>, vector<16xi32>,
      tpu.vector_store %arg5[%swap3A_932, %swap3A_933, %swap3A_934], %add3A_930 {strides = array<i32>} : memref<16x8x128xi32, #tpu.memory_space<vmem>>, vector<16xi32>,
      %get3A_936 = arith.constant 6 : i32
      %get3A_937 = arith.index_cast %scan3A_378 : i32 to index
      %get3A_938 = arith.index_cast %get3A_936 : i32 to index
      %get3A_939 = arith.constant 48 : index
      %get3A_940 = tpu.vector_load %arg5[%get3A_937, %get3A_938, %get3A_939] {strides = array<i32>} : memref<16x8x128xi32, #tpu.memory_space<vmem>>, vector<16xi32>,
      %add3A_941 = arith.constant 12288 : i32
      %add3A_942 = vector.broadcast %add3A_941 : i32 to vector<16xi32>
      %add3A_943 = arith.addi %get3A_940, %add3A_942 : vector<16xi32>
      %swap3A_944 = arith.constant 6 : i32
      %swap3A_945 = arith.index_cast %scan3A_378 : i32 to index
      %swap3A_946 = arith.index_cast %swap3A_944 : i32 to index
      %swap3A_947 = arith.constant 48 : index
      %swap3A_948 = tpu.vector_load %arg5[%swap3A_945, %swap3A_946, %swap3A_947] {strides = array<i32>} : memref<16x8x128xi32, #tpu.memory_space<vmem>>, vector<16xi32>,
      tpu.vector_store %arg5[%swap3A_945, %swap3A_946, %swap3A_947], %add3A_943 {strides = array<i32>} : memref<16x8x128xi32, #tpu.memory_space<vmem>>, vector<16xi32>,
      %get3A_949 = arith.constant 6 : i32
      %get3A_950 = arith.index_cast %scan3A_378 : i32 to index
      %get3A_951 = arith.index_cast %get3A_949 : i32 to index
      %get3A_952 = arith.constant 64 : index
      %get3A_953 = tpu.vector_load %arg5[%get3A_950, %get3A_951, %get3A_952] {strides = array<i32>} : memref<16x8x128xi32, #tpu.memory_space<vmem>>, vector<16xi32>,
      %add3A_954 = arith.constant 12288 : i32
      %add3A_955 = vector.broadcast %add3A_954 : i32 to vector<16xi32>
      %add3A_956 = arith.addi %get3A_953, %add3A_955 : vector<16xi32>
      %swap3A_957 = arith.constant 6 : i32
      %swap3A_958 = arith.index_cast %scan3A_378 : i32 to index
      %swap3A_959 = arith.index_cast %swap3A_957 : i32 to index
      %swap3A_960 = arith.constant 64 : index
      %swap3A_961 = tpu.vector_load %arg5[%swap3A_958, %swap3A_959, %swap3A_960] {strides = array<i32>} : memref<16x8x128xi32, #tpu.memory_space<vmem>>, vector<16xi32>,
      tpu.vector_store %arg5[%swap3A_958, %swap3A_959, %swap3A_960], %add3A_956 {strides = array<i32>} : memref<16x8x128xi32, #tpu.memory_space<vmem>>, vector<16xi32>,
      %get3A_962 = arith.constant 6 : i32
      %get3A_963 = arith.index_cast %scan3A_378 : i32 to index
      %get3A_964 = arith.index_cast %get3A_962 : i32 to index
      %get3A_965 = arith.constant 80 : index
      %get3A_966 = tpu.vector_load %arg5[%get3A_963, %get3A_964, %get3A_965] {strides = array<i32>} : memref<16x8x128xi32, #tpu.memory_space<vmem>>, vector<16xi32>,
      %add3A_967 = arith.constant 12288 : i32
      %add3A_968 = vector.broadcast %add3A_967 : i32 to vector<16xi32>
      %add3A_969 = arith.addi %get3A_966, %add3A_968 : vector<16xi32>
      %swap3A_970 = arith.constant 6 : i32
      %swap3A_971 = arith.index_cast %scan3A_378 : i32 to index
      %swap3A_972 = arith.index_cast %swap3A_970 : i32 to index
      %swap3A_973 = arith.constant 80 : index
      %swap3A_974 = tpu.vector_load %arg5[%swap3A_971, %swap3A_972, %swap3A_973] {strides = array<i32>} : memref<16x8x128xi32, #tpu.memory_space<vmem>>, vector<16xi32>,
      tpu.vector_store %arg5[%swap3A_971, %swap3A_972, %swap3A_973], %add3A_969 {strides = array<i32>} : memref<16x8x128xi32, #tpu.memory_space<vmem>>, vector<16xi32>,
      %get3A_975 = arith.constant 6 : i32
      %get3A_976 = arith.index_cast %scan3A_378 : i32 to index
      %get3A_977 = arith.index_cast %get3A_975 : i32 to index
      %get3A_978 = arith.constant 96 : index
      %get3A_979 = tpu.vector_load %arg5[%get3A_976, %get3A_977, %get3A_978] {strides = array<i32>} : memref<16x8x128xi32, #tpu.memory_space<vmem>>, vector<16xi32>,
      %add3A_980 = arith.constant 12288 : i32
      %add3A_981 = vector.broadcast %add3A_980 : i32 to vector<16xi32>
      %add3A_982 = arith.addi %get3A_979, %add3A_981 : vector<16xi32>
      %swap3A_983 = arith.constant 6 : i32
      %swap3A_984 = arith.index_cast %scan3A_378 : i32 to index
      %swap3A_985 = arith.index_cast %swap3A_983 : i32 to index
      %swap3A_986 = arith.constant 96 : index
      %swap3A_987 = tpu.vector_load %arg5[%swap3A_984, %swap3A_985, %swap3A_986] {strides = array<i32>} : memref<16x8x128xi32, #tpu.memory_space<vmem>>, vector<16xi32>,
      tpu.vector_store %arg5[%swap3A_984, %swap3A_985, %swap3A_986], %add3A_982 {strides = array<i32>} : memref<16x8x128xi32, #tpu.memory_space<vmem>>, vector<16xi32>,
      %get3A_988 = arith.constant 6 : i32
      %get3A_989 = arith.index_cast %scan3A_378 : i32 to index
      %get3A_990 = arith.index_cast %get3A_988 : i32 to index
      %get3A_991 = arith.constant 112 : index
      %get3A_992 = tpu.vector_load %arg5[%get3A_989, %get3A_990, %get3A_991] {strides = array<i32>} : memref<16x8x128xi32, #tpu.memory_space<vmem>>, vector<16xi32>,
      %add3A_993 = arith.constant 12288 : i32
      %add3A_994 = vector.broadcast %add3A_993 : i32 to vector<16xi32>
      %add3A_995 = arith.addi %get3A_992, %add3A_994 : vector<16xi32>
      %swap3A_996 = arith.constant 6 : i32
      %swap3A_997 = arith.index_cast %scan3A_378 : i32 to index
      %swap3A_998 = arith.index_cast %swap3A_996 : i32 to index
      %swap3A_999 = arith.constant 112 : index
      %swap3A_1000 = tpu.vector_load %arg5[%swap3A_997, %swap3A_998, %swap3A_999] {strides = array<i32>} : memref<16x8x128xi32, #tpu.memory_space<vmem>>, vector<16xi32>,
      tpu.vector_store %arg5[%swap3A_997, %swap3A_998, %swap3A_999], %add3A_995 {strides = array<i32>} : memref<16x8x128xi32, #tpu.memory_space<vmem>>, vector<16xi32>,
      %get3A_1001 = arith.constant 7 : i32
      %get3A_1002 = arith.index_cast %scan3A_378 : i32 to index
      %get3A_1003 = arith.index_cast %get3A_1001 : i32 to index
      %get3A_1004 = arith.constant 0 : index
      %get3A_1005 = tpu.vector_load %arg5[%get3A_1002, %get3A_1003, %get3A_1004] {strides = array<i32>} : memref<16x8x128xi32, #tpu.memory_space<vmem>>, vector<16xi32>,
      %add3A_1006 = arith.constant 14336 : i32
      %add3A_1007 = vector.broadcast %add3A_1006 : i32 to vector<16xi32>
      %add3A_1008 = arith.addi %get3A_1005, %add3A_1007 : vector<16xi32>
      %swap3A_1009 = arith.constant 7 : i32
      %swap3A_1010 = arith.index_cast %scan3A_378 : i32 to index
      %swap3A_1011 = arith.index_cast %swap3A_1009 : i32 to index
      %swap3A_1012 = arith.constant 0 : index
      %swap3A_1013 = tpu.vector_load %arg5[%swap3A_1010, %swap3A_1011, %swap3A_1012] {strides = array<i32>} : memref<16x8x128xi32, #tpu.memory_space<vmem>>, vector<16xi32>,
      tpu.vector_store %arg5[%swap3A_1010, %swap3A_1011, %swap3A_1012], %add3A_1008 {strides = array<i32>} : memref<16x8x128xi32, #tpu.memory_space<vmem>>, vector<16xi32>,
      %get3A_1014 = arith.constant 7 : i32
      %get3A_1015 = arith.index_cast %scan3A_378 : i32 to index
      %get3A_1016 = arith.index_cast %get3A_1014 : i32 to index
      %get3A_1017 = arith.constant 16 : index
      %get3A_1018 = tpu.vector_load %arg5[%get3A_1015, %get3A_1016, %get3A_1017] {strides = array<i32>} : memref<16x8x128xi32, #tpu.memory_space<vmem>>, vector<16xi32>,
      %add3A_1019 = arith.constant 14336 : i32
      %add3A_1020 = vector.broadcast %add3A_1019 : i32 to vector<16xi32>
      %add3A_1021 = arith.addi %get3A_1018, %add3A_1020 : vector<16xi32>
      %swap3A_1022 = arith.constant 7 : i32
      %swap3A_1023 = arith.index_cast %scan3A_378 : i32 to index
      %swap3A_1024 = arith.index_cast %swap3A_1022 : i32 to index
      %swap3A_1025 = arith.constant 16 : index
      %swap3A_1026 = tpu.vector_load %arg5[%swap3A_1023, %swap3A_1024, %swap3A_1025] {strides = array<i32>} : memref<16x8x128xi32, #tpu.memory_space<vmem>>, vector<16xi32>,
      tpu.vector_store %arg5[%swap3A_1023, %swap3A_1024, %swap3A_1025], %add3A_1021 {strides = array<i32>} : memref<16x8x128xi32, #tpu.memory_space<vmem>>, vector<16xi32>,
      %get3A_1027 = arith.constant 7 : i32
      %get3A_1028 = arith.index_cast %scan3A_378 : i32 to index
      %get3A_1029 = arith.index_cast %get3A_1027 : i32 to index
      %get3A_1030 = arith.constant 32 : index
      %get3A_1031 = tpu.vector_load %arg5[%get3A_1028, %get3A_1029, %get3A_1030] {strides = array<i32>} : memref<16x8x128xi32, #tpu.memory_space<vmem>>, vector<16xi32>,
      %add3A_1032 = arith.constant 14336 : i32
      %add3A_1033 = vector.broadcast %add3A_1032 : i32 to vector<16xi32>
      %add3A_1034 = arith.addi %get3A_1031, %add3A_1033 : vector<16xi32>
      %swap3A_1035 = arith.constant 7 : i32
      %swap3A_1036 = arith.index_cast %scan3A_378 : i32 to index
      %swap3A_1037 = arith.index_cast %swap3A_1035 : i32 to index
      %swap3A_1038 = arith.constant 32 : index
      %swap3A_1039 = tpu.vector_load %arg5[%swap3A_1036, %swap3A_1037, %swap3A_1038] {strides = array<i32>} : memref<16x8x128xi32, #tpu.memory_space<vmem>>, vector<16xi32>,
      tpu.vector_store %arg5[%swap3A_1036, %swap3A_1037, %swap3A_1038], %add3A_1034 {strides = array<i32>} : memref<16x8x128xi32, #tpu.memory_space<vmem>>, vector<16xi32>,
      %get3A_1040 = arith.constant 7 : i32
      %get3A_1041 = arith.index_cast %scan3A_378 : i32 to index
      %get3A_1042 = arith.index_cast %get3A_1040 : i32 to index
      %get3A_1043 = arith.constant 48 : index
      %get3A_1044 = tpu.vector_load %arg5[%get3A_1041, %get3A_1042, %get3A_1043] {strides = array<i32>} : memref<16x8x128xi32, #tpu.memory_space<vmem>>, vector<16xi32>,
      %add3A_1045 = arith.constant 14336 : i32
      %add3A_1046 = vector.broadcast %add3A_1045 : i32 to vector<16xi32>
      %add3A_1047 = arith.addi %get3A_1044, %add3A_1046 : vector<16xi32>
      %swap3A_1048 = arith.constant 7 : i32
      %swap3A_1049 = arith.index_cast %scan3A_378 : i32 to index
      %swap3A_1050 = arith.index_cast %swap3A_1048 : i32 to index
      %swap3A_1051 = arith.constant 48 : index
      %swap3A_1052 = tpu.vector_load %arg5[%swap3A_1049, %swap3A_1050, %swap3A_1051] {strides = array<i32>} : memref<16x8x128xi32, #tpu.memory_space<vmem>>, vector<16xi32>,
      tpu.vector_store %arg5[%swap3A_1049, %swap3A_1050, %swap3A_1051], %add3A_1047 {strides = array<i32>} : memref<16x8x128xi32, #tpu.memory_space<vmem>>, vector<16xi32>,
      %get3A_1053 = arith.constant 7 : i32
      %get3A_1054 = arith.index_cast %scan3A_378 : i32 to index
      %get3A_1055 = arith.index_cast %get3A_1053 : i32 to index
      %get3A_1056 = arith.constant 64 : index
      %get3A_1057 = tpu.vector_load %arg5[%get3A_1054, %get3A_1055, %get3A_1056] {strides = array<i32>} : memref<16x8x128xi32, #tpu.memory_space<vmem>>, vector<16xi32>,
      %add3A_1058 = arith.constant 14336 : i32
      %add3A_1059 = vector.broadcast %add3A_1058 : i32 to vector<16xi32>
      %add3A_1060 = arith.addi %get3A_1057, %add3A_1059 : vector<16xi32>
      %swap3A_1061 = arith.constant 7 : i32
      %swap3A_1062 = arith.index_cast %scan3A_378 : i32 to index
      %swap3A_1063 = arith.index_cast %swap3A_1061 : i32 to index
      %swap3A_1064 = arith.constant 64 : index
      %swap3A_1065 = tpu.vector_load %arg5[%swap3A_1062, %swap3A_1063, %swap3A_1064] {strides = array<i32>} : memref<16x8x128xi32, #tpu.memory_space<vmem>>, vector<16xi32>,
      tpu.vector_store %arg5[%swap3A_1062, %swap3A_1063, %swap3A_1064], %add3A_1060 {strides = array<i32>} : memref<16x8x128xi32, #tpu.memory_space<vmem>>, vector<16xi32>,
      %get3A_1066 = arith.constant 7 : i32
      %get3A_1067 = arith.index_cast %scan3A_378 : i32 to index
      %get3A_1068 = arith.index_cast %get3A_1066 : i32 to index
      %get3A_1069 = arith.constant 80 : index
      %get3A_1070 = tpu.vector_load %arg5[%get3A_1067, %get3A_1068, %get3A_1069] {strides = array<i32>} : memref<16x8x128xi32, #tpu.memory_space<vmem>>, vector<16xi32>,
      %add3A_1071 = arith.constant 14336 : i32
      %add3A_1072 = vector.broadcast %add3A_1071 : i32 to vector<16xi32>
      %add3A_1073 = arith.addi %get3A_1070, %add3A_1072 : vector<16xi32>
      %swap3A_1074 = arith.constant 7 : i32
      %swap3A_1075 = arith.index_cast %scan3A_378 : i32 to index
      %swap3A_1076 = arith.index_cast %swap3A_1074 : i32 to index
      %swap3A_1077 = arith.constant 80 : index
      %swap3A_1078 = tpu.vector_load %arg5[%swap3A_1075, %swap3A_1076, %swap3A_1077] {strides = array<i32>} : memref<16x8x128xi32, #tpu.memory_space<vmem>>, vector<16xi32>,
      tpu.vector_store %arg5[%swap3A_1075, %swap3A_1076, %swap3A_1077], %add3A_1073 {strides = array<i32>} : memref<16x8x128xi32, #tpu.memory_space<vmem>>, vector<16xi32>,
      %get3A_1079 = arith.constant 7 : i32
      %get3A_1080 = arith.index_cast %scan3A_378 : i32 to index
      %get3A_1081 = arith.index_cast %get3A_1079 : i32 to index
      %get3A_1082 = arith.constant 96 : index
      %get3A_1083 = tpu.vector_load %arg5[%get3A_1080, %get3A_1081, %get3A_1082] {strides = array<i32>} : memref<16x8x128xi32, #tpu.memory_space<vmem>>, vector<16xi32>,
      %add3A_1084 = arith.constant 14336 : i32
      %add3A_1085 = vector.broadcast %add3A_1084 : i32 to vector<16xi32>
      %add3A_1086 = arith.addi %get3A_1083, %add3A_1085 : vector<16xi32>
      %swap3A_1087 = arith.constant 7 : i32
      %swap3A_1088 = arith.index_cast %scan3A_378 : i32 to index
      %swap3A_1089 = arith.index_cast %swap3A_1087 : i32 to index
      %swap3A_1090 = arith.constant 96 : index
      %swap3A_1091 = tpu.vector_load %arg5[%swap3A_1088, %swap3A_1089, %swap3A_1090] {strides = array<i32>} : memref<16x8x128xi32, #tpu.memory_space<vmem>>, vector<16xi32>,
      tpu.vector_store %arg5[%swap3A_1088, %swap3A_1089, %swap3A_1090], %add3A_1086 {strides = array<i32>} : memref<16x8x128xi32, #tpu.memory_space<vmem>>, vector<16xi32>,
      %get3A_1092 = arith.constant 7 : i32
      %get3A_1093 = arith.index_cast %scan3A_378 : i32 to index
      %get3A_1094 = arith.index_cast %get3A_1092 : i32 to index
      %get3A_1095 = arith.constant 112 : index
      %get3A_1096 = tpu.vector_load %arg5[%get3A_1093, %get3A_1094, %get3A_1095] {strides = array<i32>} : memref<16x8x128xi32, #tpu.memory_space<vmem>>, vector<16xi32>,
      %add3A_1097 = arith.constant 14336 : i32
      %add3A_1098 = vector.broadcast %add3A_1097 : i32 to vector<16xi32>
      %add3A_1099 = arith.addi %get3A_1096, %add3A_1098 : vector<16xi32>
      %swap3A_1100 = arith.constant 7 : i32
      %swap3A_1101 = arith.index_cast %scan3A_378 : i32 to index
      %swap3A_1102 = arith.index_cast %swap3A_1100 : i32 to index
      %swap3A_1103 = arith.constant 112 : index
      %swap3A_1104 = tpu.vector_load %arg5[%swap3A_1101, %swap3A_1102, %swap3A_1103] {strides = array<i32>} : memref<16x8x128xi32, #tpu.memory_space<vmem>>, vector<16xi32>,
      tpu.vector_store %arg5[%swap3A_1101, %swap3A_1102, %swap3A_1103], %add3A_1099 {strides = array<i32>} : memref<16x8x128xi32, #tpu.memory_space<vmem>>, vector<16xi32>,
    }
    %scan3A_55 = arith.constant 16 : i32
    %iota3A = tpu.iota {dimensions = array<i32: 0>} : vector<16xi32>
    %jit3A_56 = arith.constant 4 : i32
    %div3A_57 = vector.broadcast %jit3A_56 : i32 to vector<16xi32>
    %div3A_58 = arith.divsi %iota3A, %div3A_57 : vector<16xi32>
    %sign3A_59 = arith.constant 0 : i32
    %sign3A_60 = vector.broadcast %sign3A_59 : i32 to vector<16xi32>
    %sign3A_61 = arith.cmpi sgt, %iota3A, %sign3A_60 : vector<16xi32>
    %sign3A_62 = arith.extui %sign3A_61 : vector<16xi1> to vector<16xi32>
    %sign3A_63 = arith.constant 0 : i32
    %sign3A_64 = vector.broadcast %sign3A_63 : i32 to vector<16xi32>
    %sign3A_65 = arith.cmpi slt, %iota3A, %sign3A_64 : vector<16xi32>
    %sign3A_66 = arith.extui %sign3A_65 : vector<16xi1> to vector<16xi32>
    %sign3A_67 = arith.subi %sign3A_62, %sign3A_66 : vector<16xi32>
    %sign3A_68 = arith.constant 0 : i32
    %sign3A_69 = arith.cmpi sgt, %jit3A_56, %sign3A_68 : i32
    %sign3A_70 = arith.extui %sign3A_69 : i1 to i32
    %sign3A_71 = arith.constant 0 : i32
    %sign3A_72 = arith.cmpi slt, %jit3A_56, %sign3A_71 : i32
    %sign3A_73 = arith.extui %sign3A_72 : i1 to i32
    %sign3A_74 = arith.subi %sign3A_70, %sign3A_73 : i32
    %ne3A_75 = vector.broadcast %sign3A_74 : i32 to vector<16xi32>
    %ne3A_76 = arith.cmpi ne, %sign3A_67, %ne3A_75 : vector<16xi32>
    %rem3A_77 = vector.broadcast %jit3A_56 : i32 to vector<16xi32>
    %rem3A_78 = arith.remsi %iota3A, %rem3A_77 : vector<16xi32>
    %ne3A_79 = arith.constant 0 : i32
    %ne3A_80 = vector.broadcast %ne3A_79 : i32 to vector<16xi32>
    %ne3A_81 = arith.cmpi ne, %rem3A_78, %ne3A_80 : vector<16xi32>
    %and3A_82 = arith.andi %ne3A_76, %ne3A_81 : vector<16xi1>
    %sub3A_83 = arith.constant 1 : i32
    %sub3A_84 = vector.broadcast %sub3A_83 : i32 to vector<16xi32>
    %sub3A_85 = arith.subi %div3A_58, %sub3A_84 : vector<16xi32>
    %select_n3A_86 = arith.select %and3A_82, %sub3A_85, %div3A_58 : vector<16xi1>, vector<16xi32>
    %add3A_87 = arith.constant 0 : i32
    %add3A_88 = vector.broadcast %add3A_87 : i32 to vector<16xi32>
    %add3A_89 = arith.addi %add3A_88, %select_n3A_86 : vector<16xi32>
    %jit3A_90 = arith.constant 4 : i32
    %div3A_91 = vector.broadcast %jit3A_90 : i32 to vector<16xi32>
    %div3A_92 = arith.divsi %iota3A, %div3A_91 : vector<16xi32>
    %sign3A_93 = arith.constant 0 : i32
    %sign3A_94 = vector.broadcast %sign3A_93 : i32 to vector<16xi32>
    %sign3A_95 = arith.cmpi sgt, %iota3A, %sign3A_94 : vector<16xi32>
    %sign3A_96 = arith.extui %sign3A_95 : vector<16xi1> to vector<16xi32>
    %sign3A_97 = arith.constant 0 : i32
    %sign3A_98 = vector.broadcast %sign3A_97 : i32 to vector<16xi32>
    %sign3A_99 = arith.cmpi slt, %iota3A, %sign3A_98 : vector<16xi32>
    %sign3A_100 = arith.extui %sign3A_99 : vector<16xi1> to vector<16xi32>
    %sign3A_101 = arith.subi %sign3A_96, %sign3A_100 : vector<16xi32>
    %sign3A_102 = arith.constant 0 : i32
    %sign3A_103 = arith.cmpi sgt, %jit3A_90, %sign3A_102 : i32
    %sign3A_104 = arith.extui %sign3A_103 : i1 to i32
    %sign3A_105 = arith.constant 0 : i32
    %sign3A_106 = arith.cmpi slt, %jit3A_90, %sign3A_105 : i32
    %sign3A_107 = arith.extui %sign3A_106 : i1 to i32
    %sign3A_108 = arith.subi %sign3A_104, %sign3A_107 : i32
    %ne3A_109 = vector.broadcast %sign3A_108 : i32 to vector<16xi32>
    %ne3A_110 = arith.cmpi ne, %sign3A_101, %ne3A_109 : vector<16xi32>
    %rem3A_111 = vector.broadcast %jit3A_90 : i32 to vector<16xi32>
    %rem3A_112 = arith.remsi %iota3A, %rem3A_111 : vector<16xi32>
    %ne3A_113 = arith.constant 0 : i32
    %ne3A_114 = vector.broadcast %ne3A_113 : i32 to vector<16xi32>
    %ne3A_115 = arith.cmpi ne, %rem3A_112, %ne3A_114 : vector<16xi32>
    %and3A_116 = arith.andi %ne3A_110, %ne3A_115 : vector<16xi1>
    %sub3A_117 = arith.constant 1 : i32
    %sub3A_118 = vector.broadcast %sub3A_117 : i32 to vector<16xi32>
    %sub3A_119 = arith.subi %div3A_92, %sub3A_118 : vector<16xi32>
    %select_n3A_120 = arith.select %and3A_116, %sub3A_119, %div3A_92 : vector<16xi1>, vector<16xi32>
    %add3A_121 = arith.constant 4 : i32
    %add3A_122 = vector.broadcast %add3A_121 : i32 to vector<16xi32>
    %add3A_123 = arith.addi %add3A_122, %select_n3A_120 : vector<16xi32>
    %mul3A_124 = arith.constant 2 : i32
    %mul3A_125 = vector.broadcast %mul3A_124 : i32 to vector<16xi32>
    %mul3A_126 = arith.muli %mul3A_125, %iota3A : vector<16xi32>
    %jit3A_127 = arith.constant 8 : i32
    %eq3A_128 = arith.constant 0 : i32
    %eq3A_129 = arith.cmpi eq, %jit3A_127, %eq3A_128 : i32
    %jit3A_130 = arith.constant 1 : i32
    %select_n3A_131 = arith.select %eq3A_129, %jit3A_130, %jit3A_127 : i32
    %rem3A_132 = vector.broadcast %select_n3A_131 : i32 to vector<16xi32>
    %rem3A_133 = arith.remsi %mul3A_126, %rem3A_132 : vector<16xi32>
    %ne3A_134 = arith.constant 0 : i32
    %ne3A_135 = vector.broadcast %ne3A_134 : i32 to vector<16xi32>
    %ne3A_136 = arith.cmpi ne, %rem3A_133, %ne3A_135 : vector<16xi32>
    %lt3A_137 = arith.constant 0 : i32
    %lt3A_138 = vector.broadcast %lt3A_137 : i32 to vector<16xi32>
    %lt3A_139 = arith.cmpi slt, %rem3A_133, %lt3A_138 : vector<16xi32>
    %lt3A_140 = arith.constant 0 : i32
    %lt3A_141 = arith.cmpi slt, %select_n3A_131, %lt3A_140 : i32
    %ne3A_142 = vector.broadcast %lt3A_141 : i1 to vector<16xi1>
    %ne3A_143 = vector.broadcast %ne3A_142 : vector<16xi1> to vector<16xi1>
    %ne3A_144 = arith.xori %lt3A_139, %ne3A_143 : vector<16xi1>
    %and3A_145 = arith.andi %ne3A_144, %ne3A_136 : vector<16xi1>
    %add3A_146 = vector.broadcast %select_n3A_131 : i32 to vector<16xi32>
    %add3A_147 = arith.addi %rem3A_133, %add3A_146 : vector<16xi32>
    %select_n3A_148 = arith.select %and3A_145, %add3A_147, %rem3A_133 : vector<16xi1>, vector<16xi32>
    %mul3A_149 = arith.constant 2 : i32
    %mul3A_150 = vector.broadcast %mul3A_149 : i32 to vector<16xi32>
    %mul3A_151 = arith.muli %mul3A_150, %iota3A : vector<16xi32>
    %jit3A_152 = arith.constant 8 : i32
    %eq3A_153 = arith.constant 0 : i32
    %eq3A_154 = arith.cmpi eq, %jit3A_152, %eq3A_153 : i32
    %jit3A_155 = arith.constant 1 : i32
    %select_n3A_156 = arith.select %eq3A_154, %jit3A_155, %jit3A_152 : i32
    %rem3A_157 = vector.broadcast %select_n3A_156 : i32 to vector<16xi32>
    %rem3A_158 = arith.remsi %mul3A_151, %rem3A_157 : vector<16xi32>
    %ne3A_159 = arith.constant 0 : i32
    %ne3A_160 = vector.broadcast %ne3A_159 : i32 to vector<16xi32>
    %ne3A_161 = arith.cmpi ne, %rem3A_158, %ne3A_160 : vector<16xi32>
    %lt3A_162 = arith.constant 0 : i32
    %lt3A_163 = vector.broadcast %lt3A_162 : i32 to vector<16xi32>
    %lt3A_164 = arith.cmpi slt, %rem3A_158, %lt3A_163 : vector<16xi32>
    %lt3A_165 = arith.constant 0 : i32
    %lt3A_166 = arith.cmpi slt, %select_n3A_156, %lt3A_165 : i32
    %ne3A_167 = vector.broadcast %lt3A_166 : i1 to vector<16xi1>
    %ne3A_168 = vector.broadcast %ne3A_167 : vector<16xi1> to vector<16xi1>
    %ne3A_169 = arith.xori %lt3A_164, %ne3A_168 : vector<16xi1>
    %and3A_170 = arith.andi %ne3A_169, %ne3A_161 : vector<16xi1>
    %add3A_171 = vector.broadcast %select_n3A_156 : i32 to vector<16xi32>
    %add3A_172 = arith.addi %rem3A_158, %add3A_171 : vector<16xi32>
    %select_n3A_173 = arith.select %and3A_170, %add3A_172, %rem3A_158 : vector<16xi1>, vector<16xi32>
    %mul3A_174 = arith.constant 2 : i32
    %mul3A_175 = vector.broadcast %mul3A_174 : i32 to vector<16xi32>
    %mul3A_176 = arith.muli %mul3A_175, %iota3A : vector<16xi32>
    %add3A_177 = arith.constant 1 : i32
    %add3A_178 = vector.broadcast %add3A_177 : i32 to vector<16xi32>
    %add3A_179 = arith.addi %mul3A_176, %add3A_178 : vector<16xi32>
    %jit3A_180 = arith.constant 8 : i32
    %eq3A_181 = arith.constant 0 : i32
    %eq3A_182 = arith.cmpi eq, %jit3A_180, %eq3A_181 : i32
    %jit3A_183 = arith.constant 1 : i32
    %select_n3A_184 = arith.select %eq3A_182, %jit3A_183, %jit3A_180 : i32
    %rem3A_185 = vector.broadcast %select_n3A_184 : i32 to vector<16xi32>
    %rem3A_186 = arith.remsi %add3A_179, %rem3A_185 : vector<16xi32>
    %ne3A_187 = arith.constant 0 : i32
    %ne3A_188 = vector.broadcast %ne3A_187 : i32 to vector<16xi32>
    %ne3A_189 = arith.cmpi ne, %rem3A_186, %ne3A_188 : vector<16xi32>
    %lt3A_190 = arith.constant 0 : i32
    %lt3A_191 = vector.broadcast %lt3A_190 : i32 to vector<16xi32>
    %lt3A_192 = arith.cmpi slt, %rem3A_186, %lt3A_191 : vector<16xi32>
    %lt3A_193 = arith.constant 0 : i32
    %lt3A_194 = arith.cmpi slt, %select_n3A_184, %lt3A_193 : i32
    %ne3A_195 = vector.broadcast %lt3A_194 : i1 to vector<16xi1>
    %ne3A_196 = vector.broadcast %ne3A_195 : vector<16xi1> to vector<16xi1>
    %ne3A_197 = arith.xori %lt3A_192, %ne3A_196 : vector<16xi1>
    %and3A_198 = arith.andi %ne3A_197, %ne3A_189 : vector<16xi1>
    %add3A_199 = vector.broadcast %select_n3A_184 : i32 to vector<16xi32>
    %add3A_200 = arith.addi %rem3A_186, %add3A_199 : vector<16xi32>
    %select_n3A_201 = arith.select %and3A_198, %add3A_200, %rem3A_186 : vector<16xi1>, vector<16xi32>
    %mul3A_202 = arith.constant 2 : i32
    %mul3A_203 = vector.broadcast %mul3A_202 : i32 to vector<16xi32>
    %mul3A_204 = arith.muli %mul3A_203, %iota3A : vector<16xi32>
    %add3A_205 = arith.constant 1 : i32
    %add3A_206 = vector.broadcast %add3A_205 : i32 to vector<16xi32>
    %add3A_207 = arith.addi %mul3A_204, %add3A_206 : vector<16xi32>
    %jit3A_208 = arith.constant 8 : i32
    %eq3A_209 = arith.constant 0 : i32
    %eq3A_210 = arith.cmpi eq, %jit3A_208, %eq3A_209 : i32
    %jit3A_211 = arith.constant 1 : i32
    %select_n3A_212 = arith.select %eq3A_210, %jit3A_211, %jit3A_208 : i32
    %rem3A_213 = vector.broadcast %select_n3A_212 : i32 to vector<16xi32>
    %rem3A_214 = arith.remsi %add3A_207, %rem3A_213 : vector<16xi32>
    %ne3A_215 = arith.constant 0 : i32
    %ne3A_216 = vector.broadcast %ne3A_215 : i32 to vector<16xi32>
    %ne3A_217 = arith.cmpi ne, %rem3A_214, %ne3A_216 : vector<16xi32>
    %lt3A_218 = arith.constant 0 : i32
    %lt3A_219 = vector.broadcast %lt3A_218 : i32 to vector<16xi32>
    %lt3A_220 = arith.cmpi slt, %rem3A_214, %lt3A_219 : vector<16xi32>
    %lt3A_221 = arith.constant 0 : i32
    %lt3A_222 = arith.cmpi slt, %select_n3A_212, %lt3A_221 : i32
    %ne3A_223 = vector.broadcast %lt3A_222 : i1 to vector<16xi1>
    %ne3A_224 = vector.broadcast %ne3A_223 : vector<16xi1> to vector<16xi1>
    %ne3A_225 = arith.xori %lt3A_220, %ne3A_224 : vector<16xi1>
    %and3A_226 = arith.andi %ne3A_225, %ne3A_217 : vector<16xi1>
    %add3A_227 = vector.broadcast %select_n3A_212 : i32 to vector<16xi32>
    %add3A_228 = arith.addi %rem3A_214, %add3A_227 : vector<16xi32>
    %select_n3A_229 = arith.select %and3A_226, %add3A_228, %rem3A_214 : vector<16xi1>, vector<16xi32>
    %dma_start3A = arith.constant 0 : i32
    %dma_start3A_230 = arith.constant 0 : i32
    %dma_start3A_231 = arith.constant 0 : i32
    %dma_start3A_232 = arith.constant 0 : i32
    %dma_start3A_233 = arith.constant 0 : i32
    %dma_start3A_234 = tpu.memref_slice %arg6[%dma_start3A_231, %dma_start3A_232, %dma_start3A_233] : memref<8x128x64xbf16, #tpu.memory_space<vmem>> -> memref<1x128x64xbf16, #tpu.memory_space<vmem>>
    %dma_start3A_235 = tpu.memref_squeeze %dma_start3A_234 : memref<1x128x64xbf16, #tpu.memory_space<vmem>> -> memref<128x64xbf16, #tpu.memory_space<vmem>>
    %dma_start3A_236 = arith.constant 0 : i32
    %dma_start3A_237 = tpu.memref_slice %arg5[%dma_start3A, %dma_start3A_230, %dma_start3A_236] : memref<16x8x128xi32, #tpu.memory_space<vmem>> -> memref<1x1x128xi32, #tpu.memory_space<vmem>>
    %dma_start3A_238 = tpu.memref_squeeze %dma_start3A_237 : memref<1x1x128xi32, #tpu.memory_space<vmem>> -> memref<128xi32, #tpu.memory_space<vmem>>
    %dma_start3A_239 = arith.constant 0 : i32
    %dma_start3A_240 = arith.constant 0 : i32
    %dma_start3A_241 = tpu.memref_slice %arg3[%dma_start3A_239, %dma_start3A_240] : memref<16384x64xbf16, #tpu.memory_space<hbm>> -> memref<16384x64xbf16, #tpu.memory_space<hbm>>
    tpu.enqueue_indirect_dma source(%dma_start3A_241 : memref<16384x64xbf16, #tpu.memory_space<hbm>>) target(%dma_start3A_235 : memref<128x64xbf16, #tpu.memory_space<vmem>>) offsets(%dma_start3A_238 : memref<128xi32, #tpu.memory_space<vmem>>) semaphore(%arg10 : memref<!tpu.dma_semaphore, #tpu.memory_space<semaphore_mem>>)
    %dma_start3A_242 = arith.constant 0 : i32
    %dma_start3A_243 = arith.constant 1 : i32
    %dma_start3A_244 = arith.constant 1 : i32
    %dma_start3A_245 = arith.constant 0 : i32
    %dma_start3A_246 = arith.constant 0 : i32
    %dma_start3A_247 = tpu.memref_slice %arg6[%dma_start3A_244, %dma_start3A_245, %dma_start3A_246] : memref<8x128x64xbf16, #tpu.memory_space<vmem>> -> memref<1x128x64xbf16, #tpu.memory_space<vmem>>
    %dma_start3A_248 = tpu.memref_squeeze %dma_start3A_247 : memref<1x128x64xbf16, #tpu.memory_space<vmem>> -> memref<128x64xbf16, #tpu.memory_space<vmem>>
    %dma_start3A_249 = arith.constant 0 : i32
    %dma_start3A_250 = tpu.memref_slice %arg5[%dma_start3A_242, %dma_start3A_243, %dma_start3A_249] : memref<16x8x128xi32, #tpu.memory_space<vmem>> -> memref<1x1x128xi32, #tpu.memory_space<vmem>>
    %dma_start3A_251 = tpu.memref_squeeze %dma_start3A_250 : memref<1x1x128xi32, #tpu.memory_space<vmem>> -> memref<128xi32, #tpu.memory_space<vmem>>
    %dma_start3A_252 = arith.constant 0 : i32
    %dma_start3A_253 = arith.constant 0 : i32
    %dma_start3A_254 = tpu.memref_slice %arg3[%dma_start3A_252, %dma_start3A_253] : memref<16384x64xbf16, #tpu.memory_space<hbm>> -> memref<16384x64xbf16, #tpu.memory_space<hbm>>
    tpu.enqueue_indirect_dma source(%dma_start3A_254 : memref<16384x64xbf16, #tpu.memory_space<hbm>>) target(%dma_start3A_248 : memref<128x64xbf16, #tpu.memory_space<vmem>>) offsets(%dma_start3A_251 : memref<128xi32, #tpu.memory_space<vmem>>) semaphore(%arg10 : memref<!tpu.dma_semaphore, #tpu.memory_space<semaphore_mem>>)
    %dma_start3A_255 = arith.constant 0 : i32
    %dma_start3A_256 = arith.constant 2 : i32
    %dma_start3A_257 = arith.constant 2 : i32
    %dma_start3A_258 = arith.constant 0 : i32
    %dma_start3A_259 = arith.constant 0 : i32
    %dma_start3A_260 = tpu.memref_slice %arg6[%dma_start3A_257, %dma_start3A_258, %dma_start3A_259] : memref<8x128x64xbf16, #tpu.memory_space<vmem>> -> memref<1x128x64xbf16, #tpu.memory_space<vmem>>
    %dma_start3A_261 = tpu.memref_squeeze %dma_start3A_260 : memref<1x128x64xbf16, #tpu.memory_space<vmem>> -> memref<128x64xbf16, #tpu.memory_space<vmem>>
    %dma_start3A_262 = arith.constant 0 : i32
    %dma_start3A_263 = tpu.memref_slice %arg5[%dma_start3A_255, %dma_start3A_256, %dma_start3A_262] : memref<16x8x128xi32, #tpu.memory_space<vmem>> -> memref<1x1x128xi32, #tpu.memory_space<vmem>>
    %dma_start3A_264 = tpu.memref_squeeze %dma_start3A_263 : memref<1x1x128xi32, #tpu.memory_space<vmem>> -> memref<128xi32, #tpu.memory_space<vmem>>
    %dma_start3A_265 = arith.constant 0 : i32
    %dma_start3A_266 = arith.constant 0 : i32
    %dma_start3A_267 = tpu.memref_slice %arg3[%dma_start3A_265, %dma_start3A_266] : memref<16384x64xbf16, #tpu.memory_space<hbm>> -> memref<16384x64xbf16, #tpu.memory_space<hbm>>
    tpu.enqueue_indirect_dma source(%dma_start3A_267 : memref<16384x64xbf16, #tpu.memory_space<hbm>>) target(%dma_start3A_261 : memref<128x64xbf16, #tpu.memory_space<vmem>>) offsets(%dma_start3A_264 : memref<128xi32, #tpu.memory_space<vmem>>) semaphore(%arg10 : memref<!tpu.dma_semaphore, #tpu.memory_space<semaphore_mem>>)
    %dma_start3A_268 = arith.constant 0 : i32
    %dma_start3A_269 = arith.constant 3 : i32
    %dma_start3A_270 = arith.constant 3 : i32
    %dma_start3A_271 = arith.constant 0 : i32
    %dma_start3A_272 = arith.constant 0 : i32
    %dma_start3A_273 = tpu.memref_slice %arg6[%dma_start3A_270, %dma_start3A_271, %dma_start3A_272] : memref<8x128x64xbf16, #tpu.memory_space<vmem>> -> memref<1x128x64xbf16, #tpu.memory_space<vmem>>
    %dma_start3A_274 = tpu.memref_squeeze %dma_start3A_273 : memref<1x128x64xbf16, #tpu.memory_space<vmem>> -> memref<128x64xbf16, #tpu.memory_space<vmem>>
    %dma_start3A_275 = arith.constant 0 : i32
    %dma_start3A_276 = tpu.memref_slice %arg5[%dma_start3A_268, %dma_start3A_269, %dma_start3A_275] : memref<16x8x128xi32, #tpu.memory_space<vmem>> -> memref<1x1x128xi32, #tpu.memory_space<vmem>>
    %dma_start3A_277 = tpu.memref_squeeze %dma_start3A_276 : memref<1x1x128xi32, #tpu.memory_space<vmem>> -> memref<128xi32, #tpu.memory_space<vmem>>
    %dma_start3A_278 = arith.constant 0 : i32
    %dma_start3A_279 = arith.constant 0 : i32
    %dma_start3A_280 = tpu.memref_slice %arg3[%dma_start3A_278, %dma_start3A_279] : memref<16384x64xbf16, #tpu.memory_space<hbm>> -> memref<16384x64xbf16, #tpu.memory_space<hbm>>
    tpu.enqueue_indirect_dma source(%dma_start3A_280 : memref<16384x64xbf16, #tpu.memory_space<hbm>>) target(%dma_start3A_274 : memref<128x64xbf16, #tpu.memory_space<vmem>>) offsets(%dma_start3A_277 : memref<128xi32, #tpu.memory_space<vmem>>) semaphore(%arg10 : memref<!tpu.dma_semaphore, #tpu.memory_space<semaphore_mem>>)
    %dma_start3A_281 = arith.constant 0 : i32
    %dma_start3A_282 = arith.constant 4 : i32
    %dma_start3A_283 = arith.constant 4 : i32
    %dma_start3A_284 = arith.constant 0 : i32
    %dma_start3A_285 = arith.constant 0 : i32
    %dma_start3A_286 = tpu.memref_slice %arg6[%dma_start3A_283, %dma_start3A_284, %dma_start3A_285] : memref<8x128x64xbf16, #tpu.memory_space<vmem>> -> memref<1x128x64xbf16, #tpu.memory_space<vmem>>
    %dma_start3A_287 = tpu.memref_squeeze %dma_start3A_286 : memref<1x128x64xbf16, #tpu.memory_space<vmem>> -> memref<128x64xbf16, #tpu.memory_space<vmem>>
    %dma_start3A_288 = arith.constant 0 : i32
    %dma_start3A_289 = tpu.memref_slice %arg5[%dma_start3A_281, %dma_start3A_282, %dma_start3A_288] : memref<16x8x128xi32, #tpu.memory_space<vmem>> -> memref<1x1x128xi32, #tpu.memory_space<vmem>>
    %dma_start3A_290 = tpu.memref_squeeze %dma_start3A_289 : memref<1x1x128xi32, #tpu.memory_space<vmem>> -> memref<128xi32, #tpu.memory_space<vmem>>
    %dma_start3A_291 = arith.constant 0 : i32
    %dma_start3A_292 = arith.constant 0 : i32
    %dma_start3A_293 = tpu.memref_slice %arg3[%dma_start3A_291, %dma_start3A_292] : memref<16384x64xbf16, #tpu.memory_space<hbm>> -> memref<16384x64xbf16, #tpu.memory_space<hbm>>
    tpu.enqueue_indirect_dma source(%dma_start3A_293 : memref<16384x64xbf16, #tpu.memory_space<hbm>>) target(%dma_start3A_287 : memref<128x64xbf16, #tpu.memory_space<vmem>>) offsets(%dma_start3A_290 : memref<128xi32, #tpu.memory_space<vmem>>) semaphore(%arg10 : memref<!tpu.dma_semaphore, #tpu.memory_space<semaphore_mem>>)
    %dma_start3A_294 = arith.constant 0 : i32
    %dma_start3A_295 = arith.constant 5 : i32
    %dma_start3A_296 = arith.constant 5 : i32
    %dma_start3A_297 = arith.constant 0 : i32
    %dma_start3A_298 = arith.constant 0 : i32
    %dma_start3A_299 = tpu.memref_slice %arg6[%dma_start3A_296, %dma_start3A_297, %dma_start3A_298] : memref<8x128x64xbf16, #tpu.memory_space<vmem>> -> memref<1x128x64xbf16, #tpu.memory_space<vmem>>
    %dma_start3A_300 = tpu.memref_squeeze %dma_start3A_299 : memref<1x128x64xbf16, #tpu.memory_space<vmem>> -> memref<128x64xbf16, #tpu.memory_space<vmem>>
    %dma_start3A_301 = arith.constant 0 : i32
    %dma_start3A_302 = tpu.memref_slice %arg5[%dma_start3A_294, %dma_start3A_295, %dma_start3A_301] : memref<16x8x128xi32, #tpu.memory_space<vmem>> -> memref<1x1x128xi32, #tpu.memory_space<vmem>>
    %dma_start3A_303 = tpu.memref_squeeze %dma_start3A_302 : memref<1x1x128xi32, #tpu.memory_space<vmem>> -> memref<128xi32, #tpu.memory_space<vmem>>
    %dma_start3A_304 = arith.constant 0 : i32
    %dma_start3A_305 = arith.constant 0 : i32
    %dma_start3A_306 = tpu.memref_slice %arg3[%dma_start3A_304, %dma_start3A_305] : memref<16384x64xbf16, #tpu.memory_space<hbm>> -> memref<16384x64xbf16, #tpu.memory_space<hbm>>
    tpu.enqueue_indirect_dma source(%dma_start3A_306 : memref<16384x64xbf16, #tpu.memory_space<hbm>>) target(%dma_start3A_300 : memref<128x64xbf16, #tpu.memory_space<vmem>>) offsets(%dma_start3A_303 : memref<128xi32, #tpu.memory_space<vmem>>) semaphore(%arg10 : memref<!tpu.dma_semaphore, #tpu.memory_space<semaphore_mem>>)
    %dma_start3A_307 = arith.constant 0 : i32
    %dma_start3A_308 = arith.constant 6 : i32
    %dma_start3A_309 = arith.constant 6 : i32
    %dma_start3A_310 = arith.constant 0 : i32
    %dma_start3A_311 = arith.constant 0 : i32
    %dma_start3A_312 = tpu.memref_slice %arg6[%dma_start3A_309, %dma_start3A_310, %dma_start3A_311] : memref<8x128x64xbf16, #tpu.memory_space<vmem>> -> memref<1x128x64xbf16, #tpu.memory_space<vmem>>
    %dma_start3A_313 = tpu.memref_squeeze %dma_start3A_312 : memref<1x128x64xbf16, #tpu.memory_space<vmem>> -> memref<128x64xbf16, #tpu.memory_space<vmem>>
    %dma_start3A_314 = arith.constant 0 : i32
    %dma_start3A_315 = tpu.memref_slice %arg5[%dma_start3A_307, %dma_start3A_308, %dma_start3A_314] : memref<16x8x128xi32, #tpu.memory_space<vmem>> -> memref<1x1x128xi32, #tpu.memory_space<vmem>>
    %dma_start3A_316 = tpu.memref_squeeze %dma_start3A_315 : memref<1x1x128xi32, #tpu.memory_space<vmem>> -> memref<128xi32, #tpu.memory_space<vmem>>
    %dma_start3A_317 = arith.constant 0 : i32
    %dma_start3A_318 = arith.constant 0 : i32
    %dma_start3A_319 = tpu.memref_slice %arg3[%dma_start3A_317, %dma_start3A_318] : memref<16384x64xbf16, #tpu.memory_space<hbm>> -> memref<16384x64xbf16, #tpu.memory_space<hbm>>
    tpu.enqueue_indirect_dma source(%dma_start3A_319 : memref<16384x64xbf16, #tpu.memory_space<hbm>>) target(%dma_start3A_313 : memref<128x64xbf16, #tpu.memory_space<vmem>>) offsets(%dma_start3A_316 : memref<128xi32, #tpu.memory_space<vmem>>) semaphore(%arg10 : memref<!tpu.dma_semaphore, #tpu.memory_space<semaphore_mem>>)
    %dma_start3A_320 = arith.constant 0 : i32
    %dma_start3A_321 = arith.constant 7 : i32
    %dma_start3A_322 = arith.constant 7 : i32
    %dma_start3A_323 = arith.constant 0 : i32
    %dma_start3A_324 = arith.constant 0 : i32
    %dma_start3A_325 = tpu.memref_slice %arg6[%dma_start3A_322, %dma_start3A_323, %dma_start3A_324] : memref<8x128x64xbf16, #tpu.memory_space<vmem>> -> memref<1x128x64xbf16, #tpu.memory_space<vmem>>
    %dma_start3A_326 = tpu.memref_squeeze %dma_start3A_325 : memref<1x128x64xbf16, #tpu.memory_space<vmem>> -> memref<128x64xbf16, #tpu.memory_space<vmem>>
    %dma_start3A_327 = arith.constant 0 : i32
    %dma_start3A_328 = tpu.memref_slice %arg5[%dma_start3A_320, %dma_start3A_321, %dma_start3A_327] : memref<16x8x128xi32, #tpu.memory_space<vmem>> -> memref<1x1x128xi32, #tpu.memory_space<vmem>>
    %dma_start3A_329 = tpu.memref_squeeze %dma_start3A_328 : memref<1x1x128xi32, #tpu.memory_space<vmem>> -> memref<128xi32, #tpu.memory_space<vmem>>
    %dma_start3A_330 = arith.constant 0 : i32
    %dma_start3A_331 = arith.constant 0 : i32
    %dma_start3A_332 = tpu.memref_slice %arg3[%dma_start3A_330, %dma_start3A_331] : memref<16384x64xbf16, #tpu.memory_space<hbm>> -> memref<16384x64xbf16, #tpu.memory_space<hbm>>
    tpu.enqueue_indirect_dma source(%dma_start3A_332 : memref<16384x64xbf16, #tpu.memory_space<hbm>>) target(%dma_start3A_326 : memref<128x64xbf16, #tpu.memory_space<vmem>>) offsets(%dma_start3A_329 : memref<128xi32, #tpu.memory_space<vmem>>) semaphore(%arg10 : memref<!tpu.dma_semaphore, #tpu.memory_space<semaphore_mem>>)
    %scan3A_333 = arith.constant 0 : i32
    %scan3A_334 = arith.constant 0 : i32
    %scan3A_335 = arith.constant 8 : i32
    %scan3A_336 = arith.addi %scan3A_334, %scan3A_335 : i32
    %scan3A_337 = arith.constant 1 : i32
    scf.for %scan3A_378 = %scan3A_334 to %scan3A_336 step %scan3A_337  : i32 {
      %mul3A_379 = arith.constant 2 : i32
      %mul3A_380 = arith.muli %mul3A_379, %scan3A_378 : i32
      %add3A_381 = arith.constant 1 : i32
      %add3A_382 = arith.addi %mul3A_380, %add3A_381 : i32
      %dma_start3A_383 = arith.constant 0 : i32
      %dma_start3A_384 = arith.constant 0 : i32
      %dma_start3A_385 = arith.constant 0 : i32
      %dma_start3A_386 = arith.constant 0 : i32
      %dma_start3A_387 = tpu.memref_slice %arg7[%dma_start3A_384, %dma_start3A_385, %dma_start3A_386] : memref<8x128x64xbf16, #tpu.memory_space<vmem>> -> memref<1x128x64xbf16, #tpu.memory_space<vmem>>
      %dma_start3A_388 = tpu.memref_squeeze %dma_start3A_387 : memref<1x128x64xbf16, #tpu.memory_space<vmem>> -> memref<128x64xbf16, #tpu.memory_space<vmem>>
      %dma_start3A_389 = arith.constant 0 : i32
      %dma_start3A_390 = tpu.memref_slice %arg5[%add3A_382, %dma_start3A_383, %dma_start3A_389] : memref<16x8x128xi32, #tpu.memory_space<vmem>> -> memref<1x1x128xi32, #tpu.memory_space<vmem>>
      %dma_start3A_391 = tpu.memref_squeeze %dma_start3A_390 : memref<1x1x128xi32, #tpu.memory_space<vmem>> -> memref<128xi32, #tpu.memory_space<vmem>>
      %dma_start3A_392 = arith.constant 0 : i32
      %dma_start3A_393 = arith.constant 0 : i32
      %dma_start3A_394 = tpu.memref_slice %arg3[%dma_start3A_392, %dma_start3A_393] : memref<16384x64xbf16, #tpu.memory_space<hbm>> -> memref<16384x64xbf16, #tpu.memory_space<hbm>>
      tpu.enqueue_indirect_dma source(%dma_start3A_394 : memref<16384x64xbf16, #tpu.memory_space<hbm>>) target(%dma_start3A_388 : memref<128x64xbf16, #tpu.memory_space<vmem>>) offsets(%dma_start3A_391 : memref<128xi32, #tpu.memory_space<vmem>>) semaphore(%arg11 : memref<!tpu.dma_semaphore, #tpu.memory_space<semaphore_mem>>)
      %dma_start3A_395 = arith.constant 1 : i32
      %dma_start3A_396 = arith.constant 1 : i32
      %dma_start3A_397 = arith.constant 0 : i32
      %dma_start3A_398 = arith.constant 0 : i32
      %dma_start3A_399 = tpu.memref_slice %arg7[%dma_start3A_396, %dma_start3A_397, %dma_start3A_398] : memref<8x128x64xbf16, #tpu.memory_space<vmem>> -> memref<1x128x64xbf16, #tpu.memory_space<vmem>>
      %dma_start3A_400 = tpu.memref_squeeze %dma_start3A_399 : memref<1x128x64xbf16, #tpu.memory_space<vmem>> -> memref<128x64xbf16, #tpu.memory_space<vmem>>
      %dma_start3A_401 = arith.constant 0 : i32
      %dma_start3A_402 = tpu.memref_slice %arg5[%add3A_382, %dma_start3A_395, %dma_start3A_401] : memref<16x8x128xi32, #tpu.memory_space<vmem>> -> memref<1x1x128xi32, #tpu.memory_space<vmem>>
      %dma_start3A_403 = tpu.memref_squeeze %dma_start3A_402 : memref<1x1x128xi32, #tpu.memory_space<vmem>> -> memref<128xi32, #tpu.memory_space<vmem>>
      %dma_start3A_404 = arith.constant 0 : i32
      %dma_start3A_405 = arith.constant 0 : i32
      %dma_start3A_406 = tpu.memref_slice %arg3[%dma_start3A_404, %dma_start3A_405] : memref<16384x64xbf16, #tpu.memory_space<hbm>> -> memref<16384x64xbf16, #tpu.memory_space<hbm>>
      tpu.enqueue_indirect_dma source(%dma_start3A_406 : memref<16384x64xbf16, #tpu.memory_space<hbm>>) target(%dma_start3A_400 : memref<128x64xbf16, #tpu.memory_space<vmem>>) offsets(%dma_start3A_403 : memref<128xi32, #tpu.memory_space<vmem>>) semaphore(%arg11 : memref<!tpu.dma_semaphore, #tpu.memory_space<semaphore_mem>>)
      %dma_start3A_407 = arith.constant 2 : i32
      %dma_start3A_408 = arith.constant 2 : i32
      %dma_start3A_409 = arith.constant 0 : i32
      %dma_start3A_410 = arith.constant 0 : i32
      %dma_start3A_411 = tpu.memref_slice %arg7[%dma_start3A_408, %dma_start3A_409, %dma_start3A_410] : memref<8x128x64xbf16, #tpu.memory_space<vmem>> -> memref<1x128x64xbf16, #tpu.memory_space<vmem>>
      %dma_start3A_412 = tpu.memref_squeeze %dma_start3A_411 : memref<1x128x64xbf16, #tpu.memory_space<vmem>> -> memref<128x64xbf16, #tpu.memory_space<vmem>>
      %dma_start3A_413 = arith.constant 0 : i32
      %dma_start3A_414 = tpu.memref_slice %arg5[%add3A_382, %dma_start3A_407, %dma_start3A_413] : memref<16x8x128xi32, #tpu.memory_space<vmem>> -> memref<1x1x128xi32, #tpu.memory_space<vmem>>
      %dma_start3A_415 = tpu.memref_squeeze %dma_start3A_414 : memref<1x1x128xi32, #tpu.memory_space<vmem>> -> memref<128xi32, #tpu.memory_space<vmem>>
      %dma_start3A_416 = arith.constant 0 : i32
      %dma_start3A_417 = arith.constant 0 : i32
      %dma_start3A_418 = tpu.memref_slice %arg3[%dma_start3A_416, %dma_start3A_417] : memref<16384x64xbf16, #tpu.memory_space<hbm>> -> memref<16384x64xbf16, #tpu.memory_space<hbm>>
      tpu.enqueue_indirect_dma source(%dma_start3A_418 : memref<16384x64xbf16, #tpu.memory_space<hbm>>) target(%dma_start3A_412 : memref<128x64xbf16, #tpu.memory_space<vmem>>) offsets(%dma_start3A_415 : memref<128xi32, #tpu.memory_space<vmem>>) semaphore(%arg11 : memref<!tpu.dma_semaphore, #tpu.memory_space<semaphore_mem>>)
      %dma_start3A_419 = arith.constant 3 : i32
      %dma_start3A_420 = arith.constant 3 : i32
      %dma_start3A_421 = arith.constant 0 : i32
      %dma_start3A_422 = arith.constant 0 : i32
      %dma_start3A_423 = tpu.memref_slice %arg7[%dma_start3A_420, %dma_start3A_421, %dma_start3A_422] : memref<8x128x64xbf16, #tpu.memory_space<vmem>> -> memref<1x128x64xbf16, #tpu.memory_space<vmem>>
      %dma_start3A_424 = tpu.memref_squeeze %dma_start3A_423 : memref<1x128x64xbf16, #tpu.memory_space<vmem>> -> memref<128x64xbf16, #tpu.memory_space<vmem>>
      %dma_start3A_425 = arith.constant 0 : i32
      %dma_start3A_426 = tpu.memref_slice %arg5[%add3A_382, %dma_start3A_419, %dma_start3A_425] : memref<16x8x128xi32, #tpu.memory_space<vmem>> -> memref<1x1x128xi32, #tpu.memory_space<vmem>>
      %dma_start3A_427 = tpu.memref_squeeze %dma_start3A_426 : memref<1x1x128xi32, #tpu.memory_space<vmem>> -> memref<128xi32, #tpu.memory_space<vmem>>
      %dma_start3A_428 = arith.constant 0 : i32
      %dma_start3A_429 = arith.constant 0 : i32
      %dma_start3A_430 = tpu.memref_slice %arg3[%dma_start3A_428, %dma_start3A_429] : memref<16384x64xbf16, #tpu.memory_space<hbm>> -> memref<16384x64xbf16, #tpu.memory_space<hbm>>
      tpu.enqueue_indirect_dma source(%dma_start3A_430 : memref<16384x64xbf16, #tpu.memory_space<hbm>>) target(%dma_start3A_424 : memref<128x64xbf16, #tpu.memory_space<vmem>>) offsets(%dma_start3A_427 : memref<128xi32, #tpu.memory_space<vmem>>) semaphore(%arg11 : memref<!tpu.dma_semaphore, #tpu.memory_space<semaphore_mem>>)
      %dma_start3A_431 = arith.constant 4 : i32
      %dma_start3A_432 = arith.constant 4 : i32
      %dma_start3A_433 = arith.constant 0 : i32
      %dma_start3A_434 = arith.constant 0 : i32
      %dma_start3A_435 = tpu.memref_slice %arg7[%dma_start3A_432, %dma_start3A_433, %dma_start3A_434] : memref<8x128x64xbf16, #tpu.memory_space<vmem>> -> memref<1x128x64xbf16, #tpu.memory_space<vmem>>
      %dma_start3A_436 = tpu.memref_squeeze %dma_start3A_435 : memref<1x128x64xbf16, #tpu.memory_space<vmem>> -> memref<128x64xbf16, #tpu.memory_space<vmem>>
      %dma_start3A_437 = arith.constant 0 : i32
      %dma_start3A_438 = tpu.memref_slice %arg5[%add3A_382, %dma_start3A_431, %dma_start3A_437] : memref<16x8x128xi32, #tpu.memory_space<vmem>> -> memref<1x1x128xi32, #tpu.memory_space<vmem>>
      %dma_start3A_439 = tpu.memref_squeeze %dma_start3A_438 : memref<1x1x128xi32, #tpu.memory_space<vmem>> -> memref<128xi32, #tpu.memory_space<vmem>>
      %dma_start3A_440 = arith.constant 0 : i32
      %dma_start3A_441 = arith.constant 0 : i32
      %dma_start3A_442 = tpu.memref_slice %arg3[%dma_start3A_440, %dma_start3A_441] : memref<16384x64xbf16, #tpu.memory_space<hbm>> -> memref<16384x64xbf16, #tpu.memory_space<hbm>>
      tpu.enqueue_indirect_dma source(%dma_start3A_442 : memref<16384x64xbf16, #tpu.memory_space<hbm>>) target(%dma_start3A_436 : memref<128x64xbf16, #tpu.memory_space<vmem>>) offsets(%dma_start3A_439 : memref<128xi32, #tpu.memory_space<vmem>>) semaphore(%arg11 : memref<!tpu.dma_semaphore, #tpu.memory_space<semaphore_mem>>)
      %dma_start3A_443 = arith.constant 5 : i32
      %dma_start3A_444 = arith.constant 5 : i32
      %dma_start3A_445 = arith.constant 0 : i32
      %dma_start3A_446 = arith.constant 0 : i32
      %dma_start3A_447 = tpu.memref_slice %arg7[%dma_start3A_444, %dma_start3A_445, %dma_start3A_446] : memref<8x128x64xbf16, #tpu.memory_space<vmem>> -> memref<1x128x64xbf16, #tpu.memory_space<vmem>>
      %dma_start3A_448 = tpu.memref_squeeze %dma_start3A_447 : memref<1x128x64xbf16, #tpu.memory_space<vmem>> -> memref<128x64xbf16, #tpu.memory_space<vmem>>
      %dma_start3A_449 = arith.constant 0 : i32
      %dma_start3A_450 = tpu.memref_slice %arg5[%add3A_382, %dma_start3A_443, %dma_start3A_449] : memref<16x8x128xi32, #tpu.memory_space<vmem>> -> memref<1x1x128xi32, #tpu.memory_space<vmem>>
      %dma_start3A_451 = tpu.memref_squeeze %dma_start3A_450 : memref<1x1x128xi32, #tpu.memory_space<vmem>> -> memref<128xi32, #tpu.memory_space<vmem>>
      %dma_start3A_452 = arith.constant 0 : i32
      %dma_start3A_453 = arith.constant 0 : i32
      %dma_start3A_454 = tpu.memref_slice %arg3[%dma_start3A_452, %dma_start3A_453] : memref<16384x64xbf16, #tpu.memory_space<hbm>> -> memref<16384x64xbf16, #tpu.memory_space<hbm>>
      tpu.enqueue_indirect_dma source(%dma_start3A_454 : memref<16384x64xbf16, #tpu.memory_space<hbm>>) target(%dma_start3A_448 : memref<128x64xbf16, #tpu.memory_space<vmem>>) offsets(%dma_start3A_451 : memref<128xi32, #tpu.memory_space<vmem>>) semaphore(%arg11 : memref<!tpu.dma_semaphore, #tpu.memory_space<semaphore_mem>>)
      %dma_start3A_455 = arith.constant 6 : i32
      %dma_start3A_456 = arith.constant 6 : i32
      %dma_start3A_457 = arith.constant 0 : i32
      %dma_start3A_458 = arith.constant 0 : i32
      %dma_start3A_459 = tpu.memref_slice %arg7[%dma_start3A_456, %dma_start3A_457, %dma_start3A_458] : memref<8x128x64xbf16, #tpu.memory_space<vmem>> -> memref<1x128x64xbf16, #tpu.memory_space<vmem>>
      %dma_start3A_460 = tpu.memref_squeeze %dma_start3A_459 : memref<1x128x64xbf16, #tpu.memory_space<vmem>> -> memref<128x64xbf16, #tpu.memory_space<vmem>>
      %dma_start3A_461 = arith.constant 0 : i32
      %dma_start3A_462 = tpu.memref_slice %arg5[%add3A_382, %dma_start3A_455, %dma_start3A_461] : memref<16x8x128xi32, #tpu.memory_space<vmem>> -> memref<1x1x128xi32, #tpu.memory_space<vmem>>
      %dma_start3A_463 = tpu.memref_squeeze %dma_start3A_462 : memref<1x1x128xi32, #tpu.memory_space<vmem>> -> memref<128xi32, #tpu.memory_space<vmem>>
      %dma_start3A_464 = arith.constant 0 : i32
      %dma_start3A_465 = arith.constant 0 : i32
      %dma_start3A_466 = tpu.memref_slice %arg3[%dma_start3A_464, %dma_start3A_465] : memref<16384x64xbf16, #tpu.memory_space<hbm>> -> memref<16384x64xbf16, #tpu.memory_space<hbm>>
      tpu.enqueue_indirect_dma source(%dma_start3A_466 : memref<16384x64xbf16, #tpu.memory_space<hbm>>) target(%dma_start3A_460 : memref<128x64xbf16, #tpu.memory_space<vmem>>) offsets(%dma_start3A_463 : memref<128xi32, #tpu.memory_space<vmem>>) semaphore(%arg11 : memref<!tpu.dma_semaphore, #tpu.memory_space<semaphore_mem>>)
      %dma_start3A_467 = arith.constant 7 : i32
      %dma_start3A_468 = arith.constant 7 : i32
      %dma_start3A_469 = arith.constant 0 : i32
      %dma_start3A_470 = arith.constant 0 : i32
      %dma_start3A_471 = tpu.memref_slice %arg7[%dma_start3A_468, %dma_start3A_469, %dma_start3A_470] : memref<8x128x64xbf16, #tpu.memory_space<vmem>> -> memref<1x128x64xbf16, #tpu.memory_space<vmem>>
      %dma_start3A_472 = tpu.memref_squeeze %dma_start3A_471 : memref<1x128x64xbf16, #tpu.memory_space<vmem>> -> memref<128x64xbf16, #tpu.memory_space<vmem>>
      %dma_start3A_473 = arith.constant 0 : i32
      %dma_start3A_474 = tpu.memref_slice %arg5[%add3A_382, %dma_start3A_467, %dma_start3A_473] : memref<16x8x128xi32, #tpu.memory_space<vmem>> -> memref<1x1x128xi32, #tpu.memory_space<vmem>>
      %dma_start3A_475 = tpu.memref_squeeze %dma_start3A_474 : memref<1x1x128xi32, #tpu.memory_space<vmem>> -> memref<128xi32, #tpu.memory_space<vmem>>
      %dma_start3A_476 = arith.constant 0 : i32
      %dma_start3A_477 = arith.constant 0 : i32
      %dma_start3A_478 = tpu.memref_slice %arg3[%dma_start3A_476, %dma_start3A_477] : memref<16384x64xbf16, #tpu.memory_space<hbm>> -> memref<16384x64xbf16, #tpu.memory_space<hbm>>
      tpu.enqueue_indirect_dma source(%dma_start3A_478 : memref<16384x64xbf16, #tpu.memory_space<hbm>>) target(%dma_start3A_472 : memref<128x64xbf16, #tpu.memory_space<vmem>>) offsets(%dma_start3A_475 : memref<128xi32, #tpu.memory_space<vmem>>) semaphore(%arg11 : memref<!tpu.dma_semaphore, #tpu.memory_space<semaphore_mem>>)
      %dma_wait3A_479 = arith.constant 0 : i32
      %dma_wait3A_480 = arith.constant 0 : i32
      %dma_wait3A_481 = arith.constant 0 : i32
      %dma_wait3A_482 = arith.constant 0 : i32
      %dma_wait3A_483 = tpu.memref_slice %arg6[%dma_wait3A_480, %dma_wait3A_481, %dma_wait3A_482] : memref<8x128x64xbf16, #tpu.memory_space<vmem>> -> memref<1x128x64xbf16, #tpu.memory_space<vmem>>
      %dma_wait3A_484 = tpu.memref_squeeze %dma_wait3A_483 : memref<1x128x64xbf16, #tpu.memory_space<vmem>> -> memref<128x64xbf16, #tpu.memory_space<vmem>>
      %dma_wait3A_485 = arith.constant 0 : i32
      %dma_wait3A_486 = tpu.memref_slice %arg5[%mul3A_380, %dma_wait3A_479, %dma_wait3A_485] : memref<16x8x128xi32, #tpu.memory_space<vmem>> -> memref<1x1x128xi32, #tpu.memory_space<vmem>>
      %dma_wait3A_487 = tpu.memref_squeeze %dma_wait3A_486 : memref<1x1x128xi32, #tpu.memory_space<vmem>> -> memref<128xi32, #tpu.memory_space<vmem>>
      %dma_wait3A_488 = arith.constant 0 : i32
      %dma_wait3A_489 = arith.constant 0 : i32
      %dma_wait3A_490 = tpu.memref_slice %arg3[%dma_wait3A_488, %dma_wait3A_489] : memref<16384x64xbf16, #tpu.memory_space<hbm>> -> memref<16384x64xbf16, #tpu.memory_space<hbm>>
      tpu.wait_indirect_dma semaphore(%arg10 : memref<!tpu.dma_semaphore, #tpu.memory_space<semaphore_mem>>) src(%dma_wait3A_490 : memref<16384x64xbf16, #tpu.memory_space<hbm>>) dst(%dma_wait3A_484 : memref<128x64xbf16, #tpu.memory_space<vmem>>)
      %dma_wait3A_491 = arith.constant 1 : i32
      %dma_wait3A_492 = arith.constant 1 : i32
      %dma_wait3A_493 = arith.constant 0 : i32
      %dma_wait3A_494 = arith.constant 0 : i32
      %dma_wait3A_495 = tpu.memref_slice %arg6[%dma_wait3A_492, %dma_wait3A_493, %dma_wait3A_494] : memref<8x128x64xbf16, #tpu.memory_space<vmem>> -> memref<1x128x64xbf16, #tpu.memory_space<vmem>>
      %dma_wait3A_496 = tpu.memref_squeeze %dma_wait3A_495 : memref<1x128x64xbf16, #tpu.memory_space<vmem>> -> memref<128x64xbf16, #tpu.memory_space<vmem>>
      %dma_wait3A_497 = arith.constant 0 : i32
      %dma_wait3A_498 = tpu.memref_slice %arg5[%mul3A_380, %dma_wait3A_491, %dma_wait3A_497] : memref<16x8x128xi32, #tpu.memory_space<vmem>> -> memref<1x1x128xi32, #tpu.memory_space<vmem>>
      %dma_wait3A_499 = tpu.memref_squeeze %dma_wait3A_498 : memref<1x1x128xi32, #tpu.memory_space<vmem>> -> memref<128xi32, #tpu.memory_space<vmem>>
      %dma_wait3A_500 = arith.constant 0 : i32
      %dma_wait3A_501 = arith.constant 0 : i32
      %dma_wait3A_502 = tpu.memref_slice %arg3[%dma_wait3A_500, %dma_wait3A_501] : memref<16384x64xbf16, #tpu.memory_space<hbm>> -> memref<16384x64xbf16, #tpu.memory_space<hbm>>
      tpu.wait_indirect_dma semaphore(%arg10 : memref<!tpu.dma_semaphore, #tpu.memory_space<semaphore_mem>>) src(%dma_wait3A_502 : memref<16384x64xbf16, #tpu.memory_space<hbm>>) dst(%dma_wait3A_496 : memref<128x64xbf16, #tpu.memory_space<vmem>>)
      %dma_wait3A_503 = arith.constant 2 : i32
      %dma_wait3A_504 = arith.constant 2 : i32
      %dma_wait3A_505 = arith.constant 0 : i32
      %dma_wait3A_506 = arith.constant 0 : i32
      %dma_wait3A_507 = tpu.memref_slice %arg6[%dma_wait3A_504, %dma_wait3A_505, %dma_wait3A_506] : memref<8x128x64xbf16, #tpu.memory_space<vmem>> -> memref<1x128x64xbf16, #tpu.memory_space<vmem>>
      %dma_wait3A_508 = tpu.memref_squeeze %dma_wait3A_507 : memref<1x128x64xbf16, #tpu.memory_space<vmem>> -> memref<128x64xbf16, #tpu.memory_space<vmem>>
      %dma_wait3A_509 = arith.constant 0 : i32
      %dma_wait3A_510 = tpu.memref_slice %arg5[%mul3A_380, %dma_wait3A_503, %dma_wait3A_509] : memref<16x8x128xi32, #tpu.memory_space<vmem>> -> memref<1x1x128xi32, #tpu.memory_space<vmem>>
      %dma_wait3A_511 = tpu.memref_squeeze %dma_wait3A_510 : memref<1x1x128xi32, #tpu.memory_space<vmem>> -> memref<128xi32, #tpu.memory_space<vmem>>
      %dma_wait3A_512 = arith.constant 0 : i32
      %dma_wait3A_513 = arith.constant 0 : i32
      %dma_wait3A_514 = tpu.memref_slice %arg3[%dma_wait3A_512, %dma_wait3A_513] : memref<16384x64xbf16, #tpu.memory_space<hbm>> -> memref<16384x64xbf16, #tpu.memory_space<hbm>>
      tpu.wait_indirect_dma semaphore(%arg10 : memref<!tpu.dma_semaphore, #tpu.memory_space<semaphore_mem>>) src(%dma_wait3A_514 : memref<16384x64xbf16, #tpu.memory_space<hbm>>) dst(%dma_wait3A_508 : memref<128x64xbf16, #tpu.memory_space<vmem>>)
      %dma_wait3A_515 = arith.constant 3 : i32
      %dma_wait3A_516 = arith.constant 3 : i32
      %dma_wait3A_517 = arith.constant 0 : i32
      %dma_wait3A_518 = arith.constant 0 : i32
      %dma_wait3A_519 = tpu.memref_slice %arg6[%dma_wait3A_516, %dma_wait3A_517, %dma_wait3A_518] : memref<8x128x64xbf16, #tpu.memory_space<vmem>> -> memref<1x128x64xbf16, #tpu.memory_space<vmem>>
      %dma_wait3A_520 = tpu.memref_squeeze %dma_wait3A_519 : memref<1x128x64xbf16, #tpu.memory_space<vmem>> -> memref<128x64xbf16, #tpu.memory_space<vmem>>
      %dma_wait3A_521 = arith.constant 0 : i32
      %dma_wait3A_522 = tpu.memref_slice %arg5[%mul3A_380, %dma_wait3A_515, %dma_wait3A_521] : memref<16x8x128xi32, #tpu.memory_space<vmem>> -> memref<1x1x128xi32, #tpu.memory_space<vmem>>
      %dma_wait3A_523 = tpu.memref_squeeze %dma_wait3A_522 : memref<1x1x128xi32, #tpu.memory_space<vmem>> -> memref<128xi32, #tpu.memory_space<vmem>>
      %dma_wait3A_524 = arith.constant 0 : i32
      %dma_wait3A_525 = arith.constant 0 : i32
      %dma_wait3A_526 = tpu.memref_slice %arg3[%dma_wait3A_524, %dma_wait3A_525] : memref<16384x64xbf16, #tpu.memory_space<hbm>> -> memref<16384x64xbf16, #tpu.memory_space<hbm>>
      tpu.wait_indirect_dma semaphore(%arg10 : memref<!tpu.dma_semaphore, #tpu.memory_space<semaphore_mem>>) src(%dma_wait3A_526 : memref<16384x64xbf16, #tpu.memory_space<hbm>>) dst(%dma_wait3A_520 : memref<128x64xbf16, #tpu.memory_space<vmem>>)
      %dma_wait3A_527 = arith.constant 4 : i32
      %dma_wait3A_528 = arith.constant 4 : i32
      %dma_wait3A_529 = arith.constant 0 : i32
      %dma_wait3A_530 = arith.constant 0 : i32
      %dma_wait3A_531 = tpu.memref_slice %arg6[%dma_wait3A_528, %dma_wait3A_529, %dma_wait3A_530] : memref<8x128x64xbf16, #tpu.memory_space<vmem>> -> memref<1x128x64xbf16, #tpu.memory_space<vmem>>
      %dma_wait3A_532 = tpu.memref_squeeze %dma_wait3A_531 : memref<1x128x64xbf16, #tpu.memory_space<vmem>> -> memref<128x64xbf16, #tpu.memory_space<vmem>>
      %dma_wait3A_533 = arith.constant 0 : i32
      %dma_wait3A_534 = tpu.memref_slice %arg5[%mul3A_380, %dma_wait3A_527, %dma_wait3A_533] : memref<16x8x128xi32, #tpu.memory_space<vmem>> -> memref<1x1x128xi32, #tpu.memory_space<vmem>>
      %dma_wait3A_535 = tpu.memref_squeeze %dma_wait3A_534 : memref<1x1x128xi32, #tpu.memory_space<vmem>> -> memref<128xi32, #tpu.memory_space<vmem>>
      %dma_wait3A_536 = arith.constant 0 : i32
      %dma_wait3A_537 = arith.constant 0 : i32
      %dma_wait3A_538 = tpu.memref_slice %arg3[%dma_wait3A_536, %dma_wait3A_537] : memref<16384x64xbf16, #tpu.memory_space<hbm>> -> memref<16384x64xbf16, #tpu.memory_space<hbm>>
      tpu.wait_indirect_dma semaphore(%arg10 : memref<!tpu.dma_semaphore, #tpu.memory_space<semaphore_mem>>) src(%dma_wait3A_538 : memref<16384x64xbf16, #tpu.memory_space<hbm>>) dst(%dma_wait3A_532 : memref<128x64xbf16, #tpu.memory_space<vmem>>)
      %dma_wait3A_539 = arith.constant 5 : i32
      %dma_wait3A_540 = arith.constant 5 : i32
      %dma_wait3A_541 = arith.constant 0 : i32
      %dma_wait3A_542 = arith.constant 0 : i32
      %dma_wait3A_543 = tpu.memref_slice %arg6[%dma_wait3A_540, %dma_wait3A_541, %dma_wait3A_542] : memref<8x128x64xbf16, #tpu.memory_space<vmem>> -> memref<1x128x64xbf16, #tpu.memory_space<vmem>>
      %dma_wait3A_544 = tpu.memref_squeeze %dma_wait3A_543 : memref<1x128x64xbf16, #tpu.memory_space<vmem>> -> memref<128x64xbf16, #tpu.memory_space<vmem>>
      %dma_wait3A_545 = arith.constant 0 : i32
      %dma_wait3A_546 = tpu.memref_slice %arg5[%mul3A_380, %dma_wait3A_539, %dma_wait3A_545] : memref<16x8x128xi32, #tpu.memory_space<vmem>> -> memref<1x1x128xi32, #tpu.memory_space<vmem>>
      %dma_wait3A_547 = tpu.memref_squeeze %dma_wait3A_546 : memref<1x1x128xi32, #tpu.memory_space<vmem>> -> memref<128xi32, #tpu.memory_space<vmem>>
      %dma_wait3A_548 = arith.constant 0 : i32
      %dma_wait3A_549 = arith.constant 0 : i32
      %dma_wait3A_550 = tpu.memref_slice %arg3[%dma_wait3A_548, %dma_wait3A_549] : memref<16384x64xbf16, #tpu.memory_space<hbm>> -> memref<16384x64xbf16, #tpu.memory_space<hbm>>
      tpu.wait_indirect_dma semaphore(%arg10 : memref<!tpu.dma_semaphore, #tpu.memory_space<semaphore_mem>>) src(%dma_wait3A_550 : memref<16384x64xbf16, #tpu.memory_space<hbm>>) dst(%dma_wait3A_544 : memref<128x64xbf16, #tpu.memory_space<vmem>>)
      %dma_wait3A_551 = arith.constant 6 : i32
      %dma_wait3A_552 = arith.constant 6 : i32
      %dma_wait3A_553 = arith.constant 0 : i32
      %dma_wait3A_554 = arith.constant 0 : i32
      %dma_wait3A_555 = tpu.memref_slice %arg6[%dma_wait3A_552, %dma_wait3A_553, %dma_wait3A_554] : memref<8x128x64xbf16, #tpu.memory_space<vmem>> -> memref<1x128x64xbf16, #tpu.memory_space<vmem>>
      %dma_wait3A_556 = tpu.memref_squeeze %dma_wait3A_555 : memref<1x128x64xbf16, #tpu.memory_space<vmem>> -> memref<128x64xbf16, #tpu.memory_space<vmem>>
      %dma_wait3A_557 = arith.constant 0 : i32
      %dma_wait3A_558 = tpu.memref_slice %arg5[%mul3A_380, %dma_wait3A_551, %dma_wait3A_557] : memref<16x8x128xi32, #tpu.memory_space<vmem>> -> memref<1x1x128xi32, #tpu.memory_space<vmem>>
      %dma_wait3A_559 = tpu.memref_squeeze %dma_wait3A_558 : memref<1x1x128xi32, #tpu.memory_space<vmem>> -> memref<128xi32, #tpu.memory_space<vmem>>
      %dma_wait3A_560 = arith.constant 0 : i32
      %dma_wait3A_561 = arith.constant 0 : i32
      %dma_wait3A_562 = tpu.memref_slice %arg3[%dma_wait3A_560, %dma_wait3A_561] : memref<16384x64xbf16, #tpu.memory_space<hbm>> -> memref<16384x64xbf16, #tpu.memory_space<hbm>>
      tpu.wait_indirect_dma semaphore(%arg10 : memref<!tpu.dma_semaphore, #tpu.memory_space<semaphore_mem>>) src(%dma_wait3A_562 : memref<16384x64xbf16, #tpu.memory_space<hbm>>) dst(%dma_wait3A_556 : memref<128x64xbf16, #tpu.memory_space<vmem>>)
      %dma_wait3A_563 = arith.constant 7 : i32
      %dma_wait3A_564 = arith.constant 7 : i32
      %dma_wait3A_565 = arith.constant 0 : i32
      %dma_wait3A_566 = arith.constant 0 : i32
      %dma_wait3A_567 = tpu.memref_slice %arg6[%dma_wait3A_564, %dma_wait3A_565, %dma_wait3A_566] : memref<8x128x64xbf16, #tpu.memory_space<vmem>> -> memref<1x128x64xbf16, #tpu.memory_space<vmem>>
      %dma_wait3A_568 = tpu.memref_squeeze %dma_wait3A_567 : memref<1x128x64xbf16, #tpu.memory_space<vmem>> -> memref<128x64xbf16, #tpu.memory_space<vmem>>
      %dma_wait3A_569 = arith.constant 0 : i32
      %dma_wait3A_570 = tpu.memref_slice %arg5[%mul3A_380, %dma_wait3A_563, %dma_wait3A_569] : memref<16x8x128xi32, #tpu.memory_space<vmem>> -> memref<1x1x128xi32, #tpu.memory_space<vmem>>
      %dma_wait3A_571 = tpu.memref_squeeze %dma_wait3A_570 : memref<1x1x128xi32, #tpu.memory_space<vmem>> -> memref<128xi32, #tpu.memory_space<vmem>>
      %dma_wait3A_572 = arith.constant 0 : i32
      %dma_wait3A_573 = arith.constant 0 : i32
      %dma_wait3A_574 = tpu.memref_slice %arg3[%dma_wait3A_572, %dma_wait3A_573] : memref<16384x64xbf16, #tpu.memory_space<hbm>> -> memref<16384x64xbf16, #tpu.memory_space<hbm>>
      tpu.wait_indirect_dma semaphore(%arg10 : memref<!tpu.dma_semaphore, #tpu.memory_space<semaphore_mem>>) src(%dma_wait3A_574 : memref<16384x64xbf16, #tpu.memory_space<hbm>>) dst(%dma_wait3A_568 : memref<128x64xbf16, #tpu.memory_space<vmem>>)
      %gt3A = arith.constant 0 : i32
      %gt3A_575 = arith.cmpi sgt, %scan3A_378, %gt3A : i32
      %convert_element_type3A = arith.extui %gt3A_575 : i1 to i32
      %cond3A = arith.constant 0 : i32
      %cond3A_576 = arith.cmpi ne, %convert_element_type3A, %cond3A : i32
      scf.if %cond3A_576 {
        %sub3A_739 = arith.constant 2 : i32
        %sub3A_740 = arith.subi %mul3A_380, %sub3A_739 : i32
        %add3A_741 = arith.addi %mul3A_50, %sub3A_740 : i32
        %dma_wait3A_742 = arith.constant 0 : i32
        %dma_wait3A_743 = arith.constant 0 : i32
        %dma_wait3A_744 = arith.constant 0 : i32
        %dma_wait3A_745 = tpu.memref_slice %arg8[%dma_wait3A_742, %dma_wait3A_743, %dma_wait3A_744] : memref<8x8x129xf32, #tpu.memory_space<vmem>> -> memref<8x8x128xf32, #tpu.memory_space<vmem>>
        %dma_wait3A_746 = arith.constant 0 : i32
        %dma_wait3A_747 = arith.constant 0 : i32
        %dma_wait3A_748 = arith.constant 0 : i32
        %dma_wait3A_749 = tpu.memref_slice %arg4[%select_n3A, %dma_wait3A_746, %add3A_741, %dma_wait3A_747, %dma_wait3A_748] : memref<16x8x32x8x128xf32, #tpu.memory_space<hbm>> -> memref<1x8x1x8x128xf32, #tpu.memory_space<hbm>>
        %dma_wait3A_750 = tpu.memref_squeeze %dma_wait3A_749 : memref<1x8x1x8x128xf32, #tpu.memory_space<hbm>> -> memref<8x8x128xf32, #tpu.memory_space<hbm>>
        %dma_wait3A_751 = arith.constant 0 : i32
        %dma_wait3A_752 = arith.constant 0 : i32
        %dma_wait3A_753 = arith.constant 0 : i32
        %dma_wait3A_754 = tpu.memref_slice %arg4[%select_n3A, %dma_wait3A_751, %add3A_741, %dma_wait3A_752, %dma_wait3A_753] : memref<16x8x32x8x128xf32, #tpu.memory_space<hbm>> -> memref<1x8x1x8x128xf32, #tpu.memory_space<hbm>>
        %dma_wait3A_755 = tpu.memref_squeeze %dma_wait3A_754 : memref<1x8x1x8x128xf32, #tpu.memory_space<hbm>> -> memref<8x8x128xf32, #tpu.memory_space<hbm>>
        %dma_wait3A_756 = arith.constant 0 : i32
        %dma_wait3A_757 = arith.constant 0 : i32
        %dma_wait3A_758 = arith.constant 0 : i32
        %dma_wait3A_759 = tpu.memref_slice %arg8[%dma_wait3A_756, %dma_wait3A_757, %dma_wait3A_758] : memref<8x8x129xf32, #tpu.memory_space<vmem>> -> memref<8x8x128xf32, #tpu.memory_space<vmem>>
        tpu.wait_dma2 semaphore(%arg12 : memref<!tpu.dma_semaphore, #tpu.memory_space<semaphore_mem>>) src(%dma_wait3A_759 : memref<8x8x128xf32, #tpu.memory_space<vmem>>) dst(%dma_wait3A_755 : memref<8x8x128xf32, #tpu.memory_space<hbm>>)
      } else {
      }
      %scan3A_577 = arith.constant 0 : i32
      %scan3A_578 = arith.constant 0 : i32
      %scan3A_579 = arith.constant 128 : i32
      %scan3A_580 = arith.addi %scan3A_578, %scan3A_579 : i32
      %scan3A_581 = arith.constant 2 : i32
      scf.for %scan3A_739 = %scan3A_578 to %scan3A_580 step %scan3A_581  : i32 {
        %get3A = arith.constant 0 : i32
        %get3A_740 = arith.index_cast %get3A : i32 to index
        %get3A_741 = arith.index_cast %scan3A_739 : i32 to index
        %get3A_742 = arith.constant 0 : index
        %get3A_743 = tpu.vector_load %arg6[%get3A_740, %get3A_741, %get3A_742] {strides = array<i32>} : memref<8x128x64xbf16, #tpu.memory_space<vmem>>, vector<32xbf16>,
        %bitcast3A = vector.bitcast %get3A_743 : vector<32xbf16> to vector<16xi32>
        %shift_left3A = arith.constant 16 : i32
        %shift_left3A_744 = vector.broadcast %shift_left3A : i32 to vector<16xi32>
        %shift_left3A_745 = arith.shli %bitcast3A, %shift_left3A_744 : vector<16xi32>
        %bitcast3A_746 = vector.bitcast %shift_left3A_745 : vector<16xi32> to vector<16xf32>
        %and3A_747 = arith.constant -65536 : i32
        %and3A_748 = vector.broadcast %and3A_747 : i32 to vector<16xi32>
        %and3A_749 = arith.andi %bitcast3A, %and3A_748 : vector<16xi32>
        %bitcast3A_750 = vector.bitcast %and3A_749 : vector<16xi32> to vector<16xf32>
        %get3A_751 = arith.constant 0 : i32
        %get3A_752 = arith.index_cast %get3A_751 : i32 to index
        %get3A_753 = arith.index_cast %scan3A_739 : i32 to index
        %get3A_754 = arith.constant 32 : index
        %get3A_755 = tpu.vector_load %arg6[%get3A_752, %get3A_753, %get3A_754] {strides = array<i32>} : memref<8x128x64xbf16, #tpu.memory_space<vmem>>, vector<32xbf16>,
        %bitcast3A_756 = vector.bitcast %get3A_755 : vector<32xbf16> to vector<16xi32>
        %shift_left3A_757 = arith.constant 16 : i32
        %shift_left3A_758 = vector.broadcast %shift_left3A_757 : i32 to vector<16xi32>
        %shift_left3A_759 = arith.shli %bitcast3A_756, %shift_left3A_758 : vector<16xi32>
        %bitcast3A_760 = vector.bitcast %shift_left3A_759 : vector<16xi32> to vector<16xf32>
        %and3A_761 = arith.constant -65536 : i32
        %and3A_762 = vector.broadcast %and3A_761 : i32 to vector<16xi32>
        %and3A_763 = arith.andi %bitcast3A_756, %and3A_762 : vector<16xi32>
        %bitcast3A_764 = vector.bitcast %and3A_763 : vector<16xi32> to vector<16xf32>
        %get3A_765 = arith.constant 1 : i32
        %get3A_766 = arith.index_cast %get3A_765 : i32 to index
        %get3A_767 = arith.index_cast %scan3A_739 : i32 to index
        %get3A_768 = arith.constant 0 : index
        %get3A_769 = tpu.vector_load %arg6[%get3A_766, %get3A_767, %get3A_768] {strides = array<i32>} : memref<8x128x64xbf16, #tpu.memory_space<vmem>>, vector<32xbf16>,
        %bitcast3A_770 = vector.bitcast %get3A_769 : vector<32xbf16> to vector<16xi32>
        %shift_left3A_771 = arith.constant 16 : i32
        %shift_left3A_772 = vector.broadcast %shift_left3A_771 : i32 to vector<16xi32>
        %shift_left3A_773 = arith.shli %bitcast3A_770, %shift_left3A_772 : vector<16xi32>
        %bitcast3A_774 = vector.bitcast %shift_left3A_773 : vector<16xi32> to vector<16xf32>
        %and3A_775 = arith.constant -65536 : i32
        %and3A_776 = vector.broadcast %and3A_775 : i32 to vector<16xi32>
        %and3A_777 = arith.andi %bitcast3A_770, %and3A_776 : vector<16xi32>
        %bitcast3A_778 = vector.bitcast %and3A_777 : vector<16xi32> to vector<16xf32>
        %add3A_779 = arith.addf %bitcast3A_746, %bitcast3A_774 : vector<16xf32>
        %add3A_780 = arith.addf %bitcast3A_750, %bitcast3A_778 : vector<16xf32>
        %get3A_781 = arith.constant 1 : i32
        %get3A_782 = arith.index_cast %get3A_781 : i32 to index
        %get3A_783 = arith.index_cast %scan3A_739 : i32 to index
        %get3A_784 = arith.constant 32 : index
        %get3A_785 = tpu.vector_load %arg6[%get3A_782, %get3A_783, %get3A_784] {strides = array<i32>} : memref<8x128x64xbf16, #tpu.memory_space<vmem>>, vector<32xbf16>,
        %bitcast3A_786 = vector.bitcast %get3A_785 : vector<32xbf16> to vector<16xi32>
        %shift_left3A_787 = arith.constant 16 : i32
        %shift_left3A_788 = vector.broadcast %shift_left3A_787 : i32 to vector<16xi32>
        %shift_left3A_789 = arith.shli %bitcast3A_786, %shift_left3A_788 : vector<16xi32>
        %bitcast3A_790 = vector.bitcast %shift_left3A_789 : vector<16xi32> to vector<16xf32>
        %and3A_791 = arith.constant -65536 : i32
        %and3A_792 = vector.broadcast %and3A_791 : i32 to vector<16xi32>
        %and3A_793 = arith.andi %bitcast3A_786, %and3A_792 : vector<16xi32>
        %bitcast3A_794 = vector.bitcast %and3A_793 : vector<16xi32> to vector<16xf32>
        %add3A_795 = arith.addf %bitcast3A_760, %bitcast3A_790 : vector<16xf32>
        %add3A_796 = arith.addf %bitcast3A_764, %bitcast3A_794 : vector<16xf32>
        %get3A_797 = arith.constant 2 : i32
        %get3A_798 = arith.index_cast %get3A_797 : i32 to index
        %get3A_799 = arith.index_cast %scan3A_739 : i32 to index
        %get3A_800 = arith.constant 0 : index
        %get3A_801 = tpu.vector_load %arg6[%get3A_798, %get3A_799, %get3A_800] {strides = array<i32>} : memref<8x128x64xbf16, #tpu.memory_space<vmem>>, vector<32xbf16>,
        %bitcast3A_802 = vector.bitcast %get3A_801 : vector<32xbf16> to vector<16xi32>
        %shift_left3A_803 = arith.constant 16 : i32
        %shift_left3A_804 = vector.broadcast %shift_left3A_803 : i32 to vector<16xi32>
        %shift_left3A_805 = arith.shli %bitcast3A_802, %shift_left3A_804 : vector<16xi32>
        %bitcast3A_806 = vector.bitcast %shift_left3A_805 : vector<16xi32> to vector<16xf32>
        %and3A_807 = arith.constant -65536 : i32
        %and3A_808 = vector.broadcast %and3A_807 : i32 to vector<16xi32>
        %and3A_809 = arith.andi %bitcast3A_802, %and3A_808 : vector<16xi32>
        %bitcast3A_810 = vector.bitcast %and3A_809 : vector<16xi32> to vector<16xf32>
        %add3A_811 = arith.addf %add3A_779, %bitcast3A_806 : vector<16xf32>
        %add3A_812 = arith.addf %add3A_780, %bitcast3A_810 : vector<16xf32>
        %get3A_813 = arith.constant 2 : i32
        %get3A_814 = arith.index_cast %get3A_813 : i32 to index
        %get3A_815 = arith.index_cast %scan3A_739 : i32 to index
        %get3A_816 = arith.constant 32 : index
        %get3A_817 = tpu.vector_load %arg6[%get3A_814, %get3A_815, %get3A_816] {strides = array<i32>} : memref<8x128x64xbf16, #tpu.memory_space<vmem>>, vector<32xbf16>,
        %bitcast3A_818 = vector.bitcast %get3A_817 : vector<32xbf16> to vector<16xi32>
        %shift_left3A_819 = arith.constant 16 : i32
        %shift_left3A_820 = vector.broadcast %shift_left3A_819 : i32 to vector<16xi32>
        %shift_left3A_821 = arith.shli %bitcast3A_818, %shift_left3A_820 : vector<16xi32>
        %bitcast3A_822 = vector.bitcast %shift_left3A_821 : vector<16xi32> to vector<16xf32>
        %and3A_823 = arith.constant -65536 : i32
        %and3A_824 = vector.broadcast %and3A_823 : i32 to vector<16xi32>
        %and3A_825 = arith.andi %bitcast3A_818, %and3A_824 : vector<16xi32>
        %bitcast3A_826 = vector.bitcast %and3A_825 : vector<16xi32> to vector<16xf32>
        %add3A_827 = arith.addf %add3A_795, %bitcast3A_822 : vector<16xf32>
        %add3A_828 = arith.addf %add3A_796, %bitcast3A_826 : vector<16xf32>
        %get3A_829 = arith.constant 3 : i32
        %get3A_830 = arith.index_cast %get3A_829 : i32 to index
        %get3A_831 = arith.index_cast %scan3A_739 : i32 to index
        %get3A_832 = arith.constant 0 : index
        %get3A_833 = tpu.vector_load %arg6[%get3A_830, %get3A_831, %get3A_832] {strides = array<i32>} : memref<8x128x64xbf16, #tpu.memory_space<vmem>>, vector<32xbf16>,
        %bitcast3A_834 = vector.bitcast %get3A_833 : vector<32xbf16> to vector<16xi32>
        %shift_left3A_835 = arith.constant 16 : i32
        %shift_left3A_836 = vector.broadcast %shift_left3A_835 : i32 to vector<16xi32>
        %shift_left3A_837 = arith.shli %bitcast3A_834, %shift_left3A_836 : vector<16xi32>
        %bitcast3A_838 = vector.bitcast %shift_left3A_837 : vector<16xi32> to vector<16xf32>
        %and3A_839 = arith.constant -65536 : i32
        %and3A_840 = vector.broadcast %and3A_839 : i32 to vector<16xi32>
        %and3A_841 = arith.andi %bitcast3A_834, %and3A_840 : vector<16xi32>
        %bitcast3A_842 = vector.bitcast %and3A_841 : vector<16xi32> to vector<16xf32>
        %add3A_843 = arith.addf %add3A_811, %bitcast3A_838 : vector<16xf32>
        %add3A_844 = arith.addf %add3A_812, %bitcast3A_842 : vector<16xf32>
        %get3A_845 = arith.constant 3 : i32
        %get3A_846 = arith.index_cast %get3A_845 : i32 to index
        %get3A_847 = arith.index_cast %scan3A_739 : i32 to index
        %get3A_848 = arith.constant 32 : index
        %get3A_849 = tpu.vector_load %arg6[%get3A_846, %get3A_847, %get3A_848] {strides = array<i32>} : memref<8x128x64xbf16, #tpu.memory_space<vmem>>, vector<32xbf16>,
        %bitcast3A_850 = vector.bitcast %get3A_849 : vector<32xbf16> to vector<16xi32>
        %shift_left3A_851 = arith.constant 16 : i32
        %shift_left3A_852 = vector.broadcast %shift_left3A_851 : i32 to vector<16xi32>
        %shift_left3A_853 = arith.shli %bitcast3A_850, %shift_left3A_852 : vector<16xi32>
        %bitcast3A_854 = vector.bitcast %shift_left3A_853 : vector<16xi32> to vector<16xf32>
        %and3A_855 = arith.constant -65536 : i32
        %and3A_856 = vector.broadcast %and3A_855 : i32 to vector<16xi32>
        %and3A_857 = arith.andi %bitcast3A_850, %and3A_856 : vector<16xi32>
        %bitcast3A_858 = vector.bitcast %and3A_857 : vector<16xi32> to vector<16xf32>
        %add3A_859 = arith.addf %add3A_827, %bitcast3A_854 : vector<16xf32>
        %add3A_860 = arith.addf %add3A_828, %bitcast3A_858 : vector<16xf32>
        %get3A_861 = arith.constant 4 : i32
        %get3A_862 = arith.index_cast %get3A_861 : i32 to index
        %get3A_863 = arith.index_cast %scan3A_739 : i32 to index
        %get3A_864 = arith.constant 0 : index
        %get3A_865 = tpu.vector_load %arg6[%get3A_862, %get3A_863, %get3A_864] {strides = array<i32>} : memref<8x128x64xbf16, #tpu.memory_space<vmem>>, vector<32xbf16>,
        %bitcast3A_866 = vector.bitcast %get3A_865 : vector<32xbf16> to vector<16xi32>
        %shift_left3A_867 = arith.constant 16 : i32
        %shift_left3A_868 = vector.broadcast %shift_left3A_867 : i32 to vector<16xi32>
        %shift_left3A_869 = arith.shli %bitcast3A_866, %shift_left3A_868 : vector<16xi32>
        %bitcast3A_870 = vector.bitcast %shift_left3A_869 : vector<16xi32> to vector<16xf32>
        %and3A_871 = arith.constant -65536 : i32
        %and3A_872 = vector.broadcast %and3A_871 : i32 to vector<16xi32>
        %and3A_873 = arith.andi %bitcast3A_866, %and3A_872 : vector<16xi32>
        %bitcast3A_874 = vector.bitcast %and3A_873 : vector<16xi32> to vector<16xf32>
        %add3A_875 = arith.addf %add3A_843, %bitcast3A_870 : vector<16xf32>
        %add3A_876 = arith.addf %add3A_844, %bitcast3A_874 : vector<16xf32>
        %get3A_877 = arith.constant 4 : i32
        %get3A_878 = arith.index_cast %get3A_877 : i32 to index
        %get3A_879 = arith.index_cast %scan3A_739 : i32 to index
        %get3A_880 = arith.constant 32 : index
        %get3A_881 = tpu.vector_load %arg6[%get3A_878, %get3A_879, %get3A_880] {strides = array<i32>} : memref<8x128x64xbf16, #tpu.memory_space<vmem>>, vector<32xbf16>,
        %bitcast3A_882 = vector.bitcast %get3A_881 : vector<32xbf16> to vector<16xi32>
        %shift_left3A_883 = arith.constant 16 : i32
        %shift_left3A_884 = vector.broadcast %shift_left3A_883 : i32 to vector<16xi32>
        %shift_left3A_885 = arith.shli %bitcast3A_882, %shift_left3A_884 : vector<16xi32>
        %bitcast3A_886 = vector.bitcast %shift_left3A_885 : vector<16xi32> to vector<16xf32>
        %and3A_887 = arith.constant -65536 : i32
        %and3A_888 = vector.broadcast %and3A_887 : i32 to vector<16xi32>
        %and3A_889 = arith.andi %bitcast3A_882, %and3A_888 : vector<16xi32>
        %bitcast3A_890 = vector.bitcast %and3A_889 : vector<16xi32> to vector<16xf32>
        %add3A_891 = arith.addf %add3A_859, %bitcast3A_886 : vector<16xf32>
        %add3A_892 = arith.addf %add3A_860, %bitcast3A_890 : vector<16xf32>
        %get3A_893 = arith.constant 5 : i32
        %get3A_894 = arith.index_cast %get3A_893 : i32 to index
        %get3A_895 = arith.index_cast %scan3A_739 : i32 to index
        %get3A_896 = arith.constant 0 : index
        %get3A_897 = tpu.vector_load %arg6[%get3A_894, %get3A_895, %get3A_896] {strides = array<i32>} : memref<8x128x64xbf16, #tpu.memory_space<vmem>>, vector<32xbf16>,
        %bitcast3A_898 = vector.bitcast %get3A_897 : vector<32xbf16> to vector<16xi32>
        %shift_left3A_899 = arith.constant 16 : i32
        %shift_left3A_900 = vector.broadcast %shift_left3A_899 : i32 to vector<16xi32>
        %shift_left3A_901 = arith.shli %bitcast3A_898, %shift_left3A_900 : vector<16xi32>
        %bitcast3A_902 = vector.bitcast %shift_left3A_901 : vector<16xi32> to vector<16xf32>
        %and3A_903 = arith.constant -65536 : i32
        %and3A_904 = vector.broadcast %and3A_903 : i32 to vector<16xi32>
        %and3A_905 = arith.andi %bitcast3A_898, %and3A_904 : vector<16xi32>
        %bitcast3A_906 = vector.bitcast %and3A_905 : vector<16xi32> to vector<16xf32>
        %add3A_907 = arith.addf %add3A_875, %bitcast3A_902 : vector<16xf32>
        %add3A_908 = arith.addf %add3A_876, %bitcast3A_906 : vector<16xf32>
        %get3A_909 = arith.constant 5 : i32
        %get3A_910 = arith.index_cast %get3A_909 : i32 to index
        %get3A_911 = arith.index_cast %scan3A_739 : i32 to index
        %get3A_912 = arith.constant 32 : index
        %get3A_913 = tpu.vector_load %arg6[%get3A_910, %get3A_911, %get3A_912] {strides = array<i32>} : memref<8x128x64xbf16, #tpu.memory_space<vmem>>, vector<32xbf16>,
        %bitcast3A_914 = vector.bitcast %get3A_913 : vector<32xbf16> to vector<16xi32>
        %shift_left3A_915 = arith.constant 16 : i32
        %shift_left3A_916 = vector.broadcast %shift_left3A_915 : i32 to vector<16xi32>
        %shift_left3A_917 = arith.shli %bitcast3A_914, %shift_left3A_916 : vector<16xi32>
        %bitcast3A_918 = vector.bitcast %shift_left3A_917 : vector<16xi32> to vector<16xf32>
        %and3A_919 = arith.constant -65536 : i32
        %and3A_920 = vector.broadcast %and3A_919 : i32 to vector<16xi32>
        %and3A_921 = arith.andi %bitcast3A_914, %and3A_920 : vector<16xi32>
        %bitcast3A_922 = vector.bitcast %and3A_921 : vector<16xi32> to vector<16xf32>
        %add3A_923 = arith.addf %add3A_891, %bitcast3A_918 : vector<16xf32>
        %add3A_924 = arith.addf %add3A_892, %bitcast3A_922 : vector<16xf32>
        %get3A_925 = arith.constant 6 : i32
        %get3A_926 = arith.index_cast %get3A_925 : i32 to index
        %get3A_927 = arith.index_cast %scan3A_739 : i32 to index
        %get3A_928 = arith.constant 0 : index
        %get3A_929 = tpu.vector_load %arg6[%get3A_926, %get3A_927, %get3A_928] {strides = array<i32>} : memref<8x128x64xbf16, #tpu.memory_space<vmem>>, vector<32xbf16>,
        %bitcast3A_930 = vector.bitcast %get3A_929 : vector<32xbf16> to vector<16xi32>
        %shift_left3A_931 = arith.constant 16 : i32
        %shift_left3A_932 = vector.broadcast %shift_left3A_931 : i32 to vector<16xi32>
        %shift_left3A_933 = arith.shli %bitcast3A_930, %shift_left3A_932 : vector<16xi32>
        %bitcast3A_934 = vector.bitcast %shift_left3A_933 : vector<16xi32> to vector<16xf32>
        %and3A_935 = arith.constant -65536 : i32
        %and3A_936 = vector.broadcast %and3A_935 : i32 to vector<16xi32>
        %and3A_937 = arith.andi %bitcast3A_930, %and3A_936 : vector<16xi32>
        %bitcast3A_938 = vector.bitcast %and3A_937 : vector<16xi32> to vector<16xf32>
        %add3A_939 = arith.addf %add3A_907, %bitcast3A_934 : vector<16xf32>
        %add3A_940 = arith.addf %add3A_908, %bitcast3A_938 : vector<16xf32>
        %get3A_941 = arith.constant 6 : i32
        %get3A_942 = arith.index_cast %get3A_941 : i32 to index
        %get3A_943 = arith.index_cast %scan3A_739 : i32 to index
        %get3A_944 = arith.constant 32 : index
        %get3A_945 = tpu.vector_load %arg6[%get3A_942, %get3A_943, %get3A_944] {strides = array<i32>} : memref<8x128x64xbf16, #tpu.memory_space<vmem>>, vector<32xbf16>,
        %bitcast3A_946 = vector.bitcast %get3A_945 : vector<32xbf16> to vector<16xi32>
        %shift_left3A_947 = arith.constant 16 : i32
        %shift_left3A_948 = vector.broadcast %shift_left3A_947 : i32 to vector<16xi32>
        %shift_left3A_949 = arith.shli %bitcast3A_946, %shift_left3A_948 : vector<16xi32>
        %bitcast3A_950 = vector.bitcast %shift_left3A_949 : vector<16xi32> to vector<16xf32>
        %and3A_951 = arith.constant -65536 : i32
        %and3A_952 = vector.broadcast %and3A_951 : i32 to vector<16xi32>
        %and3A_953 = arith.andi %bitcast3A_946, %and3A_952 : vector<16xi32>
        %bitcast3A_954 = vector.bitcast %and3A_953 : vector<16xi32> to vector<16xf32>
        %add3A_955 = arith.addf %add3A_923, %bitcast3A_950 : vector<16xf32>
        %add3A_956 = arith.addf %add3A_924, %bitcast3A_954 : vector<16xf32>
        %get3A_957 = arith.constant 7 : i32
        %get3A_958 = arith.index_cast %get3A_957 : i32 to index
        %get3A_959 = arith.index_cast %scan3A_739 : i32 to index
        %get3A_960 = arith.constant 0 : index
        %get3A_961 = tpu.vector_load %arg6[%get3A_958, %get3A_959, %get3A_960] {strides = array<i32>} : memref<8x128x64xbf16, #tpu.memory_space<vmem>>, vector<32xbf16>,
        %bitcast3A_962 = vector.bitcast %get3A_961 : vector<32xbf16> to vector<16xi32>
        %shift_left3A_963 = arith.constant 16 : i32
        %shift_left3A_964 = vector.broadcast %shift_left3A_963 : i32 to vector<16xi32>
        %shift_left3A_965 = arith.shli %bitcast3A_962, %shift_left3A_964 : vector<16xi32>
        %bitcast3A_966 = vector.bitcast %shift_left3A_965 : vector<16xi32> to vector<16xf32>
        %and3A_967 = arith.constant -65536 : i32
        %and3A_968 = vector.broadcast %and3A_967 : i32 to vector<16xi32>
        %and3A_969 = arith.andi %bitcast3A_962, %and3A_968 : vector<16xi32>
        %bitcast3A_970 = vector.bitcast %and3A_969 : vector<16xi32> to vector<16xf32>
        %add3A_971 = arith.addf %add3A_939, %bitcast3A_966 : vector<16xf32>
        %add3A_972 = arith.addf %add3A_940, %bitcast3A_970 : vector<16xf32>
        %get3A_973 = arith.constant 7 : i32
        %get3A_974 = arith.index_cast %get3A_973 : i32 to index
        %get3A_975 = arith.index_cast %scan3A_739 : i32 to index
        %get3A_976 = arith.constant 32 : index
        %get3A_977 = tpu.vector_load %arg6[%get3A_974, %get3A_975, %get3A_976] {strides = array<i32>} : memref<8x128x64xbf16, #tpu.memory_space<vmem>>, vector<32xbf16>,
        %bitcast3A_978 = vector.bitcast %get3A_977 : vector<32xbf16> to vector<16xi32>
        %shift_left3A_979 = arith.constant 16 : i32
        %shift_left3A_980 = vector.broadcast %shift_left3A_979 : i32 to vector<16xi32>
        %shift_left3A_981 = arith.shli %bitcast3A_978, %shift_left3A_980 : vector<16xi32>
        %bitcast3A_982 = vector.bitcast %shift_left3A_981 : vector<16xi32> to vector<16xf32>
        %and3A_983 = arith.constant -65536 : i32
        %and3A_984 = vector.broadcast %and3A_983 : i32 to vector<16xi32>
        %and3A_985 = arith.andi %bitcast3A_978, %and3A_984 : vector<16xi32>
        %bitcast3A_986 = vector.bitcast %and3A_985 : vector<16xi32> to vector<16xf32>
        %add3A_987 = arith.addf %add3A_955, %bitcast3A_982 : vector<16xf32>
        %add3A_988 = arith.addf %add3A_956, %bitcast3A_986 : vector<16xf32>
        %broadcast_in_dim3A = arith.constant 0 : i32
        %broadcast_in_dim3A_989 = vector.broadcast %broadcast_in_dim3A : i32 to vector<16xi32>
        %add3A_990 = vector.broadcast %scan3A_739 : i32 to vector<16xi32>
        %add3A_991 = arith.addi %broadcast_in_dim3A_989, %add3A_990 : vector<16xi32>
        %mul3A_992 = arith.constant 1.250000e-01 : f32
        %mul3A_993 = vector.broadcast %mul3A_992 : f32 to vector<16xf32>
        %mul3A_994 = arith.mulf %add3A_971, %mul3A_993 : vector<16xf32>
        tpu.vector_store_idx %arg8[%add3A_89, %select_n3A_148, %add3A_991], %mul3A_994 : memref<8x8x129xf32, #tpu.memory_space<vmem>>[vector<16xi32>, vector<16xi32>, vector<16xi32>], vector<16xf32>,
        %mul3A_995 = arith.constant 1.250000e-01 : f32
        %mul3A_996 = vector.broadcast %mul3A_995 : f32 to vector<16xf32>
        %mul3A_997 = arith.mulf %add3A_972, %mul3A_996 : vector<16xf32>
        tpu.vector_store_idx %arg8[%add3A_89, %select_n3A_201, %add3A_991], %mul3A_997 : memref<8x8x129xf32, #tpu.memory_space<vmem>>[vector<16xi32>, vector<16xi32>, vector<16xi32>], vector<16xf32>,
        %mul3A_998 = arith.constant 1.250000e-01 : f32
        %mul3A_999 = vector.broadcast %mul3A_998 : f32 to vector<16xf32>
        %mul3A_1000 = arith.mulf %add3A_987, %mul3A_999 : vector<16xf32>
        tpu.vector_store_idx %arg8[%add3A_123, %select_n3A_173, %add3A_991], %mul3A_1000 : memref<8x8x129xf32, #tpu.memory_space<vmem>>[vector<16xi32>, vector<16xi32>, vector<16xi32>], vector<16xf32>,
        %mul3A_1001 = arith.constant 1.250000e-01 : f32
        %mul3A_1002 = vector.broadcast %mul3A_1001 : f32 to vector<16xf32>
        %mul3A_1003 = arith.mulf %add3A_988, %mul3A_1002 : vector<16xf32>
        tpu.vector_store_idx %arg8[%add3A_123, %select_n3A_229, %add3A_991], %mul3A_1003 : memref<8x8x129xf32, #tpu.memory_space<vmem>>[vector<16xi32>, vector<16xi32>, vector<16xi32>], vector<16xf32>,
        %scan3A_1004 = arith.constant 1 : i32
        %scan3A_1005 = arith.addi %scan3A_739, %scan3A_1004 : i32
        %get3A_1006 = arith.constant 0 : i32
        %get3A_1007 = arith.index_cast %get3A_1006 : i32 to index
        %get3A_1008 = arith.index_cast %scan3A_1005 : i32 to index
        %get3A_1009 = arith.constant 0 : index
        %get3A_1010 = tpu.vector_load %arg6[%get3A_1007, %get3A_1008, %get3A_1009] {strides = array<i32>} : memref<8x128x64xbf16, #tpu.memory_space<vmem>>, vector<32xbf16>,
        %bitcast3A_1011 = vector.bitcast %get3A_1010 : vector<32xbf16> to vector<16xi32>
        %shift_left3A_1012 = arith.constant 16 : i32
        %shift_left3A_1013 = vector.broadcast %shift_left3A_1012 : i32 to vector<16xi32>
        %shift_left3A_1014 = arith.shli %bitcast3A_1011, %shift_left3A_1013 : vector<16xi32>
        %bitcast3A_1015 = vector.bitcast %shift_left3A_1014 : vector<16xi32> to vector<16xf32>
        %and3A_1016 = arith.constant -65536 : i32
        %and3A_1017 = vector.broadcast %and3A_1016 : i32 to vector<16xi32>
        %and3A_1018 = arith.andi %bitcast3A_1011, %and3A_1017 : vector<16xi32>
        %bitcast3A_1019 = vector.bitcast %and3A_1018 : vector<16xi32> to vector<16xf32>
        %get3A_1020 = arith.constant 0 : i32
        %get3A_1021 = arith.index_cast %get3A_1020 : i32 to index
        %get3A_1022 = arith.index_cast %scan3A_1005 : i32 to index
        %get3A_1023 = arith.constant 32 : index
        %get3A_1024 = tpu.vector_load %arg6[%get3A_1021, %get3A_1022, %get3A_1023] {strides = array<i32>} : memref<8x128x64xbf16, #tpu.memory_space<vmem>>, vector<32xbf16>,
        %bitcast3A_1025 = vector.bitcast %get3A_1024 : vector<32xbf16> to vector<16xi32>
        %shift_left3A_1026 = arith.constant 16 : i32
        %shift_left3A_1027 = vector.broadcast %shift_left3A_1026 : i32 to vector<16xi32>
        %shift_left3A_1028 = arith.shli %bitcast3A_1025, %shift_left3A_1027 : vector<16xi32>
        %bitcast3A_1029 = vector.bitcast %shift_left3A_1028 : vector<16xi32> to vector<16xf32>
        %and3A_1030 = arith.constant -65536 : i32
        %and3A_1031 = vector.broadcast %and3A_1030 : i32 to vector<16xi32>
        %and3A_1032 = arith.andi %bitcast3A_1025, %and3A_1031 : vector<16xi32>
        %bitcast3A_1033 = vector.bitcast %and3A_1032 : vector<16xi32> to vector<16xf32>
        %get3A_1034 = arith.constant 1 : i32
        %get3A_1035 = arith.index_cast %get3A_1034 : i32 to index
        %get3A_1036 = arith.index_cast %scan3A_1005 : i32 to index
        %get3A_1037 = arith.constant 0 : index
        %get3A_1038 = tpu.vector_load %arg6[%get3A_1035, %get3A_1036, %get3A_1037] {strides = array<i32>} : memref<8x128x64xbf16, #tpu.memory_space<vmem>>, vector<32xbf16>,
        %bitcast3A_1039 = vector.bitcast %get3A_1038 : vector<32xbf16> to vector<16xi32>
        %shift_left3A_1040 = arith.constant 16 : i32
        %shift_left3A_1041 = vector.broadcast %shift_left3A_1040 : i32 to vector<16xi32>
        %shift_left3A_1042 = arith.shli %bitcast3A_1039, %shift_left3A_1041 : vector<16xi32>
        %bitcast3A_1043 = vector.bitcast %shift_left3A_1042 : vector<16xi32> to vector<16xf32>
        %and3A_1044 = arith.constant -65536 : i32
        %and3A_1045 = vector.broadcast %and3A_1044 : i32 to vector<16xi32>
        %and3A_1046 = arith.andi %bitcast3A_1039, %and3A_1045 : vector<16xi32>
        %bitcast3A_1047 = vector.bitcast %and3A_1046 : vector<16xi32> to vector<16xf32>
        %add3A_1048 = arith.addf %bitcast3A_1015, %bitcast3A_1043 : vector<16xf32>
        %add3A_1049 = arith.addf %bitcast3A_1019, %bitcast3A_1047 : vector<16xf32>
        %get3A_1050 = arith.constant 1 : i32
        %get3A_1051 = arith.index_cast %get3A_1050 : i32 to index
        %get3A_1052 = arith.index_cast %scan3A_1005 : i32 to index
        %get3A_1053 = arith.constant 32 : index
        %get3A_1054 = tpu.vector_load %arg6[%get3A_1051, %get3A_1052, %get3A_1053] {strides = array<i32>} : memref<8x128x64xbf16, #tpu.memory_space<vmem>>, vector<32xbf16>,
        %bitcast3A_1055 = vector.bitcast %get3A_1054 : vector<32xbf16> to vector<16xi32>
        %shift_left3A_1056 = arith.constant 16 : i32
        %shift_left3A_1057 = vector.broadcast %shift_left3A_1056 : i32 to vector<16xi32>
        %shift_left3A_1058 = arith.shli %bitcast3A_1055, %shift_left3A_1057 : vector<16xi32>
        %bitcast3A_1059 = vector.bitcast %shift_left3A_1058 : vector<16xi32> to vector<16xf32>
        %and3A_1060 = arith.constant -65536 : i32
        %and3A_1061 = vector.broadcast %and3A_1060 : i32 to vector<16xi32>
        %and3A_1062 = arith.andi %bitcast3A_1055, %and3A_1061 : vector<16xi32>
        %bitcast3A_1063 = vector.bitcast %and3A_1062 : vector<16xi32> to vector<16xf32>
        %add3A_1064 = arith.addf %bitcast3A_1029, %bitcast3A_1059 : vector<16xf32>
        %add3A_1065 = arith.addf %bitcast3A_1033, %bitcast3A_1063 : vector<16xf32>
        %get3A_1066 = arith.constant 2 : i32
        %get3A_1067 = arith.index_cast %get3A_1066 : i32 to index
        %get3A_1068 = arith.index_cast %scan3A_1005 : i32 to index
        %get3A_1069 = arith.constant 0 : index
        %get3A_1070 = tpu.vector_load %arg6[%get3A_1067, %get3A_1068, %get3A_1069] {strides = array<i32>} : memref<8x128x64xbf16, #tpu.memory_space<vmem>>, vector<32xbf16>,
        %bitcast3A_1071 = vector.bitcast %get3A_1070 : vector<32xbf16> to vector<16xi32>
        %shift_left3A_1072 = arith.constant 16 : i32
        %shift_left3A_1073 = vector.broadcast %shift_left3A_1072 : i32 to vector<16xi32>
        %shift_left3A_1074 = arith.shli %bitcast3A_1071, %shift_left3A_1073 : vector<16xi32>
        %bitcast3A_1075 = vector.bitcast %shift_left3A_1074 : vector<16xi32> to vector<16xf32>
        %and3A_1076 = arith.constant -65536 : i32
        %and3A_1077 = vector.broadcast %and3A_1076 : i32 to vector<16xi32>
        %and3A_1078 = arith.andi %bitcast3A_1071, %and3A_1077 : vector<16xi32>
        %bitcast3A_1079 = vector.bitcast %and3A_1078 : vector<16xi32> to vector<16xf32>
        %add3A_1080 = arith.addf %add3A_1048, %bitcast3A_1075 : vector<16xf32>
        %add3A_1081 = arith.addf %add3A_1049, %bitcast3A_1079 : vector<16xf32>
        %get3A_1082 = arith.constant 2 : i32
        %get3A_1083 = arith.index_cast %get3A_1082 : i32 to index
        %get3A_1084 = arith.index_cast %scan3A_1005 : i32 to index
        %get3A_1085 = arith.constant 32 : index
        %get3A_1086 = tpu.vector_load %arg6[%get3A_1083, %get3A_1084, %get3A_1085] {strides = array<i32>} : memref<8x128x64xbf16, #tpu.memory_space<vmem>>, vector<32xbf16>,
        %bitcast3A_1087 = vector.bitcast %get3A_1086 : vector<32xbf16> to vector<16xi32>
        %shift_left3A_1088 = arith.constant 16 : i32
        %shift_left3A_1089 = vector.broadcast %shift_left3A_1088 : i32 to vector<16xi32>
        %shift_left3A_1090 = arith.shli %bitcast3A_1087, %shift_left3A_1089 : vector<16xi32>
        %bitcast3A_1091 = vector.bitcast %shift_left3A_1090 : vector<16xi32> to vector<16xf32>
        %and3A_1092 = arith.constant -65536 : i32
        %and3A_1093 = vector.broadcast %and3A_1092 : i32 to vector<16xi32>
        %and3A_1094 = arith.andi %bitcast3A_1087, %and3A_1093 : vector<16xi32>
        %bitcast3A_1095 = vector.bitcast %and3A_1094 : vector<16xi32> to vector<16xf32>
        %add3A_1096 = arith.addf %add3A_1064, %bitcast3A_1091 : vector<16xf32>
        %add3A_1097 = arith.addf %add3A_1065, %bitcast3A_1095 : vector<16xf32>
        %get3A_1098 = arith.constant 3 : i32
        %get3A_1099 = arith.index_cast %get3A_1098 : i32 to index
        %get3A_1100 = arith.index_cast %scan3A_1005 : i32 to index
        %get3A_1101 = arith.constant 0 : index
        %get3A_1102 = tpu.vector_load %arg6[%get3A_1099, %get3A_1100, %get3A_1101] {strides = array<i32>} : memref<8x128x64xbf16, #tpu.memory_space<vmem>>, vector<32xbf16>,
        %bitcast3A_1103 = vector.bitcast %get3A_1102 : vector<32xbf16> to vector<16xi32>
        %shift_left3A_1104 = arith.constant 16 : i32
        %shift_left3A_1105 = vector.broadcast %shift_left3A_1104 : i32 to vector<16xi32>
        %shift_left3A_1106 = arith.shli %bitcast3A_1103, %shift_left3A_1105 : vector<16xi32>
        %bitcast3A_1107 = vector.bitcast %shift_left3A_1106 : vector<16xi32> to vector<16xf32>
        %and3A_1108 = arith.constant -65536 : i32
        %and3A_1109 = vector.broadcast %and3A_1108 : i32 to vector<16xi32>
        %and3A_1110 = arith.andi %bitcast3A_1103, %and3A_1109 : vector<16xi32>
        %bitcast3A_1111 = vector.bitcast %and3A_1110 : vector<16xi32> to vector<16xf32>
        %add3A_1112 = arith.addf %add3A_1080, %bitcast3A_1107 : vector<16xf32>
        %add3A_1113 = arith.addf %add3A_1081, %bitcast3A_1111 : vector<16xf32>
        %get3A_1114 = arith.constant 3 : i32
        %get3A_1115 = arith.index_cast %get3A_1114 : i32 to index
        %get3A_1116 = arith.index_cast %scan3A_1005 : i32 to index
        %get3A_1117 = arith.constant 32 : index
        %get3A_1118 = tpu.vector_load %arg6[%get3A_1115, %get3A_1116, %get3A_1117] {strides = array<i32>} : memref<8x128x64xbf16, #tpu.memory_space<vmem>>, vector<32xbf16>,
        %bitcast3A_1119 = vector.bitcast %get3A_1118 : vector<32xbf16> to vector<16xi32>
        %shift_left3A_1120 = arith.constant 16 : i32
        %shift_left3A_1121 = vector.broadcast %shift_left3A_1120 : i32 to vector<16xi32>
        %shift_left3A_1122 = arith.shli %bitcast3A_1119, %shift_left3A_1121 : vector<16xi32>
        %bitcast3A_1123 = vector.bitcast %shift_left3A_1122 : vector<16xi32> to vector<16xf32>
        %and3A_1124 = arith.constant -65536 : i32
        %and3A_1125 = vector.broadcast %and3A_1124 : i32 to vector<16xi32>
        %and3A_1126 = arith.andi %bitcast3A_1119, %and3A_1125 : vector<16xi32>
        %bitcast3A_1127 = vector.bitcast %and3A_1126 : vector<16xi32> to vector<16xf32>
        %add3A_1128 = arith.addf %add3A_1096, %bitcast3A_1123 : vector<16xf32>
        %add3A_1129 = arith.addf %add3A_1097, %bitcast3A_1127 : vector<16xf32>
        %get3A_1130 = arith.constant 4 : i32
        %get3A_1131 = arith.index_cast %get3A_1130 : i32 to index
        %get3A_1132 = arith.index_cast %scan3A_1005 : i32 to index
        %get3A_1133 = arith.constant 0 : index
        %get3A_1134 = tpu.vector_load %arg6[%get3A_1131, %get3A_1132, %get3A_1133] {strides = array<i32>} : memref<8x128x64xbf16, #tpu.memory_space<vmem>>, vector<32xbf16>,
        %bitcast3A_1135 = vector.bitcast %get3A_1134 : vector<32xbf16> to vector<16xi32>
        %shift_left3A_1136 = arith.constant 16 : i32
        %shift_left3A_1137 = vector.broadcast %shift_left3A_1136 : i32 to vector<16xi32>
        %shift_left3A_1138 = arith.shli %bitcast3A_1135, %shift_left3A_1137 : vector<16xi32>
        %bitcast3A_1139 = vector.bitcast %shift_left3A_1138 : vector<16xi32> to vector<16xf32>
        %and3A_1140 = arith.constant -65536 : i32
        %and3A_1141 = vector.broadcast %and3A_1140 : i32 to vector<16xi32>
        %and3A_1142 = arith.andi %bitcast3A_1135, %and3A_1141 : vector<16xi32>
        %bitcast3A_1143 = vector.bitcast %and3A_1142 : vector<16xi32> to vector<16xf32>
        %add3A_1144 = arith.addf %add3A_1112, %bitcast3A_1139 : vector<16xf32>
        %add3A_1145 = arith.addf %add3A_1113, %bitcast3A_1143 : vector<16xf32>
        %get3A_1146 = arith.constant 4 : i32
        %get3A_1147 = arith.index_cast %get3A_1146 : i32 to index
        %get3A_1148 = arith.index_cast %scan3A_1005 : i32 to index
        %get3A_1149 = arith.constant 32 : index
        %get3A_1150 = tpu.vector_load %arg6[%get3A_1147, %get3A_1148, %get3A_1149] {strides = array<i32>} : memref<8x128x64xbf16, #tpu.memory_space<vmem>>, vector<32xbf16>,
        %bitcast3A_1151 = vector.bitcast %get3A_1150 : vector<32xbf16> to vector<16xi32>
        %shift_left3A_1152 = arith.constant 16 : i32
        %shift_left3A_1153 = vector.broadcast %shift_left3A_1152 : i32 to vector<16xi32>
        %shift_left3A_1154 = arith.shli %bitcast3A_1151, %shift_left3A_1153 : vector<16xi32>
        %bitcast3A_1155 = vector.bitcast %shift_left3A_1154 : vector<16xi32> to vector<16xf32>
        %and3A_1156 = arith.constant -65536 : i32
        %and3A_1157 = vector.broadcast %and3A_1156 : i32 to vector<16xi32>
        %and3A_1158 = arith.andi %bitcast3A_1151, %and3A_1157 : vector<16xi32>
        %bitcast3A_1159 = vector.bitcast %and3A_1158 : vector<16xi32> to vector<16xf32>
        %add3A_1160 = arith.addf %add3A_1128, %bitcast3A_1155 : vector<16xf32>
        %add3A_1161 = arith.addf %add3A_1129, %bitcast3A_1159 : vector<16xf32>
        %get3A_1162 = arith.constant 5 : i32
        %get3A_1163 = arith.index_cast %get3A_1162 : i32 to index
        %get3A_1164 = arith.index_cast %scan3A_1005 : i32 to index
        %get3A_1165 = arith.constant 0 : index
        %get3A_1166 = tpu.vector_load %arg6[%get3A_1163, %get3A_1164, %get3A_1165] {strides = array<i32>} : memref<8x128x64xbf16, #tpu.memory_space<vmem>>, vector<32xbf16>,
        %bitcast3A_1167 = vector.bitcast %get3A_1166 : vector<32xbf16> to vector<16xi32>
        %shift_left3A_1168 = arith.constant 16 : i32
        %shift_left3A_1169 = vector.broadcast %shift_left3A_1168 : i32 to vector<16xi32>
        %shift_left3A_1170 = arith.shli %bitcast3A_1167, %shift_left3A_1169 : vector<16xi32>
        %bitcast3A_1171 = vector.bitcast %shift_left3A_1170 : vector<16xi32> to vector<16xf32>
        %and3A_1172 = arith.constant -65536 : i32
        %and3A_1173 = vector.broadcast %and3A_1172 : i32 to vector<16xi32>
        %and3A_1174 = arith.andi %bitcast3A_1167, %and3A_1173 : vector<16xi32>
        %bitcast3A_1175 = vector.bitcast %and3A_1174 : vector<16xi32> to vector<16xf32>
        %add3A_1176 = arith.addf %add3A_1144, %bitcast3A_1171 : vector<16xf32>
        %add3A_1177 = arith.addf %add3A_1145, %bitcast3A_1175 : vector<16xf32>
        %get3A_1178 = arith.constant 5 : i32
        %get3A_1179 = arith.index_cast %get3A_1178 : i32 to index
        %get3A_1180 = arith.index_cast %scan3A_1005 : i32 to index
        %get3A_1181 = arith.constant 32 : index
        %get3A_1182 = tpu.vector_load %arg6[%get3A_1179, %get3A_1180, %get3A_1181] {strides = array<i32>} : memref<8x128x64xbf16, #tpu.memory_space<vmem>>, vector<32xbf16>,
        %bitcast3A_1183 = vector.bitcast %get3A_1182 : vector<32xbf16> to vector<16xi32>
        %shift_left3A_1184 = arith.constant 16 : i32
        %shift_left3A_1185 = vector.broadcast %shift_left3A_1184 : i32 to vector<16xi32>
        %shift_left3A_1186 = arith.shli %bitcast3A_1183, %shift_left3A_1185 : vector<16xi32>
        %bitcast3A_1187 = vector.bitcast %shift_left3A_1186 : vector<16xi32> to vector<16xf32>
        %and3A_1188 = arith.constant -65536 : i32
        %and3A_1189 = vector.broadcast %and3A_1188 : i32 to vector<16xi32>
        %and3A_1190 = arith.andi %bitcast3A_1183, %and3A_1189 : vector<16xi32>
        %bitcast3A_1191 = vector.bitcast %and3A_1190 : vector<16xi32> to vector<16xf32>
        %add3A_1192 = arith.addf %add3A_1160, %bitcast3A_1187 : vector<16xf32>
        %add3A_1193 = arith.addf %add3A_1161, %bitcast3A_1191 : vector<16xf32>
        %get3A_1194 = arith.constant 6 : i32
        %get3A_1195 = arith.index_cast %get3A_1194 : i32 to index
        %get3A_1196 = arith.index_cast %scan3A_1005 : i32 to index
        %get3A_1197 = arith.constant 0 : index
        %get3A_1198 = tpu.vector_load %arg6[%get3A_1195, %get3A_1196, %get3A_1197] {strides = array<i32>} : memref<8x128x64xbf16, #tpu.memory_space<vmem>>, vector<32xbf16>,
        %bitcast3A_1199 = vector.bitcast %get3A_1198 : vector<32xbf16> to vector<16xi32>
        %shift_left3A_1200 = arith.constant 16 : i32
        %shift_left3A_1201 = vector.broadcast %shift_left3A_1200 : i32 to vector<16xi32>
        %shift_left3A_1202 = arith.shli %bitcast3A_1199, %shift_left3A_1201 : vector<16xi32>
        %bitcast3A_1203 = vector.bitcast %shift_left3A_1202 : vector<16xi32> to vector<16xf32>
        %and3A_1204 = arith.constant -65536 : i32
        %and3A_1205 = vector.broadcast %and3A_1204 : i32 to vector<16xi32>
        %and3A_1206 = arith.andi %bitcast3A_1199, %and3A_1205 : vector<16xi32>
        %bitcast3A_1207 = vector.bitcast %and3A_1206 : vector<16xi32> to vector<16xf32>
        %add3A_1208 = arith.addf %add3A_1176, %bitcast3A_1203 : vector<16xf32>
        %add3A_1209 = arith.addf %add3A_1177, %bitcast3A_1207 : vector<16xf32>
        %get3A_1210 = arith.constant 6 : i32
        %get3A_1211 = arith.index_cast %get3A_1210 : i32 to index
        %get3A_1212 = arith.index_cast %scan3A_1005 : i32 to index
        %get3A_1213 = arith.constant 32 : index
        %get3A_1214 = tpu.vector_load %arg6[%get3A_1211, %get3A_1212, %get3A_1213] {strides = array<i32>} : memref<8x128x64xbf16, #tpu.memory_space<vmem>>, vector<32xbf16>,
        %bitcast3A_1215 = vector.bitcast %get3A_1214 : vector<32xbf16> to vector<16xi32>
        %shift_left3A_1216 = arith.constant 16 : i32
        %shift_left3A_1217 = vector.broadcast %shift_left3A_1216 : i32 to vector<16xi32>
        %shift_left3A_1218 = arith.shli %bitcast3A_1215, %shift_left3A_1217 : vector<16xi32>
        %bitcast3A_1219 = vector.bitcast %shift_left3A_1218 : vector<16xi32> to vector<16xf32>
        %and3A_1220 = arith.constant -65536 : i32
        %and3A_1221 = vector.broadcast %and3A_1220 : i32 to vector<16xi32>
        %and3A_1222 = arith.andi %bitcast3A_1215, %and3A_1221 : vector<16xi32>
        %bitcast3A_1223 = vector.bitcast %and3A_1222 : vector<16xi32> to vector<16xf32>
        %add3A_1224 = arith.addf %add3A_1192, %bitcast3A_1219 : vector<16xf32>
        %add3A_1225 = arith.addf %add3A_1193, %bitcast3A_1223 : vector<16xf32>
        %get3A_1226 = arith.constant 7 : i32
        %get3A_1227 = arith.index_cast %get3A_1226 : i32 to index
        %get3A_1228 = arith.index_cast %scan3A_1005 : i32 to index
        %get3A_1229 = arith.constant 0 : index
        %get3A_1230 = tpu.vector_load %arg6[%get3A_1227, %get3A_1228, %get3A_1229] {strides = array<i32>} : memref<8x128x64xbf16, #tpu.memory_space<vmem>>, vector<32xbf16>,
        %bitcast3A_1231 = vector.bitcast %get3A_1230 : vector<32xbf16> to vector<16xi32>
        %shift_left3A_1232 = arith.constant 16 : i32
        %shift_left3A_1233 = vector.broadcast %shift_left3A_1232 : i32 to vector<16xi32>
        %shift_left3A_1234 = arith.shli %bitcast3A_1231, %shift_left3A_1233 : vector<16xi32>
        %bitcast3A_1235 = vector.bitcast %shift_left3A_1234 : vector<16xi32> to vector<16xf32>
        %and3A_1236 = arith.constant -65536 : i32
        %and3A_1237 = vector.broadcast %and3A_1236 : i32 to vector<16xi32>
        %and3A_1238 = arith.andi %bitcast3A_1231, %and3A_1237 : vector<16xi32>
        %bitcast3A_1239 = vector.bitcast %and3A_1238 : vector<16xi32> to vector<16xf32>
        %add3A_1240 = arith.addf %add3A_1208, %bitcast3A_1235 : vector<16xf32>
        %add3A_1241 = arith.addf %add3A_1209, %bitcast3A_1239 : vector<16xf32>
        %get3A_1242 = arith.constant 7 : i32
        %get3A_1243 = arith.index_cast %get3A_1242 : i32 to index
        %get3A_1244 = arith.index_cast %scan3A_1005 : i32 to index
        %get3A_1245 = arith.constant 32 : index
        %get3A_1246 = tpu.vector_load %arg6[%get3A_1243, %get3A_1244, %get3A_1245] {strides = array<i32>} : memref<8x128x64xbf16, #tpu.memory_space<vmem>>, vector<32xbf16>,
        %bitcast3A_1247 = vector.bitcast %get3A_1246 : vector<32xbf16> to vector<16xi32>
        %shift_left3A_1248 = arith.constant 16 : i32
        %shift_left3A_1249 = vector.broadcast %shift_left3A_1248 : i32 to vector<16xi32>
        %shift_left3A_1250 = arith.shli %bitcast3A_1247, %shift_left3A_1249 : vector<16xi32>
        %bitcast3A_1251 = vector.bitcast %shift_left3A_1250 : vector<16xi32> to vector<16xf32>
        %and3A_1252 = arith.constant -65536 : i32
        %and3A_1253 = vector.broadcast %and3A_1252 : i32 to vector<16xi32>
        %and3A_1254 = arith.andi %bitcast3A_1247, %and3A_1253 : vector<16xi32>
        %bitcast3A_1255 = vector.bitcast %and3A_1254 : vector<16xi32> to vector<16xf32>
        %add3A_1256 = arith.addf %add3A_1224, %bitcast3A_1251 : vector<16xf32>
        %add3A_1257 = arith.addf %add3A_1225, %bitcast3A_1255 : vector<16xf32>
        %broadcast_in_dim3A_1258 = arith.constant 0 : i32
        %broadcast_in_dim3A_1259 = vector.broadcast %broadcast_in_dim3A_1258 : i32 to vector<16xi32>
        %add3A_1260 = vector.broadcast %scan3A_1005 : i32 to vector<16xi32>
        %add3A_1261 = arith.addi %broadcast_in_dim3A_1259, %add3A_1260 : vector<16xi32>
        %mul3A_1262 = arith.constant 1.250000e-01 : f32
        %mul3A_1263 = vector.broadcast %mul3A_1262 : f32 to vector<16xf32>
        %mul3A_1264 = arith.mulf %add3A_1240, %mul3A_1263 : vector<16xf32>
        tpu.vector_store_idx %arg8[%add3A_89, %select_n3A_148, %add3A_1261], %mul3A_1264 : memref<8x8x129xf32, #tpu.memory_space<vmem>>[vector<16xi32>, vector<16xi32>, vector<16xi32>], vector<16xf32>,
        %mul3A_1265 = arith.constant 1.250000e-01 : f32
        %mul3A_1266 = vector.broadcast %mul3A_1265 : f32 to vector<16xf32>
        %mul3A_1267 = arith.mulf %add3A_1241, %mul3A_1266 : vector<16xf32>
        tpu.vector_store_idx %arg8[%add3A_89, %select_n3A_201, %add3A_1261], %mul3A_1267 : memref<8x8x129xf32, #tpu.memory_space<vmem>>[vector<16xi32>, vector<16xi32>, vector<16xi32>], vector<16xf32>,
        %mul3A_1268 = arith.constant 1.250000e-01 : f32
        %mul3A_1269 = vector.broadcast %mul3A_1268 : f32 to vector<16xf32>
        %mul3A_1270 = arith.mulf %add3A_1256, %mul3A_1269 : vector<16xf32>
        tpu.vector_store_idx %arg8[%add3A_123, %select_n3A_173, %add3A_1261], %mul3A_1270 : memref<8x8x129xf32, #tpu.memory_space<vmem>>[vector<16xi32>, vector<16xi32>, vector<16xi32>], vector<16xf32>,
        %mul3A_1271 = arith.constant 1.250000e-01 : f32
        %mul3A_1272 = vector.broadcast %mul3A_1271 : f32 to vector<16xf32>
        %mul3A_1273 = arith.mulf %add3A_1257, %mul3A_1272 : vector<16xf32>
        tpu.vector_store_idx %arg8[%add3A_123, %select_n3A_229, %add3A_1261], %mul3A_1273 : memref<8x8x129xf32, #tpu.memory_space<vmem>>[vector<16xi32>, vector<16xi32>, vector<16xi32>], vector<16xf32>,
      }
      %scan3A_582 = arith.constant 128 : i32
      %add3A_583 = arith.addi %mul3A_50, %mul3A_380 : i32
      %dma_start3A_584 = arith.constant 0 : i32
      %dma_start3A_585 = arith.constant 0 : i32
      %dma_start3A_586 = arith.constant 0 : i32
      %dma_start3A_587 = tpu.memref_slice %arg8[%dma_start3A_584, %dma_start3A_585, %dma_start3A_586] : memref<8x8x129xf32, #tpu.memory_space<vmem>> -> memref<8x8x128xf32, #tpu.memory_space<vmem>>
      %dma_start3A_588 = arith.constant 0 : i32
      %dma_start3A_589 = arith.constant 0 : i32
      %dma_start3A_590 = arith.constant 0 : i32
      %dma_start3A_591 = tpu.memref_slice %arg4[%select_n3A, %dma_start3A_588, %add3A_583, %dma_start3A_589, %dma_start3A_590] : memref<16x8x32x8x128xf32, #tpu.memory_space<hbm>> -> memref<1x8x1x8x128xf32, #tpu.memory_space<hbm>>
      %dma_start3A_592 = tpu.memref_squeeze %dma_start3A_591 : memref<1x8x1x8x128xf32, #tpu.memory_space<hbm>> -> memref<8x8x128xf32, #tpu.memory_space<hbm>>
      %dma_start3A_593 = arith.constant 0 : i32
      %dma_start3A_594 = arith.constant 0 : i32
      %dma_start3A_595 = arith.constant 0 : i32
      %dma_start3A_596 = tpu.memref_slice %arg4[%select_n3A, %dma_start3A_593, %add3A_583, %dma_start3A_594, %dma_start3A_595] : memref<16x8x32x8x128xf32, #tpu.memory_space<hbm>> -> memref<1x8x1x8x128xf32, #tpu.memory_space<hbm>>
      %dma_start3A_597 = tpu.memref_squeeze %dma_start3A_596 : memref<1x8x1x8x128xf32, #tpu.memory_space<hbm>> -> memref<8x8x128xf32, #tpu.memory_space<hbm>>
      %dma_start3A_598 = arith.constant 0 : i32
      %dma_start3A_599 = arith.constant 0 : i32
      %dma_start3A_600 = arith.constant 0 : i32
      %dma_start3A_601 = tpu.memref_slice %arg8[%dma_start3A_598, %dma_start3A_599, %dma_start3A_600] : memref<8x8x129xf32, #tpu.memory_space<vmem>> -> memref<8x8x128xf32, #tpu.memory_space<vmem>>
      tpu.enqueue_dma source(%dma_start3A_601 : memref<8x8x128xf32, #tpu.memory_space<vmem>>) target(%dma_start3A_597 : memref<8x8x128xf32, #tpu.memory_space<hbm>>) target_semaphore(%arg12 : memref<!tpu.dma_semaphore, #tpu.memory_space<semaphore_mem>>)
      %add3A_602 = arith.constant 2 : i32
      %add3A_603 = arith.addi %mul3A_380, %add3A_602 : i32
      %lt3A_604 = arith.constant 16 : i32
      %lt3A_605 = arith.cmpi slt, %add3A_603, %lt3A_604 : i32
      %convert_element_type3A_606 = arith.extui %lt3A_605 : i1 to i32
      %cond3A_607 = arith.constant 0 : i32
      %cond3A_608 = arith.cmpi ne, %convert_element_type3A_606, %cond3A_607 : i32
      scf.if %cond3A_608 {
        %add3A_739 = arith.constant 2 : i32
        %add3A_740 = arith.addi %mul3A_380, %add3A_739 : i32
        %dma_start3A_741 = arith.constant 0 : i32
        %dma_start3A_742 = arith.constant 0 : i32
        %dma_start3A_743 = arith.constant 0 : i32
        %dma_start3A_744 = arith.constant 0 : i32
        %dma_start3A_745 = tpu.memref_slice %arg6[%dma_start3A_742, %dma_start3A_743, %dma_start3A_744] : memref<8x128x64xbf16, #tpu.memory_space<vmem>> -> memref<1x128x64xbf16, #tpu.memory_space<vmem>>
        %dma_start3A_746 = tpu.memref_squeeze %dma_start3A_745 : memref<1x128x64xbf16, #tpu.memory_space<vmem>> -> memref<128x64xbf16, #tpu.memory_space<vmem>>
        %dma_start3A_747 = arith.constant 0 : i32
        %dma_start3A_748 = tpu.memref_slice %arg5[%add3A_740, %dma_start3A_741, %dma_start3A_747] : memref<16x8x128xi32, #tpu.memory_space<vmem>> -> memref<1x1x128xi32, #tpu.memory_space<vmem>>
        %dma_start3A_749 = tpu.memref_squeeze %dma_start3A_748 : memref<1x1x128xi32, #tpu.memory_space<vmem>> -> memref<128xi32, #tpu.memory_space<vmem>>
        %dma_start3A_750 = arith.constant 0 : i32
        %dma_start3A_751 = arith.constant 0 : i32
        %dma_start3A_752 = tpu.memref_slice %arg3[%dma_start3A_750, %dma_start3A_751] : memref<16384x64xbf16, #tpu.memory_space<hbm>> -> memref<16384x64xbf16, #tpu.memory_space<hbm>>
        tpu.enqueue_indirect_dma source(%dma_start3A_752 : memref<16384x64xbf16, #tpu.memory_space<hbm>>) target(%dma_start3A_746 : memref<128x64xbf16, #tpu.memory_space<vmem>>) offsets(%dma_start3A_749 : memref<128xi32, #tpu.memory_space<vmem>>) semaphore(%arg10 : memref<!tpu.dma_semaphore, #tpu.memory_space<semaphore_mem>>)
        %dma_start3A_753 = arith.constant 1 : i32
        %dma_start3A_754 = arith.constant 1 : i32
        %dma_start3A_755 = arith.constant 0 : i32
        %dma_start3A_756 = arith.constant 0 : i32
        %dma_start3A_757 = tpu.memref_slice %arg6[%dma_start3A_754, %dma_start3A_755, %dma_start3A_756] : memref<8x128x64xbf16, #tpu.memory_space<vmem>> -> memref<1x128x64xbf16, #tpu.memory_space<vmem>>
        %dma_start3A_758 = tpu.memref_squeeze %dma_start3A_757 : memref<1x128x64xbf16, #tpu.memory_space<vmem>> -> memref<128x64xbf16, #tpu.memory_space<vmem>>
        %dma_start3A_759 = arith.constant 0 : i32
        %dma_start3A_760 = tpu.memref_slice %arg5[%add3A_740, %dma_start3A_753, %dma_start3A_759] : memref<16x8x128xi32, #tpu.memory_space<vmem>> -> memref<1x1x128xi32, #tpu.memory_space<vmem>>
        %dma_start3A_761 = tpu.memref_squeeze %dma_start3A_760 : memref<1x1x128xi32, #tpu.memory_space<vmem>> -> memref<128xi32, #tpu.memory_space<vmem>>
        %dma_start3A_762 = arith.constant 0 : i32
        %dma_start3A_763 = arith.constant 0 : i32
        %dma_start3A_764 = tpu.memref_slice %arg3[%dma_start3A_762, %dma_start3A_763] : memref<16384x64xbf16, #tpu.memory_space<hbm>> -> memref<16384x64xbf16, #tpu.memory_space<hbm>>
        tpu.enqueue_indirect_dma source(%dma_start3A_764 : memref<16384x64xbf16, #tpu.memory_space<hbm>>) target(%dma_start3A_758 : memref<128x64xbf16, #tpu.memory_space<vmem>>) offsets(%dma_start3A_761 : memref<128xi32, #tpu.memory_space<vmem>>) semaphore(%arg10 : memref<!tpu.dma_semaphore, #tpu.memory_space<semaphore_mem>>)
        %dma_start3A_765 = arith.constant 2 : i32
        %dma_start3A_766 = arith.constant 2 : i32
        %dma_start3A_767 = arith.constant 0 : i32
        %dma_start3A_768 = arith.constant 0 : i32
        %dma_start3A_769 = tpu.memref_slice %arg6[%dma_start3A_766, %dma_start3A_767, %dma_start3A_768] : memref<8x128x64xbf16, #tpu.memory_space<vmem>> -> memref<1x128x64xbf16, #tpu.memory_space<vmem>>
        %dma_start3A_770 = tpu.memref_squeeze %dma_start3A_769 : memref<1x128x64xbf16, #tpu.memory_space<vmem>> -> memref<128x64xbf16, #tpu.memory_space<vmem>>
        %dma_start3A_771 = arith.constant 0 : i32
        %dma_start3A_772 = tpu.memref_slice %arg5[%add3A_740, %dma_start3A_765, %dma_start3A_771] : memref<16x8x128xi32, #tpu.memory_space<vmem>> -> memref<1x1x128xi32, #tpu.memory_space<vmem>>
        %dma_start3A_773 = tpu.memref_squeeze %dma_start3A_772 : memref<1x1x128xi32, #tpu.memory_space<vmem>> -> memref<128xi32, #tpu.memory_space<vmem>>
        %dma_start3A_774 = arith.constant 0 : i32
        %dma_start3A_775 = arith.constant 0 : i32
        %dma_start3A_776 = tpu.memref_slice %arg3[%dma_start3A_774, %dma_start3A_775] : memref<16384x64xbf16, #tpu.memory_space<hbm>> -> memref<16384x64xbf16, #tpu.memory_space<hbm>>
        tpu.enqueue_indirect_dma source(%dma_start3A_776 : memref<16384x64xbf16, #tpu.memory_space<hbm>>) target(%dma_start3A_770 : memref<128x64xbf16, #tpu.memory_space<vmem>>) offsets(%dma_start3A_773 : memref<128xi32, #tpu.memory_space<vmem>>) semaphore(%arg10 : memref<!tpu.dma_semaphore, #tpu.memory_space<semaphore_mem>>)
        %dma_start3A_777 = arith.constant 3 : i32
        %dma_start3A_778 = arith.constant 3 : i32
        %dma_start3A_779 = arith.constant 0 : i32
        %dma_start3A_780 = arith.constant 0 : i32
        %dma_start3A_781 = tpu.memref_slice %arg6[%dma_start3A_778, %dma_start3A_779, %dma_start3A_780] : memref<8x128x64xbf16, #tpu.memory_space<vmem>> -> memref<1x128x64xbf16, #tpu.memory_space<vmem>>
        %dma_start3A_782 = tpu.memref_squeeze %dma_start3A_781 : memref<1x128x64xbf16, #tpu.memory_space<vmem>> -> memref<128x64xbf16, #tpu.memory_space<vmem>>
        %dma_start3A_783 = arith.constant 0 : i32
        %dma_start3A_784 = tpu.memref_slice %arg5[%add3A_740, %dma_start3A_777, %dma_start3A_783] : memref<16x8x128xi32, #tpu.memory_space<vmem>> -> memref<1x1x128xi32, #tpu.memory_space<vmem>>
        %dma_start3A_785 = tpu.memref_squeeze %dma_start3A_784 : memref<1x1x128xi32, #tpu.memory_space<vmem>> -> memref<128xi32, #tpu.memory_space<vmem>>
        %dma_start3A_786 = arith.constant 0 : i32
        %dma_start3A_787 = arith.constant 0 : i32
        %dma_start3A_788 = tpu.memref_slice %arg3[%dma_start3A_786, %dma_start3A_787] : memref<16384x64xbf16, #tpu.memory_space<hbm>> -> memref<16384x64xbf16, #tpu.memory_space<hbm>>
        tpu.enqueue_indirect_dma source(%dma_start3A_788 : memref<16384x64xbf16, #tpu.memory_space<hbm>>) target(%dma_start3A_782 : memref<128x64xbf16, #tpu.memory_space<vmem>>) offsets(%dma_start3A_785 : memref<128xi32, #tpu.memory_space<vmem>>) semaphore(%arg10 : memref<!tpu.dma_semaphore, #tpu.memory_space<semaphore_mem>>)
        %dma_start3A_789 = arith.constant 4 : i32
        %dma_start3A_790 = arith.constant 4 : i32
        %dma_start3A_791 = arith.constant 0 : i32
        %dma_start3A_792 = arith.constant 0 : i32
        %dma_start3A_793 = tpu.memref_slice %arg6[%dma_start3A_790, %dma_start3A_791, %dma_start3A_792] : memref<8x128x64xbf16, #tpu.memory_space<vmem>> -> memref<1x128x64xbf16, #tpu.memory_space<vmem>>
        %dma_start3A_794 = tpu.memref_squeeze %dma_start3A_793 : memref<1x128x64xbf16, #tpu.memory_space<vmem>> -> memref<128x64xbf16, #tpu.memory_space<vmem>>
        %dma_start3A_795 = arith.constant 0 : i32
        %dma_start3A_796 = tpu.memref_slice %arg5[%add3A_740, %dma_start3A_789, %dma_start3A_795] : memref<16x8x128xi32, #tpu.memory_space<vmem>> -> memref<1x1x128xi32, #tpu.memory_space<vmem>>
        %dma_start3A_797 = tpu.memref_squeeze %dma_start3A_796 : memref<1x1x128xi32, #tpu.memory_space<vmem>> -> memref<128xi32, #tpu.memory_space<vmem>>
        %dma_start3A_798 = arith.constant 0 : i32
        %dma_start3A_799 = arith.constant 0 : i32
        %dma_start3A_800 = tpu.memref_slice %arg3[%dma_start3A_798, %dma_start3A_799] : memref<16384x64xbf16, #tpu.memory_space<hbm>> -> memref<16384x64xbf16, #tpu.memory_space<hbm>>
        tpu.enqueue_indirect_dma source(%dma_start3A_800 : memref<16384x64xbf16, #tpu.memory_space<hbm>>) target(%dma_start3A_794 : memref<128x64xbf16, #tpu.memory_space<vmem>>) offsets(%dma_start3A_797 : memref<128xi32, #tpu.memory_space<vmem>>) semaphore(%arg10 : memref<!tpu.dma_semaphore, #tpu.memory_space<semaphore_mem>>)
        %dma_start3A_801 = arith.constant 5 : i32
        %dma_start3A_802 = arith.constant 5 : i32
        %dma_start3A_803 = arith.constant 0 : i32
        %dma_start3A_804 = arith.constant 0 : i32
        %dma_start3A_805 = tpu.memref_slice %arg6[%dma_start3A_802, %dma_start3A_803, %dma_start3A_804] : memref<8x128x64xbf16, #tpu.memory_space<vmem>> -> memref<1x128x64xbf16, #tpu.memory_space<vmem>>
        %dma_start3A_806 = tpu.memref_squeeze %dma_start3A_805 : memref<1x128x64xbf16, #tpu.memory_space<vmem>> -> memref<128x64xbf16, #tpu.memory_space<vmem>>
        %dma_start3A_807 = arith.constant 0 : i32
        %dma_start3A_808 = tpu.memref_slice %arg5[%add3A_740, %dma_start3A_801, %dma_start3A_807] : memref<16x8x128xi32, #tpu.memory_space<vmem>> -> memref<1x1x128xi32, #tpu.memory_space<vmem>>
        %dma_start3A_809 = tpu.memref_squeeze %dma_start3A_808 : memref<1x1x128xi32, #tpu.memory_space<vmem>> -> memref<128xi32, #tpu.memory_space<vmem>>
        %dma_start3A_810 = arith.constant 0 : i32
        %dma_start3A_811 = arith.constant 0 : i32
        %dma_start3A_812 = tpu.memref_slice %arg3[%dma_start3A_810, %dma_start3A_811] : memref<16384x64xbf16, #tpu.memory_space<hbm>> -> memref<16384x64xbf16, #tpu.memory_space<hbm>>
        tpu.enqueue_indirect_dma source(%dma_start3A_812 : memref<16384x64xbf16, #tpu.memory_space<hbm>>) target(%dma_start3A_806 : memref<128x64xbf16, #tpu.memory_space<vmem>>) offsets(%dma_start3A_809 : memref<128xi32, #tpu.memory_space<vmem>>) semaphore(%arg10 : memref<!tpu.dma_semaphore, #tpu.memory_space<semaphore_mem>>)
        %dma_start3A_813 = arith.constant 6 : i32
        %dma_start3A_814 = arith.constant 6 : i32
        %dma_start3A_815 = arith.constant 0 : i32
        %dma_start3A_816 = arith.constant 0 : i32
        %dma_start3A_817 = tpu.memref_slice %arg6[%dma_start3A_814, %dma_start3A_815, %dma_start3A_816] : memref<8x128x64xbf16, #tpu.memory_space<vmem>> -> memref<1x128x64xbf16, #tpu.memory_space<vmem>>
        %dma_start3A_818 = tpu.memref_squeeze %dma_start3A_817 : memref<1x128x64xbf16, #tpu.memory_space<vmem>> -> memref<128x64xbf16, #tpu.memory_space<vmem>>
        %dma_start3A_819 = arith.constant 0 : i32
        %dma_start3A_820 = tpu.memref_slice %arg5[%add3A_740, %dma_start3A_813, %dma_start3A_819] : memref<16x8x128xi32, #tpu.memory_space<vmem>> -> memref<1x1x128xi32, #tpu.memory_space<vmem>>
        %dma_start3A_821 = tpu.memref_squeeze %dma_start3A_820 : memref<1x1x128xi32, #tpu.memory_space<vmem>> -> memref<128xi32, #tpu.memory_space<vmem>>
        %dma_start3A_822 = arith.constant 0 : i32
        %dma_start3A_823 = arith.constant 0 : i32
        %dma_start3A_824 = tpu.memref_slice %arg3[%dma_start3A_822, %dma_start3A_823] : memref<16384x64xbf16, #tpu.memory_space<hbm>> -> memref<16384x64xbf16, #tpu.memory_space<hbm>>
        tpu.enqueue_indirect_dma source(%dma_start3A_824 : memref<16384x64xbf16, #tpu.memory_space<hbm>>) target(%dma_start3A_818 : memref<128x64xbf16, #tpu.memory_space<vmem>>) offsets(%dma_start3A_821 : memref<128xi32, #tpu.memory_space<vmem>>) semaphore(%arg10 : memref<!tpu.dma_semaphore, #tpu.memory_space<semaphore_mem>>)
        %dma_start3A_825 = arith.constant 7 : i32
        %dma_start3A_826 = arith.constant 7 : i32
        %dma_start3A_827 = arith.constant 0 : i32
        %dma_start3A_828 = arith.constant 0 : i32
        %dma_start3A_829 = tpu.memref_slice %arg6[%dma_start3A_826, %dma_start3A_827, %dma_start3A_828] : memref<8x128x64xbf16, #tpu.memory_space<vmem>> -> memref<1x128x64xbf16, #tpu.memory_space<vmem>>
        %dma_start3A_830 = tpu.memref_squeeze %dma_start3A_829 : memref<1x128x64xbf16, #tpu.memory_space<vmem>> -> memref<128x64xbf16, #tpu.memory_space<vmem>>
        %dma_start3A_831 = arith.constant 0 : i32
        %dma_start3A_832 = tpu.memref_slice %arg5[%add3A_740, %dma_start3A_825, %dma_start3A_831] : memref<16x8x128xi32, #tpu.memory_space<vmem>> -> memref<1x1x128xi32, #tpu.memory_space<vmem>>
        %dma_start3A_833 = tpu.memref_squeeze %dma_start3A_832 : memref<1x1x128xi32, #tpu.memory_space<vmem>> -> memref<128xi32, #tpu.memory_space<vmem>>
        %dma_start3A_834 = arith.constant 0 : i32
        %dma_start3A_835 = arith.constant 0 : i32
        %dma_start3A_836 = tpu.memref_slice %arg3[%dma_start3A_834, %dma_start3A_835] : memref<16384x64xbf16, #tpu.memory_space<hbm>> -> memref<16384x64xbf16, #tpu.memory_space<hbm>>
        tpu.enqueue_indirect_dma source(%dma_start3A_836 : memref<16384x64xbf16, #tpu.memory_space<hbm>>) target(%dma_start3A_830 : memref<128x64xbf16, #tpu.memory_space<vmem>>) offsets(%dma_start3A_833 : memref<128xi32, #tpu.memory_space<vmem>>) semaphore(%arg10 : memref<!tpu.dma_semaphore, #tpu.memory_space<semaphore_mem>>)
      } else {
      }
      %add3A_609 = arith.constant 1 : i32
      %add3A_610 = arith.addi %mul3A_380, %add3A_609 : i32
      %dma_wait3A_611 = arith.constant 0 : i32
      %dma_wait3A_612 = arith.constant 0 : i32
      %dma_wait3A_613 = arith.constant 0 : i32
      %dma_wait3A_614 = arith.constant 0 : i32
      %dma_wait3A_615 = tpu.memref_slice %arg7[%dma_wait3A_612, %dma_wait3A_613, %dma_wait3A_614] : memref<8x128x64xbf16, #tpu.memory_space<vmem>> -> memref<1x128x64xbf16, #tpu.memory_space<vmem>>
      %dma_wait3A_616 = tpu.memref_squeeze %dma_wait3A_615 : memref<1x128x64xbf16, #tpu.memory_space<vmem>> -> memref<128x64xbf16, #tpu.memory_space<vmem>>
      %dma_wait3A_617 = arith.constant 0 : i32
      %dma_wait3A_618 = tpu.memref_slice %arg5[%add3A_610, %dma_wait3A_611, %dma_wait3A_617] : memref<16x8x128xi32, #tpu.memory_space<vmem>> -> memref<1x1x128xi32, #tpu.memory_space<vmem>>
      %dma_wait3A_619 = tpu.memref_squeeze %dma_wait3A_618 : memref<1x1x128xi32, #tpu.memory_space<vmem>> -> memref<128xi32, #tpu.memory_space<vmem>>
      %dma_wait3A_620 = arith.constant 0 : i32
      %dma_wait3A_621 = arith.constant 0 : i32
      %dma_wait3A_622 = tpu.memref_slice %arg3[%dma_wait3A_620, %dma_wait3A_621] : memref<16384x64xbf16, #tpu.memory_space<hbm>> -> memref<16384x64xbf16, #tpu.memory_space<hbm>>
      tpu.wait_indirect_dma semaphore(%arg11 : memref<!tpu.dma_semaphore, #tpu.memory_space<semaphore_mem>>) src(%dma_wait3A_622 : memref<16384x64xbf16, #tpu.memory_space<hbm>>) dst(%dma_wait3A_616 : memref<128x64xbf16, #tpu.memory_space<vmem>>)
      %dma_wait3A_623 = arith.constant 1 : i32
      %dma_wait3A_624 = arith.constant 1 : i32
      %dma_wait3A_625 = arith.constant 0 : i32
      %dma_wait3A_626 = arith.constant 0 : i32
      %dma_wait3A_627 = tpu.memref_slice %arg7[%dma_wait3A_624, %dma_wait3A_625, %dma_wait3A_626] : memref<8x128x64xbf16, #tpu.memory_space<vmem>> -> memref<1x128x64xbf16, #tpu.memory_space<vmem>>
      %dma_wait3A_628 = tpu.memref_squeeze %dma_wait3A_627 : memref<1x128x64xbf16, #tpu.memory_space<vmem>> -> memref<128x64xbf16, #tpu.memory_space<vmem>>
      %dma_wait3A_629 = arith.constant 0 : i32
      %dma_wait3A_630 = tpu.memref_slice %arg5[%add3A_610, %dma_wait3A_623, %dma_wait3A_629] : memref<16x8x128xi32, #tpu.memory_space<vmem>> -> memref<1x1x128xi32, #tpu.memory_space<vmem>>
      %dma_wait3A_631 = tpu.memref_squeeze %dma_wait3A_630 : memref<1x1x128xi32, #tpu.memory_space<vmem>> -> memref<128xi32, #tpu.memory_space<vmem>>
      %dma_wait3A_632 = arith.constant 0 : i32
      %dma_wait3A_633 = arith.constant 0 : i32
      %dma_wait3A_634 = tpu.memref_slice %arg3[%dma_wait3A_632, %dma_wait3A_633] : memref<16384x64xbf16, #tpu.memory_space<hbm>> -> memref<16384x64xbf16, #tpu.memory_space<hbm>>
      tpu.wait_indirect_dma semaphore(%arg11 : memref<!tpu.dma_semaphore, #tpu.memory_space<semaphore_mem>>) src(%dma_wait3A_634 : memref<16384x64xbf16, #tpu.memory_space<hbm>>) dst(%dma_wait3A_628 : memref<128x64xbf16, #tpu.memory_space<vmem>>)
      %dma_wait3A_635 = arith.constant 2 : i32
      %dma_wait3A_636 = arith.constant 2 : i32
      %dma_wait3A_637 = arith.constant 0 : i32
      %dma_wait3A_638 = arith.constant 0 : i32
      %dma_wait3A_639 = tpu.memref_slice %arg7[%dma_wait3A_636, %dma_wait3A_637, %dma_wait3A_638] : memref<8x128x64xbf16, #tpu.memory_space<vmem>> -> memref<1x128x64xbf16, #tpu.memory_space<vmem>>
      %dma_wait3A_640 = tpu.memref_squeeze %dma_wait3A_639 : memref<1x128x64xbf16, #tpu.memory_space<vmem>> -> memref<128x64xbf16, #tpu.memory_space<vmem>>
      %dma_wait3A_641 = arith.constant 0 : i32
      %dma_wait3A_642 = tpu.memref_slice %arg5[%add3A_610, %dma_wait3A_635, %dma_wait3A_641] : memref<16x8x128xi32, #tpu.memory_space<vmem>> -> memref<1x1x128xi32, #tpu.memory_space<vmem>>
      %dma_wait3A_643 = tpu.memref_squeeze %dma_wait3A_642 : memref<1x1x128xi32, #tpu.memory_space<vmem>> -> memref<128xi32, #tpu.memory_space<vmem>>
      %dma_wait3A_644 = arith.constant 0 : i32
      %dma_wait3A_645 = arith.constant 0 : i32
      %dma_wait3A_646 = tpu.memref_slice %arg3[%dma_wait3A_644, %dma_wait3A_645] : memref<16384x64xbf16, #tpu.memory_space<hbm>> -> memref<16384x64xbf16, #tpu.memory_space<hbm>>
      tpu.wait_indirect_dma semaphore(%arg11 : memref<!tpu.dma_semaphore, #tpu.memory_space<semaphore_mem>>) src(%dma_wait3A_646 : memref<16384x64xbf16, #tpu.memory_space<hbm>>) dst(%dma_wait3A_640 : memref<128x64xbf16, #tpu.memory_space<vmem>>)
      %dma_wait3A_647 = arith.constant 3 : i32
      %dma_wait3A_648 = arith.constant 3 : i32
      %dma_wait3A_649 = arith.constant 0 : i32
      %dma_wait3A_650 = arith.constant 0 : i32
      %dma_wait3A_651 = tpu.memref_slice %arg7[%dma_wait3A_648, %dma_wait3A_649, %dma_wait3A_650] : memref<8x128x64xbf16, #tpu.memory_space<vmem>> -> memref<1x128x64xbf16, #tpu.memory_space<vmem>>
      %dma_wait3A_652 = tpu.memref_squeeze %dma_wait3A_651 : memref<1x128x64xbf16, #tpu.memory_space<vmem>> -> memref<128x64xbf16, #tpu.memory_space<vmem>>
      %dma_wait3A_653 = arith.constant 0 : i32
      %dma_wait3A_654 = tpu.memref_slice %arg5[%add3A_610, %dma_wait3A_647, %dma_wait3A_653] : memref<16x8x128xi32, #tpu.memory_space<vmem>> -> memref<1x1x128xi32, #tpu.memory_space<vmem>>
      %dma_wait3A_655 = tpu.memref_squeeze %dma_wait3A_654 : memref<1x1x128xi32, #tpu.memory_space<vmem>> -> memref<128xi32, #tpu.memory_space<vmem>>
      %dma_wait3A_656 = arith.constant 0 : i32
      %dma_wait3A_657 = arith.constant 0 : i32
      %dma_wait3A_658 = tpu.memref_slice %arg3[%dma_wait3A_656, %dma_wait3A_657] : memref<16384x64xbf16, #tpu.memory_space<hbm>> -> memref<16384x64xbf16, #tpu.memory_space<hbm>>
      tpu.wait_indirect_dma semaphore(%arg11 : memref<!tpu.dma_semaphore, #tpu.memory_space<semaphore_mem>>) src(%dma_wait3A_658 : memref<16384x64xbf16, #tpu.memory_space<hbm>>) dst(%dma_wait3A_652 : memref<128x64xbf16, #tpu.memory_space<vmem>>)
      %dma_wait3A_659 = arith.constant 4 : i32
      %dma_wait3A_660 = arith.constant 4 : i32
      %dma_wait3A_661 = arith.constant 0 : i32
      %dma_wait3A_662 = arith.constant 0 : i32
      %dma_wait3A_663 = tpu.memref_slice %arg7[%dma_wait3A_660, %dma_wait3A_661, %dma_wait3A_662] : memref<8x128x64xbf16, #tpu.memory_space<vmem>> -> memref<1x128x64xbf16, #tpu.memory_space<vmem>>
      %dma_wait3A_664 = tpu.memref_squeeze %dma_wait3A_663 : memref<1x128x64xbf16, #tpu.memory_space<vmem>> -> memref<128x64xbf16, #tpu.memory_space<vmem>>
      %dma_wait3A_665 = arith.constant 0 : i32
      %dma_wait3A_666 = tpu.memref_slice %arg5[%add3A_610, %dma_wait3A_659, %dma_wait3A_665] : memref<16x8x128xi32, #tpu.memory_space<vmem>> -> memref<1x1x128xi32, #tpu.memory_space<vmem>>
      %dma_wait3A_667 = tpu.memref_squeeze %dma_wait3A_666 : memref<1x1x128xi32, #tpu.memory_space<vmem>> -> memref<128xi32, #tpu.memory_space<vmem>>
      %dma_wait3A_668 = arith.constant 0 : i32
      %dma_wait3A_669 = arith.constant 0 : i32
      %dma_wait3A_670 = tpu.memref_slice %arg3[%dma_wait3A_668, %dma_wait3A_669] : memref<16384x64xbf16, #tpu.memory_space<hbm>> -> memref<16384x64xbf16, #tpu.memory_space<hbm>>
      tpu.wait_indirect_dma semaphore(%arg11 : memref<!tpu.dma_semaphore, #tpu.memory_space<semaphore_mem>>) src(%dma_wait3A_670 : memref<16384x64xbf16, #tpu.memory_space<hbm>>) dst(%dma_wait3A_664 : memref<128x64xbf16, #tpu.memory_space<vmem>>)
      %dma_wait3A_671 = arith.constant 5 : i32
      %dma_wait3A_672 = arith.constant 5 : i32
      %dma_wait3A_673 = arith.constant 0 : i32
      %dma_wait3A_674 = arith.constant 0 : i32
      %dma_wait3A_675 = tpu.memref_slice %arg7[%dma_wait3A_672, %dma_wait3A_673, %dma_wait3A_674] : memref<8x128x64xbf16, #tpu.memory_space<vmem>> -> memref<1x128x64xbf16, #tpu.memory_space<vmem>>
      %dma_wait3A_676 = tpu.memref_squeeze %dma_wait3A_675 : memref<1x128x64xbf16, #tpu.memory_space<vmem>> -> memref<128x64xbf16, #tpu.memory_space<vmem>>
      %dma_wait3A_677 = arith.constant 0 : i32
      %dma_wait3A_678 = tpu.memref_slice %arg5[%add3A_610, %dma_wait3A_671, %dma_wait3A_677] : memref<16x8x128xi32, #tpu.memory_space<vmem>> -> memref<1x1x128xi32, #tpu.memory_space<vmem>>
      %dma_wait3A_679 = tpu.memref_squeeze %dma_wait3A_678 : memref<1x1x128xi32, #tpu.memory_space<vmem>> -> memref<128xi32, #tpu.memory_space<vmem>>
      %dma_wait3A_680 = arith.constant 0 : i32
      %dma_wait3A_681 = arith.constant 0 : i32
      %dma_wait3A_682 = tpu.memref_slice %arg3[%dma_wait3A_680, %dma_wait3A_681] : memref<16384x64xbf16, #tpu.memory_space<hbm>> -> memref<16384x64xbf16, #tpu.memory_space<hbm>>
      tpu.wait_indirect_dma semaphore(%arg11 : memref<!tpu.dma_semaphore, #tpu.memory_space<semaphore_mem>>) src(%dma_wait3A_682 : memref<16384x64xbf16, #tpu.memory_space<hbm>>) dst(%dma_wait3A_676 : memref<128x64xbf16, #tpu.memory_space<vmem>>)
      %dma_wait3A_683 = arith.constant 6 : i32
      %dma_wait3A_684 = arith.constant 6 : i32
      %dma_wait3A_685 = arith.constant 0 : i32
      %dma_wait3A_686 = arith.constant 0 : i32
      %dma_wait3A_687 = tpu.memref_slice %arg7[%dma_wait3A_684, %dma_wait3A_685, %dma_wait3A_686] : memref<8x128x64xbf16, #tpu.memory_space<vmem>> -> memref<1x128x64xbf16, #tpu.memory_space<vmem>>
      %dma_wait3A_688 = tpu.memref_squeeze %dma_wait3A_687 : memref<1x128x64xbf16, #tpu.memory_space<vmem>> -> memref<128x64xbf16, #tpu.memory_space<vmem>>
      %dma_wait3A_689 = arith.constant 0 : i32
      %dma_wait3A_690 = tpu.memref_slice %arg5[%add3A_610, %dma_wait3A_683, %dma_wait3A_689] : memref<16x8x128xi32, #tpu.memory_space<vmem>> -> memref<1x1x128xi32, #tpu.memory_space<vmem>>
      %dma_wait3A_691 = tpu.memref_squeeze %dma_wait3A_690 : memref<1x1x128xi32, #tpu.memory_space<vmem>> -> memref<128xi32, #tpu.memory_space<vmem>>
      %dma_wait3A_692 = arith.constant 0 : i32
      %dma_wait3A_693 = arith.constant 0 : i32
      %dma_wait3A_694 = tpu.memref_slice %arg3[%dma_wait3A_692, %dma_wait3A_693] : memref<16384x64xbf16, #tpu.memory_space<hbm>> -> memref<16384x64xbf16, #tpu.memory_space<hbm>>
      tpu.wait_indirect_dma semaphore(%arg11 : memref<!tpu.dma_semaphore, #tpu.memory_space<semaphore_mem>>) src(%dma_wait3A_694 : memref<16384x64xbf16, #tpu.memory_space<hbm>>) dst(%dma_wait3A_688 : memref<128x64xbf16, #tpu.memory_space<vmem>>)
      %dma_wait3A_695 = arith.constant 7 : i32
      %dma_wait3A_696 = arith.constant 7 : i32
      %dma_wait3A_697 = arith.constant 0 : i32
      %dma_wait3A_698 = arith.constant 0 : i32
      %dma_wait3A_699 = tpu.memref_slice %arg7[%dma_wait3A_696, %dma_wait3A_697, %dma_wait3A_698] : memref<8x128x64xbf16, #tpu.memory_space<vmem>> -> memref<1x128x64xbf16, #tpu.memory_space<vmem>>
      %dma_wait3A_700 = tpu.memref_squeeze %dma_wait3A_699 : memref<1x128x64xbf16, #tpu.memory_space<vmem>> -> memref<128x64xbf16, #tpu.memory_space<vmem>>
      %dma_wait3A_701 = arith.constant 0 : i32
      %dma_wait3A_702 = tpu.memref_slice %arg5[%add3A_610, %dma_wait3A_695, %dma_wait3A_701] : memref<16x8x128xi32, #tpu.memory_space<vmem>> -> memref<1x1x128xi32, #tpu.memory_space<vmem>>
      %dma_wait3A_703 = tpu.memref_squeeze %dma_wait3A_702 : memref<1x1x128xi32, #tpu.memory_space<vmem>> -> memref<128xi32, #tpu.memory_space<vmem>>
      %dma_wait3A_704 = arith.constant 0 : i32
      %dma_wait3A_705 = arith.constant 0 : i32
      %dma_wait3A_706 = tpu.memref_slice %arg3[%dma_wait3A_704, %dma_wait3A_705] : memref<16384x64xbf16, #tpu.memory_space<hbm>> -> memref<16384x64xbf16, #tpu.memory_space<hbm>>
      tpu.wait_indirect_dma semaphore(%arg11 : memref<!tpu.dma_semaphore, #tpu.memory_space<semaphore_mem>>) src(%dma_wait3A_706 : memref<16384x64xbf16, #tpu.memory_space<hbm>>) dst(%dma_wait3A_700 : memref<128x64xbf16, #tpu.memory_space<vmem>>)
      %gt3A_707 = arith.constant 0 : i32
      %gt3A_708 = arith.cmpi sgt, %scan3A_378, %gt3A_707 : i32
      %convert_element_type3A_709 = arith.extui %gt3A_708 : i1 to i32
      %cond3A_710 = arith.constant 0 : i32
      %cond3A_711 = arith.cmpi ne, %convert_element_type3A_709, %cond3A_710 : i32
      scf.if %cond3A_711 {
        %sub3A_739 = arith.constant 1 : i32
        %sub3A_740 = arith.subi %mul3A_380, %sub3A_739 : i32
        %add3A_741 = arith.addi %mul3A_50, %sub3A_740 : i32
        %dma_wait3A_742 = arith.constant 0 : i32
        %dma_wait3A_743 = arith.constant 0 : i32
        %dma_wait3A_744 = arith.constant 0 : i32
        %dma_wait3A_745 = tpu.memref_slice %arg9[%dma_wait3A_742, %dma_wait3A_743, %dma_wait3A_744] : memref<8x8x129xf32, #tpu.memory_space<vmem>> -> memref<8x8x128xf32, #tpu.memory_space<vmem>>
        %dma_wait3A_746 = arith.constant 0 : i32
        %dma_wait3A_747 = arith.constant 0 : i32
        %dma_wait3A_748 = arith.constant 0 : i32
        %dma_wait3A_749 = tpu.memref_slice %arg4[%select_n3A, %dma_wait3A_746, %add3A_741, %dma_wait3A_747, %dma_wait3A_748] : memref<16x8x32x8x128xf32, #tpu.memory_space<hbm>> -> memref<1x8x1x8x128xf32, #tpu.memory_space<hbm>>
        %dma_wait3A_750 = tpu.memref_squeeze %dma_wait3A_749 : memref<1x8x1x8x128xf32, #tpu.memory_space<hbm>> -> memref<8x8x128xf32, #tpu.memory_space<hbm>>
        %dma_wait3A_751 = arith.constant 0 : i32
        %dma_wait3A_752 = arith.constant 0 : i32
        %dma_wait3A_753 = arith.constant 0 : i32
        %dma_wait3A_754 = tpu.memref_slice %arg4[%select_n3A, %dma_wait3A_751, %add3A_741, %dma_wait3A_752, %dma_wait3A_753] : memref<16x8x32x8x128xf32, #tpu.memory_space<hbm>> -> memref<1x8x1x8x128xf32, #tpu.memory_space<hbm>>
        %dma_wait3A_755 = tpu.memref_squeeze %dma_wait3A_754 : memref<1x8x1x8x128xf32, #tpu.memory_space<hbm>> -> memref<8x8x128xf32, #tpu.memory_space<hbm>>
        %dma_wait3A_756 = arith.constant 0 : i32
        %dma_wait3A_757 = arith.constant 0 : i32
        %dma_wait3A_758 = arith.constant 0 : i32
        %dma_wait3A_759 = tpu.memref_slice %arg9[%dma_wait3A_756, %dma_wait3A_757, %dma_wait3A_758] : memref<8x8x129xf32, #tpu.memory_space<vmem>> -> memref<8x8x128xf32, #tpu.memory_space<vmem>>
        tpu.wait_dma2 semaphore(%arg13 : memref<!tpu.dma_semaphore, #tpu.memory_space<semaphore_mem>>) src(%dma_wait3A_759 : memref<8x8x128xf32, #tpu.memory_space<vmem>>) dst(%dma_wait3A_755 : memref<8x8x128xf32, #tpu.memory_space<hbm>>)
      } else {
      }
      %scan3A_712 = arith.constant 0 : i32
      %scan3A_713 = arith.constant 0 : i32
      %scan3A_714 = arith.constant 128 : i32
      %scan3A_715 = arith.addi %scan3A_713, %scan3A_714 : i32
      %scan3A_716 = arith.constant 2 : i32
      scf.for %scan3A_739 = %scan3A_713 to %scan3A_715 step %scan3A_716  : i32 {
        %get3A = arith.constant 0 : i32
        %get3A_740 = arith.index_cast %get3A : i32 to index
        %get3A_741 = arith.index_cast %scan3A_739 : i32 to index
        %get3A_742 = arith.constant 0 : index
        %get3A_743 = tpu.vector_load %arg7[%get3A_740, %get3A_741, %get3A_742] {strides = array<i32>} : memref<8x128x64xbf16, #tpu.memory_space<vmem>>, vector<32xbf16>,
        %bitcast3A = vector.bitcast %get3A_743 : vector<32xbf16> to vector<16xi32>
        %shift_left3A = arith.constant 16 : i32
        %shift_left3A_744 = vector.broadcast %shift_left3A : i32 to vector<16xi32>
        %shift_left3A_745 = arith.shli %bitcast3A, %shift_left3A_744 : vector<16xi32>
        %bitcast3A_746 = vector.bitcast %shift_left3A_745 : vector<16xi32> to vector<16xf32>
        %and3A_747 = arith.constant -65536 : i32
        %and3A_748 = vector.broadcast %and3A_747 : i32 to vector<16xi32>
        %and3A_749 = arith.andi %bitcast3A, %and3A_748 : vector<16xi32>
        %bitcast3A_750 = vector.bitcast %and3A_749 : vector<16xi32> to vector<16xf32>
        %get3A_751 = arith.constant 0 : i32
        %get3A_752 = arith.index_cast %get3A_751 : i32 to index
        %get3A_753 = arith.index_cast %scan3A_739 : i32 to index
        %get3A_754 = arith.constant 32 : index
        %get3A_755 = tpu.vector_load %arg7[%get3A_752, %get3A_753, %get3A_754] {strides = array<i32>} : memref<8x128x64xbf16, #tpu.memory_space<vmem>>, vector<32xbf16>,
        %bitcast3A_756 = vector.bitcast %get3A_755 : vector<32xbf16> to vector<16xi32>
        %shift_left3A_757 = arith.constant 16 : i32
        %shift_left3A_758 = vector.broadcast %shift_left3A_757 : i32 to vector<16xi32>
        %shift_left3A_759 = arith.shli %bitcast3A_756, %shift_left3A_758 : vector<16xi32>
        %bitcast3A_760 = vector.bitcast %shift_left3A_759 : vector<16xi32> to vector<16xf32>
        %and3A_761 = arith.constant -65536 : i32
        %and3A_762 = vector.broadcast %and3A_761 : i32 to vector<16xi32>
        %and3A_763 = arith.andi %bitcast3A_756, %and3A_762 : vector<16xi32>
        %bitcast3A_764 = vector.bitcast %and3A_763 : vector<16xi32> to vector<16xf32>
        %get3A_765 = arith.constant 1 : i32
        %get3A_766 = arith.index_cast %get3A_765 : i32 to index
        %get3A_767 = arith.index_cast %scan3A_739 : i32 to index
        %get3A_768 = arith.constant 0 : index
        %get3A_769 = tpu.vector_load %arg7[%get3A_766, %get3A_767, %get3A_768] {strides = array<i32>} : memref<8x128x64xbf16, #tpu.memory_space<vmem>>, vector<32xbf16>,
        %bitcast3A_770 = vector.bitcast %get3A_769 : vector<32xbf16> to vector<16xi32>
        %shift_left3A_771 = arith.constant 16 : i32
        %shift_left3A_772 = vector.broadcast %shift_left3A_771 : i32 to vector<16xi32>
        %shift_left3A_773 = arith.shli %bitcast3A_770, %shift_left3A_772 : vector<16xi32>
        %bitcast3A_774 = vector.bitcast %shift_left3A_773 : vector<16xi32> to vector<16xf32>
        %and3A_775 = arith.constant -65536 : i32
        %and3A_776 = vector.broadcast %and3A_775 : i32 to vector<16xi32>
        %and3A_777 = arith.andi %bitcast3A_770, %and3A_776 : vector<16xi32>
        %bitcast3A_778 = vector.bitcast %and3A_777 : vector<16xi32> to vector<16xf32>
        %add3A_779 = arith.addf %bitcast3A_746, %bitcast3A_774 : vector<16xf32>
        %add3A_780 = arith.addf %bitcast3A_750, %bitcast3A_778 : vector<16xf32>
        %get3A_781 = arith.constant 1 : i32
        %get3A_782 = arith.index_cast %get3A_781 : i32 to index
        %get3A_783 = arith.index_cast %scan3A_739 : i32 to index
        %get3A_784 = arith.constant 32 : index
        %get3A_785 = tpu.vector_load %arg7[%get3A_782, %get3A_783, %get3A_784] {strides = array<i32>} : memref<8x128x64xbf16, #tpu.memory_space<vmem>>, vector<32xbf16>,
        %bitcast3A_786 = vector.bitcast %get3A_785 : vector<32xbf16> to vector<16xi32>
        %shift_left3A_787 = arith.constant 16 : i32
        %shift_left3A_788 = vector.broadcast %shift_left3A_787 : i32 to vector<16xi32>
        %shift_left3A_789 = arith.shli %bitcast3A_786, %shift_left3A_788 : vector<16xi32>
        %bitcast3A_790 = vector.bitcast %shift_left3A_789 : vector<16xi32> to vector<16xf32>
        %and3A_791 = arith.constant -65536 : i32
        %and3A_792 = vector.broadcast %and3A_791 : i32 to vector<16xi32>
        %and3A_793 = arith.andi %bitcast3A_786, %and3A_792 : vector<16xi32>
        %bitcast3A_794 = vector.bitcast %and3A_793 : vector<16xi32> to vector<16xf32>
        %add3A_795 = arith.addf %bitcast3A_760, %bitcast3A_790 : vector<16xf32>
        %add3A_796 = arith.addf %bitcast3A_764, %bitcast3A_794 : vector<16xf32>
        %get3A_797 = arith.constant 2 : i32
        %get3A_798 = arith.index_cast %get3A_797 : i32 to index
        %get3A_799 = arith.index_cast %scan3A_739 : i32 to index
        %get3A_800 = arith.constant 0 : index
        %get3A_801 = tpu.vector_load %arg7[%get3A_798, %get3A_799, %get3A_800] {strides = array<i32>} : memref<8x128x64xbf16, #tpu.memory_space<vmem>>, vector<32xbf16>,
        %bitcast3A_802 = vector.bitcast %get3A_801 : vector<32xbf16> to vector<16xi32>
        %shift_left3A_803 = arith.constant 16 : i32
        %shift_left3A_804 = vector.broadcast %shift_left3A_803 : i32 to vector<16xi32>
        %shift_left3A_805 = arith.shli %bitcast3A_802, %shift_left3A_804 : vector<16xi32>
        %bitcast3A_806 = vector.bitcast %shift_left3A_805 : vector<16xi32> to vector<16xf32>
        %and3A_807 = arith.constant -65536 : i32
        %and3A_808 = vector.broadcast %and3A_807 : i32 to vector<16xi32>
        %and3A_809 = arith.andi %bitcast3A_802, %and3A_808 : vector<16xi32>
        %bitcast3A_810 = vector.bitcast %and3A_809 : vector<16xi32> to vector<16xf32>
        %add3A_811 = arith.addf %add3A_779, %bitcast3A_806 : vector<16xf32>
        %add3A_812 = arith.addf %add3A_780, %bitcast3A_810 : vector<16xf32>
        %get3A_813 = arith.constant 2 : i32
        %get3A_814 = arith.index_cast %get3A_813 : i32 to index
        %get3A_815 = arith.index_cast %scan3A_739 : i32 to index
        %get3A_816 = arith.constant 32 : index
        %get3A_817 = tpu.vector_load %arg7[%get3A_814, %get3A_815, %get3A_816] {strides = array<i32>} : memref<8x128x64xbf16, #tpu.memory_space<vmem>>, vector<32xbf16>,
        %bitcast3A_818 = vector.bitcast %get3A_817 : vector<32xbf16> to vector<16xi32>
        %shift_left3A_819 = arith.constant 16 : i32
        %shift_left3A_820 = vector.broadcast %shift_left3A_819 : i32 to vector<16xi32>
        %shift_left3A_821 = arith.shli %bitcast3A_818, %shift_left3A_820 : vector<16xi32>
        %bitcast3A_822 = vector.bitcast %shift_left3A_821 : vector<16xi32> to vector<16xf32>
        %and3A_823 = arith.constant -65536 : i32
        %and3A_824 = vector.broadcast %and3A_823 : i32 to vector<16xi32>
        %and3A_825 = arith.andi %bitcast3A_818, %and3A_824 : vector<16xi32>
        %bitcast3A_826 = vector.bitcast %and3A_825 : vector<16xi32> to vector<16xf32>
        %add3A_827 = arith.addf %add3A_795, %bitcast3A_822 : vector<16xf32>
        %add3A_828 = arith.addf %add3A_796, %bitcast3A_826 : vector<16xf32>
        %get3A_829 = arith.constant 3 : i32
        %get3A_830 = arith.index_cast %get3A_829 : i32 to index
        %get3A_831 = arith.index_cast %scan3A_739 : i32 to index
        %get3A_832 = arith.constant 0 : index
        %get3A_833 = tpu.vector_load %arg7[%get3A_830, %get3A_831, %get3A_832] {strides = array<i32>} : memref<8x128x64xbf16, #tpu.memory_space<vmem>>, vector<32xbf16>,
        %bitcast3A_834 = vector.bitcast %get3A_833 : vector<32xbf16> to vector<16xi32>
        %shift_left3A_835 = arith.constant 16 : i32
        %shift_left3A_836 = vector.broadcast %shift_left3A_835 : i32 to vector<16xi32>
        %shift_left3A_837 = arith.shli %bitcast3A_834, %shift_left3A_836 : vector<16xi32>
        %bitcast3A_838 = vector.bitcast %shift_left3A_837 : vector<16xi32> to vector<16xf32>
        %and3A_839 = arith.constant -65536 : i32
        %and3A_840 = vector.broadcast %and3A_839 : i32 to vector<16xi32>
        %and3A_841 = arith.andi %bitcast3A_834, %and3A_840 : vector<16xi32>
        %bitcast3A_842 = vector.bitcast %and3A_841 : vector<16xi32> to vector<16xf32>
        %add3A_843 = arith.addf %add3A_811, %bitcast3A_838 : vector<16xf32>
        %add3A_844 = arith.addf %add3A_812, %bitcast3A_842 : vector<16xf32>
        %get3A_845 = arith.constant 3 : i32
        %get3A_846 = arith.index_cast %get3A_845 : i32 to index
        %get3A_847 = arith.index_cast %scan3A_739 : i32 to index
        %get3A_848 = arith.constant 32 : index
        %get3A_849 = tpu.vector_load %arg7[%get3A_846, %get3A_847, %get3A_848] {strides = array<i32>} : memref<8x128x64xbf16, #tpu.memory_space<vmem>>, vector<32xbf16>,
        %bitcast3A_850 = vector.bitcast %get3A_849 : vector<32xbf16> to vector<16xi32>
        %shift_left3A_851 = arith.constant 16 : i32
        %shift_left3A_852 = vector.broadcast %shift_left3A_851 : i32 to vector<16xi32>
        %shift_left3A_853 = arith.shli %bitcast3A_850, %shift_left3A_852 : vector<16xi32>
        %bitcast3A_854 = vector.bitcast %shift_left3A_853 : vector<16xi32> to vector<16xf32>
        %and3A_855 = arith.constant -65536 : i32
        %and3A_856 = vector.broadcast %and3A_855 : i32 to vector<16xi32>
        %and3A_857 = arith.andi %bitcast3A_850, %and3A_856 : vector<16xi32>
        %bitcast3A_858 = vector.bitcast %and3A_857 : vector<16xi32> to vector<16xf32>
        %add3A_859 = arith.addf %add3A_827, %bitcast3A_854 : vector<16xf32>
        %add3A_860 = arith.addf %add3A_828, %bitcast3A_858 : vector<16xf32>
        %get3A_861 = arith.constant 4 : i32
        %get3A_862 = arith.index_cast %get3A_861 : i32 to index
        %get3A_863 = arith.index_cast %scan3A_739 : i32 to index
        %get3A_864 = arith.constant 0 : index
        %get3A_865 = tpu.vector_load %arg7[%get3A_862, %get3A_863, %get3A_864] {strides = array<i32>} : memref<8x128x64xbf16, #tpu.memory_space<vmem>>, vector<32xbf16>,
        %bitcast3A_866 = vector.bitcast %get3A_865 : vector<32xbf16> to vector<16xi32>
        %shift_left3A_867 = arith.constant 16 : i32
        %shift_left3A_868 = vector.broadcast %shift_left3A_867 : i32 to vector<16xi32>
        %shift_left3A_869 = arith.shli %bitcast3A_866, %shift_left3A_868 : vector<16xi32>
        %bitcast3A_870 = vector.bitcast %shift_left3A_869 : vector<16xi32> to vector<16xf32>
        %and3A_871 = arith.constant -65536 : i32
        %and3A_872 = vector.broadcast %and3A_871 : i32 to vector<16xi32>
        %and3A_873 = arith.andi %bitcast3A_866, %and3A_872 : vector<16xi32>
        %bitcast3A_874 = vector.bitcast %and3A_873 : vector<16xi32> to vector<16xf32>
        %add3A_875 = arith.addf %add3A_843, %bitcast3A_870 : vector<16xf32>
        %add3A_876 = arith.addf %add3A_844, %bitcast3A_874 : vector<16xf32>
        %get3A_877 = arith.constant 4 : i32
        %get3A_878 = arith.index_cast %get3A_877 : i32 to index
        %get3A_879 = arith.index_cast %scan3A_739 : i32 to index
        %get3A_880 = arith.constant 32 : index
        %get3A_881 = tpu.vector_load %arg7[%get3A_878, %get3A_879, %get3A_880] {strides = array<i32>} : memref<8x128x64xbf16, #tpu.memory_space<vmem>>, vector<32xbf16>,
        %bitcast3A_882 = vector.bitcast %get3A_881 : vector<32xbf16> to vector<16xi32>
        %shift_left3A_883 = arith.constant 16 : i32
        %shift_left3A_884 = vector.broadcast %shift_left3A_883 : i32 to vector<16xi32>
        %shift_left3A_885 = arith.shli %bitcast3A_882, %shift_left3A_884 : vector<16xi32>
        %bitcast3A_886 = vector.bitcast %shift_left3A_885 : vector<16xi32> to vector<16xf32>
        %and3A_887 = arith.constant -65536 : i32
        %and3A_888 = vector.broadcast %and3A_887 : i32 to vector<16xi32>
        %and3A_889 = arith.andi %bitcast3A_882, %and3A_888 : vector<16xi32>
        %bitcast3A_890 = vector.bitcast %and3A_889 : vector<16xi32> to vector<16xf32>
        %add3A_891 = arith.addf %add3A_859, %bitcast3A_886 : vector<16xf32>
        %add3A_892 = arith.addf %add3A_860, %bitcast3A_890 : vector<16xf32>
        %get3A_893 = arith.constant 5 : i32
        %get3A_894 = arith.index_cast %get3A_893 : i32 to index
        %get3A_895 = arith.index_cast %scan3A_739 : i32 to index
        %get3A_896 = arith.constant 0 : index
        %get3A_897 = tpu.vector_load %arg7[%get3A_894, %get3A_895, %get3A_896] {strides = array<i32>} : memref<8x128x64xbf16, #tpu.memory_space<vmem>>, vector<32xbf16>,
        %bitcast3A_898 = vector.bitcast %get3A_897 : vector<32xbf16> to vector<16xi32>
        %shift_left3A_899 = arith.constant 16 : i32
        %shift_left3A_900 = vector.broadcast %shift_left3A_899 : i32 to vector<16xi32>
        %shift_left3A_901 = arith.shli %bitcast3A_898, %shift_left3A_900 : vector<16xi32>
        %bitcast3A_902 = vector.bitcast %shift_left3A_901 : vector<16xi32> to vector<16xf32>
        %and3A_903 = arith.constant -65536 : i32
        %and3A_904 = vector.broadcast %and3A_903 : i32 to vector<16xi32>
        %and3A_905 = arith.andi %bitcast3A_898, %and3A_904 : vector<16xi32>
        %bitcast3A_906 = vector.bitcast %and3A_905 : vector<16xi32> to vector<16xf32>
        %add3A_907 = arith.addf %add3A_875, %bitcast3A_902 : vector<16xf32>
        %add3A_908 = arith.addf %add3A_876, %bitcast3A_906 : vector<16xf32>
        %get3A_909 = arith.constant 5 : i32
        %get3A_910 = arith.index_cast %get3A_909 : i32 to index
        %get3A_911 = arith.index_cast %scan3A_739 : i32 to index
        %get3A_912 = arith.constant 32 : index
        %get3A_913 = tpu.vector_load %arg7[%get3A_910, %get3A_911, %get3A_912] {strides = array<i32>} : memref<8x128x64xbf16, #tpu.memory_space<vmem>>, vector<32xbf16>,
        %bitcast3A_914 = vector.bitcast %get3A_913 : vector<32xbf16> to vector<16xi32>
        %shift_left3A_915 = arith.constant 16 : i32
        %shift_left3A_916 = vector.broadcast %shift_left3A_915 : i32 to vector<16xi32>
        %shift_left3A_917 = arith.shli %bitcast3A_914, %shift_left3A_916 : vector<16xi32>
        %bitcast3A_918 = vector.bitcast %shift_left3A_917 : vector<16xi32> to vector<16xf32>
        %and3A_919 = arith.constant -65536 : i32
        %and3A_920 = vector.broadcast %and3A_919 : i32 to vector<16xi32>
        %and3A_921 = arith.andi %bitcast3A_914, %and3A_920 : vector<16xi32>
        %bitcast3A_922 = vector.bitcast %and3A_921 : vector<16xi32> to vector<16xf32>
        %add3A_923 = arith.addf %add3A_891, %bitcast3A_918 : vector<16xf32>
        %add3A_924 = arith.addf %add3A_892, %bitcast3A_922 : vector<16xf32>
        %get3A_925 = arith.constant 6 : i32
        %get3A_926 = arith.index_cast %get3A_925 : i32 to index
        %get3A_927 = arith.index_cast %scan3A_739 : i32 to index
        %get3A_928 = arith.constant 0 : index
        %get3A_929 = tpu.vector_load %arg7[%get3A_926, %get3A_927, %get3A_928] {strides = array<i32>} : memref<8x128x64xbf16, #tpu.memory_space<vmem>>, vector<32xbf16>,
        %bitcast3A_930 = vector.bitcast %get3A_929 : vector<32xbf16> to vector<16xi32>
        %shift_left3A_931 = arith.constant 16 : i32
        %shift_left3A_932 = vector.broadcast %shift_left3A_931 : i32 to vector<16xi32>
        %shift_left3A_933 = arith.shli %bitcast3A_930, %shift_left3A_932 : vector<16xi32>
        %bitcast3A_934 = vector.bitcast %shift_left3A_933 : vector<16xi32> to vector<16xf32>
        %and3A_935 = arith.constant -65536 : i32
        %and3A_936 = vector.broadcast %and3A_935 : i32 to vector<16xi32>
        %and3A_937 = arith.andi %bitcast3A_930, %and3A_936 : vector<16xi32>
        %bitcast3A_938 = vector.bitcast %and3A_937 : vector<16xi32> to vector<16xf32>
        %add3A_939 = arith.addf %add3A_907, %bitcast3A_934 : vector<16xf32>
        %add3A_940 = arith.addf %add3A_908, %bitcast3A_938 : vector<16xf32>
        %get3A_941 = arith.constant 6 : i32
        %get3A_942 = arith.index_cast %get3A_941 : i32 to index
        %get3A_943 = arith.index_cast %scan3A_739 : i32 to index
        %get3A_944 = arith.constant 32 : index
        %get3A_945 = tpu.vector_load %arg7[%get3A_942, %get3A_943, %get3A_944] {strides = array<i32>} : memref<8x128x64xbf16, #tpu.memory_space<vmem>>, vector<32xbf16>,
        %bitcast3A_946 = vector.bitcast %get3A_945 : vector<32xbf16> to vector<16xi32>
        %shift_left3A_947 = arith.constant 16 : i32
        %shift_left3A_948 = vector.broadcast %shift_left3A_947 : i32 to vector<16xi32>
        %shift_left3A_949 = arith.shli %bitcast3A_946, %shift_left3A_948 : vector<16xi32>
        %bitcast3A_950 = vector.bitcast %shift_left3A_949 : vector<16xi32> to vector<16xf32>
        %and3A_951 = arith.constant -65536 : i32
        %and3A_952 = vector.broadcast %and3A_951 : i32 to vector<16xi32>
        %and3A_953 = arith.andi %bitcast3A_946, %and3A_952 : vector<16xi32>
        %bitcast3A_954 = vector.bitcast %and3A_953 : vector<16xi32> to vector<16xf32>
        %add3A_955 = arith.addf %add3A_923, %bitcast3A_950 : vector<16xf32>
        %add3A_956 = arith.addf %add3A_924, %bitcast3A_954 : vector<16xf32>
        %get3A_957 = arith.constant 7 : i32
        %get3A_958 = arith.index_cast %get3A_957 : i32 to index
        %get3A_959 = arith.index_cast %scan3A_739 : i32 to index
        %get3A_960 = arith.constant 0 : index
        %get3A_961 = tpu.vector_load %arg7[%get3A_958, %get3A_959, %get3A_960] {strides = array<i32>} : memref<8x128x64xbf16, #tpu.memory_space<vmem>>, vector<32xbf16>,
        %bitcast3A_962 = vector.bitcast %get3A_961 : vector<32xbf16> to vector<16xi32>
        %shift_left3A_963 = arith.constant 16 : i32
        %shift_left3A_964 = vector.broadcast %shift_left3A_963 : i32 to vector<16xi32>
        %shift_left3A_965 = arith.shli %bitcast3A_962, %shift_left3A_964 : vector<16xi32>
        %bitcast3A_966 = vector.bitcast %shift_left3A_965 : vector<16xi32> to vector<16xf32>
        %and3A_967 = arith.constant -65536 : i32
        %and3A_968 = vector.broadcast %and3A_967 : i32 to vector<16xi32>
        %and3A_969 = arith.andi %bitcast3A_962, %and3A_968 : vector<16xi32>
        %bitcast3A_970 = vector.bitcast %and3A_969 : vector<16xi32> to vector<16xf32>
        %add3A_971 = arith.addf %add3A_939, %bitcast3A_966 : vector<16xf32>
        %add3A_972 = arith.addf %add3A_940, %bitcast3A_970 : vector<16xf32>
        %get3A_973 = arith.constant 7 : i32
        %get3A_974 = arith.index_cast %get3A_973 : i32 to index
        %get3A_975 = arith.index_cast %scan3A_739 : i32 to index
        %get3A_976 = arith.constant 32 : index
        %get3A_977 = tpu.vector_load %arg7[%get3A_974, %get3A_975, %get3A_976] {strides = array<i32>} : memref<8x128x64xbf16, #tpu.memory_space<vmem>>, vector<32xbf16>,
        %bitcast3A_978 = vector.bitcast %get3A_977 : vector<32xbf16> to vector<16xi32>
        %shift_left3A_979 = arith.constant 16 : i32
        %shift_left3A_980 = vector.broadcast %shift_left3A_979 : i32 to vector<16xi32>
        %shift_left3A_981 = arith.shli %bitcast3A_978, %shift_left3A_980 : vector<16xi32>
        %bitcast3A_982 = vector.bitcast %shift_left3A_981 : vector<16xi32> to vector<16xf32>
        %and3A_983 = arith.constant -65536 : i32
        %and3A_984 = vector.broadcast %and3A_983 : i32 to vector<16xi32>
        %and3A_985 = arith.andi %bitcast3A_978, %and3A_984 : vector<16xi32>
        %bitcast3A_986 = vector.bitcast %and3A_985 : vector<16xi32> to vector<16xf32>
        %add3A_987 = arith.addf %add3A_955, %bitcast3A_982 : vector<16xf32>
        %add3A_988 = arith.addf %add3A_956, %bitcast3A_986 : vector<16xf32>
        %broadcast_in_dim3A = arith.constant 0 : i32
        %broadcast_in_dim3A_989 = vector.broadcast %broadcast_in_dim3A : i32 to vector<16xi32>
        %add3A_990 = vector.broadcast %scan3A_739 : i32 to vector<16xi32>
        %add3A_991 = arith.addi %broadcast_in_dim3A_989, %add3A_990 : vector<16xi32>
        %mul3A_992 = arith.constant 1.250000e-01 : f32
        %mul3A_993 = vector.broadcast %mul3A_992 : f32 to vector<16xf32>
        %mul3A_994 = arith.mulf %add3A_971, %mul3A_993 : vector<16xf32>
        tpu.vector_store_idx %arg9[%add3A_89, %select_n3A_148, %add3A_991], %mul3A_994 : memref<8x8x129xf32, #tpu.memory_space<vmem>>[vector<16xi32>, vector<16xi32>, vector<16xi32>], vector<16xf32>,
        %mul3A_995 = arith.constant 1.250000e-01 : f32
        %mul3A_996 = vector.broadcast %mul3A_995 : f32 to vector<16xf32>
        %mul3A_997 = arith.mulf %add3A_972, %mul3A_996 : vector<16xf32>
        tpu.vector_store_idx %arg9[%add3A_89, %select_n3A_201, %add3A_991], %mul3A_997 : memref<8x8x129xf32, #tpu.memory_space<vmem>>[vector<16xi32>, vector<16xi32>, vector<16xi32>], vector<16xf32>,
        %mul3A_998 = arith.constant 1.250000e-01 : f32
        %mul3A_999 = vector.broadcast %mul3A_998 : f32 to vector<16xf32>
        %mul3A_1000 = arith.mulf %add3A_987, %mul3A_999 : vector<16xf32>
        tpu.vector_store_idx %arg9[%add3A_123, %select_n3A_173, %add3A_991], %mul3A_1000 : memref<8x8x129xf32, #tpu.memory_space<vmem>>[vector<16xi32>, vector<16xi32>, vector<16xi32>], vector<16xf32>,
        %mul3A_1001 = arith.constant 1.250000e-01 : f32
        %mul3A_1002 = vector.broadcast %mul3A_1001 : f32 to vector<16xf32>
        %mul3A_1003 = arith.mulf %add3A_988, %mul3A_1002 : vector<16xf32>
        tpu.vector_store_idx %arg9[%add3A_123, %select_n3A_229, %add3A_991], %mul3A_1003 : memref<8x8x129xf32, #tpu.memory_space<vmem>>[vector<16xi32>, vector<16xi32>, vector<16xi32>], vector<16xf32>,
        %scan3A_1004 = arith.constant 1 : i32
        %scan3A_1005 = arith.addi %scan3A_739, %scan3A_1004 : i32
        %get3A_1006 = arith.constant 0 : i32
        %get3A_1007 = arith.index_cast %get3A_1006 : i32 to index
        %get3A_1008 = arith.index_cast %scan3A_1005 : i32 to index
        %get3A_1009 = arith.constant 0 : index
        %get3A_1010 = tpu.vector_load %arg7[%get3A_1007, %get3A_1008, %get3A_1009] {strides = array<i32>} : memref<8x128x64xbf16, #tpu.memory_space<vmem>>, vector<32xbf16>,
        %bitcast3A_1011 = vector.bitcast %get3A_1010 : vector<32xbf16> to vector<16xi32>
        %shift_left3A_1012 = arith.constant 16 : i32
        %shift_left3A_1013 = vector.broadcast %shift_left3A_1012 : i32 to vector<16xi32>
        %shift_left3A_1014 = arith.shli %bitcast3A_1011, %shift_left3A_1013 : vector<16xi32>
        %bitcast3A_1015 = vector.bitcast %shift_left3A_1014 : vector<16xi32> to vector<16xf32>
        %and3A_1016 = arith.constant -65536 : i32
        %and3A_1017 = vector.broadcast %and3A_1016 : i32 to vector<16xi32>
        %and3A_1018 = arith.andi %bitcast3A_1011, %and3A_1017 : vector<16xi32>
        %bitcast3A_1019 = vector.bitcast %and3A_1018 : vector<16xi32> to vector<16xf32>
        %get3A_1020 = arith.constant 0 : i32
        %get3A_1021 = arith.index_cast %get3A_1020 : i32 to index
        %get3A_1022 = arith.index_cast %scan3A_1005 : i32 to index
        %get3A_1023 = arith.constant 32 : index
        %get3A_1024 = tpu.vector_load %arg7[%get3A_1021, %get3A_1022, %get3A_1023] {strides = array<i32>} : memref<8x128x64xbf16, #tpu.memory_space<vmem>>, vector<32xbf16>,
        %bitcast3A_1025 = vector.bitcast %get3A_1024 : vector<32xbf16> to vector<16xi32>
        %shift_left3A_1026 = arith.constant 16 : i32
        %shift_left3A_1027 = vector.broadcast %shift_left3A_1026 : i32 to vector<16xi32>
        %shift_left3A_1028 = arith.shli %bitcast3A_1025, %shift_left3A_1027 : vector<16xi32>
        %bitcast3A_1029 = vector.bitcast %shift_left3A_1028 : vector<16xi32> to vector<16xf32>
        %and3A_1030 = arith.constant -65536 : i32
        %and3A_1031 = vector.broadcast %and3A_1030 : i32 to vector<16xi32>
        %and3A_1032 = arith.andi %bitcast3A_1025, %and3A_1031 : vector<16xi32>
        %bitcast3A_1033 = vector.bitcast %and3A_1032 : vector<16xi32> to vector<16xf32>
        %get3A_1034 = arith.constant 1 : i32
        %get3A_1035 = arith.index_cast %get3A_1034 : i32 to index
        %get3A_1036 = arith.index_cast %scan3A_1005 : i32 to index
        %get3A_1037 = arith.constant 0 : index
        %get3A_1038 = tpu.vector_load %arg7[%get3A_1035, %get3A_1036, %get3A_1037] {strides = array<i32>} : memref<8x128x64xbf16, #tpu.memory_space<vmem>>, vector<32xbf16>,
        %bitcast3A_1039 = vector.bitcast %get3A_1038 : vector<32xbf16> to vector<16xi32>
        %shift_left3A_1040 = arith.constant 16 : i32
        %shift_left3A_1041 = vector.broadcast %shift_left3A_1040 : i32 to vector<16xi32>
        %shift_left3A_1042 = arith.shli %bitcast3A_1039, %shift_left3A_1041 : vector<16xi32>
        %bitcast3A_1043 = vector.bitcast %shift_left3A_1042 : vector<16xi32> to vector<16xf32>
        %and3A_1044 = arith.constant -65536 : i32
        %and3A_1045 = vector.broadcast %and3A_1044 : i32 to vector<16xi32>
        %and3A_1046 = arith.andi %bitcast3A_1039, %and3A_1045 : vector<16xi32>
        %bitcast3A_1047 = vector.bitcast %and3A_1046 : vector<16xi32> to vector<16xf32>
        %add3A_1048 = arith.addf %bitcast3A_1015, %bitcast3A_1043 : vector<16xf32>
        %add3A_1049 = arith.addf %bitcast3A_1019, %bitcast3A_1047 : vector<16xf32>
        %get3A_1050 = arith.constant 1 : i32
        %get3A_1051 = arith.index_cast %get3A_1050 : i32 to index
        %get3A_1052 = arith.index_cast %scan3A_1005 : i32 to index
        %get3A_1053 = arith.constant 32 : index
        %get3A_1054 = tpu.vector_load %arg7[%get3A_1051, %get3A_1052, %get3A_1053] {strides = array<i32>} : memref<8x128x64xbf16, #tpu.memory_space<vmem>>, vector<32xbf16>,
        %bitcast3A_1055 = vector.bitcast %get3A_1054 : vector<32xbf16> to vector<16xi32>
        %shift_left3A_1056 = arith.constant 16 : i32
        %shift_left3A_1057 = vector.broadcast %shift_left3A_1056 : i32 to vector<16xi32>
        %shift_left3A_1058 = arith.shli %bitcast3A_1055, %shift_left3A_1057 : vector<16xi32>
        %bitcast3A_1059 = vector.bitcast %shift_left3A_1058 : vector<16xi32> to vector<16xf32>
        %and3A_1060 = arith.constant -65536 : i32
        %and3A_1061 = vector.broadcast %and3A_1060 : i32 to vector<16xi32>
        %and3A_1062 = arith.andi %bitcast3A_1055, %and3A_1061 : vector<16xi32>
        %bitcast3A_1063 = vector.bitcast %and3A_1062 : vector<16xi32> to vector<16xf32>
        %add3A_1064 = arith.addf %bitcast3A_1029, %bitcast3A_1059 : vector<16xf32>
        %add3A_1065 = arith.addf %bitcast3A_1033, %bitcast3A_1063 : vector<16xf32>
        %get3A_1066 = arith.constant 2 : i32
        %get3A_1067 = arith.index_cast %get3A_1066 : i32 to index
        %get3A_1068 = arith.index_cast %scan3A_1005 : i32 to index
        %get3A_1069 = arith.constant 0 : index
        %get3A_1070 = tpu.vector_load %arg7[%get3A_1067, %get3A_1068, %get3A_1069] {strides = array<i32>} : memref<8x128x64xbf16, #tpu.memory_space<vmem>>, vector<32xbf16>,
        %bitcast3A_1071 = vector.bitcast %get3A_1070 : vector<32xbf16> to vector<16xi32>
        %shift_left3A_1072 = arith.constant 16 : i32
        %shift_left3A_1073 = vector.broadcast %shift_left3A_1072 : i32 to vector<16xi32>
        %shift_left3A_1074 = arith.shli %bitcast3A_1071, %shift_left3A_1073 : vector<16xi32>
        %bitcast3A_1075 = vector.bitcast %shift_left3A_1074 : vector<16xi32> to vector<16xf32>
        %and3A_1076 = arith.constant -65536 : i32
        %and3A_1077 = vector.broadcast %and3A_1076 : i32 to vector<16xi32>
        %and3A_1078 = arith.andi %bitcast3A_1071, %and3A_1077 : vector<16xi32>
        %bitcast3A_1079 = vector.bitcast %and3A_1078 : vector<16xi32> to vector<16xf32>
        %add3A_1080 = arith.addf %add3A_1048, %bitcast3A_1075 : vector<16xf32>
        %add3A_1081 = arith.addf %add3A_1049, %bitcast3A_1079 : vector<16xf32>
        %get3A_1082 = arith.constant 2 : i32
        %get3A_1083 = arith.index_cast %get3A_1082 : i32 to index
        %get3A_1084 = arith.index_cast %scan3A_1005 : i32 to index
        %get3A_1085 = arith.constant 32 : index
        %get3A_1086 = tpu.vector_load %arg7[%get3A_1083, %get3A_1084, %get3A_1085] {strides = array<i32>} : memref<8x128x64xbf16, #tpu.memory_space<vmem>>, vector<32xbf16>,
        %bitcast3A_1087 = vector.bitcast %get3A_1086 : vector<32xbf16> to vector<16xi32>
        %shift_left3A_1088 = arith.constant 16 : i32
        %shift_left3A_1089 = vector.broadcast %shift_left3A_1088 : i32 to vector<16xi32>
        %shift_left3A_1090 = arith.shli %bitcast3A_1087, %shift_left3A_1089 : vector<16xi32>
        %bitcast3A_1091 = vector.bitcast %shift_left3A_1090 : vector<16xi32> to vector<16xf32>
        %and3A_1092 = arith.constant -65536 : i32
        %and3A_1093 = vector.broadcast %and3A_1092 : i32 to vector<16xi32>
        %and3A_1094 = arith.andi %bitcast3A_1087, %and3A_1093 : vector<16xi32>
        %bitcast3A_1095 = vector.bitcast %and3A_1094 : vector<16xi32> to vector<16xf32>
        %add3A_1096 = arith.addf %add3A_1064, %bitcast3A_1091 : vector<16xf32>
        %add3A_1097 = arith.addf %add3A_1065, %bitcast3A_1095 : vector<16xf32>
        %get3A_1098 = arith.constant 3 : i32
        %get3A_1099 = arith.index_cast %get3A_1098 : i32 to index
        %get3A_1100 = arith.index_cast %scan3A_1005 : i32 to index
        %get3A_1101 = arith.constant 0 : index
        %get3A_1102 = tpu.vector_load %arg7[%get3A_1099, %get3A_1100, %get3A_1101] {strides = array<i32>} : memref<8x128x64xbf16, #tpu.memory_space<vmem>>, vector<32xbf16>,
        %bitcast3A_1103 = vector.bitcast %get3A_1102 : vector<32xbf16> to vector<16xi32>
        %shift_left3A_1104 = arith.constant 16 : i32
        %shift_left3A_1105 = vector.broadcast %shift_left3A_1104 : i32 to vector<16xi32>
        %shift_left3A_1106 = arith.shli %bitcast3A_1103, %shift_left3A_1105 : vector<16xi32>
        %bitcast3A_1107 = vector.bitcast %shift_left3A_1106 : vector<16xi32> to vector<16xf32>
        %and3A_1108 = arith.constant -65536 : i32
        %and3A_1109 = vector.broadcast %and3A_1108 : i32 to vector<16xi32>
        %and3A_1110 = arith.andi %bitcast3A_1103, %and3A_1109 : vector<16xi32>
        %bitcast3A_1111 = vector.bitcast %and3A_1110 : vector<16xi32> to vector<16xf32>
        %add3A_1112 = arith.addf %add3A_1080, %bitcast3A_1107 : vector<16xf32>
        %add3A_1113 = arith.addf %add3A_1081, %bitcast3A_1111 : vector<16xf32>
        %get3A_1114 = arith.constant 3 : i32
        %get3A_1115 = arith.index_cast %get3A_1114 : i32 to index
        %get3A_1116 = arith.index_cast %scan3A_1005 : i32 to index
        %get3A_1117 = arith.constant 32 : index
        %get3A_1118 = tpu.vector_load %arg7[%get3A_1115, %get3A_1116, %get3A_1117] {strides = array<i32>} : memref<8x128x64xbf16, #tpu.memory_space<vmem>>, vector<32xbf16>,
        %bitcast3A_1119 = vector.bitcast %get3A_1118 : vector<32xbf16> to vector<16xi32>
        %shift_left3A_1120 = arith.constant 16 : i32
        %shift_left3A_1121 = vector.broadcast %shift_left3A_1120 : i32 to vector<16xi32>
        %shift_left3A_1122 = arith.shli %bitcast3A_1119, %shift_left3A_1121 : vector<16xi32>
        %bitcast3A_1123 = vector.bitcast %shift_left3A_1122 : vector<16xi32> to vector<16xf32>
        %and3A_1124 = arith.constant -65536 : i32
        %and3A_1125 = vector.broadcast %and3A_1124 : i32 to vector<16xi32>
        %and3A_1126 = arith.andi %bitcast3A_1119, %and3A_1125 : vector<16xi32>
        %bitcast3A_1127 = vector.bitcast %and3A_1126 : vector<16xi32> to vector<16xf32>
        %add3A_1128 = arith.addf %add3A_1096, %bitcast3A_1123 : vector<16xf32>
        %add3A_1129 = arith.addf %add3A_1097, %bitcast3A_1127 : vector<16xf32>
        %get3A_1130 = arith.constant 4 : i32
        %get3A_1131 = arith.index_cast %get3A_1130 : i32 to index
        %get3A_1132 = arith.index_cast %scan3A_1005 : i32 to index
        %get3A_1133 = arith.constant 0 : index
        %get3A_1134 = tpu.vector_load %arg7[%get3A_1131, %get3A_1132, %get3A_1133] {strides = array<i32>} : memref<8x128x64xbf16, #tpu.memory_space<vmem>>, vector<32xbf16>,
        %bitcast3A_1135 = vector.bitcast %get3A_1134 : vector<32xbf16> to vector<16xi32>
        %shift_left3A_1136 = arith.constant 16 : i32
        %shift_left3A_1137 = vector.broadcast %shift_left3A_1136 : i32 to vector<16xi32>
        %shift_left3A_1138 = arith.shli %bitcast3A_1135, %shift_left3A_1137 : vector<16xi32>
        %bitcast3A_1139 = vector.bitcast %shift_left3A_1138 : vector<16xi32> to vector<16xf32>
        %and3A_1140 = arith.constant -65536 : i32
        %and3A_1141 = vector.broadcast %and3A_1140 : i32 to vector<16xi32>
        %and3A_1142 = arith.andi %bitcast3A_1135, %and3A_1141 : vector<16xi32>
        %bitcast3A_1143 = vector.bitcast %and3A_1142 : vector<16xi32> to vector<16xf32>
        %add3A_1144 = arith.addf %add3A_1112, %bitcast3A_1139 : vector<16xf32>
        %add3A_1145 = arith.addf %add3A_1113, %bitcast3A_1143 : vector<16xf32>
        %get3A_1146 = arith.constant 4 : i32
        %get3A_1147 = arith.index_cast %get3A_1146 : i32 to index
        %get3A_1148 = arith.index_cast %scan3A_1005 : i32 to index
        %get3A_1149 = arith.constant 32 : index
        %get3A_1150 = tpu.vector_load %arg7[%get3A_1147, %get3A_1148, %get3A_1149] {strides = array<i32>} : memref<8x128x64xbf16, #tpu.memory_space<vmem>>, vector<32xbf16>,
        %bitcast3A_1151 = vector.bitcast %get3A_1150 : vector<32xbf16> to vector<16xi32>
        %shift_left3A_1152 = arith.constant 16 : i32
        %shift_left3A_1153 = vector.broadcast %shift_left3A_1152 : i32 to vector<16xi32>
        %shift_left3A_1154 = arith.shli %bitcast3A_1151, %shift_left3A_1153 : vector<16xi32>
        %bitcast3A_1155 = vector.bitcast %shift_left3A_1154 : vector<16xi32> to vector<16xf32>
        %and3A_1156 = arith.constant -65536 : i32
        %and3A_1157 = vector.broadcast %and3A_1156 : i32 to vector<16xi32>
        %and3A_1158 = arith.andi %bitcast3A_1151, %and3A_1157 : vector<16xi32>
        %bitcast3A_1159 = vector.bitcast %and3A_1158 : vector<16xi32> to vector<16xf32>
        %add3A_1160 = arith.addf %add3A_1128, %bitcast3A_1155 : vector<16xf32>
        %add3A_1161 = arith.addf %add3A_1129, %bitcast3A_1159 : vector<16xf32>
        %get3A_1162 = arith.constant 5 : i32
        %get3A_1163 = arith.index_cast %get3A_1162 : i32 to index
        %get3A_1164 = arith.index_cast %scan3A_1005 : i32 to index
        %get3A_1165 = arith.constant 0 : index
        %get3A_1166 = tpu.vector_load %arg7[%get3A_1163, %get3A_1164, %get3A_1165] {strides = array<i32>} : memref<8x128x64xbf16, #tpu.memory_space<vmem>>, vector<32xbf16>,
        %bitcast3A_1167 = vector.bitcast %get3A_1166 : vector<32xbf16> to vector<16xi32>
        %shift_left3A_1168 = arith.constant 16 : i32
        %shift_left3A_1169 = vector.broadcast %shift_left3A_1168 : i32 to vector<16xi32>
        %shift_left3A_1170 = arith.shli %bitcast3A_1167, %shift_left3A_1169 : vector<16xi32>
        %bitcast3A_1171 = vector.bitcast %shift_left3A_1170 : vector<16xi32> to vector<16xf32>
        %and3A_1172 = arith.constant -65536 : i32
        %and3A_1173 = vector.broadcast %and3A_1172 : i32 to vector<16xi32>
        %and3A_1174 = arith.andi %bitcast3A_1167, %and3A_1173 : vector<16xi32>
        %bitcast3A_1175 = vector.bitcast %and3A_1174 : vector<16xi32> to vector<16xf32>
        %add3A_1176 = arith.addf %add3A_1144, %bitcast3A_1171 : vector<16xf32>
        %add3A_1177 = arith.addf %add3A_1145, %bitcast3A_1175 : vector<16xf32>
        %get3A_1178 = arith.constant 5 : i32
        %get3A_1179 = arith.index_cast %get3A_1178 : i32 to index
        %get3A_1180 = arith.index_cast %scan3A_1005 : i32 to index
        %get3A_1181 = arith.constant 32 : index
        %get3A_1182 = tpu.vector_load %arg7[%get3A_1179, %get3A_1180, %get3A_1181] {strides = array<i32>} : memref<8x128x64xbf16, #tpu.memory_space<vmem>>, vector<32xbf16>,
        %bitcast3A_1183 = vector.bitcast %get3A_1182 : vector<32xbf16> to vector<16xi32>
        %shift_left3A_1184 = arith.constant 16 : i32
        %shift_left3A_1185 = vector.broadcast %shift_left3A_1184 : i32 to vector<16xi32>
        %shift_left3A_1186 = arith.shli %bitcast3A_1183, %shift_left3A_1185 : vector<16xi32>
        %bitcast3A_1187 = vector.bitcast %shift_left3A_1186 : vector<16xi32> to vector<16xf32>
        %and3A_1188 = arith.constant -65536 : i32
        %and3A_1189 = vector.broadcast %and3A_1188 : i32 to vector<16xi32>
        %and3A_1190 = arith.andi %bitcast3A_1183, %and3A_1189 : vector<16xi32>
        %bitcast3A_1191 = vector.bitcast %and3A_1190 : vector<16xi32> to vector<16xf32>
        %add3A_1192 = arith.addf %add3A_1160, %bitcast3A_1187 : vector<16xf32>
        %add3A_1193 = arith.addf %add3A_1161, %bitcast3A_1191 : vector<16xf32>
        %get3A_1194 = arith.constant 6 : i32
        %get3A_1195 = arith.index_cast %get3A_1194 : i32 to index
        %get3A_1196 = arith.index_cast %scan3A_1005 : i32 to index
        %get3A_1197 = arith.constant 0 : index
        %get3A_1198 = tpu.vector_load %arg7[%get3A_1195, %get3A_1196, %get3A_1197] {strides = array<i32>} : memref<8x128x64xbf16, #tpu.memory_space<vmem>>, vector<32xbf16>,
        %bitcast3A_1199 = vector.bitcast %get3A_1198 : vector<32xbf16> to vector<16xi32>
        %shift_left3A_1200 = arith.constant 16 : i32
        %shift_left3A_1201 = vector.broadcast %shift_left3A_1200 : i32 to vector<16xi32>
        %shift_left3A_1202 = arith.shli %bitcast3A_1199, %shift_left3A_1201 : vector<16xi32>
        %bitcast3A_1203 = vector.bitcast %shift_left3A_1202 : vector<16xi32> to vector<16xf32>
        %and3A_1204 = arith.constant -65536 : i32
        %and3A_1205 = vector.broadcast %and3A_1204 : i32 to vector<16xi32>
        %and3A_1206 = arith.andi %bitcast3A_1199, %and3A_1205 : vector<16xi32>
        %bitcast3A_1207 = vector.bitcast %and3A_1206 : vector<16xi32> to vector<16xf32>
        %add3A_1208 = arith.addf %add3A_1176, %bitcast3A_1203 : vector<16xf32>
        %add3A_1209 = arith.addf %add3A_1177, %bitcast3A_1207 : vector<16xf32>
        %get3A_1210 = arith.constant 6 : i32
        %get3A_1211 = arith.index_cast %get3A_1210 : i32 to index
        %get3A_1212 = arith.index_cast %scan3A_1005 : i32 to index
        %get3A_1213 = arith.constant 32 : index
        %get3A_1214 = tpu.vector_load %arg7[%get3A_1211, %get3A_1212, %get3A_1213] {strides = array<i32>} : memref<8x128x64xbf16, #tpu.memory_space<vmem>>, vector<32xbf16>,
        %bitcast3A_1215 = vector.bitcast %get3A_1214 : vector<32xbf16> to vector<16xi32>
        %shift_left3A_1216 = arith.constant 16 : i32
        %shift_left3A_1217 = vector.broadcast %shift_left3A_1216 : i32 to vector<16xi32>
        %shift_left3A_1218 = arith.shli %bitcast3A_1215, %shift_left3A_1217 : vector<16xi32>
        %bitcast3A_1219 = vector.bitcast %shift_left3A_1218 : vector<16xi32> to vector<16xf32>
        %and3A_1220 = arith.constant -65536 : i32
        %and3A_1221 = vector.broadcast %and3A_1220 : i32 to vector<16xi32>
        %and3A_1222 = arith.andi %bitcast3A_1215, %and3A_1221 : vector<16xi32>
        %bitcast3A_1223 = vector.bitcast %and3A_1222 : vector<16xi32> to vector<16xf32>
        %add3A_1224 = arith.addf %add3A_1192, %bitcast3A_1219 : vector<16xf32>
        %add3A_1225 = arith.addf %add3A_1193, %bitcast3A_1223 : vector<16xf32>
        %get3A_1226 = arith.constant 7 : i32
        %get3A_1227 = arith.index_cast %get3A_1226 : i32 to index
        %get3A_1228 = arith.index_cast %scan3A_1005 : i32 to index
        %get3A_1229 = arith.constant 0 : index
        %get3A_1230 = tpu.vector_load %arg7[%get3A_1227, %get3A_1228, %get3A_1229] {strides = array<i32>} : memref<8x128x64xbf16, #tpu.memory_space<vmem>>, vector<32xbf16>,
        %bitcast3A_1231 = vector.bitcast %get3A_1230 : vector<32xbf16> to vector<16xi32>
        %shift_left3A_1232 = arith.constant 16 : i32
        %shift_left3A_1233 = vector.broadcast %shift_left3A_1232 : i32 to vector<16xi32>
        %shift_left3A_1234 = arith.shli %bitcast3A_1231, %shift_left3A_1233 : vector<16xi32>
        %bitcast3A_1235 = vector.bitcast %shift_left3A_1234 : vector<16xi32> to vector<16xf32>
        %and3A_1236 = arith.constant -65536 : i32
        %and3A_1237 = vector.broadcast %and3A_1236 : i32 to vector<16xi32>
        %and3A_1238 = arith.andi %bitcast3A_1231, %and3A_1237 : vector<16xi32>
        %bitcast3A_1239 = vector.bitcast %and3A_1238 : vector<16xi32> to vector<16xf32>
        %add3A_1240 = arith.addf %add3A_1208, %bitcast3A_1235 : vector<16xf32>
        %add3A_1241 = arith.addf %add3A_1209, %bitcast3A_1239 : vector<16xf32>
        %get3A_1242 = arith.constant 7 : i32
        %get3A_1243 = arith.index_cast %get3A_1242 : i32 to index
        %get3A_1244 = arith.index_cast %scan3A_1005 : i32 to index
        %get3A_1245 = arith.constant 32 : index
        %get3A_1246 = tpu.vector_load %arg7[%get3A_1243, %get3A_1244, %get3A_1245] {strides = array<i32>} : memref<8x128x64xbf16, #tpu.memory_space<vmem>>, vector<32xbf16>,
        %bitcast3A_1247 = vector.bitcast %get3A_1246 : vector<32xbf16> to vector<16xi32>
        %shift_left3A_1248 = arith.constant 16 : i32
        %shift_left3A_1249 = vector.broadcast %shift_left3A_1248 : i32 to vector<16xi32>
        %shift_left3A_1250 = arith.shli %bitcast3A_1247, %shift_left3A_1249 : vector<16xi32>
        %bitcast3A_1251 = vector.bitcast %shift_left3A_1250 : vector<16xi32> to vector<16xf32>
        %and3A_1252 = arith.constant -65536 : i32
        %and3A_1253 = vector.broadcast %and3A_1252 : i32 to vector<16xi32>
        %and3A_1254 = arith.andi %bitcast3A_1247, %and3A_1253 : vector<16xi32>
        %bitcast3A_1255 = vector.bitcast %and3A_1254 : vector<16xi32> to vector<16xf32>
        %add3A_1256 = arith.addf %add3A_1224, %bitcast3A_1251 : vector<16xf32>
        %add3A_1257 = arith.addf %add3A_1225, %bitcast3A_1255 : vector<16xf32>
        %broadcast_in_dim3A_1258 = arith.constant 0 : i32
        %broadcast_in_dim3A_1259 = vector.broadcast %broadcast_in_dim3A_1258 : i32 to vector<16xi32>
        %add3A_1260 = vector.broadcast %scan3A_1005 : i32 to vector<16xi32>
        %add3A_1261 = arith.addi %broadcast_in_dim3A_1259, %add3A_1260 : vector<16xi32>
        %mul3A_1262 = arith.constant 1.250000e-01 : f32
        %mul3A_1263 = vector.broadcast %mul3A_1262 : f32 to vector<16xf32>
        %mul3A_1264 = arith.mulf %add3A_1240, %mul3A_1263 : vector<16xf32>
        tpu.vector_store_idx %arg9[%add3A_89, %select_n3A_148, %add3A_1261], %mul3A_1264 : memref<8x8x129xf32, #tpu.memory_space<vmem>>[vector<16xi32>, vector<16xi32>, vector<16xi32>], vector<16xf32>,
        %mul3A_1265 = arith.constant 1.250000e-01 : f32
        %mul3A_1266 = vector.broadcast %mul3A_1265 : f32 to vector<16xf32>
        %mul3A_1267 = arith.mulf %add3A_1241, %mul3A_1266 : vector<16xf32>
        tpu.vector_store_idx %arg9[%add3A_89, %select_n3A_201, %add3A_1261], %mul3A_1267 : memref<8x8x129xf32, #tpu.memory_space<vmem>>[vector<16xi32>, vector<16xi32>, vector<16xi32>], vector<16xf32>,
        %mul3A_1268 = arith.constant 1.250000e-01 : f32
        %mul3A_1269 = vector.broadcast %mul3A_1268 : f32 to vector<16xf32>
        %mul3A_1270 = arith.mulf %add3A_1256, %mul3A_1269 : vector<16xf32>
        tpu.vector_store_idx %arg9[%add3A_123, %select_n3A_173, %add3A_1261], %mul3A_1270 : memref<8x8x129xf32, #tpu.memory_space<vmem>>[vector<16xi32>, vector<16xi32>, vector<16xi32>], vector<16xf32>,
        %mul3A_1271 = arith.constant 1.250000e-01 : f32
        %mul3A_1272 = vector.broadcast %mul3A_1271 : f32 to vector<16xf32>
        %mul3A_1273 = arith.mulf %add3A_1257, %mul3A_1272 : vector<16xf32>
        tpu.vector_store_idx %arg9[%add3A_123, %select_n3A_229, %add3A_1261], %mul3A_1273 : memref<8x8x129xf32, #tpu.memory_space<vmem>>[vector<16xi32>, vector<16xi32>, vector<16xi32>], vector<16xf32>,
      }
      %scan3A_717 = arith.constant 128 : i32
      %add3A_718 = arith.constant 1 : i32
      %add3A_719 = arith.addi %mul3A_380, %add3A_718 : i32
      %add3A_720 = arith.addi %mul3A_50, %add3A_719 : i32
      %dma_start3A_721 = arith.constant 0 : i32
      %dma_start3A_722 = arith.constant 0 : i32
      %dma_start3A_723 = arith.constant 0 : i32
      %dma_start3A_724 = tpu.memref_slice %arg9[%dma_start3A_721, %dma_start3A_722, %dma_start3A_723] : memref<8x8x129xf32, #tpu.memory_space<vmem>> -> memref<8x8x128xf32, #tpu.memory_space<vmem>>
      %dma_start3A_725 = arith.constant 0 : i32
      %dma_start3A_726 = arith.constant 0 : i32
      %dma_start3A_727 = arith.constant 0 : i32
      %dma_start3A_728 = tpu.memref_slice %arg4[%select_n3A, %dma_start3A_725, %add3A_720, %dma_start3A_726, %dma_start3A_727] : memref<16x8x32x8x128xf32, #tpu.memory_space<hbm>> -> memref<1x8x1x8x128xf32, #tpu.memory_space<hbm>>
      %dma_start3A_729 = tpu.memref_squeeze %dma_start3A_728 : memref<1x8x1x8x128xf32, #tpu.memory_space<hbm>> -> memref<8x8x128xf32, #tpu.memory_space<hbm>>
      %dma_start3A_730 = arith.constant 0 : i32
      %dma_start3A_731 = arith.constant 0 : i32
      %dma_start3A_732 = arith.constant 0 : i32
      %dma_start3A_733 = tpu.memref_slice %arg4[%select_n3A, %dma_start3A_730, %add3A_720, %dma_start3A_731, %dma_start3A_732] : memref<16x8x32x8x128xf32, #tpu.memory_space<hbm>> -> memref<1x8x1x8x128xf32, #tpu.memory_space<hbm>>
      %dma_start3A_734 = tpu.memref_squeeze %dma_start3A_733 : memref<1x8x1x8x128xf32, #tpu.memory_space<hbm>> -> memref<8x8x128xf32, #tpu.memory_space<hbm>>
      %dma_start3A_735 = arith.constant 0 : i32
      %dma_start3A_736 = arith.constant 0 : i32
      %dma_start3A_737 = arith.constant 0 : i32
      %dma_start3A_738 = tpu.memref_slice %arg9[%dma_start3A_735, %dma_start3A_736, %dma_start3A_737] : memref<8x8x129xf32, #tpu.memory_space<vmem>> -> memref<8x8x128xf32, #tpu.memory_space<vmem>>
      tpu.enqueue_dma source(%dma_start3A_738 : memref<8x8x128xf32, #tpu.memory_space<vmem>>) target(%dma_start3A_734 : memref<8x8x128xf32, #tpu.memory_space<hbm>>) target_semaphore(%arg13 : memref<!tpu.dma_semaphore, #tpu.memory_space<semaphore_mem>>)
    }
    %scan3A_338 = arith.constant 8 : i32
    %add3A_339 = arith.constant 14 : i32
    %add3A_340 = arith.addi %mul3A_50, %add3A_339 : i32
    %dma_wait3A = arith.constant 0 : i32
    %dma_wait3A_341 = arith.constant 0 : i32
    %dma_wait3A_342 = arith.constant 0 : i32
    %dma_wait3A_343 = tpu.memref_slice %arg8[%dma_wait3A, %dma_wait3A_341, %dma_wait3A_342] : memref<8x8x129xf32, #tpu.memory_space<vmem>> -> memref<8x8x128xf32, #tpu.memory_space<vmem>>
    %dma_wait3A_344 = arith.constant 0 : i32
    %dma_wait3A_345 = arith.constant 0 : i32
    %dma_wait3A_346 = arith.constant 0 : i32
    %dma_wait3A_347 = tpu.memref_slice %arg4[%select_n3A, %dma_wait3A_344, %add3A_340, %dma_wait3A_345, %dma_wait3A_346] : memref<16x8x32x8x128xf32, #tpu.memory_space<hbm>> -> memref<1x8x1x8x128xf32, #tpu.memory_space<hbm>>
    %dma_wait3A_348 = tpu.memref_squeeze %dma_wait3A_347 : memref<1x8x1x8x128xf32, #tpu.memory_space<hbm>> -> memref<8x8x128xf32, #tpu.memory_space<hbm>>
    %dma_wait3A_349 = arith.constant 0 : i32
    %dma_wait3A_350 = arith.constant 0 : i32
    %dma_wait3A_351 = arith.constant 0 : i32
    %dma_wait3A_352 = tpu.memref_slice %arg4[%select_n3A, %dma_wait3A_349, %add3A_340, %dma_wait3A_350, %dma_wait3A_351] : memref<16x8x32x8x128xf32, #tpu.memory_space<hbm>> -> memref<1x8x1x8x128xf32, #tpu.memory_space<hbm>>
    %dma_wait3A_353 = tpu.memref_squeeze %dma_wait3A_352 : memref<1x8x1x8x128xf32, #tpu.memory_space<hbm>> -> memref<8x8x128xf32, #tpu.memory_space<hbm>>
    %dma_wait3A_354 = arith.constant 0 : i32
    %dma_wait3A_355 = arith.constant 0 : i32
    %dma_wait3A_356 = arith.constant 0 : i32
    %dma_wait3A_357 = tpu.memref_slice %arg8[%dma_wait3A_354, %dma_wait3A_355, %dma_wait3A_356] : memref<8x8x129xf32, #tpu.memory_space<vmem>> -> memref<8x8x128xf32, #tpu.memory_space<vmem>>
    tpu.wait_dma2 semaphore(%arg12 : memref<!tpu.dma_semaphore, #tpu.memory_space<semaphore_mem>>) src(%dma_wait3A_357 : memref<8x8x128xf32, #tpu.memory_space<vmem>>) dst(%dma_wait3A_353 : memref<8x8x128xf32, #tpu.memory_space<hbm>>)
    %add3A_358 = arith.constant 15 : i32
    %add3A_359 = arith.addi %mul3A_50, %add3A_358 : i32
    %dma_wait3A_360 = arith.constant 0 : i32
    %dma_wait3A_361 = arith.constant 0 : i32
    %dma_wait3A_362 = arith.constant 0 : i32
    %dma_wait3A_363 = tpu.memref_slice %arg9[%dma_wait3A_360, %dma_wait3A_361, %dma_wait3A_362] : memref<8x8x129xf32, #tpu.memory_space<vmem>> -> memref<8x8x128xf32, #tpu.memory_space<vmem>>
    %dma_wait3A_364 = arith.constant 0 : i32
    %dma_wait3A_365 = arith.constant 0 : i32
    %dma_wait3A_366 = arith.constant 0 : i32
    %dma_wait3A_367 = tpu.memref_slice %arg4[%select_n3A, %dma_wait3A_364, %add3A_359, %dma_wait3A_365, %dma_wait3A_366] : memref<16x8x32x8x128xf32, #tpu.memory_space<hbm>> -> memref<1x8x1x8x128xf32, #tpu.memory_space<hbm>>
    %dma_wait3A_368 = tpu.memref_squeeze %dma_wait3A_367 : memref<1x8x1x8x128xf32, #tpu.memory_space<hbm>> -> memref<8x8x128xf32, #tpu.memory_space<hbm>>
    %dma_wait3A_369 = arith.constant 0 : i32
    %dma_wait3A_370 = arith.constant 0 : i32
    %dma_wait3A_371 = arith.constant 0 : i32
    %dma_wait3A_372 = tpu.memref_slice %arg4[%select_n3A, %dma_wait3A_369, %add3A_359, %dma_wait3A_370, %dma_wait3A_371] : memref<16x8x32x8x128xf32, #tpu.memory_space<hbm>> -> memref<1x8x1x8x128xf32, #tpu.memory_space<hbm>>
    %dma_wait3A_373 = tpu.memref_squeeze %dma_wait3A_372 : memref<1x8x1x8x128xf32, #tpu.memory_space<hbm>> -> memref<8x8x128xf32, #tpu.memory_space<hbm>>
    %dma_wait3A_374 = arith.constant 0 : i32
    %dma_wait3A_375 = arith.constant 0 : i32
    %dma_wait3A_376 = arith.constant 0 : i32
    %dma_wait3A_377 = tpu.memref_slice %arg9[%dma_wait3A_374, %dma_wait3A_375, %dma_wait3A_376] : memref<8x8x129xf32, #tpu.memory_space<vmem>> -> memref<8x8x128xf32, #tpu.memory_space<vmem>>
    tpu.wait_dma2 semaphore(%arg13 : memref<!tpu.dma_semaphore, #tpu.memory_space<semaphore_mem>>) src(%dma_wait3A_377 : memref<8x8x128xf32, #tpu.memory_space<vmem>>) dst(%dma_wait3A_373 : memref<8x8x128xf32, #tpu.memory_space<hbm>>)
    return
  }
}

</mosaic_0001>

<sc_bundles>
// kernel: kernel.3.cloned.1.call-start
scs
__scs_entry_jumppad:
0x0: {  	(pc) =	sbr.rel $0x88, $3  }
0x1: {  	(tag) =	ssettag $0x0;
	lr =	simm.s32 $0x1  }
0x2: {  	[smem:$0x3F9F] =	sst lr;
	_ =	strace $0xD0000000  }
0x3: {  	_ = 	snop  }
0x4: {  	_ = 	snop  }
0x5: {  	_ = 	snop  }
0x6: {  	_ = 	snop  }
0x7: {  	_ = 	snop  }
__scs_overlays_trampoline_lowered:
0x8: {  	[smem:$0x3FAE] =	sst s0  }
0x9: {  	[smem:$0x3FAF] =	sst s1  }
0xa: {  	[smem:$0x3FB0] =	sst s2  }
0xb: {  	[smem:$0x3FB1] =	sst s3  }
0xc: {  	[smem:$0x3FB2] =	sst s4  }
0xd: {  	[smem:$0x3FB3] =	sst s5  }
0xe: {  	[smem:$0x3FB4] =	sst s6  }
0xf: {  	[smem:$0x3FB5] =	sst s7  }
0x10: {  	[smem:$0x3FB6] =	sst s8  }
0x11: {  	[smem:$0x3FB7] =	sst s9;
	s0 =	simm.s32 @!p0 $0x0  }
0x12: {  	s1 =	sld [smem:$0x3F9D];
	s0 =	simm.s32 @p0 $0x1  }
0x13: {  	[smem:$0x3FB8] =	sst s0;
	s0 =	simm.s32 @!p1 $0x0  }
0x14: {  	s2 =	sld [smem:$0x3F9C];
	s0 =	simm.s32 @p1 $0x1  }
0x15: {  	[smem:$0x3FB9] =	sst s0;
	s0 =	simm.s32 @!p2 $0x0  }
0x16: {  	s3 =	sld [smem:$0x3FDB];
	s0 =	simm.s32 @p2 $0x1  }
0x17: {  	s4 =	simm.s32 $0x1BF5;
	[smem:$0x3FBB] =	sst s0  }
0x18: {  	s0 =	sld [smem:$0x3F9E];
	_ =	swait.ge [sflag:s4], $0x0  }
0x19: {  	s7 =	sld [smem:$0x3F9F]  }
0x1a: {  	s8 =	sadd.s32 $0xFFFFE003, lr  }
0x1b: {  	s9 =	sadd.s32 $0xFFFFFEF7, lr;
	s5 =	simm.s32 $0xFFFFFFFF;
	p2 =	slt.u32 s8, $0xFFFFF086  }
0x1c: {  	p1 =	slt.u32 s9, $0xF7A;
	s5 =	simm.s32 @!p2 $0x0  }
0x1d: {  	s5 =	simm.s32 @p1 $0x1;
	p0 =	seq.s32 s7, s2  }
0x1e: {  	s7 =	smul.u32 @!p0 $0xF7A, s2;
	p2 =	seq.s32 @!p0 s5, $0x0  }
0x1f: {  	s9 =	smul.u32 $0xF7A, s1;
	s8 =	simm.s32 @!p0 $0x1BF5;
	p2 =	por !p2, p0  }
0x20: {  	[sflag:s8] =	ssyncset.s32 @!p0 $0xFFFFF086;
	s6 =	sadd.s32 @!p0 s3, s7;
	s7 =	simm.s32 @!p0 $0x108  }
0x21: {  	s3 =	sadd.s32 s3, s9;
	s6 =	sadd.s32 @!p0 $0x88, s6;
	s7 =	simm.s32 @p2 $0x1082  }
0x22: {  	[simem:s7], [sflag:s8] =	dma.local @!p0 [hbm:s6], $0xF7A  }
0x23: {  	s9 =	sor.u32 $0xD0000000, s2;
	s6 =	simm.s32 $0x108;
	_ =	swait.ge @!p0 [sflag:s8], $0x0  }
0x24: {  	s3 =	sadd.s32 $0x88, s3;
	s6 =	simm.s32 @!p1 $0x1082;
	[sflag:s4] =	ssyncset.s32 $0xFFFFF086  }
0x25: {  	[simem:s6], [sflag:s4] =	dma.local [hbm:s3], $0xF7A  }
0x26: {  	[smem:$0x3F9F] =	sst s1;
	(tag) =	ssettag s2;
	_ =	strace s9  }
0x27: {  	s1 =	sld [smem:$0x3FAF]  }
0x28: {  	s2 =	sld [smem:$0x3FB0]  }
0x29: {  	s4 =	sld [smem:$0x3FB2]  }
0x2a: {  	p0 =	seq.s32 s5, $0x0;
	s5 =	sld [smem:$0x3FB3]  }
0x2b: {  	s6 =	sld [smem:$0x3FB4]  }
0x2c: {  	s7 =	sld [smem:$0x3FB5]  }
0x2d: {  	s3 =	simm.s32 $0x108;
	s8 =	sld [smem:$0x3FB6]  }
0x2e: {  	s3 =	simm.s32 @!p0 $0x1082;
	s9 =	sld [smem:$0x3FB7]  }
0x2f: {  	lr =	sadd.s32 s0, s3;
	s0 =	sld [smem:$0x3FAE]  }
0x30: {  	s3 =	sld [smem:$0x3FB1]  }
0x31: {  	[smem:$0x3FBA] =	sst s10  }
0x32: {  	s10 =	sld [smem:$0x3FB8];
	_ =	sdelay $0x3  }
0x33: {  	p0 =	seq.s32 s10, $0x1;
	s10 =	sld [smem:$0x3FBA];
	_ =	sdelay $0x3  }
0x34: {  	[smem:$0x3FBA] =	sst s10  }
0x35: {  	s10 =	sld [smem:$0x3FB9];
	_ =	sdelay $0x3  }
0x36: {  	p1 =	seq.s32 s10, $0x1;
	s10 =	sld [smem:$0x3FBA];
	_ =	sdelay $0x3  }
0x37: {  	[smem:$0x3FBA] =	sst s10  }
0x38: {  	s10 =	sld [smem:$0x3FBB]  }
0x39: {  	_ = 	snop;
	(pc) =	sbr.ind lr, $3  }
0x3a: {  	_ = 	snop  }
0x3b: {  	_ = 	snop  }
0x3c: {  	p2 =	seq.s32 s10, $0x1;
	s10 =	sld [smem:$0x3FBA]  }
0x3d: {  	_ =	shalt  }
0x3e: {  	_ =	shalt  }
0x3f: {  	_ =	shalt  }
0x40: {  	_ =	shalt  }
0x41: {  	_ =	shalt  }
0x42: {  	_ =	shalt  }
0x43: {  	_ =	shalt  }
0x44: {  	_ =	shalt  }
0x45: {  	_ =	shalt  }
0x46: {  	_ =	shalt  }
0x47: {  	_ =	shalt  }
0x48: {  	_ =	shalt  }
0x49: {  	_ =	shalt  }
0x4a: {  	_ =	shalt  }
0x4b: {  	_ =	shalt  }
0x4c: {  	_ =	shalt  }
0x4d: {  	_ =	shalt  }
0x4e: {  	_ =	shalt  }
0x4f: {  	_ =	shalt  }
0x50: {  	_ =	shalt  }
0x51: {  	_ =	shalt  }
0x52: {  	_ =	shalt  }
0x53: {  	_ =	shalt  }
0x54: {  	_ =	shalt  }
0x55: {  	_ =	shalt  }
0x56: {  	_ =	shalt  }
0x57: {  	_ =	shalt  }
0x58: {  	_ =	shalt  }
0x59: {  	_ =	shalt  }
0x5a: {  	_ =	shalt  }
0x5b: {  	_ =	shalt  }
0x5c: {  	_ =	shalt  }
0x5d: {  	_ =	shalt  }
0x5e: {  	_ =	shalt  }
0x5f: {  	_ =	shalt  }
0x60: {  	_ =	shalt  }
0x61: {  	_ =	shalt  }
0x62: {  	_ =	shalt  }
0x63: {  	_ =	shalt  }
0x64: {  	_ =	shalt  }
0x65: {  	_ =	shalt  }
0x66: {  	_ =	shalt  }
0x67: {  	_ =	shalt  }
0x68: {  	_ =	shalt  }
0x69: {  	_ =	shalt  }
0x6a: {  	_ =	shalt  }
0x6b: {  	_ =	shalt  }
0x6c: {  	_ =	shalt  }
0x6d: {  	_ =	shalt  }
0x6e: {  	_ =	shalt  }
0x6f: {  	_ =	shalt  }
0x70: {  	_ =	shalt  }
0x71: {  	_ =	shalt  }
0x72: {  	_ =	shalt  }
0x73: {  	_ =	shalt  }
0x74: {  	_ =	shalt  }
0x75: {  	_ =	shalt  }
0x76: {  	_ =	shalt  }
0x77: {  	_ =	shalt  }
0x78: {  	_ =	shalt  }
0x79: {  	_ =	shalt  }
0x7a: {  	_ =	shalt  }
0x7b: {  	_ =	shalt  }
0x7c: {  	_ =	shalt  }
0x7d: {  	_ =	shalt  }
0x7e: {  	_ =	shalt  }
0x7f: {  	_ =	shalt  }
0x80: {  	_ =	shalt  }
0x81: {  	_ =	shalt  }
0x82: {  	_ =	shalt  }
0x83: {  	_ =	shalt  }
0x84: {  	_ =	shalt  }
0x85: {  	_ =	shalt  }
0x86: {  	_ =	shalt  }
0x87: {  	_ =	shalt  }
.Lfunc_end0:
.L_simem_size_0:
called_computation_lowered:
.L_overlay_start_0:
0x88: {  	s2 =	sld [smem:$0x3FD9]  }
0x89: {  	s3 =	sld [smem:$0x3FFE];
	_ =	sdelay $0x1  }
0x8a: {  	s1 =	srdreg.scid  }
0x8b: {  	s0 =	sand.u32 $0x1, s1  }
0x8c: {  	s17 =	sshll.u32 s0, $0xA;
	s2 =	sadd.s32 s3, s2  }
0x8d: {  	s2 =	sadd.s32 s2, s17  }
0x8e: {  	[smem:$0x3FC6] =	sst s2  }
0x8f: {  	_ = 	snop  }
0x90: {  	s2 =	sld [smem:$0x3FC9]  }
0x91: {  	s18 =	sld [smem:$0x3FD0];
	(tm) =	ssettm $0x1  }
0x92: {  	s4 =	sld [smem:$0x3FFB];
	_ =	sdelay $0x3  }
0x93: {  	_ =	strace s4  }
0x94: {  	s4 =	sld [smem:$0x3FFC];
	_ =	sdelay $0x3  }
0x95: {  	_ =	strace s4  }
0x96: {  	s4 =	sld [smem:$0x3FFD];
	_ =	sdelay $0x3  }
0x97: {  	_ =	strace s4  }
0x98: {  	_ =	strace $0x8FFFFFFF  }
0x99: {  	s19 =	sld [smem:$0x3FDB];
	_ =	sdelay $0x1  }
0x9a: {  	s5 =	simm.s32 $_scs_section_size  }
0x9b: {  	s6 =	simm.s32 $_size__tile_overlayer_lowered;
	s7 =	simm.s32 $_tile_overlayer_lowered  }
0x9c: {  	s22 =	simm.s32 $0x1BFF;
	s21 =	sshll.u32 s7, $0x1;
	s4 =	sadd.s32 s5, s19  }
0x9d: {  	s8 =	simm.s32 $0x0;
	s20 =	sshll.u32 s6, $0x1;
	s6 =	sadd.s32 s21, s4  }
0x9e: {  	[timem:s8], [sflag:s22] =	dma.local [hbm:s6], s20  }
0x9f: {  	_ =	swait.ge [sflag:s22], s20  }
0xa0: {  	s5 =	ssub.s32 $0x0, s20;
	[sflag:s22] =	ssyncset.done $0x0  }
0xa1: {  	[sflag:s22] =	ssyncadd.s32 s5;
	_ =	sdelay $0x1  }
0xa2: {  	s23 =	simm.s32 $0x1B8B  }
0xa3: {  	_ =	swait.ge [sflag:s23], $0x1  }
0xa4: {  	[sflag:s23] =	ssyncset.done $0x0  }
0xa5: {  	s25 =	simm.s32 $0x1B8E;
	s24 =	sld [smem:$0x3FFE];
	[sflag:s23] =	ssyncadd.s32 $0xFFFFFFFF  }
0xa6: {  	s26 =	simm.s32 $execute0_lowered;
	[smem:$0x3FD2] =	sst s25  }
0xa7: {  	s6 =	sshll.u32 s26, $0x1;
	_ =	strace $0x80000046;
	[dreg:$0x1] =	wrdreg $0xFFFFFFFF  }
0xa8: {  	s28 =	simm.s32 $_size_execute0_lowered;
	s4 =	sadd.s32 s4, s6;
	[dreg:$0x0] =	wrdreg $0x0  }
0xa9: {  	s6 =	sshll.u32 s28, $0x1;
	[dreg:$0x2] =	wrdreg s4  }
0xaa: {  	[dreg:$0x3] =	wrdreg s6  }
0xab: {  	[dreg:$0x4] =	wrdreg $0xC0  }
0xac: {  	_ =	task [dreg:s8], $0x5FFFF  }
0xad: {  	[dreg:$0x1] =	wrdreg $0xFFFFFFFF  }
0xae: {  	[dreg:$0x0] =	wrdreg $0x60  }
0xaf: {  	[dreg:$0x2] =	wrdreg s2  }
0xb0: {  	[dreg:$0x3] =	wrdreg s24  }
0xb1: {  	[dreg:$0x4] =	wrdreg s18  }
0xb2: {  	[dreg:$0x5] =	wrdreg $0x9  }
0xb3: {  	_ =	task.clear_ibuf [dreg:s8], $0x6FFFF;
	_ =	strace $0x90000046  }
0xb4: {  	s29 =	simm.s32 $0x9;
	_ =	strace $0x80000048  }
0xb5: {  	_ =	swait.ge [sflag:s29], $0x1  }
0xb6: {  	[sflag:s29] =	ssyncadd.s32 $0xFFFFFFFF  }
0xb7: {  	_ =	strace $0x90000048  }
0xb8: {  	_ =	sfence  }
0xb9: {  	s30 =	sld [smem:$0x0];
	_ =	sdelay $0x2  }
0xba: {  	s31 =	sshll.u32 s1, $0xD;
	s1 =	sshrl.u32 s1, $0x2  }
0xbb: {  	s3 =	sand.u32 $0x4000, s31;
	s1 =	sadd.s32 s1, s30  }
0xbc: {  	s0 =	sor.u32 s3, s0;
	s1 =	sshll.u32 s1, $0x11  }
0xbd: {  	s0 =	sor.u32 s1, s0  }
0xbe: {  	s0 =	sadd.s32 $0x8F2B, s0  }
0xbf: {  	[sflag:s0] =	ssyncadd.remote.s32 $0x1  }
0xc0: {  	_ =	sfence.sel $0xFFFF  }
0xc1: {  	[dreg:$0x0] =	wrdreg $0xFFFFFFFF;
	(pc) =	sbr.abs _section_cstart, $3  }
0xc2: {  	[dreg:$0x1] =	wrdreg $0xFFFFFFFF  }
0xc3: {  	_ =	task.clear_ibuf [dreg:s8], $0x2FFFF;
	_ =	strace $0x9FFFFFFF  }
0xc4: {  	(tm) =	ssettm $0x7FFFFFFF  }
0xc5: {  	_ =	shalt  }
tec
execute0_lowered:
.L_overlay_start_1:
0x0: {  	(tag) =	ssettag $0x1  }
0x1: {  	s1 =	rddreg [dreg:$0x0]  }
0x2: {  	s0 =	srdreg.scid;
	s4 =	rddreg [dreg:$0x1]  }
0x3: {  	s7 =	stileid.u32;
	s2 =	rddreg [dreg:$0x2]  }
0x4: {  	s5 =	simm.s32 $0x1;
	s11 =	simm.s32 $0x80;
	s28 =	simm.s32 $0xD000  }
0x5: {  	s29 =	simm.s32 $0xE000;
	s30 =	simm.s32 $0xF000;
	s31 =	simm.s32 $0x10000  }
0x6: {  	s12 =	simm.s32 $0x13000;
	s13 =	simm.s32 $0x14000;
	s0 =	sand.u32 $0x1, s0  }
0x7: {  	s14 =	simm.s32 $0x2;
	s15 =	simm.s32 $0x16200;
	s3 =	sor.u32 s0, s7  }
0x8: {  	s16 =	simm.s32 $0x3;
	p1 =	seq.s32 s0, $0x1;
	p0 =	seq.s32 s3, $0x0  }
0x9: {  	s17 =	simm.s32 $0x4;
	s18 =	simm.s32 $0x0;
	p0 =	por !p0, !p1  }
0xa: {  	s4 =	sadd.s32 $0x400, s4;
	s6 =	ssub.s32 $0x2, s0;
	p0 =	por !p0, !p0  }
0xb: {  	s9 =	sshll.u32 s0, $0xE;
	s3 =	simm.s32 $0x0;
	s5 =	simm.s32 @!p0 $0x0  }
0xc: {  	s24 =	sshrl.u32 s6, $0x1;
	[smem:$0x7FF] =	sst s3;
	s7 =	ssub.s32 s7, s5  }
0xd: {  	s10 =	ssub.s32 s6, s24;
	s6 =	sshll.u32 s0, $0x4;
	s8 =	sshll.u32 s7, $0xF  }
0xe: {  	v0 =	vlaneseq.u32;
	_ =	strace $0x80000047;
	s26 =	smax.u32 s10, $0x1;
	s8 =	sor.u32 s9, s8  }
0xf: {  	v0 =	vmul.u32 $0x110, v0;
	[dreg:$0x5] =	wrdreg s26;
	s26 =	simm.s32 $0xC000;
	s25 =	sshrl.u32 s8, $0x3  }
0x10: {  	s5 =	simm.s32 $0x1;
	s8 =	sshll.u32 s7, $0x12;
	s0 =	sadd.s32 s1, s25  }
0x11: {  	v1 =	vadd.s32 $0x88, v0;
	v2 =	vadd.s32 $0x1100, v0;
	v3 =	vadd.s32 $0x1188, v0;
	s1 =	simm.s32 $0x11000;
	[dreg:$0x4] =	wrdreg s0;
	s0 =	simm.s32 $0x12000  }
.LBB2_1:
0x12: {  	s7 =	rddreg [dreg:$0x4];
	s25 =	simm.s32 $0x5  }
0x13: {  	[tilespmem:s3], [sflag:$0x5] =	stream.linear.gather [hbm4b:s7+s3], $0x4000, $0x38;
	[tilespmem:$0x18400] =	vst v63  }
0x14: {  	_ =	swait.ge [sflag:s25], $0x4000  }
0x15: {  	[sflag:s25] =	ssyncset.done $0x0  }
0x16: {  	s19 =	simm.s32 $0x0;
	[sflag:s25] =	ssyncadd.s32 $0xFFFFC000  }
0x17: {  	v4 =	vld [tilespmem:s19+$0x80]  }
0x18: {  	v5 =	vld [tilespmem:s19+$0x90]  }
0x19: {  	v6 =	vld [tilespmem:s19+$0xA0]  }
0x1a: {  	v7 =	vld [tilespmem:s19+$0xB0]  }
0x1b: {  	v8 =	vld [tilespmem:s19+$0xC0]  }
0x1c: {  	v9 =	vld [tilespmem:s19+$0xD0];
	v4 =	vadd.s32 $0x800, v4  }
0x1d: {  	[tilespmem:s19+$0x80] =	vst v4;
	v4 =	vadd.s32 $0x800, v5;
	v5 =	vld [tilespmem:s19+$0xE0]  }
0x1e: {  	[tilespmem:s19+$0x90] =	vst v4;
	v4 =	vadd.s32 $0x800, v6;
	v6 =	vld [tilespmem:s19+$0xF0]  }
0x1f: {  	[tilespmem:s19+$0xA0] =	vst v4;
	v4 =	vadd.s32 $0x800, v7;
	v7 =	vld [tilespmem:s19+$0x100]  }
0x20: {  	[tilespmem:s19+$0xB0] =	vst v4;
	v4 =	vadd.s32 $0x800, v8;
	v8 =	vld [tilespmem:s19+$0x110]  }
0x21: {  	[tilespmem:s19+$0xC0] =	vst v4;
	v4 =	vadd.s32 $0x800, v9;
	v9 =	vld [tilespmem:s19+$0x120]  }
0x22: {  	[tilespmem:s19+$0xD0] =	vst v4;
	v4 =	vadd.s32 $0x800, v5;
	v5 =	vld [tilespmem:s19+$0x130]  }
0x23: {  	[tilespmem:s19+$0xE0] =	vst v4;
	v4 =	vadd.s32 $0x800, v6;
	v6 =	vld [tilespmem:s19+$0x140]  }
0x24: {  	[tilespmem:s19+$0xF0] =	vst v4;
	v4 =	vadd.s32 $0x1000, v7;
	v7 =	vld [tilespmem:s19+$0x150]  }
0x25: {  	[tilespmem:s19+$0x100] =	vst v4;
	v4 =	vadd.s32 $0x1000, v8;
	v8 =	vld [tilespmem:s19+$0x160]  }
0x26: {  	[tilespmem:s19+$0x110] =	vst v4;
	v4 =	vadd.s32 $0x1000, v9;
	v9 =	vld [tilespmem:s19+$0x170]  }
0x27: {  	[tilespmem:s19+$0x120] =	vst v4;
	v4 =	vadd.s32 $0x1000, v5;
	v5 =	vld [tilespmem:s19+$0x180]  }
0x28: {  	[tilespmem:s19+$0x130] =	vst v4;
	v4 =	vadd.s32 $0x1000, v6;
	v6 =	vld [tilespmem:s19+$0x190]  }
0x29: {  	[tilespmem:s19+$0x140] =	vst v4;
	v4 =	vadd.s32 $0x1000, v7;
	v7 =	vld [tilespmem:s19+$0x1A0]  }
0x2a: {  	[tilespmem:s19+$0x150] =	vst v4;
	v4 =	vadd.s32 $0x1000, v8;
	v8 =	vld [tilespmem:s19+$0x1B0]  }
0x2b: {  	[tilespmem:s19+$0x160] =	vst v4;
	v4 =	vadd.s32 $0x1000, v9;
	v9 =	vld [tilespmem:s19+$0x1C0]  }
0x2c: {  	[tilespmem:s19+$0x170] =	vst v4;
	v4 =	vadd.s32 $0x1800, v5;
	v5 =	vld [tilespmem:s19+$0x1D0]  }
0x2d: {  	[tilespmem:s19+$0x180] =	vst v4;
	v4 =	vadd.s32 $0x1800, v6;
	v6 =	vld [tilespmem:s19+$0x1E0]  }
0x2e: {  	[tilespmem:s19+$0x190] =	vst v4;
	v4 =	vadd.s32 $0x1800, v7;
	v7 =	vld [tilespmem:s19+$0x1F0]  }
0x2f: {  	[tilespmem:s19+$0x1A0] =	vst v4;
	v4 =	vadd.s32 $0x1800, v8;
	v8 =	vld [tilespmem:s19+$0x200]  }
0x30: {  	[tilespmem:s19+$0x1B0] =	vst v4;
	v4 =	vadd.s32 $0x1800, v9;
	v9 =	vld [tilespmem:s19+$0x210]  }
0x31: {  	[tilespmem:s19+$0x1C0] =	vst v4;
	v4 =	vadd.s32 $0x1800, v5;
	v5 =	vld [tilespmem:s19+$0x220]  }
0x32: {  	[tilespmem:s19+$0x1D0] =	vst v4;
	v4 =	vadd.s32 $0x1800, v6;
	v6 =	vld [tilespmem:s19+$0x230]  }
0x33: {  	[tilespmem:s19+$0x1E0] =	vst v4;
	v4 =	vadd.s32 $0x1800, v7;
	v7 =	vld [tilespmem:s19+$0x240]  }
0x34: {  	[tilespmem:s19+$0x1F0] =	vst v4;
	v4 =	vadd.s32 $0x2000, v8;
	v8 =	vld [tilespmem:s19+$0x250]  }
0x35: {  	[tilespmem:s19+$0x200] =	vst v4;
	v4 =	vadd.s32 $0x2000, v9;
	v9 =	vld [tilespmem:s19+$0x260]  }
0x36: {  	[tilespmem:s19+$0x210] =	vst v4;
	v4 =	vadd.s32 $0x2000, v5;
	v5 =	vld [tilespmem:s19+$0x270]  }
0x37: {  	[tilespmem:s19+$0x220] =	vst v4;
	v4 =	vadd.s32 $0x2000, v6;
	v6 =	vld [tilespmem:s19+$0x280]  }
0x38: {  	[tilespmem:s19+$0x230] =	vst v4;
	v4 =	vadd.s32 $0x2000, v7;
	v7 =	vld [tilespmem:s19+$0x290]  }
0x39: {  	[tilespmem:s19+$0x240] =	vst v4;
	v4 =	vadd.s32 $0x2000, v8;
	v8 =	vld [tilespmem:s19+$0x2A0]  }
0x3a: {  	[tilespmem:s19+$0x250] =	vst v4;
	v4 =	vadd.s32 $0x2000, v9;
	v9 =	vld [tilespmem:s19+$0x2B0]  }
0x3b: {  	[tilespmem:s19+$0x260] =	vst v4;
	v4 =	vadd.s32 $0x2000, v5;
	v5 =	vld [tilespmem:s19+$0x2C0]  }
0x3c: {  	[tilespmem:s19+$0x270] =	vst v4;
	v4 =	vadd.s32 $0x2800, v6;
	v6 =	vld [tilespmem:s19+$0x2D0]  }
0x3d: {  	[tilespmem:s19+$0x280] =	vst v4;
	v4 =	vadd.s32 $0x2800, v7;
	v7 =	vld [tilespmem:s19+$0x2E0]  }
0x3e: {  	[tilespmem:s19+$0x290] =	vst v4;
	v4 =	vadd.s32 $0x2800, v8;
	v8 =	vld [tilespmem:s19+$0x2F0]  }
0x3f: {  	[tilespmem:s19+$0x2A0] =	vst v4;
	v4 =	vadd.s32 $0x2800, v9;
	v9 =	vld [tilespmem:s19+$0x300]  }
0x40: {  	[tilespmem:s19+$0x2B0] =	vst v4;
	v4 =	vadd.s32 $0x2800, v5;
	v5 =	vld [tilespmem:s19+$0x310]  }
0x41: {  	[tilespmem:s19+$0x2C0] =	vst v4;
	v4 =	vadd.s32 $0x2800, v6;
	v6 =	vld [tilespmem:s19+$0x320]  }
0x42: {  	[tilespmem:s19+$0x2D0] =	vst v4;
	v4 =	vadd.s32 $0x2800, v7;
	v7 =	vld [tilespmem:s19+$0x330]  }
0x43: {  	[tilespmem:s19+$0x2E0] =	vst v4;
	v4 =	vadd.s32 $0x2800, v8;
	v8 =	vld [tilespmem:s19+$0x340]  }
0x44: {  	[tilespmem:s19+$0x2F0] =	vst v4;
	v4 =	vadd.s32 $0x3000, v9;
	v9 =	vld [tilespmem:s19+$0x350]  }
0x45: {  	v10 =	vld [tilespmem:s19+$0x360];
	[tilespmem:s19+$0x300] =	vst v4;
	v4 =	vadd.s32 $0x3000, v5  }
0x46: {  	[tilespmem:s19+$0x310] =	vst v4;
	v4 =	vadd.s32 $0x3000, v6;
	v6 =	vld [tilespmem:s19+$0x370]  }
0x47: {  	[tilespmem:s19+$0x320] =	vst v4;
	v4 =	vadd.s32 $0x3000, v7;
	v7 =	vld [tilespmem:s19+$0x380]  }
0x48: {  	[tilespmem:s19+$0x330] =	vst v4;
	v4 =	vadd.s32 $0x3000, v8;
	v8 =	vld [tilespmem:s19+$0x390]  }
0x49: {  	v5 =	vld [tilespmem:s19+$0x3A0];
	[tilespmem:s19+$0x340] =	vst v4;
	v4 =	vadd.s32 $0x3000, v9  }
0x4a: {  	v9 =	vadd.s32 $0x3000, v10;
	[tilespmem:s19+$0x350] =	vst v4;
	v4 =	vld [tilespmem:s19+$0x3B0]  }
0x4b: {  	[tilespmem:s19+$0x360] =	vst v9;
	v9 =	vadd.s32 $0x3000, v6;
	v6 =	vld [tilespmem:s19+$0x3C0]  }
0x4c: {  	[tilespmem:s19+$0x370] =	vst v9;
	v9 =	vadd.s32 $0x3800, v7;
	v7 =	vld [tilespmem:s19+$0x3D0]  }
0x4d: {  	s7 =	simm.s32 $0x1000;
	[tilespmem:s19+$0x380] =	vst v9;
	v9 =	vadd.s32 $0x3800, v8;
	v8 =	vld [tilespmem:s19+$0x3E0]  }
.LBB2_2:
0x4e: {  	s20 =	sshra.s32 s7, $0x2;
	p0 =	sne.s32 s7, $0xF000;
	[tilespmem:s19+$0x390] =	vst v9;
	v5 =	vadd.s32 $0x3800, v5;
	v9 =	vld [tilespmem:s19+$0x3F0]  }
0x4f: {  	v10 =	vld [tilespmem:s20+$0x80];
	[tilespmem:s19+$0x3A0] =	vst v5;
	v4 =	vadd.s32 $0x3800, v4  }
0x50: {  	v5 =	vld [tilespmem:s20+$0x90];
	[tilespmem:s19+$0x3B0] =	vst v4;
	v4 =	vadd.s32 $0x3800, v6  }
0x51: {  	v6 =	vld [tilespmem:s20+$0xA0];
	[tilespmem:s19+$0x3C0] =	vst v4;
	v4 =	vadd.s32 $0x3800, v7  }
0x52: {  	v7 =	vld [tilespmem:s20+$0xB0];
	[tilespmem:s19+$0x3D0] =	vst v4;
	v4 =	vadd.s32 $0x3800, v8  }
0x53: {  	v8 =	vld [tilespmem:s20+$0xC0];
	[tilespmem:s19+$0x3E0] =	vst v4;
	v4 =	vadd.s32 $0x3800, v9  }
0x54: {  	v9 =	vadd.s32 $0x800, v10;
	v10 =	vld [tilespmem:s20+$0xD0];
	[tilespmem:s19+$0x3F0] =	vst v4;
	s19 =	smov.u32 s20  }
0x55: {  	[tilespmem:s19+$0x80] =	vst v9;
	v4 =	vadd.s32 $0x800, v5;
	v5 =	vld [tilespmem:s19+$0xE0]  }
0x56: {  	[tilespmem:s19+$0x90] =	vst v4;
	v4 =	vadd.s32 $0x800, v6;
	v6 =	vld [tilespmem:s19+$0xF0]  }
0x57: {  	[tilespmem:s19+$0xA0] =	vst v4;
	v4 =	vadd.s32 $0x800, v7;
	v7 =	vld [tilespmem:s19+$0x100]  }
0x58: {  	[tilespmem:s19+$0xB0] =	vst v4;
	v4 =	vadd.s32 $0x800, v8;
	v8 =	vld [tilespmem:s19+$0x110]  }
0x59: {  	[tilespmem:s19+$0xC0] =	vst v4;
	v4 =	vadd.s32 $0x800, v10;
	v9 =	vld [tilespmem:s19+$0x120]  }
0x5a: {  	[tilespmem:s19+$0xD0] =	vst v4;
	v4 =	vadd.s32 $0x800, v5;
	v5 =	vld [tilespmem:s19+$0x130]  }
0x5b: {  	[tilespmem:s19+$0xE0] =	vst v4;
	v4 =	vadd.s32 $0x800, v6;
	v6 =	vld [tilespmem:s19+$0x140]  }
0x5c: {  	[tilespmem:s19+$0xF0] =	vst v4;
	v4 =	vadd.s32 $0x1000, v7;
	v7 =	vld [tilespmem:s19+$0x150]  }
0x5d: {  	[tilespmem:s19+$0x100] =	vst v4;
	v4 =	vadd.s32 $0x1000, v8;
	v8 =	vld [tilespmem:s19+$0x160]  }
0x5e: {  	[tilespmem:s19+$0x110] =	vst v4;
	v4 =	vadd.s32 $0x1000, v9;
	v9 =	vld [tilespmem:s19+$0x170]  }
0x5f: {  	[tilespmem:s19+$0x120] =	vst v4;
	v4 =	vadd.s32 $0x1000, v5;
	v5 =	vld [tilespmem:s19+$0x180]  }
0x60: {  	[tilespmem:s19+$0x130] =	vst v4;
	v4 =	vadd.s32 $0x1000, v6;
	v6 =	vld [tilespmem:s19+$0x190]  }
0x61: {  	[tilespmem:s19+$0x140] =	vst v4;
	v4 =	vadd.s32 $0x1000, v7;
	v7 =	vld [tilespmem:s19+$0x1A0]  }
0x62: {  	[tilespmem:s19+$0x150] =	vst v4;
	v4 =	vadd.s32 $0x1000, v8;
	v8 =	vld [tilespmem:s19+$0x1B0]  }
0x63: {  	[tilespmem:s19+$0x160] =	vst v4;
	v4 =	vadd.s32 $0x1000, v9;
	v9 =	vld [tilespmem:s19+$0x1C0]  }
0x64: {  	[tilespmem:s19+$0x170] =	vst v4;
	v4 =	vadd.s32 $0x1800, v5;
	v5 =	vld [tilespmem:s19+$0x1D0]  }
0x65: {  	[tilespmem:s19+$0x180] =	vst v4;
	v4 =	vadd.s32 $0x1800, v6;
	v6 =	vld [tilespmem:s19+$0x1E0]  }
0x66: {  	[tilespmem:s19+$0x190] =	vst v4;
	v4 =	vadd.s32 $0x1800, v7;
	v7 =	vld [tilespmem:s19+$0x1F0]  }
0x67: {  	[tilespmem:s19+$0x1A0] =	vst v4;
	v4 =	vadd.s32 $0x1800, v8;
	v8 =	vld [tilespmem:s19+$0x200]  }
0x68: {  	[tilespmem:s19+$0x1B0] =	vst v4;
	v4 =	vadd.s32 $0x1800, v9;
	v9 =	vld [tilespmem:s19+$0x210]  }
0x69: {  	[tilespmem:s19+$0x1C0] =	vst v4;
	v4 =	vadd.s32 $0x1800, v5;
	v5 =	vld [tilespmem:s19+$0x220]  }
0x6a: {  	[tilespmem:s19+$0x1D0] =	vst v4;
	v4 =	vadd.s32 $0x1800, v6;
	v6 =	vld [tilespmem:s19+$0x230]  }
0x6b: {  	[tilespmem:s19+$0x1E0] =	vst v4;
	v4 =	vadd.s32 $0x1800, v7;
	v7 =	vld [tilespmem:s19+$0x240]  }
0x6c: {  	[tilespmem:s19+$0x1F0] =	vst v4;
	v4 =	vadd.s32 $0x2000, v8;
	v8 =	vld [tilespmem:s19+$0x250]  }
0x6d: {  	[tilespmem:s19+$0x200] =	vst v4;
	v4 =	vadd.s32 $0x2000, v9;
	v9 =	vld [tilespmem:s19+$0x260]  }
0x6e: {  	[tilespmem:s19+$0x210] =	vst v4;
	v4 =	vadd.s32 $0x2000, v5;
	v5 =	vld [tilespmem:s19+$0x270]  }
0x6f: {  	[tilespmem:s19+$0x220] =	vst v4;
	v4 =	vadd.s32 $0x2000, v6;
	v6 =	vld [tilespmem:s19+$0x280]  }
0x70: {  	[tilespmem:s19+$0x230] =	vst v4;
	v4 =	vadd.s32 $0x2000, v7;
	v7 =	vld [tilespmem:s19+$0x290]  }
0x71: {  	[tilespmem:s19+$0x240] =	vst v4;
	v4 =	vadd.s32 $0x2000, v8;
	v8 =	vld [tilespmem:s19+$0x2A0]  }
0x72: {  	[tilespmem:s19+$0x250] =	vst v4;
	v4 =	vadd.s32 $0x2000, v9;
	v9 =	vld [tilespmem:s19+$0x2B0]  }
0x73: {  	[tilespmem:s19+$0x260] =	vst v4;
	v4 =	vadd.s32 $0x2000, v5;
	v5 =	vld [tilespmem:s19+$0x2C0]  }
0x74: {  	[tilespmem:s19+$0x270] =	vst v4;
	v4 =	vadd.s32 $0x2800, v6;
	v6 =	vld [tilespmem:s19+$0x2D0]  }
0x75: {  	[tilespmem:s19+$0x280] =	vst v4;
	v4 =	vadd.s32 $0x2800, v7;
	v7 =	vld [tilespmem:s19+$0x2E0]  }
0x76: {  	[tilespmem:s19+$0x290] =	vst v4;
	v4 =	vadd.s32 $0x2800, v8;
	v8 =	vld [tilespmem:s19+$0x2F0]  }
0x77: {  	[tilespmem:s19+$0x2A0] =	vst v4;
	v4 =	vadd.s32 $0x2800, v9;
	v9 =	vld [tilespmem:s19+$0x300]  }
0x78: {  	[tilespmem:s19+$0x2B0] =	vst v4;
	v4 =	vadd.s32 $0x2800, v5;
	v5 =	vld [tilespmem:s19+$0x310]  }
0x79: {  	[tilespmem:s19+$0x2C0] =	vst v4;
	v4 =	vadd.s32 $0x2800, v6;
	v6 =	vld [tilespmem:s19+$0x320]  }
0x7a: {  	[tilespmem:s19+$0x2D0] =	vst v4;
	v4 =	vadd.s32 $0x2800, v7;
	v7 =	vld [tilespmem:s19+$0x330]  }
0x7b: {  	[tilespmem:s19+$0x2E0] =	vst v4;
	v4 =	vadd.s32 $0x2800, v8;
	v8 =	vld [tilespmem:s19+$0x340]  }
0x7c: {  	[tilespmem:s19+$0x2F0] =	vst v4;
	v4 =	vadd.s32 $0x3000, v9;
	v9 =	vld [tilespmem:s19+$0x350]  }
0x7d: {  	[tilespmem:s19+$0x300] =	vst v4;
	v4 =	vadd.s32 $0x3000, v5;
	v10 =	vld [tilespmem:s19+$0x360]  }
0x7e: {  	[tilespmem:s19+$0x310] =	vst v4;
	v4 =	vadd.s32 $0x3000, v6;
	v6 =	vld [tilespmem:s19+$0x370]  }
0x7f: {  	[tilespmem:s19+$0x320] =	vst v4;
	v4 =	vadd.s32 $0x3000, v7;
	v7 =	vld [tilespmem:s19+$0x380]  }
0x80: {  	[tilespmem:s19+$0x330] =	vst v4;
	v4 =	vadd.s32 $0x3000, v8;
	v8 =	vld [tilespmem:s19+$0x390]  }
.Ltmp0:
0x81: {  	[tilespmem:s19+$0x340] =	vst v4;
	v4 =	vadd.s32 $0x3000, v9;
	v5 =	vld [tilespmem:s19+$0x3A0];
	(pc) =	sbr.rel @p0 .LBB2_2-.Ltmp0, $4  }
0x82: {  	[tilespmem:s19+$0x350] =	vst v4;
	v9 =	vadd.s32 $0x3000, v10;
	v4 =	vld [tilespmem:s19+$0x3B0]  }
0x83: {  	[tilespmem:s19+$0x360] =	vst v9;
	v9 =	vadd.s32 $0x3000, v6;
	v6 =	vld [tilespmem:s19+$0x3C0]  }
0x84: {  	[tilespmem:s19+$0x370] =	vst v9;
	v9 =	vadd.s32 $0x3800, v7;
	v7 =	vld [tilespmem:s19+$0x3D0]  }
0x85: {  	s7 =	sadd.s32 $0x1000, s7;
	[tilespmem:s19+$0x380] =	vst v9;
	v9 =	vadd.s32 $0x3800, v8;
	v8 =	vld [tilespmem:s19+$0x3E0]  }
0x86: {  	[tilespmem:s19+$0x390] =	vst v9;
	v5 =	vadd.s32 $0x3800, v5;
	v63 =	vld [tilespmem:s19+$0x3F0]  }
0x87: {  	[tilespmem:s19+$0x3A0] =	vst v5;
	v4 =	vadd.s32 $0x3800, v4  }
0x88: {  	[tilespmem:s19+$0x3B0] =	vst v4;
	v4 =	vadd.s32 $0x3800, v6  }
0x89: {  	[tilespmem:s19+$0x3C0] =	vst v4;
	v4 =	vadd.s32 $0x3800, v7  }
0x8a: {  	[tilespmem:s19+$0x3D0] =	vst v4;
	v4 =	vadd.s32 $0x3800, v8  }
0x8b: {  	[tilespmem:s19+$0x3E0] =	vst v4;
	v4 =	vadd.s32 $0x3800, v63  }
0x8c: {  	s7 =	simm.s32 $0x4000;
	[tilespmem:s19+$0x3F0] =	vst v4;
	s19 =	simm.s32 $0x0  }
0x8d: {  	[tilespmem:s7], [sflag:$0x1] =	stream.indirect.gather [hbm4b:s4+s11], $0x20, s19, s11, $0xb8;
	[tilespmem:$0x18400] =	vst v63  }
0x8e: {  	s22 =	simm.s32 $0x5000  }
0x8f: {  	[tilespmem:s22], [sflag:$0x1] =	stream.indirect.gather [hbm4b:s4+s11], $0x20, s11, s11, $0xb8;
	[tilespmem:$0x18400] =	vst v63  }
0x90: {  	s23 =	simm.s32 $0x100;
	s9 =	simm.s32 $0x6000  }
0x91: {  	[tilespmem:s9], [sflag:$0x1] =	stream.indirect.gather [hbm4b:s4+s11], $0x20, s23, s11, $0xb8;
	[tilespmem:$0x18400] =	vst v63  }
0x92: {  	s24 =	simm.s32 $0x180;
	s25 =	simm.s32 $0x7000  }
0x93: {  	[tilespmem:s25], [sflag:$0x1] =	stream.indirect.gather [hbm4b:s4+s11], $0x20, s24, s11, $0xb8;
	[tilespmem:$0x18400] =	vst v63  }
0x94: {  	s10 =	simm.s32 $0x8000;
	s9 =	simm.s32 $0x200  }
0x95: {  	[tilespmem:s10], [sflag:$0x1] =	stream.indirect.gather [hbm4b:s4+s11], $0x20, s9, s11, $0xb8;
	[tilespmem:$0x18400] =	vst v63  }
0x96: {  	s20 =	simm.s32 $0x280;
	s21 =	simm.s32 $0x9000  }
0x97: {  	[tilespmem:s21], [sflag:$0x1] =	stream.indirect.gather [hbm4b:s4+s11], $0x20, s20, s11, $0xb8;
	[tilespmem:$0x18400] =	vst v63  }
0x98: {  	s22 =	simm.s32 $0x300;
	s23 =	simm.s32 $0xA000  }
0x99: {  	[tilespmem:s23], [sflag:$0x1] =	stream.indirect.gather [hbm4b:s4+s11], $0x20, s22, s11, $0xb8;
	[tilespmem:$0x18400] =	vst v63  }
0x9a: {  	s24 =	simm.s32 $0x380;
	s25 =	simm.s32 $0xB000;
	s20 =	simm.s32 $0x0  }
0x9b: {  	[tilespmem:s25], [sflag:$0x1] =	stream.indirect.gather [hbm4b:s4+s11], $0x20, s24, s11, $0xb8;
	[tilespmem:$0x18400] =	vst v63  }
.LBB2_4:
0x9c: {  	s21 =	sshllo.u32 s20, $0x1  }
0x9d: {  	s7 =	sshll.u32 s21, $0xA  }
0x9e: {  	s7 =	sand.u32 $0x3FFFFC00, s7  }
0x9f: {  	[tilespmem:s26], [sflag:$0x2] =	stream.indirect.gather [hbm4b:s4+s11], $0x20, s7, s11, $0xb8;
	[tilespmem:$0x18400] =	vst v63  }
0xa0: {  	s22 =	sor.u32 $0x80, s7  }
0xa1: {  	[tilespmem:s28], [sflag:$0x2] =	stream.indirect.gather [hbm4b:s4+s11], $0x20, s22, s11, $0xb8;
	[tilespmem:$0x18400] =	vst v63  }
0xa2: {  	s9 =	sor.u32 $0x100, s7  }
0xa3: {  	[tilespmem:s29], [sflag:$0x2] =	stream.indirect.gather [hbm4b:s4+s11], $0x20, s9, s11, $0xb8;
	[tilespmem:$0x18400] =	vst v63  }
0xa4: {  	s10 =	sor.u32 $0x180, s7  }
0xa5: {  	[tilespmem:s30], [sflag:$0x2] =	stream.indirect.gather [hbm4b:s4+s11], $0x20, s10, s11, $0xb8;
	[tilespmem:$0x18400] =	vst v63  }
0xa6: {  	s23 =	sor.u32 $0x200, s7  }
0xa7: {  	[tilespmem:s31], [sflag:$0x2] =	stream.indirect.gather [hbm4b:s4+s11], $0x20, s23, s11, $0xb8;
	[tilespmem:$0x18400] =	vst v63  }
0xa8: {  	s24 =	sor.u32 $0x280, s7  }
0xa9: {  	[tilespmem:s1], [sflag:$0x2] =	stream.indirect.gather [hbm4b:s4+s11], $0x20, s24, s11, $0xb8;
	[tilespmem:$0x18400] =	vst v63  }
0xaa: {  	s25 =	sor.u32 $0x300, s7  }
0xab: {  	[tilespmem:s0], [sflag:$0x2] =	stream.indirect.gather [hbm4b:s4+s11], $0x20, s25, s11, $0xb8;
	[tilespmem:$0x18400] =	vst v63  }
0xac: {  	s7 =	sor.u32 $0x380, s7  }
0xad: {  	[tilespmem:s12], [sflag:$0x2] =	stream.indirect.gather [hbm4b:s4+s11], $0x20, s7, s11, $0xb8;
	[tilespmem:$0x18400] =	vst v63  }
0xae: {  	_ =	swait.ge [sflag:s5], $0x1000  }
0xaf: {  	[sflag:s5] =	ssyncset.done $0x0  }
0xb0: {  	[sflag:s5] =	ssyncadd.s32 $0xFFFFF000  }
0xb1: {  	_ =	swait.ge [sflag:s5], $0x1000  }
0xb2: {  	[sflag:s5] =	ssyncset.done $0x0  }
0xb3: {  	[sflag:s5] =	ssyncadd.s32 $0xFFFFF000  }
0xb4: {  	_ =	swait.ge [sflag:s5], $0x1000  }
0xb5: {  	[sflag:s5] =	ssyncset.done $0x0  }
0xb6: {  	[sflag:s5] =	ssyncadd.s32 $0xFFFFF000  }
0xb7: {  	_ =	swait.ge [sflag:s5], $0x1000  }
0xb8: {  	[sflag:s5] =	ssyncset.done $0x0  }
0xb9: {  	[sflag:s5] =	ssyncadd.s32 $0xFFFFF000  }
0xba: {  	_ =	swait.ge [sflag:s5], $0x1000  }
0xbb: {  	[sflag:s5] =	ssyncset.done $0x0  }
0xbc: {  	[sflag:s5] =	ssyncadd.s32 $0xFFFFF000  }
0xbd: {  	_ =	swait.ge [sflag:s5], $0x1000  }
0xbe: {  	[sflag:s5] =	ssyncset.done $0x0  }
0xbf: {  	[sflag:s5] =	ssyncadd.s32 $0xFFFFF000  }
0xc0: {  	_ =	swait.ge [sflag:s5], $0x1000  }
0xc1: {  	[sflag:s5] =	ssyncset.done $0x0  }
0xc2: {  	[sflag:s5] =	ssyncadd.s32 $0xFFFFF000  }
0xc3: {  	_ =	swait.ge [sflag:s5], $0x1000  }
0xc4: {  	p0 =	seq.s32 s20, $0x0;
	[sflag:s5] =	ssyncset.done $0x0  }
0xc5: {  	s7 =	simm.s32 @!p0 $0x3;
	[sflag:s5] =	ssyncadd.s32 $0xFFFFF000  }
0xc6: {  	_ =	swait.ge @!p0 [sflag:s7], $0x2000  }
0xc7: {  	[sflag:s7] =	ssyncset.done @!p0 $0x0  }
0xc8: {  	s22 =	simm.s32 $0xB030;
	[sflag:s7] =	ssyncadd.s32 @!p0 $0xFFFFE000  }
0xc9: {  	v4 =	vld [tilespmem:s22+$0xFFFF8FD0]  }
0xca: {  	v5 =	vld [tilespmem:s22+$0xFFFF9FD0]  }
0xcb: {  	v6 =	vld [tilespmem:s22+$0xFFFFAFD0]  }
0xcc: {  	v7 =	vld [tilespmem:s22+$0xFFFF8FE0]  }
0xcd: {  	v8 =	vld [tilespmem:s22+$0xFFFF9FE0]  }
0xce: {  	v11 =	vmov s19;
	v13 =	vld [tilespmem:s22+$0xFFFFAFE0]  }
0xcf: {  	v11 =	vand.u32 $0x7E, v11;
	v16 =	vld [tilespmem:s22+$0xFFFFBFE0]  }
0xd0: {  	v51 =	vadd.s32 v2, v11  }
0xd1: {  	v53 =	vld [tilespmem:s22+$0xFFFFCFE0];
	v9 =	vshll.u32 v4, $0x10;
	v4 =	vand.u32 $0xFFFF0000, v4;
	v12 =	vshll.u32 v5, $0x10  }
0xd2: {  	v10 =	vld [tilespmem:s22+$0xFFFFBFD0];
	v5 =	vand.u32 $0xFFFF0000, v5;
	v14 =	vshll.u32 v7, $0x10;
	v15 =	vshll.u32 v6, $0x10  }
0xd3: {  	v6 =	vand.u32 $0xFFFF0000, v6;
	v7 =	vand.u32 $0xFFFF0000, v7;
	v17 =	vshll.u32 v8, $0x10  }
0xd4: {  	v20 =	vld [tilespmem:s22+$0xFFFFDFE0];
	v8 =	vand.u32 $0xFFFF0000, v8;
	v18 =	vshll.u32 v13, $0x10;
	v54 =	vand.u32 $0xFFFF0000, v16  }
0xd5: {  	v13 =	vand.u32 $0xFFFF0000, v13;
	v16 =	vshll.u32 v16, $0x10;
	v4 =	vadd.f32 v5, v4;
	v5 =	vld [tilespmem:s22+$0xFFFFCFD0]  }
0xd6: {  	v56 =	vand.u32 $0xFFFF0000, v53;
	v9 =	vadd.f32 v12, v9;
	v14 =	vadd.f32 v17, v14  }
0xd7: {  	v7 =	vadd.f32 v8, v7;
	v8 =	vshll.u32 v10, $0x10;
	v4 =	vadd.f32 v6, v4;
	v6 =	vld [tilespmem:s22+$0xFFFFDFD0]  }
0xd8: {  	v10 =	vand.u32 $0xFFFF0000, v10;
	v9 =	vadd.f32 v15, v9;
	v14 =	vadd.f32 v18, v14  }
0xd9: {  	v58 =	vshll.u32 v20, $0x10;
	v7 =	vadd.f32 v13, v7;
	v4 =	vadd.f32 v10, v4  }
0xda: {  	v8 =	vadd.f32 v8, v9;
	v10 =	vld [tilespmem:s22+$0xFFFFEFD0];
	v55 =	vadd.f32 v16, v14;
	v9 =	vand.u32 $0xFFFF0000, v5  }
0xdb: {  	v7 =	vadd.f32 v54, v7;
	v5 =	vshll.u32 v5, $0x10;
	v4 =	vadd.f32 v9, v4  }
0xdc: {  	v9 =	vld [tilespmem:s22+$0xFFFFFFD0];
	v5 =	vadd.f32 v5, v8;
	v19 =	vshll.u32 v6, $0x10;
	v6 =	vand.u32 $0xFFFF0000, v6  }
0xdd: {  	v8 =	vshll.u32 v53, $0x10;
	v7 =	vadd.f32 v56, v7;
	v4 =	vadd.f32 v6, v4;
	v6 =	vld [tilespmem:s22+$0xFFFFEFE0]  }
0xde: {  	v61 =	vand.u32 $0xFFFF0000, v20;
	v8 =	vadd.f32 v8, v55;
	v5 =	vadd.f32 v19, v5  }
0xdf: {  	v60 =	vld [tilespmem:s22+$0xFFFFFFE0];
	v7 =	vadd.f32 v61, v7;
	v57 =	vshll.u32 v10, $0x10;
	v10 =	vand.u32 $0xFFFF0000, v10  }
0xe0: {  	v52 =	vadd.s32 v0, v11;
	v8 =	vadd.f32 v58, v8;
	v4 =	vadd.f32 v10, v4  }
0xe1: {  	v5 =	vadd.f32 v57, v5;
	v59 =	vshll.u32 v9, $0x10;
	v9 =	vand.u32 $0xFFFF0000, v9  }
0xe2: {  	v4 =	vadd.f32 v9, v4;
	v9 =	vadd.s32 v1, v11;
	v10 =	vshll.u32 v6, $0x10  }
0xe3: {  	v5 =	vadd.f32 v59, v5;
	v6 =	vand.u32 $0xFFFF0000, v6;
	v8 =	vadd.f32 v10, v8  }
0xe4: {  	v6 =	vadd.f32 v6, v7;
	v7 =	vshll.u32 v60, $0x10;
	v10 =	vand.u32 $0xFFFF0000, v60  }
0xe5: {  	v5 =	vmul.f32 $1.250000000e-01, v5;
	v7 =	vadd.f32 v7, v8;
	v8 =	vadd.s32 v3, v11  }
0xe6: {  	v4 =	vmul.f32 $1.250000000e-01, v4;
	v6 =	vadd.f32 v10, v6  }
0xe7: {  	[tilespmem:v52+s13+$0x0] =	vst.idx.msk $0xffff, v5;
	v7 =	vmul.f32 $1.250000000e-01, v7  }
0xe8: {  	[tilespmem:v9+s13+$0x0] =	vst.idx.msk $0xffff, v4;
	v5 =	vmul.f32 $1.250000000e-01, v6  }
0xe9: {  	[tilespmem:v51+s13+$0x0] =	vst.idx.msk $0xffff, v7  }
0xea: {  	[tilespmem:v8+s13+$0x0] =	vst.idx.msk $0xffff, v5  }
0xeb: {  	v4 =	vld [tilespmem:s22+$0xFFFF8FF0]  }
0xec: {  	v5 =	vld [tilespmem:s22+$0xFFFF9FF0];
	_ =	sdelay $0x1  }
0xed: {  	v6 =	vld [tilespmem:s22+$0xFFFFAFF0];
	_ =	sdelay $0x1  }
0xee: {  	v8 =	vld [tilespmem:s22+$0xFFFFBFF0];
	v7 =	vshll.u32 v4, $0x10  }
0xef: {  	v4 =	vand.u32 $0xFFFF0000, v4;
	v9 =	vshll.u32 v5, $0x10;
	v5 =	vand.u32 $0xFFFF0000, v5  }
0xf0: {  	v7 =	vadd.f32 v9, v7;
	v4 =	vadd.f32 v5, v4;
	v5 =	vld [tilespmem:s22+$0xFFFFCFF0]  }
0xf1: {  	v10 =	vshll.u32 v6, $0x10;
	v6 =	vand.u32 $0xFFFF0000, v6;
	v9 =	vld [tilespmem:s22+$0xFFFFA000]  }
0xf2: {  	v7 =	vadd.f32 v10, v7;
	v4 =	vadd.f32 v6, v4;
	v6 =	vld [tilespmem:s22+$0xFFFFDFF0]  }
0xf3: {  	v11 =	vshll.u32 v8, $0x10;
	v10 =	vld [tilespmem:s22+$0xFFFF9000]  }
0xf4: {  	v8 =	vand.u32 $0xFFFF0000, v8;
	v7 =	vadd.f32 v11, v7  }
0xf5: {  	v4 =	vadd.f32 v8, v4;
	v8 =	vshll.u32 v5, $0x10  }
0xf6: {  	v5 =	vand.u32 $0xFFFF0000, v5;
	v62 =	vshll.u32 v9, $0x10;
	v7 =	vadd.f32 v8, v7;
	v8 =	vld [tilespmem:s22+$0xFFFFB000]  }
0xf7: {  	v5 =	vadd.f32 v5, v4;
	v4 =	vshll.u32 v6, $0x10;
	v11 =	vand.u32 $0xFFFF0000, v6  }
0xf8: {  	s23 =	sshll.u32 s20, $0x1;
	v6 =	vld [tilespmem:s22+$0xFFFFC000];
	v63 =	vshll.u32 v10, $0x10;
	v10 =	vand.u32 $0xFFFF0000, v10;
	v4 =	vadd.f32 v4, v7  }
0xf9: {  	s24 =	simm.s32 $0x0;
	s25 =	simm.s32 $0x2;
	s7 =	simm.s32 $0xB030;
	v5 =	vadd.f32 v11, v5;
	v11 =	vand.u32 $0xFFFF0000, v9;
	v9 =	vadd.f32 v62, v63;
	v7 =	vld [tilespmem:s22+$0xFFFFD000]  }
.LBB2_5:
0xfa: {  	p1 =	slt.u32 s25, $0x7E  }
0xfb: {  	v10 =	vadd.f32 v11, v10;
	v11 =	vshll.u32 v8, $0x10;
	v12 =	vld [tilespmem:s22+$0xFFFFEFF0];
	s7 =	sadd.s32 $0x40, s7;
	s9 =	smov.u32 s25;
	s25 =	sadd.s32 $0x2, s25  }
0xfc: {  	v8 =	vand.u32 $0xFFFF0000, v8;
	s10 =	sadd.s32 $0x1, s24;
	v9 =	vadd.f32 v11, v9;
	v11 =	vld [tilespmem:s22+$0xFFFFE000];
	s24 =	smov.u32 s9  }
0xfd: {  	v14 =	vmov s10;
	v8 =	vadd.f32 v8, v10;
	v10 =	vshll.u32 v6, $0x10;
	v13 =	vld [tilespmem:s22+$0xFFFFFFF0]  }
0xfe: {  	v6 =	vand.u32 $0xFFFF0000, v6;
	v14 =	vand.u32 $0x7F, v14;
	v9 =	vadd.f32 v10, v9;
	v10 =	vld [tilespmem:s22+$0xFFFFF000]  }
0xff: {  	v15 =	vadd.s32 v2, v14;
	v6 =	vadd.f32 v6, v8;
	v8 =	vshll.u32 v7, $0x10  }
0x100: {  	v16 =	vadd.s32 v0, v14;
	v7 =	vand.u32 $0xFFFF0000, v7;
	v8 =	vadd.f32 v8, v9;
	v9 =	vld [tilespmem:s22+$0x0];
	s22 =	smov.u32 s7  }
0x101: {  	v17 =	vand.u32 $0xFFFF0000, v12;
	v6 =	vadd.f32 v7, v6;
	v7 =	vshll.u32 v11, $0x10  }
0x102: {  	v7 =	vadd.f32 v7, v8;
	v8 =	vshll.u32 v12, $0x10;
	v12 =	vadd.s32 v1, v14  }
0x103: {  	v11 =	vand.u32 $0xFFFF0000, v11;
	v5 =	vadd.f32 v17, v5;
	v4 =	vadd.f32 v8, v4  }
0x104: {  	v17 =	vshll.u32 v13, $0x10;
	v13 =	vand.u32 $0xFFFF0000, v13;
	v8 =	vshll.u32 v10, $0x10  }
0x105: {  	v6 =	vadd.f32 v11, v6;
	v5 =	vadd.f32 v13, v5;
	v11 =	vshll.u32 v9, $0x10  }
0x106: {  	v10 =	vand.u32 $0xFFFF0000, v10;
	v7 =	vadd.f32 v8, v7;
	v4 =	vadd.f32 v17, v4  }
0x107: {  	v8 =	vadd.s32 v3, v14;
	v6 =	vadd.f32 v10, v6;
	v5 =	vmul.f32 $1.250000000e-01, v5  }
0x108: {  	v9 =	vand.u32 $0xFFFF0000, v9;
	v7 =	vadd.f32 v11, v7;
	v4 =	vmul.f32 $1.250000000e-01, v4  }
0x109: {  	v6 =	vadd.f32 v9, v6  }
0x10a: {  	[tilespmem:v16+s13+$0x0] =	vst.idx.msk $0xffff, v4;
	v4 =	vmul.f32 $1.250000000e-01, v7  }
0x10b: {  	[tilespmem:v12+s13+$0x0] =	vst.idx.msk $0xffff, v5;
	v5 =	vmul.f32 $1.250000000e-01, v6  }
0x10c: {  	[tilespmem:v15+s13+$0x0] =	vst.idx.msk $0xffff, v4  }
0x10d: {  	[tilespmem:v8+s13+$0x0] =	vst.idx.msk $0xffff, v5  }
0x10e: {  	v4 =	vld [tilespmem:s7+$0xFFFF8FD0]  }
0x10f: {  	v5 =	vld [tilespmem:s7+$0xFFFF9FD0]  }
0x110: {  	v6 =	vld [tilespmem:s7+$0xFFFFAFD0]  }
0x111: {  	v7 =	vld [tilespmem:s7+$0xFFFF8FE0]  }
0x112: {  	v8 =	vld [tilespmem:s7+$0xFFFF9FE0]  }
0x113: {  	v11 =	vmov s24;
	v9 =	vshll.u32 v4, $0x10;
	v4 =	vand.u32 $0xFFFF0000, v4;
	v10 =	vld [tilespmem:s7+$0xFFFFBFD0]  }
0x114: {  	v11 =	vand.u32 $0x7E, v11;
	v12 =	vshll.u32 v5, $0x10;
	v5 =	vand.u32 $0xFFFF0000, v5;
	v13 =	vld [tilespmem:s7+$0xFFFFAFE0]  }
0x115: {  	v9 =	vadd.f32 v12, v9;
	v4 =	vadd.f32 v5, v4;
	v5 =	vld [tilespmem:s7+$0xFFFFCFD0];
	v12 =	vadd.s32 v2, v11  }
0x116: {  	v15 =	vshll.u32 v6, $0x10;
	v6 =	vand.u32 $0xFFFF0000, v6;
	v14 =	vshll.u32 v7, $0x10;
	v16 =	vld [tilespmem:s7+$0xFFFFBFE0]  }
0x117: {  	v9 =	vadd.f32 v15, v9;
	v4 =	vadd.f32 v6, v4;
	v6 =	vld [tilespmem:s7+$0xFFFFDFD0];
	v15 =	vadd.s32 v0, v11  }
0x118: {  	v7 =	vand.u32 $0xFFFF0000, v7;
	v17 =	vshll.u32 v8, $0x10;
	v8 =	vand.u32 $0xFFFF0000, v8  }
0x119: {  	v7 =	vadd.f32 v8, v7;
	v8 =	vshll.u32 v10, $0x10;
	v10 =	vand.u32 $0xFFFF0000, v10  }
0x11a: {  	v14 =	vadd.f32 v17, v14;
	v8 =	vadd.f32 v8, v9;
	v9 =	vand.u32 $0xFFFF0000, v5;
	v17 =	vld [tilespmem:s7+$0xFFFFCFE0]  }
0x11b: {  	v18 =	vshll.u32 v13, $0x10;
	v4 =	vadd.f32 v10, v4;
	v5 =	vshll.u32 v5, $0x10;
	v10 =	vld [tilespmem:s7+$0xFFFFEFD0]  }
0x11c: {  	v14 =	vadd.f32 v18, v14;
	v18 =	vand.u32 $0xFFFF0000, v16;
	v19 =	vshll.u32 v6, $0x10;
	v20 =	vld [tilespmem:s7+$0xFFFFDFE0]  }
0x11d: {  	v13 =	vand.u32 $0xFFFF0000, v13;
	v16 =	vshll.u32 v16, $0x10;
	v4 =	vadd.f32 v9, v4;
	v9 =	vld [tilespmem:s7+$0xFFFFFFD0]  }
0x11e: {  	v7 =	vadd.f32 v13, v7;
	v13 =	vadd.f32 v16, v14;
	v6 =	vand.u32 $0xFFFF0000, v6;
	v14 =	vld [tilespmem:s7+$0xFFFFEFE0]  }
0x11f: {  	v5 =	vadd.f32 v5, v8;
	v4 =	vadd.f32 v6, v4;
	v8 =	vshll.u32 v17, $0x10  }
0x120: {  	v6 =	vadd.f32 v18, v7;
	v7 =	vand.u32 $0xFFFF0000, v17;
	v8 =	vadd.f32 v8, v13  }
0x121: {  	v5 =	vadd.f32 v19, v5;
	v13 =	vshll.u32 v10, $0x10;
	v10 =	vand.u32 $0xFFFF0000, v10  }
0x122: {  	v6 =	vadd.f32 v7, v6;
	v7 =	vshll.u32 v20, $0x10;
	v16 =	vshll.u32 v9, $0x10;
	v17 =	vld [tilespmem:s7+$0xFFFFFFE0]  }
0x123: {  	v18 =	vand.u32 $0xFFFF0000, v20;
	v4 =	vadd.f32 v10, v4;
	v7 =	vadd.f32 v7, v8  }
0x124: {  	v6 =	vadd.f32 v18, v6;
	v9 =	vand.u32 $0xFFFF0000, v9;
	v8 =	vshll.u32 v14, $0x10  }
0x125: {  	v5 =	vadd.f32 v13, v5;
	v10 =	vand.u32 $0xFFFF0000, v14;
	v4 =	vadd.f32 v9, v4  }
0x126: {  	v7 =	vadd.f32 v8, v7;
	v6 =	vadd.f32 v10, v6;
	v8 =	vadd.s32 v1, v11  }
0x127: {  	v4 =	vmul.f32 $1.250000000e-01, v4;
	v9 =	vshll.u32 v17, $0x10;
	v10 =	vand.u32 $0xFFFF0000, v17  }
0x128: {  	v7 =	vadd.f32 v9, v7;
	v6 =	vadd.f32 v10, v6  }
0x129: {  	v5 =	vadd.f32 v16, v5  }
0x12a: {  	v7 =	vmul.f32 $1.250000000e-01, v7  }
0x12b: {  	v5 =	vmul.f32 $1.250000000e-01, v5;
	v9 =	vadd.s32 v3, v11;
	v6 =	vmul.f32 $1.250000000e-01, v6;
	_ =	sdelay $0x1  }
0x12c: {  	[tilespmem:v15+s13+$0x0] =	vst.idx.msk $0xffff, v5  }
0x12d: {  	[tilespmem:v8+s13+$0x0] =	vst.idx.msk $0xffff, v4  }
0x12e: {  	[tilespmem:v12+s13+$0x0] =	vst.idx.msk $0xffff, v7  }
0x12f: {  	[tilespmem:v9+s13+$0x0] =	vst.idx.msk $0xffff, v6  }
0x130: {  	v4 =	vld [tilespmem:s7+$0xFFFF8FF0]  }
0x131: {  	v5 =	vld [tilespmem:s7+$0xFFFF9FF0];
	_ =	sdelay $0x1  }
0x132: {  	v6 =	vld [tilespmem:s7+$0xFFFFAFF0];
	_ =	sdelay $0x1  }
0x133: {  	v7 =	vshll.u32 v4, $0x10;
	v8 =	vld [tilespmem:s7+$0xFFFFBFF0]  }
0x134: {  	v4 =	vand.u32 $0xFFFF0000, v4;
	v9 =	vshll.u32 v5, $0x10;
	v5 =	vand.u32 $0xFFFF0000, v5  }
0x135: {  	v7 =	vadd.f32 v9, v7;
	v4 =	vadd.f32 v5, v4;
	v5 =	vld [tilespmem:s7+$0xFFFFCFF0]  }
0x136: {  	v9 =	vld [tilespmem:s7+$0xFFFFA000];
	v10 =	vshll.u32 v6, $0x10;
	v6 =	vand.u32 $0xFFFF0000, v6  }
0x137: {  	v7 =	vadd.f32 v10, v7;
	v4 =	vadd.f32 v6, v4;
	v10 =	vld [tilespmem:s7+$0xFFFFDFF0]  }
0x138: {  	v11 =	vld [tilespmem:s7+$0xFFFF9000];
	v6 =	vshll.u32 v8, $0x10;
	v8 =	vand.u32 $0xFFFF0000, v8  }
0x139: {  	v6 =	vadd.f32 v6, v7;
	v4 =	vadd.f32 v8, v4  }
.Ltmp1:
0x13a: {  	v8 =	vld [tilespmem:s7+$0xFFFFB000];
	v7 =	vshll.u32 v5, $0x10;
	v5 =	vand.u32 $0xFFFF0000, v5;
	(pc) =	sbr.rel @p1 .LBB2_5-.Ltmp1, $4  }
0x13b: {  	v12 =	vshll.u32 v9, $0x10;
	v7 =	vadd.f32 v7, v6;
	v5 =	vadd.f32 v5, v4  }
0x13c: {  	v6 =	vld [tilespmem:s7+$0xFFFFC000];
	v4 =	vshll.u32 v10, $0x10;
	v10 =	vand.u32 $0xFFFF0000, v10  }
0x13d: {  	v13 =	vshll.u32 v11, $0x10;
	v4 =	vadd.f32 v4, v7;
	v5 =	vadd.f32 v10, v5  }
0x13e: {  	v10 =	vand.u32 $0xFFFF0000, v11;
	v11 =	vand.u32 $0xFFFF0000, v9;
	v9 =	vadd.f32 v12, v13;
	v7 =	vld [tilespmem:s7+$0xFFFFD000]  }
0x13f: {  	v10 =	vadd.f32 v11, v10  }
0x140: {  	v47 =	vshll.u32 v8, $0x10;
	v48 =	vand.u32 $0xFFFF0000, v8;
	v49 =	vld [tilespmem:s22+$0xFFFFE000];
	s7 =	sadd.s32 $0x1, s24  }
0x141: {  	v12 =	vld [tilespmem:s22+$0xFFFFEFF0];
	v9 =	vadd.f32 v47, v9;
	v14 =	vmov s7;
	v8 =	vadd.f32 v48, v10  }
0x142: {  	v52 =	vld [tilespmem:s22+$0xFFFFF000];
	v50 =	vshll.u32 v6, $0x10;
	v51 =	vand.u32 $0xFFFF0000, v6;
	v14 =	vand.u32 $0x7F, v14  }
0x143: {  	v13 =	vld [tilespmem:s22+$0xFFFFFFF0];
	v9 =	vadd.f32 v50, v9;
	v15 =	vadd.s32 v2, v14;
	v55 =	vadd.s32 v0, v14  }
0x144: {  	v58 =	vadd.s32 v1, v14;
	v62 =	vadd.s32 v3, v14;
	v53 =	vshll.u32 v7, $0x10  }
0x145: {  	v6 =	vadd.f32 v51, v8;
	v54 =	vand.u32 $0xFFFF0000, v7;
	v8 =	vadd.f32 v53, v9  }
0x146: {  	v16 =	vld [tilespmem:s22+$0x0];
	v56 =	vshll.u32 v49, $0x10;
	v17 =	vand.u32 $0xFFFF0000, v12;
	v57 =	vshll.u32 v12, $0x10  }
0x147: {  	v11 =	vand.u32 $0xFFFF0000, v49;
	v59 =	vshll.u32 v52, $0x10;
	v6 =	vadd.f32 v54, v6  }
0x148: {  	v60 =	vand.u32 $0xFFFF0000, v13;
	v4 =	vadd.f32 v57, v4;
	v7 =	vadd.f32 v56, v8  }
0x149: {  	v13 =	vshll.u32 v13, $0x10;
	v5 =	vadd.f32 v17, v5;
	v6 =	vadd.f32 v11, v6  }
0x14a: {  	v10 =	vand.u32 $0xFFFF0000, v52;
	v4 =	vadd.f32 v13, v4;
	v7 =	vadd.f32 v59, v7  }
0x14b: {  	v61 =	vshll.u32 v16, $0x10;
	v5 =	vadd.f32 v60, v5;
	v6 =	vadd.f32 v10, v6  }
0x14c: {  	v63 =	vand.u32 $0xFFFF0000, v16;
	v4 =	vmul.f32 $1.250000000e-01, v4;
	v7 =	vadd.f32 v61, v7  }
0x14d: {  	s10 =	sadd.s32 s6, s23;
	v5 =	vmul.f32 $1.250000000e-01, v5;
	v6 =	vadd.f32 v63, v6  }
0x14e: {  	s7 =	sshll.u32 s10, $0xA;
	[tilespmem:v55+s13+$0x0] =	vst.idx.msk $0xffff, v4;
	v4 =	vmul.f32 $1.250000000e-01, v7  }
0x14f: {  	s7 =	sadd.s32 s8, s7;
	[tilespmem:v58+s13+$0x0] =	vst.idx.msk $0xffff, v5;
	v5 =	vmul.f32 $1.250000000e-01, v6  }
0x150: {  	s7 =	sshrl.u32 s7, $0x3;
	[tilespmem:v15+s13+$0x0] =	vst.idx.msk $0xffff, v4  }
0x151: {  	s22 =	simm.s32 $0x14000;
	s9 =	sadd.s32 s2, s7;
	[tilespmem:v62+s13+$0x0] =	vst.idx.msk $0xffff, v5  }
0x152: {  	[hbm4b:s9+s3] =	stream.linear.scatter [tilespmem:s22], [sflag:$0x3], $0x80, $0x38;
	[tilespmem:$0x18400] =	vst v63  }
0x153: {  	s23 =	simm.s32 $0x14088;
	s10 =	sadd.s32 $0x10, s9  }
0x154: {  	[hbm4b:s10+s3] =	stream.linear.scatter [tilespmem:s23], [sflag:$0x3], $0x80, $0x38;
	[tilespmem:$0x18400] =	vst v63  }
0x155: {  	s24 =	simm.s32 $0x14110;
	s25 =	sadd.s32 $0x20, s9  }
0x156: {  	[hbm4b:s25+s3] =	stream.linear.scatter [tilespmem:s24], [sflag:$0x3], $0x80, $0x38;
	[tilespmem:$0x18400] =	vst v63  }
0x157: {  	s22 =	simm.s32 $0x14198;
	s23 =	sadd.s32 $0x30, s9  }
0x158: {  	[hbm4b:s23+s3] =	stream.linear.scatter [tilespmem:s22], [sflag:$0x3], $0x80, $0x38;
	[tilespmem:$0x18400] =	vst v63  }
0x159: {  	s24 =	simm.s32 $0x14220;
	s25 =	sadd.s32 $0x40, s9  }
0x15a: {  	[hbm4b:s25+s3] =	stream.linear.scatter [tilespmem:s24], [sflag:$0x3], $0x80, $0x38;
	[tilespmem:$0x18400] =	vst v63  }
0x15b: {  	s7 =	simm.s32 $0x440;
	s22 =	simm.s32 $0x142A8;
	s23 =	sadd.s32 $0x50, s9  }
0x15c: {  	[hbm4b:s23+s3] =	stream.linear.scatter [tilespmem:s22], [sflag:$0x3], $0x80, $0x38;
	[tilespmem:$0x18400] =	vst v63  }
0x15d: {  	s24 =	simm.s32 $0x14330;
	s25 =	sadd.s32 $0x60, s9;
	s23 =	simm.s32 $0x2200  }
0x15e: {  	[hbm4b:s25+s3] =	stream.linear.scatter [tilespmem:s24], [sflag:$0x3], $0x80, $0x38;
	[tilespmem:$0x18400] =	vst v63  }
0x15f: {  	s22 =	sadd.s32 $0x1000, s9;
	s24 =	simm.s32 $0x143B8;
	s25 =	sadd.s32 $0x70, s9  }
.LBB2_7:
0x160: {  	[hbm4b:s25+s3] =	stream.linear.scatter [tilespmem:s24], [sflag:$0x3], $0x80, $0x38;
	[tilespmem:$0x18400] =	vst v63  }
0x161: {  	s9 =	smov.u32 s7;
	s7 =	smov.u32 s23  }
0x162: {  	s10 =	sadd.s32 $0x1100, s23;
	s7 =	sshra.s32 s7, $0x2;
	s24 =	sadd.s32 $0x14000, s9  }
0x163: {  	[hbm4b:s22+s3] =	stream.linear.scatter [tilespmem:s24], [sflag:$0x3], $0x80, $0x38;
	[tilespmem:$0x18400] =	vst v63  }
0x164: {  	p1 =	sne.s32 s23, $0x7700;
	s23 =	sadd.s32 $0x14088, s9;
	s24 =	sadd.s32 $0x10, s22  }
0x165: {  	[hbm4b:s24+s3] =	stream.linear.scatter [tilespmem:s23], [sflag:$0x3], $0x80, $0x38;
	[tilespmem:$0x18400] =	vst v63  }
0x166: {  	s23 =	sadd.s32 $0x14110, s9;
	s24 =	sadd.s32 $0x20, s22  }
0x167: {  	[hbm4b:s24+s3] =	stream.linear.scatter [tilespmem:s23], [sflag:$0x3], $0x80, $0x38;
	[tilespmem:$0x18400] =	vst v63  }
0x168: {  	s23 =	sadd.s32 $0x14198, s9;
	s24 =	sadd.s32 $0x30, s22  }
0x169: {  	[hbm4b:s24+s3] =	stream.linear.scatter [tilespmem:s23], [sflag:$0x3], $0x80, $0x38;
	[tilespmem:$0x18400] =	vst v63  }
0x16a: {  	s23 =	sadd.s32 $0x14220, s9;
	s24 =	sadd.s32 $0x40, s22  }
0x16b: {  	[hbm4b:s24+s3] =	stream.linear.scatter [tilespmem:s23], [sflag:$0x3], $0x80, $0x38;
	[tilespmem:$0x18400] =	vst v63  }
.Ltmp2:
0x16c: {  	s23 =	sadd.s32 $0x142A8, s9;
	s24 =	sadd.s32 $0x50, s22;
	(pc) =	sbr.rel @p1 .LBB2_7-.Ltmp2, $4  }
0x16d: {  	[hbm4b:s24+s3] =	stream.linear.scatter [tilespmem:s23], [sflag:$0x3], $0x80, $0x38;
	[tilespmem:$0x18400] =	vst v63  }
0x16e: {  	s25 =	sadd.s32 $0x70, s22;
	s23 =	sadd.s32 $0x14330, s9;
	s24 =	sadd.s32 $0x60, s22  }
0x16f: {  	[hbm4b:s24+s3] =	stream.linear.scatter [tilespmem:s23], [sflag:$0x3], $0x80, $0x38;
	[tilespmem:$0x18400] =	vst v63  }
0x170: {  	s22 =	sadd.s32 $0x1000, s22;
	s24 =	sadd.s32 $0x143B8, s9;
	s23 =	smov.u32 s10  }
0x171: {  	[hbm4b:s25+s3] =	stream.linear.scatter [tilespmem:s24], [sflag:$0x3], $0x80, $0x38;
	[tilespmem:$0x18400] =	vst v63  }
0x172: {  	s9 =	sadd.s32 $0x14000, s7  }
0x173: {  	[hbm4b:s22+s3] =	stream.linear.scatter [tilespmem:s9], [sflag:$0x3], $0x80, $0x38;
	[tilespmem:$0x18400] =	vst v63  }
0x174: {  	s25 =	sadd.s32 $0x14088, s7;
	s10 =	sadd.s32 $0x10, s22  }
0x175: {  	[hbm4b:s10+s3] =	stream.linear.scatter [tilespmem:s25], [sflag:$0x3], $0x80, $0x38;
	[tilespmem:$0x18400] =	vst v63  }
0x176: {  	s23 =	sadd.s32 $0x20, s22;
	s10 =	sadd.s32 $0x14110, s7  }
0x177: {  	[hbm4b:s23+s3] =	stream.linear.scatter [tilespmem:s10], [sflag:$0x3], $0x80, $0x38;
	[tilespmem:$0x18400] =	vst v63  }
0x178: {  	s24 =	sadd.s32 $0x14198, s7;
	s25 =	sadd.s32 $0x30, s22  }
0x179: {  	[hbm4b:s25+s3] =	stream.linear.scatter [tilespmem:s24], [sflag:$0x3], $0x80, $0x38;
	[tilespmem:$0x18400] =	vst v63  }
0x17a: {  	p1 =	seq.s32 s20, $0x7;
	s10 =	sadd.s32 $0x14220, s7;
	s23 =	sadd.s32 $0x40, s22  }
0x17b: {  	[hbm4b:s23+s3] =	stream.linear.scatter [tilespmem:s10], [sflag:$0x3], $0x80, $0x38;
	[tilespmem:$0x18400] =	vst v63  }
0x17c: {  	s24 =	sadd.s32 $0x142A8, s7;
	s25 =	sadd.s32 $0x50, s22;
	s10 =	sadd.s32 $0x14330, s7  }
0x17d: {  	[hbm4b:s25+s3] =	stream.linear.scatter [tilespmem:s24], [sflag:$0x3], $0x80, $0x38;
	[tilespmem:$0x18400] =	vst v63  }
0x17e: {  	s23 =	sadd.s32 $0x60, s22;
	s24 =	sadd.s32 $0x143B8, s7;
	s7 =	sshll.u32 @!p1 s20, $0xB  }
0x17f: {  	[hbm4b:s23+s3] =	stream.linear.scatter [tilespmem:s10], [sflag:$0x3], $0x80, $0x38;
	[tilespmem:$0x18400] =	vst v63  }
0x180: {  	s25 =	sadd.s32 $0x70, s22;
	s7 =	sand.u32 @!p1 $0x3FFFF800, s7  }
0x181: {  	[hbm4b:s25+s3] =	stream.linear.scatter [tilespmem:s24], [sflag:$0x3], $0x80, $0x38;
	[tilespmem:$0x18400] =	vst v63  }
0x182: {  	s22 =	simm.s32 @!p1 $0x4000;
	s9 =	sadd.s32 @!p1 $0x800, s7;
	s10 =	simm.s32 @!p1 $0x80  }
0x183: {  	[tilespmem:s22], [sflag:$0x1] =	stream.indirect.gather @!p1 [hbm4b:s4+s10], $0x20, s9, s10, $0xb8;
	[tilespmem:$0x18400] =	vst v63  }
0x184: {  	s9 =	sadd.s32 @!p1 $0x880, s7;
	s22 =	simm.s32 @!p1 $0x5000  }
0x185: {  	[tilespmem:s22], [sflag:$0x1] =	stream.indirect.gather @!p1 [hbm4b:s4+s10], $0x20, s9, s10, $0xb8;
	[tilespmem:$0x18400] =	vst v63  }
0x186: {  	s9 =	sadd.s32 @!p1 $0x900, s7;
	s22 =	simm.s32 @!p1 $0x6000  }
0x187: {  	[tilespmem:s22], [sflag:$0x1] =	stream.indirect.gather @!p1 [hbm4b:s4+s10], $0x20, s9, s10, $0xb8;
	[tilespmem:$0x18400] =	vst v63  }
0x188: {  	s9 =	sadd.s32 @!p1 $0x980, s7;
	s22 =	simm.s32 @!p1 $0x7000  }
0x189: {  	[tilespmem:s22], [sflag:$0x1] =	stream.indirect.gather @!p1 [hbm4b:s4+s10], $0x20, s9, s10, $0xb8;
	[tilespmem:$0x18400] =	vst v63  }
0x18a: {  	s9 =	sadd.s32 @!p1 $0xA00, s7;
	s22 =	simm.s32 @!p1 $0x8000  }
0x18b: {  	[tilespmem:s22], [sflag:$0x1] =	stream.indirect.gather @!p1 [hbm4b:s4+s10], $0x20, s9, s10, $0xb8;
	[tilespmem:$0x18400] =	vst v63  }
0x18c: {  	s9 =	sadd.s32 @!p1 $0xA80, s7;
	s22 =	simm.s32 @!p1 $0x9000  }
0x18d: {  	[tilespmem:s22], [sflag:$0x1] =	stream.indirect.gather @!p1 [hbm4b:s4+s10], $0x20, s9, s10, $0xb8;
	[tilespmem:$0x18400] =	vst v63  }
0x18e: {  	s9 =	sadd.s32 @!p1 $0xB00, s7;
	s22 =	simm.s32 @!p1 $0xA000  }
0x18f: {  	[tilespmem:s22], [sflag:$0x1] =	stream.indirect.gather @!p1 [hbm4b:s4+s10], $0x20, s9, s10, $0xb8;
	[tilespmem:$0x18400] =	vst v63  }
0x190: {  	s7 =	sadd.s32 @!p1 $0xB80, s7;
	s9 =	simm.s32 @!p1 $0xB000  }
0x191: {  	[tilespmem:s9], [sflag:$0x1] =	stream.indirect.gather @!p1 [hbm4b:s4+s10], $0x20, s7, s10, $0xb8;
	[tilespmem:$0x18400] =	vst v63  }
0x192: {  	_ =	swait.ge [sflag:s14], $0x1000  }
0x193: {  	[sflag:s14] =	ssyncset.done $0x0  }
0x194: {  	[sflag:s14] =	ssyncadd.s32 $0xFFFFF000  }
0x195: {  	_ =	swait.ge [sflag:s14], $0x1000  }
0x196: {  	[sflag:s14] =	ssyncset.done $0x0  }
0x197: {  	[sflag:s14] =	ssyncadd.s32 $0xFFFFF000  }
0x198: {  	_ =	swait.ge [sflag:s14], $0x1000  }
0x199: {  	[sflag:s14] =	ssyncset.done $0x0  }
0x19a: {  	[sflag:s14] =	ssyncadd.s32 $0xFFFFF000  }
0x19b: {  	_ =	swait.ge [sflag:s14], $0x1000  }
0x19c: {  	[sflag:s14] =	ssyncset.done $0x0  }
0x19d: {  	[sflag:s14] =	ssyncadd.s32 $0xFFFFF000  }
0x19e: {  	_ =	swait.ge [sflag:s14], $0x1000  }
0x19f: {  	[sflag:s14] =	ssyncset.done $0x0  }
0x1a0: {  	[sflag:s14] =	ssyncadd.s32 $0xFFFFF000  }
0x1a1: {  	_ =	swait.ge [sflag:s14], $0x1000  }
0x1a2: {  	[sflag:s14] =	ssyncset.done $0x0  }
0x1a3: {  	[sflag:s14] =	ssyncadd.s32 $0xFFFFF000  }
0x1a4: {  	_ =	swait.ge [sflag:s14], $0x1000  }
0x1a5: {  	[sflag:s14] =	ssyncset.done $0x0  }
0x1a6: {  	[sflag:s14] =	ssyncadd.s32 $0xFFFFF000  }
0x1a7: {  	_ =	swait.ge [sflag:s14], $0x1000  }
0x1a8: {  	[sflag:s14] =	ssyncset.done $0x0  }
0x1a9: {  	s7 =	simm.s32 @!p0 $0x4;
	[sflag:s14] =	ssyncadd.s32 $0xFFFFF000  }
0x1aa: {  	_ =	swait.ge @!p0 [sflag:s7], $0x2000  }
0x1ab: {  	[sflag:s7] =	ssyncset.done @!p0 $0x0  }
0x1ac: {  	s22 =	simm.s32 $0x13030;
	[sflag:s7] =	ssyncadd.s32 @!p0 $0xFFFFE000  }
0x1ad: {  	v4 =	vld [tilespmem:s22+$0xFFFF8FD0]  }
0x1ae: {  	v5 =	vld [tilespmem:s22+$0xFFFF9FD0]  }
0x1af: {  	v6 =	vld [tilespmem:s22+$0xFFFFAFD0]  }
0x1b0: {  	v7 =	vld [tilespmem:s22+$0xFFFF8FE0]  }
0x1b1: {  	s23 =	simm.s32 $0x0;
	v8 =	vld [tilespmem:s22+$0xFFFF9FE0]  }
0x1b2: {  	v11 =	vmov s23;
	v13 =	vld [tilespmem:s22+$0xFFFFAFE0]  }
0x1b3: {  	v11 =	vand.u32 $0x7E, v11;
	v16 =	vld [tilespmem:s22+$0xFFFFBFE0]  }
0x1b4: {  	v51 =	vadd.s32 v2, v11  }
0x1b5: {  	v53 =	vld [tilespmem:s22+$0xFFFFCFE0];
	v9 =	vshll.u32 v4, $0x10;
	v4 =	vand.u32 $0xFFFF0000, v4;
	v12 =	vshll.u32 v5, $0x10  }
0x1b6: {  	v10 =	vld [tilespmem:s22+$0xFFFFBFD0];
	v5 =	vand.u32 $0xFFFF0000, v5;
	v14 =	vshll.u32 v7, $0x10;
	v15 =	vshll.u32 v6, $0x10  }
0x1b7: {  	v6 =	vand.u32 $0xFFFF0000, v6;
	v7 =	vand.u32 $0xFFFF0000, v7;
	v17 =	vshll.u32 v8, $0x10  }
0x1b8: {  	v20 =	vld [tilespmem:s22+$0xFFFFDFE0];
	v8 =	vand.u32 $0xFFFF0000, v8;
	v18 =	vshll.u32 v13, $0x10;
	v54 =	vand.u32 $0xFFFF0000, v16  }
0x1b9: {  	v13 =	vand.u32 $0xFFFF0000, v13;
	v16 =	vshll.u32 v16, $0x10;
	v4 =	vadd.f32 v5, v4;
	v5 =	vld [tilespmem:s22+$0xFFFFCFD0]  }
0x1ba: {  	v56 =	vand.u32 $0xFFFF0000, v53;
	v9 =	vadd.f32 v12, v9;
	v14 =	vadd.f32 v17, v14  }
0x1bb: {  	v7 =	vadd.f32 v8, v7;
	v8 =	vshll.u32 v10, $0x10;
	v4 =	vadd.f32 v6, v4;
	v6 =	vld [tilespmem:s22+$0xFFFFDFD0]  }
0x1bc: {  	v10 =	vand.u32 $0xFFFF0000, v10;
	v9 =	vadd.f32 v15, v9;
	v14 =	vadd.f32 v18, v14  }
0x1bd: {  	v58 =	vshll.u32 v20, $0x10;
	v7 =	vadd.f32 v13, v7;
	v4 =	vadd.f32 v10, v4  }
0x1be: {  	v8 =	vadd.f32 v8, v9;
	v10 =	vld [tilespmem:s22+$0xFFFFEFD0];
	v55 =	vadd.f32 v16, v14;
	v9 =	vand.u32 $0xFFFF0000, v5  }
0x1bf: {  	v7 =	vadd.f32 v54, v7;
	v5 =	vshll.u32 v5, $0x10;
	v4 =	vadd.f32 v9, v4  }
0x1c0: {  	v9 =	vld [tilespmem:s22+$0xFFFFFFD0];
	v5 =	vadd.f32 v5, v8;
	v19 =	vshll.u32 v6, $0x10;
	v6 =	vand.u32 $0xFFFF0000, v6  }
0x1c1: {  	v8 =	vshll.u32 v53, $0x10;
	v7 =	vadd.f32 v56, v7;
	v4 =	vadd.f32 v6, v4;
	v6 =	vld [tilespmem:s22+$0xFFFFEFE0]  }
0x1c2: {  	v61 =	vand.u32 $0xFFFF0000, v20;
	v8 =	vadd.f32 v8, v55;
	v5 =	vadd.f32 v19, v5  }
0x1c3: {  	v60 =	vld [tilespmem:s22+$0xFFFFFFE0];
	v7 =	vadd.f32 v61, v7;
	v57 =	vshll.u32 v10, $0x10;
	v10 =	vand.u32 $0xFFFF0000, v10  }
0x1c4: {  	v52 =	vadd.s32 v0, v11;
	v8 =	vadd.f32 v58, v8;
	v4 =	vadd.f32 v10, v4  }
0x1c5: {  	v5 =	vadd.f32 v57, v5;
	v59 =	vshll.u32 v9, $0x10;
	v9 =	vand.u32 $0xFFFF0000, v9  }
0x1c6: {  	v4 =	vadd.f32 v9, v4;
	v9 =	vadd.s32 v1, v11;
	v10 =	vshll.u32 v6, $0x10  }
0x1c7: {  	v5 =	vadd.f32 v59, v5;
	v6 =	vand.u32 $0xFFFF0000, v6;
	v8 =	vadd.f32 v10, v8  }
0x1c8: {  	v6 =	vadd.f32 v6, v7;
	v7 =	vshll.u32 v60, $0x10;
	v10 =	vand.u32 $0xFFFF0000, v60  }
0x1c9: {  	v5 =	vmul.f32 $1.250000000e-01, v5;
	v7 =	vadd.f32 v7, v8;
	v8 =	vadd.s32 v3, v11  }
0x1ca: {  	v4 =	vmul.f32 $1.250000000e-01, v4;
	v6 =	vadd.f32 v10, v6  }
0x1cb: {  	[tilespmem:v52+s15+$0x0] =	vst.idx.msk $0xffff, v5;
	v7 =	vmul.f32 $1.250000000e-01, v7  }
0x1cc: {  	[tilespmem:v9+s15+$0x0] =	vst.idx.msk $0xffff, v4;
	v5 =	vmul.f32 $1.250000000e-01, v6  }
0x1cd: {  	[tilespmem:v51+s15+$0x0] =	vst.idx.msk $0xffff, v7  }
0x1ce: {  	[tilespmem:v8+s15+$0x0] =	vst.idx.msk $0xffff, v5  }
0x1cf: {  	v4 =	vld [tilespmem:s22+$0xFFFF8FF0]  }
0x1d0: {  	v5 =	vld [tilespmem:s22+$0xFFFF9FF0];
	_ =	sdelay $0x1  }
0x1d1: {  	v6 =	vld [tilespmem:s22+$0xFFFFAFF0];
	_ =	sdelay $0x1  }
0x1d2: {  	v8 =	vld [tilespmem:s22+$0xFFFFBFF0];
	v7 =	vshll.u32 v4, $0x10  }
0x1d3: {  	v4 =	vand.u32 $0xFFFF0000, v4;
	v9 =	vshll.u32 v5, $0x10;
	v5 =	vand.u32 $0xFFFF0000, v5  }
0x1d4: {  	v7 =	vadd.f32 v9, v7;
	v4 =	vadd.f32 v5, v4;
	v5 =	vld [tilespmem:s22+$0xFFFFCFF0]  }
0x1d5: {  	v10 =	vshll.u32 v6, $0x10;
	v6 =	vand.u32 $0xFFFF0000, v6;
	v9 =	vld [tilespmem:s22+$0xFFFFA000]  }
0x1d6: {  	v7 =	vadd.f32 v10, v7;
	v4 =	vadd.f32 v6, v4;
	v6 =	vld [tilespmem:s22+$0xFFFFDFF0]  }
0x1d7: {  	v11 =	vshll.u32 v8, $0x10;
	v10 =	vld [tilespmem:s22+$0xFFFF9000]  }
0x1d8: {  	v8 =	vand.u32 $0xFFFF0000, v8;
	v7 =	vadd.f32 v11, v7  }
0x1d9: {  	v4 =	vadd.f32 v8, v4;
	v8 =	vshll.u32 v5, $0x10  }
0x1da: {  	v5 =	vand.u32 $0xFFFF0000, v5;
	v62 =	vshll.u32 v9, $0x10;
	v7 =	vadd.f32 v8, v7;
	v8 =	vld [tilespmem:s22+$0xFFFFB000]  }
0x1db: {  	v5 =	vadd.f32 v5, v4;
	v4 =	vshll.u32 v6, $0x10;
	v11 =	vand.u32 $0xFFFF0000, v6  }
0x1dc: {  	v6 =	vld [tilespmem:s22+$0xFFFFC000];
	v63 =	vshll.u32 v10, $0x10;
	v10 =	vand.u32 $0xFFFF0000, v10;
	v4 =	vadd.f32 v4, v7  }
0x1dd: {  	s24 =	simm.s32 $0x2;
	s7 =	simm.s32 $0x13030;
	v5 =	vadd.f32 v11, v5;
	v11 =	vand.u32 $0xFFFF0000, v9;
	v9 =	vadd.f32 v62, v63;
	v7 =	vld [tilespmem:s22+$0xFFFFD000]  }
.LBB2_9:
0x1de: {  	p0 =	slt.u32 s24, $0x7E  }
0x1df: {  	v10 =	vadd.f32 v11, v10;
	v11 =	vshll.u32 v8, $0x10;
	v12 =	vld [tilespmem:s22+$0xFFFFEFF0];
	s7 =	sadd.s32 $0x40, s7;
	s9 =	smov.u32 s24;
	s24 =	sadd.s32 $0x2, s24  }
0x1e0: {  	v8 =	vand.u32 $0xFFFF0000, v8;
	s10 =	sadd.s32 $0x1, s23;
	v9 =	vadd.f32 v11, v9;
	v11 =	vld [tilespmem:s22+$0xFFFFE000];
	s23 =	smov.u32 s9  }
0x1e1: {  	v14 =	vmov s10;
	v8 =	vadd.f32 v8, v10;
	v10 =	vshll.u32 v6, $0x10;
	v13 =	vld [tilespmem:s22+$0xFFFFFFF0]  }
0x1e2: {  	v6 =	vand.u32 $0xFFFF0000, v6;
	v14 =	vand.u32 $0x7F, v14;
	v9 =	vadd.f32 v10, v9;
	v10 =	vld [tilespmem:s22+$0xFFFFF000]  }
0x1e3: {  	v15 =	vadd.s32 v2, v14;
	v6 =	vadd.f32 v6, v8;
	v8 =	vshll.u32 v7, $0x10  }
0x1e4: {  	v16 =	vadd.s32 v0, v14;
	v7 =	vand.u32 $0xFFFF0000, v7;
	v8 =	vadd.f32 v8, v9;
	v9 =	vld [tilespmem:s22+$0x0];
	s22 =	smov.u32 s7  }
0x1e5: {  	v17 =	vand.u32 $0xFFFF0000, v12;
	v6 =	vadd.f32 v7, v6;
	v7 =	vshll.u32 v11, $0x10  }
0x1e6: {  	v7 =	vadd.f32 v7, v8;
	v8 =	vshll.u32 v12, $0x10;
	v12 =	vadd.s32 v1, v14  }
0x1e7: {  	v11 =	vand.u32 $0xFFFF0000, v11;
	v5 =	vadd.f32 v17, v5;
	v4 =	vadd.f32 v8, v4  }
0x1e8: {  	v17 =	vshll.u32 v13, $0x10;
	v13 =	vand.u32 $0xFFFF0000, v13;
	v8 =	vshll.u32 v10, $0x10  }
0x1e9: {  	v6 =	vadd.f32 v11, v6;
	v5 =	vadd.f32 v13, v5;
	v11 =	vshll.u32 v9, $0x10  }
0x1ea: {  	v10 =	vand.u32 $0xFFFF0000, v10;
	v7 =	vadd.f32 v8, v7;
	v4 =	vadd.f32 v17, v4  }
0x1eb: {  	v8 =	vadd.s32 v3, v14;
	v6 =	vadd.f32 v10, v6;
	v5 =	vmul.f32 $1.250000000e-01, v5  }
0x1ec: {  	v9 =	vand.u32 $0xFFFF0000, v9;
	v7 =	vadd.f32 v11, v7;
	v4 =	vmul.f32 $1.250000000e-01, v4  }
0x1ed: {  	v6 =	vadd.f32 v9, v6  }
0x1ee: {  	[tilespmem:v16+s15+$0x0] =	vst.idx.msk $0xffff, v4;
	v4 =	vmul.f32 $1.250000000e-01, v7  }
0x1ef: {  	[tilespmem:v12+s15+$0x0] =	vst.idx.msk $0xffff, v5;
	v5 =	vmul.f32 $1.250000000e-01, v6  }
0x1f0: {  	[tilespmem:v15+s15+$0x0] =	vst.idx.msk $0xffff, v4  }
0x1f1: {  	[tilespmem:v8+s15+$0x0] =	vst.idx.msk $0xffff, v5  }
0x1f2: {  	v4 =	vld [tilespmem:s7+$0xFFFF8FD0]  }
0x1f3: {  	v5 =	vld [tilespmem:s7+$0xFFFF9FD0]  }
0x1f4: {  	v6 =	vld [tilespmem:s7+$0xFFFFAFD0]  }
0x1f5: {  	v7 =	vld [tilespmem:s7+$0xFFFF8FE0]  }
0x1f6: {  	v8 =	vld [tilespmem:s7+$0xFFFF9FE0]  }
0x1f7: {  	v11 =	vmov s23;
	v9 =	vshll.u32 v4, $0x10;
	v4 =	vand.u32 $0xFFFF0000, v4;
	v10 =	vld [tilespmem:s7+$0xFFFFBFD0]  }
0x1f8: {  	v11 =	vand.u32 $0x7E, v11;
	v12 =	vshll.u32 v5, $0x10;
	v5 =	vand.u32 $0xFFFF0000, v5;
	v13 =	vld [tilespmem:s7+$0xFFFFAFE0]  }
0x1f9: {  	v9 =	vadd.f32 v12, v9;
	v4 =	vadd.f32 v5, v4;
	v5 =	vld [tilespmem:s7+$0xFFFFCFD0];
	v12 =	vadd.s32 v2, v11  }
0x1fa: {  	v15 =	vshll.u32 v6, $0x10;
	v6 =	vand.u32 $0xFFFF0000, v6;
	v14 =	vshll.u32 v7, $0x10;
	v16 =	vld [tilespmem:s7+$0xFFFFBFE0]  }
0x1fb: {  	v9 =	vadd.f32 v15, v9;
	v4 =	vadd.f32 v6, v4;
	v6 =	vld [tilespmem:s7+$0xFFFFDFD0];
	v15 =	vadd.s32 v0, v11  }
0x1fc: {  	v7 =	vand.u32 $0xFFFF0000, v7;
	v17 =	vshll.u32 v8, $0x10;
	v8 =	vand.u32 $0xFFFF0000, v8  }
0x1fd: {  	v7 =	vadd.f32 v8, v7;
	v8 =	vshll.u32 v10, $0x10;
	v10 =	vand.u32 $0xFFFF0000, v10  }
0x1fe: {  	v14 =	vadd.f32 v17, v14;
	v8 =	vadd.f32 v8, v9;
	v9 =	vand.u32 $0xFFFF0000, v5;
	v17 =	vld [tilespmem:s7+$0xFFFFCFE0]  }
0x1ff: {  	v18 =	vshll.u32 v13, $0x10;
	v4 =	vadd.f32 v10, v4;
	v5 =	vshll.u32 v5, $0x10;
	v10 =	vld [tilespmem:s7+$0xFFFFEFD0]  }
0x200: {  	v14 =	vadd.f32 v18, v14;
	v18 =	vand.u32 $0xFFFF0000, v16;
	v19 =	vshll.u32 v6, $0x10;
	v20 =	vld [tilespmem:s7+$0xFFFFDFE0]  }
0x201: {  	v13 =	vand.u32 $0xFFFF0000, v13;
	v16 =	vshll.u32 v16, $0x10;
	v4 =	vadd.f32 v9, v4;
	v9 =	vld [tilespmem:s7+$0xFFFFFFD0]  }
0x202: {  	v7 =	vadd.f32 v13, v7;
	v13 =	vadd.f32 v16, v14;
	v6 =	vand.u32 $0xFFFF0000, v6;
	v14 =	vld [tilespmem:s7+$0xFFFFEFE0]  }
0x203: {  	v5 =	vadd.f32 v5, v8;
	v4 =	vadd.f32 v6, v4;
	v8 =	vshll.u32 v17, $0x10  }
0x204: {  	v6 =	vadd.f32 v18, v7;
	v7 =	vand.u32 $0xFFFF0000, v17;
	v8 =	vadd.f32 v8, v13  }
0x205: {  	v5 =	vadd.f32 v19, v5;
	v13 =	vshll.u32 v10, $0x10;
	v10 =	vand.u32 $0xFFFF0000, v10  }
0x206: {  	v6 =	vadd.f32 v7, v6;
	v7 =	vshll.u32 v20, $0x10;
	v16 =	vshll.u32 v9, $0x10;
	v17 =	vld [tilespmem:s7+$0xFFFFFFE0]  }
0x207: {  	v18 =	vand.u32 $0xFFFF0000, v20;
	v4 =	vadd.f32 v10, v4;
	v7 =	vadd.f32 v7, v8  }
0x208: {  	v6 =	vadd.f32 v18, v6;
	v9 =	vand.u32 $0xFFFF0000, v9;
	v8 =	vshll.u32 v14, $0x10  }
0x209: {  	v5 =	vadd.f32 v13, v5;
	v10 =	vand.u32 $0xFFFF0000, v14;
	v4 =	vadd.f32 v9, v4  }
0x20a: {  	v7 =	vadd.f32 v8, v7;
	v6 =	vadd.f32 v10, v6;
	v8 =	vadd.s32 v1, v11  }
0x20b: {  	v4 =	vmul.f32 $1.250000000e-01, v4;
	v9 =	vshll.u32 v17, $0x10;
	v10 =	vand.u32 $0xFFFF0000, v17  }
0x20c: {  	v7 =	vadd.f32 v9, v7;
	v6 =	vadd.f32 v10, v6  }
0x20d: {  	v5 =	vadd.f32 v16, v5  }
0x20e: {  	v7 =	vmul.f32 $1.250000000e-01, v7  }
0x20f: {  	v5 =	vmul.f32 $1.250000000e-01, v5;
	v9 =	vadd.s32 v3, v11;
	v6 =	vmul.f32 $1.250000000e-01, v6;
	_ =	sdelay $0x1  }
0x210: {  	[tilespmem:v15+s15+$0x0] =	vst.idx.msk $0xffff, v5  }
0x211: {  	[tilespmem:v8+s15+$0x0] =	vst.idx.msk $0xffff, v4  }
0x212: {  	[tilespmem:v12+s15+$0x0] =	vst.idx.msk $0xffff, v7  }
0x213: {  	[tilespmem:v9+s15+$0x0] =	vst.idx.msk $0xffff, v6  }
0x214: {  	v4 =	vld [tilespmem:s7+$0xFFFF8FF0]  }
0x215: {  	v5 =	vld [tilespmem:s7+$0xFFFF9FF0];
	_ =	sdelay $0x1  }
0x216: {  	v6 =	vld [tilespmem:s7+$0xFFFFAFF0];
	_ =	sdelay $0x1  }
0x217: {  	v7 =	vshll.u32 v4, $0x10;
	v8 =	vld [tilespmem:s7+$0xFFFFBFF0]  }
0x218: {  	v4 =	vand.u32 $0xFFFF0000, v4;
	v9 =	vshll.u32 v5, $0x10;
	v5 =	vand.u32 $0xFFFF0000, v5  }
0x219: {  	v7 =	vadd.f32 v9, v7;
	v4 =	vadd.f32 v5, v4;
	v5 =	vld [tilespmem:s7+$0xFFFFCFF0]  }
0x21a: {  	v9 =	vld [tilespmem:s7+$0xFFFFA000];
	v10 =	vshll.u32 v6, $0x10;
	v6 =	vand.u32 $0xFFFF0000, v6  }
0x21b: {  	v7 =	vadd.f32 v10, v7;
	v4 =	vadd.f32 v6, v4;
	v10 =	vld [tilespmem:s7+$0xFFFFDFF0]  }
0x21c: {  	v11 =	vld [tilespmem:s7+$0xFFFF9000];
	v6 =	vshll.u32 v8, $0x10;
	v8 =	vand.u32 $0xFFFF0000, v8  }
0x21d: {  	v6 =	vadd.f32 v6, v7;
	v4 =	vadd.f32 v8, v4  }
.Ltmp3:
0x21e: {  	v8 =	vld [tilespmem:s7+$0xFFFFB000];
	v7 =	vshll.u32 v5, $0x10;
	v5 =	vand.u32 $0xFFFF0000, v5;
	(pc) =	sbr.rel @p0 .LBB2_9-.Ltmp3, $4  }
0x21f: {  	v12 =	vshll.u32 v9, $0x10;
	v7 =	vadd.f32 v7, v6;
	v5 =	vadd.f32 v5, v4  }
0x220: {  	v6 =	vld [tilespmem:s7+$0xFFFFC000];
	v4 =	vshll.u32 v10, $0x10;
	v10 =	vand.u32 $0xFFFF0000, v10  }
0x221: {  	v13 =	vshll.u32 v11, $0x10;
	v4 =	vadd.f32 v4, v7;
	v5 =	vadd.f32 v10, v5  }
0x222: {  	v10 =	vand.u32 $0xFFFF0000, v11;
	v11 =	vand.u32 $0xFFFF0000, v9;
	v9 =	vadd.f32 v12, v13;
	v7 =	vld [tilespmem:s7+$0xFFFFD000]  }
0x223: {  	v10 =	vadd.f32 v11, v10  }
0x224: {  	v47 =	vshll.u32 v8, $0x10;
	v48 =	vand.u32 $0xFFFF0000, v8;
	v49 =	vld [tilespmem:s22+$0xFFFFE000];
	s7 =	sadd.s32 $0x1, s23  }
0x225: {  	v12 =	vld [tilespmem:s22+$0xFFFFEFF0];
	v9 =	vadd.f32 v47, v9;
	v14 =	vmov s7;
	v8 =	vadd.f32 v48, v10  }
0x226: {  	v52 =	vld [tilespmem:s22+$0xFFFFF000];
	v50 =	vshll.u32 v6, $0x10;
	v51 =	vand.u32 $0xFFFF0000, v6;
	v14 =	vand.u32 $0x7F, v14  }
0x227: {  	v13 =	vld [tilespmem:s22+$0xFFFFFFF0];
	v9 =	vadd.f32 v50, v9;
	v15 =	vadd.s32 v2, v14;
	v55 =	vadd.s32 v0, v14  }
0x228: {  	v58 =	vadd.s32 v1, v14;
	v62 =	vadd.s32 v3, v14;
	v53 =	vshll.u32 v7, $0x10  }
0x229: {  	v6 =	vadd.f32 v51, v8;
	v54 =	vand.u32 $0xFFFF0000, v7;
	v8 =	vadd.f32 v53, v9  }
0x22a: {  	v16 =	vld [tilespmem:s22+$0x0];
	v56 =	vshll.u32 v49, $0x10;
	v17 =	vand.u32 $0xFFFF0000, v12;
	v57 =	vshll.u32 v12, $0x10  }
0x22b: {  	v11 =	vand.u32 $0xFFFF0000, v49;
	v59 =	vshll.u32 v52, $0x10;
	v6 =	vadd.f32 v54, v6  }
0x22c: {  	v60 =	vand.u32 $0xFFFF0000, v13;
	v4 =	vadd.f32 v57, v4;
	v7 =	vadd.f32 v56, v8  }
0x22d: {  	v13 =	vshll.u32 v13, $0x10;
	v5 =	vadd.f32 v17, v5;
	v6 =	vadd.f32 v11, v6  }
0x22e: {  	v10 =	vand.u32 $0xFFFF0000, v52;
	v4 =	vadd.f32 v13, v4;
	v7 =	vadd.f32 v59, v7  }
0x22f: {  	v61 =	vshll.u32 v16, $0x10;
	v5 =	vadd.f32 v60, v5;
	v6 =	vadd.f32 v10, v6  }
0x230: {  	v63 =	vand.u32 $0xFFFF0000, v16;
	v4 =	vmul.f32 $1.250000000e-01, v4;
	v7 =	vadd.f32 v61, v7  }
0x231: {  	s9 =	sadd.s32 s6, s21;
	v5 =	vmul.f32 $1.250000000e-01, v5;
	v6 =	vadd.f32 v63, v6  }
0x232: {  	s7 =	sshll.u32 s9, $0xA;
	[tilespmem:v55+s15+$0x0] =	vst.idx.msk $0xffff, v4;
	v4 =	vmul.f32 $1.250000000e-01, v7  }
0x233: {  	s7 =	sadd.s32 s8, s7;
	[tilespmem:v58+s15+$0x0] =	vst.idx.msk $0xffff, v5;
	v5 =	vmul.f32 $1.250000000e-01, v6  }
0x234: {  	s7 =	sshrl.u32 s7, $0x3;
	[tilespmem:v15+s15+$0x0] =	vst.idx.msk $0xffff, v4  }
0x235: {  	s10 =	simm.s32 $0x16200;
	s9 =	sadd.s32 s2, s7;
	[tilespmem:v62+s15+$0x0] =	vst.idx.msk $0xffff, v5  }
0x236: {  	[hbm4b:s9+s3] =	stream.linear.scatter [tilespmem:s10], [sflag:$0x4], $0x80, $0x38;
	[tilespmem:$0x18400] =	vst v63  }
0x237: {  	s21 =	simm.s32 $0x16288;
	s10 =	sadd.s32 $0x10, s9  }
0x238: {  	[hbm4b:s10+s3] =	stream.linear.scatter [tilespmem:s21], [sflag:$0x4], $0x80, $0x38;
	[tilespmem:$0x18400] =	vst v63  }
0x239: {  	s22 =	simm.s32 $0x16310;
	s23 =	sadd.s32 $0x20, s9  }
0x23a: {  	[hbm4b:s23+s3] =	stream.linear.scatter [tilespmem:s22], [sflag:$0x4], $0x80, $0x38;
	[tilespmem:$0x18400] =	vst v63  }
0x23b: {  	s24 =	simm.s32 $0x16398;
	s25 =	sadd.s32 $0x30, s9  }
0x23c: {  	[hbm4b:s25+s3] =	stream.linear.scatter [tilespmem:s24], [sflag:$0x4], $0x80, $0x38;
	[tilespmem:$0x18400] =	vst v63  }
0x23d: {  	s10 =	simm.s32 $0x16420;
	s21 =	sadd.s32 $0x40, s9  }
0x23e: {  	[hbm4b:s21+s3] =	stream.linear.scatter [tilespmem:s10], [sflag:$0x4], $0x80, $0x38;
	[tilespmem:$0x18400] =	vst v63  }
0x23f: {  	s7 =	simm.s32 $0x440;
	s22 =	simm.s32 $0x164A8;
	s23 =	sadd.s32 $0x50, s9  }
0x240: {  	[hbm4b:s23+s3] =	stream.linear.scatter [tilespmem:s22], [sflag:$0x4], $0x80, $0x38;
	[tilespmem:$0x18400] =	vst v63  }
0x241: {  	s24 =	simm.s32 $0x16530;
	s25 =	sadd.s32 $0x60, s9;
	s21 =	sadd.s32 $0x1000, s9  }
0x242: {  	[hbm4b:s25+s3] =	stream.linear.scatter [tilespmem:s24], [sflag:$0x4], $0x80, $0x38;
	[tilespmem:$0x18400] =	vst v63  }
0x243: {  	s22 =	simm.s32 $0x2200;
	s23 =	simm.s32 $0x165B8;
	s24 =	sadd.s32 $0x70, s9  }
.LBB2_11:
0x244: {  	[hbm4b:s24+s3] =	stream.linear.scatter [tilespmem:s23], [sflag:$0x4], $0x80, $0x38;
	[tilespmem:$0x18400] =	vst v63  }
0x245: {  	s9 =	smov.u32 s7;
	s7 =	smov.u32 s22  }
0x246: {  	s10 =	sadd.s32 $0x1100, s22;
	s7 =	sshra.s32 s7, $0x2;
	s23 =	sadd.s32 $0x16200, s9  }
0x247: {  	[hbm4b:s21+s3] =	stream.linear.scatter [tilespmem:s23], [sflag:$0x4], $0x80, $0x38;
	[tilespmem:$0x18400] =	vst v63  }
0x248: {  	p0 =	sne.s32 s22, $0x7700;
	s22 =	sadd.s32 $0x16288, s9;
	s23 =	sadd.s32 $0x10, s21  }
0x249: {  	[hbm4b:s23+s3] =	stream.linear.scatter [tilespmem:s22], [sflag:$0x4], $0x80, $0x38;
	[tilespmem:$0x18400] =	vst v63  }
0x24a: {  	s22 =	sadd.s32 $0x16310, s9;
	s23 =	sadd.s32 $0x20, s21  }
0x24b: {  	[hbm4b:s23+s3] =	stream.linear.scatter [tilespmem:s22], [sflag:$0x4], $0x80, $0x38;
	[tilespmem:$0x18400] =	vst v63  }
0x24c: {  	s22 =	sadd.s32 $0x16398, s9;
	s23 =	sadd.s32 $0x30, s21  }
0x24d: {  	[hbm4b:s23+s3] =	stream.linear.scatter [tilespmem:s22], [sflag:$0x4], $0x80, $0x38;
	[tilespmem:$0x18400] =	vst v63  }
0x24e: {  	s22 =	sadd.s32 $0x16420, s9;
	s23 =	sadd.s32 $0x40, s21  }
0x24f: {  	[hbm4b:s23+s3] =	stream.linear.scatter [tilespmem:s22], [sflag:$0x4], $0x80, $0x38;
	[tilespmem:$0x18400] =	vst v63  }
.Ltmp4:
0x250: {  	s22 =	sadd.s32 $0x164A8, s9;
	s23 =	sadd.s32 $0x50, s21;
	(pc) =	sbr.rel @p0 .LBB2_11-.Ltmp4, $4  }
0x251: {  	[hbm4b:s23+s3] =	stream.linear.scatter [tilespmem:s22], [sflag:$0x4], $0x80, $0x38;
	[tilespmem:$0x18400] =	vst v63  }
0x252: {  	s24 =	sadd.s32 $0x70, s21;
	s22 =	sadd.s32 $0x16530, s9;
	s23 =	sadd.s32 $0x60, s21  }
0x253: {  	[hbm4b:s23+s3] =	stream.linear.scatter [tilespmem:s22], [sflag:$0x4], $0x80, $0x38;
	[tilespmem:$0x18400] =	vst v63  }
0x254: {  	s21 =	sadd.s32 $0x1000, s21;
	s23 =	sadd.s32 $0x165B8, s9;
	s22 =	smov.u32 s10  }
0x255: {  	[hbm4b:s24+s3] =	stream.linear.scatter [tilespmem:s23], [sflag:$0x4], $0x80, $0x38;
	[tilespmem:$0x18400] =	vst v63  }
0x256: {  	s9 =	sadd.s32 $0x16200, s7  }
0x257: {  	[hbm4b:s21+s3] =	stream.linear.scatter [tilespmem:s9], [sflag:$0x4], $0x80, $0x38;
	[tilespmem:$0x18400] =	vst v63  }
0x258: {  	s25 =	sadd.s32 $0x16288, s7;
	s10 =	sadd.s32 $0x10, s21  }
0x259: {  	[hbm4b:s10+s3] =	stream.linear.scatter [tilespmem:s25], [sflag:$0x4], $0x80, $0x38;
	[tilespmem:$0x18400] =	vst v63  }
0x25a: {  	s22 =	sadd.s32 $0x16310, s7;
	s23 =	sadd.s32 $0x20, s21  }
0x25b: {  	[hbm4b:s23+s3] =	stream.linear.scatter [tilespmem:s22], [sflag:$0x4], $0x80, $0x38;
	[tilespmem:$0x18400] =	vst v63  }
0x25c: {  	s24 =	sadd.s32 $0x16398, s7;
	s25 =	sadd.s32 $0x30, s21  }
0x25d: {  	[hbm4b:s25+s3] =	stream.linear.scatter [tilespmem:s24], [sflag:$0x4], $0x80, $0x38;
	[tilespmem:$0x18400] =	vst v63  }
0x25e: {  	s20 =	sadd.s32 $0x1, s20;
	s22 =	sadd.s32 $0x16420, s7;
	s23 =	sadd.s32 $0x40, s21  }
0x25f: {  	[hbm4b:s23+s3] =	stream.linear.scatter [tilespmem:s22], [sflag:$0x4], $0x80, $0x38;
	[tilespmem:$0x18400] =	vst v63  }
0x260: {  	p0 =	sne.s32 s20, $0x8;
	s24 =	sadd.s32 $0x164A8, s7;
	s25 =	sadd.s32 $0x50, s21  }
0x261: {  	[hbm4b:s25+s3] =	stream.linear.scatter [tilespmem:s24], [sflag:$0x4], $0x80, $0x38;
	[tilespmem:$0x18400] =	vst v63  }
.Ltmp5:
0x262: {  	_ = 	snop;
	(pc) =	sbr.rel @p0 .LBB2_4-.Ltmp5, $4  }
0x263: {  	s22 =	sadd.s32 $0x16530, s7;
	s23 =	sadd.s32 $0x60, s21  }
0x264: {  	[hbm4b:s23+s3] =	stream.linear.scatter [tilespmem:s22], [sflag:$0x4], $0x80, $0x38;
	[tilespmem:$0x18400] =	vst v63  }
0x265: {  	s24 =	sadd.s32 $0x165B8, s7;
	s25 =	sadd.s32 $0x70, s21  }
0x266: {  	[hbm4b:s25+s3] =	stream.linear.scatter [tilespmem:s24], [sflag:$0x4], $0x80, $0x38;
	[tilespmem:$0x18400] =	vst v63  }
0x267: {  	_ =	swait.ge [sflag:s16], $0x2000  }
0x268: {  	[sflag:s16] =	ssyncset.done $0x0  }
0x269: {  	[sflag:s16] =	ssyncadd.s32 $0xFFFFE000  }
0x26a: {  	_ =	swait.ge [sflag:s17], $0x2000  }
0x26b: {  	s18 =	sadd.s32 $0x1, s18;
	s7 =	rddreg [dreg:$0x5]  }
0x26c: {  	p0 =	sne.s32 s18, s7  }
.Ltmp6:
0x26d: {  	_ = 	snop;
	(pc) =	sbr.rel @p0 .LBB2_1-.Ltmp6, $3  }
0x26e: {  	_ =	sdelay $0x1  }
0x26f: {  	[sflag:s17] =	ssyncset.done $0x0  }
0x270: {  	[sflag:s17] =	ssyncadd.s32 $0xFFFFE000  }
0x271: {  	_ =	sfence.sel $0x180000  }
0x272: {  	[bflag:$0x0] =	sbarrier.arrive $0xFFFF  }
0x273: {  	_ =	strace $0x90000047  }
0x274: {  	s0 =	stileid.u32;
	[bflag:$0x2] =	sbarrier.arrive $0xFFFF  }
0x275: {  	p0 =	sne.s32 s0, $0x0;
	s0 =	rddreg [dreg:$0x3]  }
0x276: {  	s0 =	sadd.s32 @!p0 $0x100000, s0  }
0x277: {  	[sflag:s0] =	ssyncadd.tile.s32 @!p0 $0x1;
	_ =	shalt  }
.Lfunc_end2:
_tile_overlayer_lowered:
.L_overlay_start_2:
0x278: {  	(tag) =	ssettag $0x2  }
0x279: {  	s0 =	rddreg [dreg:$0x0];
	s2 =	stileid.u32  }
0x27a: {  	s1 =	rddreg [dreg:$0x1];
	p0 =	sne.s32 s2, $0x0  }
0x27b: {  	s3 =	rddreg [dreg:$0x2];
	[bflag:$0x3] =	sbarrier.arrive $0xFFFF;
	s2 =	simm.s32 @!p0 $0x1C05  }
0x27c: {  	[timem:s3], [sflag:s2] =	dma.local @!p0 [hbm:s0], s1  }
0x27d: {  	s0 =	simm.s32 @!p0 $0x5  }
0x27e: {  	_ =	swait.ge @!p0 [sflag:s0], s1  }
0x27f: {  	s1 =	ssub.s32 @!p0 $0x0, s1;
	[sflag:s0] =	ssyncset.done @!p0 $0x0  }
0x280: {  	[sflag:s0] =	ssyncadd.s32 @!p0 s1  }
0x281: {  	[bflag:$0x3] =	sbarrier.arrive $0xFFFF  }
0x282: {  	_ =	shalt  }

</sc_bundles>
